<compile_context>
chip_gen: v7x
topology: tpu7x:2x2x1
jax: 0.10.2.dev20260603
libtpu: 0.0.44.dev20260713+nightly
codegen_flags: <defaults>
</compile_context>

<pallas_src>
import functools

import jax
import jax.numpy as jnp
from jax import lax
from jax.experimental import pallas as pl
from jax.experimental.pallas import tpu as pltpu
from jax.experimental.pallas import tpu_sc as plsc


def kernel(etypes, table):
    E = etypes.shape[0]
    V, D = table.shape
    assert V * D == 8 * 128

    info = plsc.get_sparse_core_info()
    NC, NS = info.num_cores, info.num_subcores
    NW = NC * NS

    CH = 128
    n_chunks = E // CH
    assert n_chunks * CH == E
    n_main = (n_chunks // NW) & ~1
    n_tail = n_chunks - n_main * NW

    mesh = plsc.VectorSubcoreMesh(core_axis_name="c", subcore_axis_name="s")

    @functools.partial(
        pl.kernel,
        mesh=mesh,
        compiler_params=pltpu.CompilerParams(
            use_tc_tiling_on_sc=True, needs_layout_passes=False
        ),
        out_type=jax.ShapeDtypeStruct((D, E), jnp.float32),
        scratch_types=[
            pltpu.VMEM((V * D,), jnp.float32),
            pltpu.VMEM((CH,), jnp.int32),
            pltpu.VMEM((CH,), jnp.int32),
            pltpu.VMEM((D, CH), jnp.float32),
            pltpu.VMEM((D, CH), jnp.float32),
            pltpu.SemaphoreType.DMA,
            pltpu.SemaphoreType.DMA,
            pltpu.SemaphoreType.DMA,
            pltpu.SemaphoreType.DMA,
        ],
    )
    def emb_kernel(
        etypes_hbm, table_hbm, out_hbm, tab_v, eidx0, eidx1, trows0, trows1,
        sem0, sem1, semi0, semi1,
    ):
        wid = lax.axis_index("s") * NC + lax.axis_index("c")
        pltpu.sync_copy(table_hbm, tab_v)

        def eslice(c):
            return etypes_hbm.at[pl.ds(c * CH, CH)]

        def fill(c, trows, eidx, semi):
            pltpu.make_async_copy(eslice(c), eidx, semi).wait()
            evs = [eidx[pl.ds(g * 16, 16)] for g in range(CH // 16)]
            cp = jnp.where(c + 2 * NW < n_chunks, c + 2 * NW, 0)
            pltpu.async_copy(eslice(cp), eidx, semi)

            def jbody(j0, carry):
                vals = []
                for jj in range(4):
                    j = j0 * 4 + jj
                    tcol = tab_v[pl.ds(j * 16, 16)]
                    for g in range(CH // 16):
                        vals.append(
                            tcol.at[evs[g]].get(mode="promise_in_bounds")
                        )
                k = 0
                for jj in range(4):
                    j = j0 * 4 + jj
                    for g in range(CH // 16):
                        trows[j, pl.ds(g * 16, 16)] = vals[k]
                        k += 1
                return carry

            lax.fori_loop(0, D // 4, jbody, 0)

        def dst(c):
            return out_hbm.at[:, pl.ds(c * CH, CH)]

        c0 = wid
        c1 = wid + NW
        pltpu.async_copy(eslice(c0), eidx0, semi0)
        pltpu.async_copy(eslice(c1), eidx1, semi1)
        fill(c0, trows0, eidx0, semi0)
        pltpu.async_copy(trows0, dst(c0), sem0)
        fill(c1, trows1, eidx1, semi1)
        pltpu.async_copy(trows1, dst(c1), sem1)

        def body(t, carry):
            ca = wid + NW * (2 * t)
            pltpu.make_async_copy(trows0, dst(ca), sem0).wait()
            fill(ca, trows0, eidx0, semi0)
            pltpu.async_copy(trows0, dst(ca), sem0)
            cb = wid + NW * (2 * t + 1)
            pltpu.make_async_copy(trows1, dst(cb), sem1).wait()
            fill(cb, trows1, eidx1, semi1)
            pltpu.async_copy(trows1, dst(cb), sem1)
            return carry

        lax.fori_loop(1, n_main // 2, body, 0)
        pltpu.make_async_copy(trows0, dst(c0), sem0).wait()
        pltpu.make_async_copy(trows1, dst(c1), sem1).wait()

        ct = n_main * NW + wid
        fill(ct, trows0, eidx0, semi0)
        pltpu.async_copy(trows0, dst(ct), sem0).wait()

        @pl.when(wid < n_tail - NW)
        def _extra():
            ce = (n_main + 1) * NW + wid
            fill(ce, trows1, eidx1, semi1)
            pltpu.async_copy(trows1, dst(ce), sem1).wait()

        pltpu.make_async_copy(eslice(c0), eidx0, semi0).wait()
        pltpu.make_async_copy(eslice(c1), eidx1, semi1).wait()

    tab_t = table.T.reshape(-1)
    return emb_kernel(etypes, tab_t).T

# --- scband reference (transcript-rebuilt; emitter-appended) ---
"""Pipeline reference for scband-edge-embedding-75015898792609 (READ-ONLY COPY).

The authoritative reference and input builder live on the scoring server;
editing this copy changes nothing except your own understanding.
"""

import jax, jax.numpy as jnp
import numpy as np

E = 800000
NUM_ETYPES = 16
EMB_SIZE = 64


def setup_inputs(seed: int = 0) -> dict:
    key = jax.random.key(seed)
    k1, k2 = jax.random.split(key)
    # per-edge edge-type ids (homogeneous graph path: g.edata[dgl.ETYPE])
    etypes = jax.random.randint(k1, (E,), 0, NUM_ETYPES, dtype=jnp.int32)
    # learned parameter: nn.Embedding(len(stoi), emb_size).weight
    table = jax.random.normal(k2, (NUM_ETYPES, EMB_SIZE), dtype=jnp.float32)
    return {"etypes": etypes, "table": table}


def reference(etypes, table):
    # Faithful translation of the homogeneous forward path:
    #   for etype in g.edata[dgl.ETYPE]: stack(self.embed.weight[etype])
    # which is exactly a row-gather from the embedding table per edge,
    # producing g.edata['w'] of shape [E, emb_size].
    w = jnp.take(table, etypes, axis=0)
    return w

if __name__ == "__main__":
    import jax
    _d = setup_inputs()
    print(jax.jit(kernel)(*tuple(_d.values())))

</pallas_src>

<mosaic_0001>
#map = affine_map<(d0, d1) -> (0)>
#map1 = affine_map<(d0, d1) -> (0, 0)>
module attributes {stable_mosaic.version = 14 : i64} {
  func.func @emb_kernel(%arg0: i32, %arg1: i32, %arg2: memref<800000xi32, #tpu.memory_space<hbm>>, %arg3: memref<1024xf32, #tpu.memory_space<hbm>>, %arg4: memref<64x800000xf32, #tpu.memory_space<hbm>>, %arg5: memref<1024xf32, #tpu.memory_space<vmem>>, %arg6: memref<128xi32, #tpu.memory_space<vmem>>, %arg7: memref<128xi32, #tpu.memory_space<vmem>>, %arg8: memref<64x128xf32, #tpu.memory_space<vmem>>, %arg9: memref<64x128xf32, #tpu.memory_space<vmem>>, %arg10: memref<!tpu.dma_semaphore, #tpu.memory_space<semaphore_mem>>, %arg11: memref<!tpu.dma_semaphore, #tpu.memory_space<semaphore_mem>>, %arg12: memref<!tpu.dma_semaphore, #tpu.memory_space<semaphore_mem>>, %arg13: memref<!tpu.dma_semaphore, #tpu.memory_space<semaphore_mem>>) attributes {dimension_semantics = [#tpu.dimension_semantics<core_parallel>, #tpu.dimension_semantics<subcore_parallel>], iteration_bounds = array<i64: 2, 16>, scalar_prefetch = 0 : i64, scratch_operands = 9 : i64, tpu.core_type = #tpu.core_type<sc_vector_subcore>, window_params = [{transform_indices = #map}, {transform_indices = #map}, {transform_indices = #map1}]} {
    %mul3A = arith.constant 2 : i32
    %mul3A_0 = arith.muli %arg1, %mul3A : i32
    %add3A = arith.addi %mul3A_0, %arg0 : i32
    "tpu.region"() ({
      %run_scoped3A = tpu.sem_alloc : memref<!tpu.dma_semaphore, #tpu.memory_space<semaphore_mem>>
      tpu.enqueue_dma source(%arg3 : memref<1024xf32, #tpu.memory_space<hbm>>) target(%arg5 : memref<1024xf32, #tpu.memory_space<vmem>>) target_semaphore(%run_scoped3A : memref<!tpu.dma_semaphore, #tpu.memory_space<semaphore_mem>>)
      tpu.wait_dma2 semaphore(%run_scoped3A : memref<!tpu.dma_semaphore, #tpu.memory_space<semaphore_mem>>) src(%arg3 : memref<1024xf32, #tpu.memory_space<hbm>>) dst(%arg5 : memref<1024xf32, #tpu.memory_space<vmem>>)
      tpu.yield
    }) : () -> ()
    %add3A_1 = arith.constant 32 : i32
    %add3A_2 = arith.addi %add3A, %add3A_1 : i32
    %mul3A_3 = arith.constant 128 : i32
    %mul3A_4 = arith.muli %add3A, %mul3A_3 : i32
    %dma_start3A = tpu.memref_slice %arg2[%mul3A_4] : memref<800000xi32, #tpu.memory_space<hbm>> -> memref<128xi32, #tpu.memory_space<hbm>>
    %dma_start3A_5 = tpu.memref_slice %arg2[%mul3A_4] : memref<800000xi32, #tpu.memory_space<hbm>> -> memref<128xi32, #tpu.memory_space<hbm>>
    tpu.enqueue_dma source(%dma_start3A_5 : memref<128xi32, #tpu.memory_space<hbm>>) target(%arg6 : memref<128xi32, #tpu.memory_space<vmem>>) target_semaphore(%arg12 : memref<!tpu.dma_semaphore, #tpu.memory_space<semaphore_mem>>)
    %mul3A_6 = arith.constant 128 : i32
    %mul3A_7 = arith.muli %add3A_2, %mul3A_6 : i32
    %dma_start3A_8 = tpu.memref_slice %arg2[%mul3A_7] : memref<800000xi32, #tpu.memory_space<hbm>> -> memref<128xi32, #tpu.memory_space<hbm>>
    %dma_start3A_9 = tpu.memref_slice %arg2[%mul3A_7] : memref<800000xi32, #tpu.memory_space<hbm>> -> memref<128xi32, #tpu.memory_space<hbm>>
    tpu.enqueue_dma source(%dma_start3A_9 : memref<128xi32, #tpu.memory_space<hbm>>) target(%arg7 : memref<128xi32, #tpu.memory_space<vmem>>) target_semaphore(%arg13 : memref<!tpu.dma_semaphore, #tpu.memory_space<semaphore_mem>>)
    %mul3A_10 = arith.constant 128 : i32
    %mul3A_11 = arith.muli %add3A, %mul3A_10 : i32
    %dma_wait3A = tpu.memref_slice %arg2[%mul3A_11] : memref<800000xi32, #tpu.memory_space<hbm>> -> memref<128xi32, #tpu.memory_space<hbm>>
    %dma_wait3A_12 = tpu.memref_slice %arg2[%mul3A_11] : memref<800000xi32, #tpu.memory_space<hbm>> -> memref<128xi32, #tpu.memory_space<hbm>>
    tpu.wait_dma2 semaphore(%arg12 : memref<!tpu.dma_semaphore, #tpu.memory_space<semaphore_mem>>) src(%dma_wait3A_12 : memref<128xi32, #tpu.memory_space<hbm>>) dst(%arg6 : memref<128xi32, #tpu.memory_space<vmem>>)
    %get3A = arith.constant 0 : index
    %get3A_13 = tpu.vector_load %arg6[%get3A] {strides = array<i32>} : memref<128xi32, #tpu.memory_space<vmem>>, vector<16xi32>,
    %get3A_14 = arith.constant 16 : index
    %get3A_15 = tpu.vector_load %arg6[%get3A_14] {strides = array<i32>} : memref<128xi32, #tpu.memory_space<vmem>>, vector<16xi32>,
    %get3A_16 = arith.constant 32 : index
    %get3A_17 = tpu.vector_load %arg6[%get3A_16] {strides = array<i32>} : memref<128xi32, #tpu.memory_space<vmem>>, vector<16xi32>,
    %get3A_18 = arith.constant 48 : index
    %get3A_19 = tpu.vector_load %arg6[%get3A_18] {strides = array<i32>} : memref<128xi32, #tpu.memory_space<vmem>>, vector<16xi32>,
    %get3A_20 = arith.constant 64 : index
    %get3A_21 = tpu.vector_load %arg6[%get3A_20] {strides = array<i32>} : memref<128xi32, #tpu.memory_space<vmem>>, vector<16xi32>,
    %get3A_22 = arith.constant 80 : index
    %get3A_23 = tpu.vector_load %arg6[%get3A_22] {strides = array<i32>} : memref<128xi32, #tpu.memory_space<vmem>>, vector<16xi32>,
    %get3A_24 = arith.constant 96 : index
    %get3A_25 = tpu.vector_load %arg6[%get3A_24] {strides = array<i32>} : memref<128xi32, #tpu.memory_space<vmem>>, vector<16xi32>,
    %get3A_26 = arith.constant 112 : index
    %get3A_27 = tpu.vector_load %arg6[%get3A_26] {strides = array<i32>} : memref<128xi32, #tpu.memory_space<vmem>>, vector<16xi32>,
    %add3A_28 = arith.constant 64 : i32
    %add3A_29 = arith.addi %add3A, %add3A_28 : i32
    %lt3A = arith.constant 6250 : i32
    %lt3A_30 = arith.cmpi slt, %add3A_29, %lt3A : i32
    %add3A_31 = arith.constant 64 : i32
    %add3A_32 = arith.addi %add3A, %add3A_31 : i32
    %jit3A = arith.constant 0 : i32
    %select_n3A = arith.select %lt3A_30, %add3A_32, %jit3A : i32
    %mul3A_33 = arith.constant 128 : i32
    %mul3A_34 = arith.muli %select_n3A, %mul3A_33 : i32
    %dma_start3A_35 = tpu.memref_slice %arg2[%mul3A_34] : memref<800000xi32, #tpu.memory_space<hbm>> -> memref<128xi32, #tpu.memory_space<hbm>>
    %dma_start3A_36 = tpu.memref_slice %arg2[%mul3A_34] : memref<800000xi32, #tpu.memory_space<hbm>> -> memref<128xi32, #tpu.memory_space<hbm>>
    tpu.enqueue_dma source(%dma_start3A_36 : memref<128xi32, #tpu.memory_space<hbm>>) target(%arg6 : memref<128xi32, #tpu.memory_space<vmem>>) target_semaphore(%arg12 : memref<!tpu.dma_semaphore, #tpu.memory_space<semaphore_mem>>)
    %scan3A = arith.constant 0 : i32
    %scan3A_37 = arith.constant 0 : i32
    %scan3A_38 = arith.constant 16 : i32
    %scan3A_39 = arith.addi %scan3A_37, %scan3A_38 : i32
    %scan3A_40 = arith.constant 1 : i32
    scf.for %scan3A_171 = %scan3A_37 to %scan3A_39 step %scan3A_40  : i32 {
      %mul3A_172 = arith.constant 4 : i32
      %mul3A_173 = arith.muli %scan3A_171, %mul3A_172 : i32
      %add3A_174 = arith.constant 0 : i32
      %add3A_175 = arith.addi %mul3A_173, %add3A_174 : i32
      %mul3A_176 = arith.constant 16 : i32
      %mul3A_177 = arith.muli %add3A_175, %mul3A_176 : i32
      %get3A_178 = arith.index_cast %mul3A_177 : i32 to index
      %get3A_179 = tpu.vector_load %arg5[%get3A_178] {strides = array<i32>} : memref<1024xf32, #tpu.memory_space<vmem>>, vector<16xf32>,
      %lt3A_180 = arith.constant 0 : i32
      %lt3A_181 = vector.broadcast %lt3A_180 : i32 to vector<16xi32>
      %lt3A_182 = arith.cmpi slt, %get3A_13, %lt3A_181 : vector<16xi32>
      %add3A_183 = arith.constant 16 : i32
      %add3A_184 = vector.broadcast %add3A_183 : i32 to vector<16xi32>
      %add3A_185 = arith.addi %get3A_13, %add3A_184 : vector<16xi32>
      %select_n3A_186 = arith.select %lt3A_182, %add3A_185, %get3A_13 : vector<16xi1>, vector<16xi32>
      %broadcast_in_dim3A = vector.shape_cast %select_n3A_186 : vector<16xi32> to vector<16x1xi32>
      %gather3A = vector.shape_cast %broadcast_in_dim3A : vector<16x1xi32> to vector<16xi32>
      %gather3A_187 = tpu.dynamic_gather %get3A_179[%gather3A] in [0] : vector<16xf32>, vector<16xi32> -> vector<16xf32>
      %lt3A_188 = arith.constant 0 : i32
      %lt3A_189 = vector.broadcast %lt3A_188 : i32 to vector<16xi32>
      %lt3A_190 = arith.cmpi slt, %get3A_15, %lt3A_189 : vector<16xi32>
      %add3A_191 = arith.constant 16 : i32
      %add3A_192 = vector.broadcast %add3A_191 : i32 to vector<16xi32>
      %add3A_193 = arith.addi %get3A_15, %add3A_192 : vector<16xi32>
      %select_n3A_194 = arith.select %lt3A_190, %add3A_193, %get3A_15 : vector<16xi1>, vector<16xi32>
      %broadcast_in_dim3A_195 = vector.shape_cast %select_n3A_194 : vector<16xi32> to vector<16x1xi32>
      %gather3A_196 = vector.shape_cast %broadcast_in_dim3A_195 : vector<16x1xi32> to vector<16xi32>
      %gather3A_197 = tpu.dynamic_gather %get3A_179[%gather3A_196] in [0] : vector<16xf32>, vector<16xi32> -> vector<16xf32>
      %lt3A_198 = arith.constant 0 : i32
      %lt3A_199 = vector.broadcast %lt3A_198 : i32 to vector<16xi32>
      %lt3A_200 = arith.cmpi slt, %get3A_17, %lt3A_199 : vector<16xi32>
      %add3A_201 = arith.constant 16 : i32
      %add3A_202 = vector.broadcast %add3A_201 : i32 to vector<16xi32>
      %add3A_203 = arith.addi %get3A_17, %add3A_202 : vector<16xi32>
      %select_n3A_204 = arith.select %lt3A_200, %add3A_203, %get3A_17 : vector<16xi1>, vector<16xi32>
      %broadcast_in_dim3A_205 = vector.shape_cast %select_n3A_204 : vector<16xi32> to vector<16x1xi32>
      %gather3A_206 = vector.shape_cast %broadcast_in_dim3A_205 : vector<16x1xi32> to vector<16xi32>
      %gather3A_207 = tpu.dynamic_gather %get3A_179[%gather3A_206] in [0] : vector<16xf32>, vector<16xi32> -> vector<16xf32>
      %lt3A_208 = arith.constant 0 : i32
      %lt3A_209 = vector.broadcast %lt3A_208 : i32 to vector<16xi32>
      %lt3A_210 = arith.cmpi slt, %get3A_19, %lt3A_209 : vector<16xi32>
      %add3A_211 = arith.constant 16 : i32
      %add3A_212 = vector.broadcast %add3A_211 : i32 to vector<16xi32>
      %add3A_213 = arith.addi %get3A_19, %add3A_212 : vector<16xi32>
      %select_n3A_214 = arith.select %lt3A_210, %add3A_213, %get3A_19 : vector<16xi1>, vector<16xi32>
      %broadcast_in_dim3A_215 = vector.shape_cast %select_n3A_214 : vector<16xi32> to vector<16x1xi32>
      %gather3A_216 = vector.shape_cast %broadcast_in_dim3A_215 : vector<16x1xi32> to vector<16xi32>
      %gather3A_217 = tpu.dynamic_gather %get3A_179[%gather3A_216] in [0] : vector<16xf32>, vector<16xi32> -> vector<16xf32>
      %lt3A_218 = arith.constant 0 : i32
      %lt3A_219 = vector.broadcast %lt3A_218 : i32 to vector<16xi32>
      %lt3A_220 = arith.cmpi slt, %get3A_21, %lt3A_219 : vector<16xi32>
      %add3A_221 = arith.constant 16 : i32
      %add3A_222 = vector.broadcast %add3A_221 : i32 to vector<16xi32>
      %add3A_223 = arith.addi %get3A_21, %add3A_222 : vector<16xi32>
      %select_n3A_224 = arith.select %lt3A_220, %add3A_223, %get3A_21 : vector<16xi1>, vector<16xi32>
      %broadcast_in_dim3A_225 = vector.shape_cast %select_n3A_224 : vector<16xi32> to vector<16x1xi32>
      %gather3A_226 = vector.shape_cast %broadcast_in_dim3A_225 : vector<16x1xi32> to vector<16xi32>
      %gather3A_227 = tpu.dynamic_gather %get3A_179[%gather3A_226] in [0] : vector<16xf32>, vector<16xi32> -> vector<16xf32>
      %lt3A_228 = arith.constant 0 : i32
      %lt3A_229 = vector.broadcast %lt3A_228 : i32 to vector<16xi32>
      %lt3A_230 = arith.cmpi slt, %get3A_23, %lt3A_229 : vector<16xi32>
      %add3A_231 = arith.constant 16 : i32
      %add3A_232 = vector.broadcast %add3A_231 : i32 to vector<16xi32>
      %add3A_233 = arith.addi %get3A_23, %add3A_232 : vector<16xi32>
      %select_n3A_234 = arith.select %lt3A_230, %add3A_233, %get3A_23 : vector<16xi1>, vector<16xi32>
      %broadcast_in_dim3A_235 = vector.shape_cast %select_n3A_234 : vector<16xi32> to vector<16x1xi32>
      %gather3A_236 = vector.shape_cast %broadcast_in_dim3A_235 : vector<16x1xi32> to vector<16xi32>
      %gather3A_237 = tpu.dynamic_gather %get3A_179[%gather3A_236] in [0] : vector<16xf32>, vector<16xi32> -> vector<16xf32>
      %lt3A_238 = arith.constant 0 : i32
      %lt3A_239 = vector.broadcast %lt3A_238 : i32 to vector<16xi32>
      %lt3A_240 = arith.cmpi slt, %get3A_25, %lt3A_239 : vector<16xi32>
      %add3A_241 = arith.constant 16 : i32
      %add3A_242 = vector.broadcast %add3A_241 : i32 to vector<16xi32>
      %add3A_243 = arith.addi %get3A_25, %add3A_242 : vector<16xi32>
      %select_n3A_244 = arith.select %lt3A_240, %add3A_243, %get3A_25 : vector<16xi1>, vector<16xi32>
      %broadcast_in_dim3A_245 = vector.shape_cast %select_n3A_244 : vector<16xi32> to vector<16x1xi32>
      %gather3A_246 = vector.shape_cast %broadcast_in_dim3A_245 : vector<16x1xi32> to vector<16xi32>
      %gather3A_247 = tpu.dynamic_gather %get3A_179[%gather3A_246] in [0] : vector<16xf32>, vector<16xi32> -> vector<16xf32>
      %lt3A_248 = arith.constant 0 : i32
      %lt3A_249 = vector.broadcast %lt3A_248 : i32 to vector<16xi32>
      %lt3A_250 = arith.cmpi slt, %get3A_27, %lt3A_249 : vector<16xi32>
      %add3A_251 = arith.constant 16 : i32
      %add3A_252 = vector.broadcast %add3A_251 : i32 to vector<16xi32>
      %add3A_253 = arith.addi %get3A_27, %add3A_252 : vector<16xi32>
      %select_n3A_254 = arith.select %lt3A_250, %add3A_253, %get3A_27 : vector<16xi1>, vector<16xi32>
      %broadcast_in_dim3A_255 = vector.shape_cast %select_n3A_254 : vector<16xi32> to vector<16x1xi32>
      %gather3A_256 = vector.shape_cast %broadcast_in_dim3A_255 : vector<16x1xi32> to vector<16xi32>
      %gather3A_257 = tpu.dynamic_gather %get3A_179[%gather3A_256] in [0] : vector<16xf32>, vector<16xi32> -> vector<16xf32>
      %mul3A_258 = arith.constant 4 : i32
      %mul3A_259 = arith.muli %scan3A_171, %mul3A_258 : i32
      %add3A_260 = arith.constant 1 : i32
      %add3A_261 = arith.addi %mul3A_259, %add3A_260 : i32
      %mul3A_262 = arith.constant 16 : i32
      %mul3A_263 = arith.muli %add3A_261, %mul3A_262 : i32
      %get3A_264 = arith.index_cast %mul3A_263 : i32 to index
      %get3A_265 = tpu.vector_load %arg5[%get3A_264] {strides = array<i32>} : memref<1024xf32, #tpu.memory_space<vmem>>, vector<16xf32>,
      %lt3A_266 = arith.constant 0 : i32
      %lt3A_267 = vector.broadcast %lt3A_266 : i32 to vector<16xi32>
      %lt3A_268 = arith.cmpi slt, %get3A_13, %lt3A_267 : vector<16xi32>
      %add3A_269 = arith.constant 16 : i32
      %add3A_270 = vector.broadcast %add3A_269 : i32 to vector<16xi32>
      %add3A_271 = arith.addi %get3A_13, %add3A_270 : vector<16xi32>
      %select_n3A_272 = arith.select %lt3A_268, %add3A_271, %get3A_13 : vector<16xi1>, vector<16xi32>
      %broadcast_in_dim3A_273 = vector.shape_cast %select_n3A_272 : vector<16xi32> to vector<16x1xi32>
      %gather3A_274 = vector.shape_cast %broadcast_in_dim3A_273 : vector<16x1xi32> to vector<16xi32>
      %gather3A_275 = tpu.dynamic_gather %get3A_265[%gather3A_274] in [0] : vector<16xf32>, vector<16xi32> -> vector<16xf32>
      %lt3A_276 = arith.constant 0 : i32
      %lt3A_277 = vector.broadcast %lt3A_276 : i32 to vector<16xi32>
      %lt3A_278 = arith.cmpi slt, %get3A_15, %lt3A_277 : vector<16xi32>
      %add3A_279 = arith.constant 16 : i32
      %add3A_280 = vector.broadcast %add3A_279 : i32 to vector<16xi32>
      %add3A_281 = arith.addi %get3A_15, %add3A_280 : vector<16xi32>
      %select_n3A_282 = arith.select %lt3A_278, %add3A_281, %get3A_15 : vector<16xi1>, vector<16xi32>
      %broadcast_in_dim3A_283 = vector.shape_cast %select_n3A_282 : vector<16xi32> to vector<16x1xi32>
      %gather3A_284 = vector.shape_cast %broadcast_in_dim3A_283 : vector<16x1xi32> to vector<16xi32>
      %gather3A_285 = tpu.dynamic_gather %get3A_265[%gather3A_284] in [0] : vector<16xf32>, vector<16xi32> -> vector<16xf32>
      %lt3A_286 = arith.constant 0 : i32
      %lt3A_287 = vector.broadcast %lt3A_286 : i32 to vector<16xi32>
      %lt3A_288 = arith.cmpi slt, %get3A_17, %lt3A_287 : vector<16xi32>
      %add3A_289 = arith.constant 16 : i32
      %add3A_290 = vector.broadcast %add3A_289 : i32 to vector<16xi32>
      %add3A_291 = arith.addi %get3A_17, %add3A_290 : vector<16xi32>
      %select_n3A_292 = arith.select %lt3A_288, %add3A_291, %get3A_17 : vector<16xi1>, vector<16xi32>
      %broadcast_in_dim3A_293 = vector.shape_cast %select_n3A_292 : vector<16xi32> to vector<16x1xi32>
      %gather3A_294 = vector.shape_cast %broadcast_in_dim3A_293 : vector<16x1xi32> to vector<16xi32>
      %gather3A_295 = tpu.dynamic_gather %get3A_265[%gather3A_294] in [0] : vector<16xf32>, vector<16xi32> -> vector<16xf32>
      %lt3A_296 = arith.constant 0 : i32
      %lt3A_297 = vector.broadcast %lt3A_296 : i32 to vector<16xi32>
      %lt3A_298 = arith.cmpi slt, %get3A_19, %lt3A_297 : vector<16xi32>
      %add3A_299 = arith.constant 16 : i32
      %add3A_300 = vector.broadcast %add3A_299 : i32 to vector<16xi32>
      %add3A_301 = arith.addi %get3A_19, %add3A_300 : vector<16xi32>
      %select_n3A_302 = arith.select %lt3A_298, %add3A_301, %get3A_19 : vector<16xi1>, vector<16xi32>
      %broadcast_in_dim3A_303 = vector.shape_cast %select_n3A_302 : vector<16xi32> to vector<16x1xi32>
      %gather3A_304 = vector.shape_cast %broadcast_in_dim3A_303 : vector<16x1xi32> to vector<16xi32>
      %gather3A_305 = tpu.dynamic_gather %get3A_265[%gather3A_304] in [0] : vector<16xf32>, vector<16xi32> -> vector<16xf32>
      %lt3A_306 = arith.constant 0 : i32
      %lt3A_307 = vector.broadcast %lt3A_306 : i32 to vector<16xi32>
      %lt3A_308 = arith.cmpi slt, %get3A_21, %lt3A_307 : vector<16xi32>
      %add3A_309 = arith.constant 16 : i32
      %add3A_310 = vector.broadcast %add3A_309 : i32 to vector<16xi32>
      %add3A_311 = arith.addi %get3A_21, %add3A_310 : vector<16xi32>
      %select_n3A_312 = arith.select %lt3A_308, %add3A_311, %get3A_21 : vector<16xi1>, vector<16xi32>
      %broadcast_in_dim3A_313 = vector.shape_cast %select_n3A_312 : vector<16xi32> to vector<16x1xi32>
      %gather3A_314 = vector.shape_cast %broadcast_in_dim3A_313 : vector<16x1xi32> to vector<16xi32>
      %gather3A_315 = tpu.dynamic_gather %get3A_265[%gather3A_314] in [0] : vector<16xf32>, vector<16xi32> -> vector<16xf32>
      %lt3A_316 = arith.constant 0 : i32
      %lt3A_317 = vector.broadcast %lt3A_316 : i32 to vector<16xi32>
      %lt3A_318 = arith.cmpi slt, %get3A_23, %lt3A_317 : vector<16xi32>
      %add3A_319 = arith.constant 16 : i32
      %add3A_320 = vector.broadcast %add3A_319 : i32 to vector<16xi32>
      %add3A_321 = arith.addi %get3A_23, %add3A_320 : vector<16xi32>
      %select_n3A_322 = arith.select %lt3A_318, %add3A_321, %get3A_23 : vector<16xi1>, vector<16xi32>
      %broadcast_in_dim3A_323 = vector.shape_cast %select_n3A_322 : vector<16xi32> to vector<16x1xi32>
      %gather3A_324 = vector.shape_cast %broadcast_in_dim3A_323 : vector<16x1xi32> to vector<16xi32>
      %gather3A_325 = tpu.dynamic_gather %get3A_265[%gather3A_324] in [0] : vector<16xf32>, vector<16xi32> -> vector<16xf32>
      %lt3A_326 = arith.constant 0 : i32
      %lt3A_327 = vector.broadcast %lt3A_326 : i32 to vector<16xi32>
      %lt3A_328 = arith.cmpi slt, %get3A_25, %lt3A_327 : vector<16xi32>
      %add3A_329 = arith.constant 16 : i32
      %add3A_330 = vector.broadcast %add3A_329 : i32 to vector<16xi32>
      %add3A_331 = arith.addi %get3A_25, %add3A_330 : vector<16xi32>
      %select_n3A_332 = arith.select %lt3A_328, %add3A_331, %get3A_25 : vector<16xi1>, vector<16xi32>
      %broadcast_in_dim3A_333 = vector.shape_cast %select_n3A_332 : vector<16xi32> to vector<16x1xi32>
      %gather3A_334 = vector.shape_cast %broadcast_in_dim3A_333 : vector<16x1xi32> to vector<16xi32>
      %gather3A_335 = tpu.dynamic_gather %get3A_265[%gather3A_334] in [0] : vector<16xf32>, vector<16xi32> -> vector<16xf32>
      %lt3A_336 = arith.constant 0 : i32
      %lt3A_337 = vector.broadcast %lt3A_336 : i32 to vector<16xi32>
      %lt3A_338 = arith.cmpi slt, %get3A_27, %lt3A_337 : vector<16xi32>
      %add3A_339 = arith.constant 16 : i32
      %add3A_340 = vector.broadcast %add3A_339 : i32 to vector<16xi32>
      %add3A_341 = arith.addi %get3A_27, %add3A_340 : vector<16xi32>
      %select_n3A_342 = arith.select %lt3A_338, %add3A_341, %get3A_27 : vector<16xi1>, vector<16xi32>
      %broadcast_in_dim3A_343 = vector.shape_cast %select_n3A_342 : vector<16xi32> to vector<16x1xi32>
      %gather3A_344 = vector.shape_cast %broadcast_in_dim3A_343 : vector<16x1xi32> to vector<16xi32>
      %gather3A_345 = tpu.dynamic_gather %get3A_265[%gather3A_344] in [0] : vector<16xf32>, vector<16xi32> -> vector<16xf32>
      %mul3A_346 = arith.constant 4 : i32
      %mul3A_347 = arith.muli %scan3A_171, %mul3A_346 : i32
      %add3A_348 = arith.constant 2 : i32
      %add3A_349 = arith.addi %mul3A_347, %add3A_348 : i32
      %mul3A_350 = arith.constant 16 : i32
      %mul3A_351 = arith.muli %add3A_349, %mul3A_350 : i32
      %get3A_352 = arith.index_cast %mul3A_351 : i32 to index
      %get3A_353 = tpu.vector_load %arg5[%get3A_352] {strides = array<i32>} : memref<1024xf32, #tpu.memory_space<vmem>>, vector<16xf32>,
      %lt3A_354 = arith.constant 0 : i32
      %lt3A_355 = vector.broadcast %lt3A_354 : i32 to vector<16xi32>
      %lt3A_356 = arith.cmpi slt, %get3A_13, %lt3A_355 : vector<16xi32>
      %add3A_357 = arith.constant 16 : i32
      %add3A_358 = vector.broadcast %add3A_357 : i32 to vector<16xi32>
      %add3A_359 = arith.addi %get3A_13, %add3A_358 : vector<16xi32>
      %select_n3A_360 = arith.select %lt3A_356, %add3A_359, %get3A_13 : vector<16xi1>, vector<16xi32>
      %broadcast_in_dim3A_361 = vector.shape_cast %select_n3A_360 : vector<16xi32> to vector<16x1xi32>
      %gather3A_362 = vector.shape_cast %broadcast_in_dim3A_361 : vector<16x1xi32> to vector<16xi32>
      %gather3A_363 = tpu.dynamic_gather %get3A_353[%gather3A_362] in [0] : vector<16xf32>, vector<16xi32> -> vector<16xf32>
      %lt3A_364 = arith.constant 0 : i32
      %lt3A_365 = vector.broadcast %lt3A_364 : i32 to vector<16xi32>
      %lt3A_366 = arith.cmpi slt, %get3A_15, %lt3A_365 : vector<16xi32>
      %add3A_367 = arith.constant 16 : i32
      %add3A_368 = vector.broadcast %add3A_367 : i32 to vector<16xi32>
      %add3A_369 = arith.addi %get3A_15, %add3A_368 : vector<16xi32>
      %select_n3A_370 = arith.select %lt3A_366, %add3A_369, %get3A_15 : vector<16xi1>, vector<16xi32>
      %broadcast_in_dim3A_371 = vector.shape_cast %select_n3A_370 : vector<16xi32> to vector<16x1xi32>
      %gather3A_372 = vector.shape_cast %broadcast_in_dim3A_371 : vector<16x1xi32> to vector<16xi32>
      %gather3A_373 = tpu.dynamic_gather %get3A_353[%gather3A_372] in [0] : vector<16xf32>, vector<16xi32> -> vector<16xf32>
      %lt3A_374 = arith.constant 0 : i32
      %lt3A_375 = vector.broadcast %lt3A_374 : i32 to vector<16xi32>
      %lt3A_376 = arith.cmpi slt, %get3A_17, %lt3A_375 : vector<16xi32>
      %add3A_377 = arith.constant 16 : i32
      %add3A_378 = vector.broadcast %add3A_377 : i32 to vector<16xi32>
      %add3A_379 = arith.addi %get3A_17, %add3A_378 : vector<16xi32>
      %select_n3A_380 = arith.select %lt3A_376, %add3A_379, %get3A_17 : vector<16xi1>, vector<16xi32>
      %broadcast_in_dim3A_381 = vector.shape_cast %select_n3A_380 : vector<16xi32> to vector<16x1xi32>
      %gather3A_382 = vector.shape_cast %broadcast_in_dim3A_381 : vector<16x1xi32> to vector<16xi32>
      %gather3A_383 = tpu.dynamic_gather %get3A_353[%gather3A_382] in [0] : vector<16xf32>, vector<16xi32> -> vector<16xf32>
      %lt3A_384 = arith.constant 0 : i32
      %lt3A_385 = vector.broadcast %lt3A_384 : i32 to vector<16xi32>
      %lt3A_386 = arith.cmpi slt, %get3A_19, %lt3A_385 : vector<16xi32>
      %add3A_387 = arith.constant 16 : i32
      %add3A_388 = vector.broadcast %add3A_387 : i32 to vector<16xi32>
      %add3A_389 = arith.addi %get3A_19, %add3A_388 : vector<16xi32>
      %select_n3A_390 = arith.select %lt3A_386, %add3A_389, %get3A_19 : vector<16xi1>, vector<16xi32>
      %broadcast_in_dim3A_391 = vector.shape_cast %select_n3A_390 : vector<16xi32> to vector<16x1xi32>
      %gather3A_392 = vector.shape_cast %broadcast_in_dim3A_391 : vector<16x1xi32> to vector<16xi32>
      %gather3A_393 = tpu.dynamic_gather %get3A_353[%gather3A_392] in [0] : vector<16xf32>, vector<16xi32> -> vector<16xf32>
      %lt3A_394 = arith.constant 0 : i32
      %lt3A_395 = vector.broadcast %lt3A_394 : i32 to vector<16xi32>
      %lt3A_396 = arith.cmpi slt, %get3A_21, %lt3A_395 : vector<16xi32>
      %add3A_397 = arith.constant 16 : i32
      %add3A_398 = vector.broadcast %add3A_397 : i32 to vector<16xi32>
      %add3A_399 = arith.addi %get3A_21, %add3A_398 : vector<16xi32>
      %select_n3A_400 = arith.select %lt3A_396, %add3A_399, %get3A_21 : vector<16xi1>, vector<16xi32>
      %broadcast_in_dim3A_401 = vector.shape_cast %select_n3A_400 : vector<16xi32> to vector<16x1xi32>
      %gather3A_402 = vector.shape_cast %broadcast_in_dim3A_401 : vector<16x1xi32> to vector<16xi32>
      %gather3A_403 = tpu.dynamic_gather %get3A_353[%gather3A_402] in [0] : vector<16xf32>, vector<16xi32> -> vector<16xf32>
      %lt3A_404 = arith.constant 0 : i32
      %lt3A_405 = vector.broadcast %lt3A_404 : i32 to vector<16xi32>
      %lt3A_406 = arith.cmpi slt, %get3A_23, %lt3A_405 : vector<16xi32>
      %add3A_407 = arith.constant 16 : i32
      %add3A_408 = vector.broadcast %add3A_407 : i32 to vector<16xi32>
      %add3A_409 = arith.addi %get3A_23, %add3A_408 : vector<16xi32>
      %select_n3A_410 = arith.select %lt3A_406, %add3A_409, %get3A_23 : vector<16xi1>, vector<16xi32>
      %broadcast_in_dim3A_411 = vector.shape_cast %select_n3A_410 : vector<16xi32> to vector<16x1xi32>
      %gather3A_412 = vector.shape_cast %broadcast_in_dim3A_411 : vector<16x1xi32> to vector<16xi32>
      %gather3A_413 = tpu.dynamic_gather %get3A_353[%gather3A_412] in [0] : vector<16xf32>, vector<16xi32> -> vector<16xf32>
      %lt3A_414 = arith.constant 0 : i32
      %lt3A_415 = vector.broadcast %lt3A_414 : i32 to vector<16xi32>
      %lt3A_416 = arith.cmpi slt, %get3A_25, %lt3A_415 : vector<16xi32>
      %add3A_417 = arith.constant 16 : i32
      %add3A_418 = vector.broadcast %add3A_417 : i32 to vector<16xi32>
      %add3A_419 = arith.addi %get3A_25, %add3A_418 : vector<16xi32>
      %select_n3A_420 = arith.select %lt3A_416, %add3A_419, %get3A_25 : vector<16xi1>, vector<16xi32>
      %broadcast_in_dim3A_421 = vector.shape_cast %select_n3A_420 : vector<16xi32> to vector<16x1xi32>
      %gather3A_422 = vector.shape_cast %broadcast_in_dim3A_421 : vector<16x1xi32> to vector<16xi32>
      %gather3A_423 = tpu.dynamic_gather %get3A_353[%gather3A_422] in [0] : vector<16xf32>, vector<16xi32> -> vector<16xf32>
      %lt3A_424 = arith.constant 0 : i32
      %lt3A_425 = vector.broadcast %lt3A_424 : i32 to vector<16xi32>
      %lt3A_426 = arith.cmpi slt, %get3A_27, %lt3A_425 : vector<16xi32>
      %add3A_427 = arith.constant 16 : i32
      %add3A_428 = vector.broadcast %add3A_427 : i32 to vector<16xi32>
      %add3A_429 = arith.addi %get3A_27, %add3A_428 : vector<16xi32>
      %select_n3A_430 = arith.select %lt3A_426, %add3A_429, %get3A_27 : vector<16xi1>, vector<16xi32>
      %broadcast_in_dim3A_431 = vector.shape_cast %select_n3A_430 : vector<16xi32> to vector<16x1xi32>
      %gather3A_432 = vector.shape_cast %broadcast_in_dim3A_431 : vector<16x1xi32> to vector<16xi32>
      %gather3A_433 = tpu.dynamic_gather %get3A_353[%gather3A_432] in [0] : vector<16xf32>, vector<16xi32> -> vector<16xf32>
      %mul3A_434 = arith.constant 4 : i32
      %mul3A_435 = arith.muli %scan3A_171, %mul3A_434 : i32
      %add3A_436 = arith.constant 3 : i32
      %add3A_437 = arith.addi %mul3A_435, %add3A_436 : i32
      %mul3A_438 = arith.constant 16 : i32
      %mul3A_439 = arith.muli %add3A_437, %mul3A_438 : i32
      %get3A_440 = arith.index_cast %mul3A_439 : i32 to index
      %get3A_441 = tpu.vector_load %arg5[%get3A_440] {strides = array<i32>} : memref<1024xf32, #tpu.memory_space<vmem>>, vector<16xf32>,
      %lt3A_442 = arith.constant 0 : i32
      %lt3A_443 = vector.broadcast %lt3A_442 : i32 to vector<16xi32>
      %lt3A_444 = arith.cmpi slt, %get3A_13, %lt3A_443 : vector<16xi32>
      %add3A_445 = arith.constant 16 : i32
      %add3A_446 = vector.broadcast %add3A_445 : i32 to vector<16xi32>
      %add3A_447 = arith.addi %get3A_13, %add3A_446 : vector<16xi32>
      %select_n3A_448 = arith.select %lt3A_444, %add3A_447, %get3A_13 : vector<16xi1>, vector<16xi32>
      %broadcast_in_dim3A_449 = vector.shape_cast %select_n3A_448 : vector<16xi32> to vector<16x1xi32>
      %gather3A_450 = vector.shape_cast %broadcast_in_dim3A_449 : vector<16x1xi32> to vector<16xi32>
      %gather3A_451 = tpu.dynamic_gather %get3A_441[%gather3A_450] in [0] : vector<16xf32>, vector<16xi32> -> vector<16xf32>
      %lt3A_452 = arith.constant 0 : i32
      %lt3A_453 = vector.broadcast %lt3A_452 : i32 to vector<16xi32>
      %lt3A_454 = arith.cmpi slt, %get3A_15, %lt3A_453 : vector<16xi32>
      %add3A_455 = arith.constant 16 : i32
      %add3A_456 = vector.broadcast %add3A_455 : i32 to vector<16xi32>
      %add3A_457 = arith.addi %get3A_15, %add3A_456 : vector<16xi32>
      %select_n3A_458 = arith.select %lt3A_454, %add3A_457, %get3A_15 : vector<16xi1>, vector<16xi32>
      %broadcast_in_dim3A_459 = vector.shape_cast %select_n3A_458 : vector<16xi32> to vector<16x1xi32>
      %gather3A_460 = vector.shape_cast %broadcast_in_dim3A_459 : vector<16x1xi32> to vector<16xi32>
      %gather3A_461 = tpu.dynamic_gather %get3A_441[%gather3A_460] in [0] : vector<16xf32>, vector<16xi32> -> vector<16xf32>
      %lt3A_462 = arith.constant 0 : i32
      %lt3A_463 = vector.broadcast %lt3A_462 : i32 to vector<16xi32>
      %lt3A_464 = arith.cmpi slt, %get3A_17, %lt3A_463 : vector<16xi32>
      %add3A_465 = arith.constant 16 : i32
      %add3A_466 = vector.broadcast %add3A_465 : i32 to vector<16xi32>
      %add3A_467 = arith.addi %get3A_17, %add3A_466 : vector<16xi32>
      %select_n3A_468 = arith.select %lt3A_464, %add3A_467, %get3A_17 : vector<16xi1>, vector<16xi32>
      %broadcast_in_dim3A_469 = vector.shape_cast %select_n3A_468 : vector<16xi32> to vector<16x1xi32>
      %gather3A_470 = vector.shape_cast %broadcast_in_dim3A_469 : vector<16x1xi32> to vector<16xi32>
      %gather3A_471 = tpu.dynamic_gather %get3A_441[%gather3A_470] in [0] : vector<16xf32>, vector<16xi32> -> vector<16xf32>
      %lt3A_472 = arith.constant 0 : i32
      %lt3A_473 = vector.broadcast %lt3A_472 : i32 to vector<16xi32>
      %lt3A_474 = arith.cmpi slt, %get3A_19, %lt3A_473 : vector<16xi32>
      %add3A_475 = arith.constant 16 : i32
      %add3A_476 = vector.broadcast %add3A_475 : i32 to vector<16xi32>
      %add3A_477 = arith.addi %get3A_19, %add3A_476 : vector<16xi32>
      %select_n3A_478 = arith.select %lt3A_474, %add3A_477, %get3A_19 : vector<16xi1>, vector<16xi32>
      %broadcast_in_dim3A_479 = vector.shape_cast %select_n3A_478 : vector<16xi32> to vector<16x1xi32>
      %gather3A_480 = vector.shape_cast %broadcast_in_dim3A_479 : vector<16x1xi32> to vector<16xi32>
      %gather3A_481 = tpu.dynamic_gather %get3A_441[%gather3A_480] in [0] : vector<16xf32>, vector<16xi32> -> vector<16xf32>
      %lt3A_482 = arith.constant 0 : i32
      %lt3A_483 = vector.broadcast %lt3A_482 : i32 to vector<16xi32>
      %lt3A_484 = arith.cmpi slt, %get3A_21, %lt3A_483 : vector<16xi32>
      %add3A_485 = arith.constant 16 : i32
      %add3A_486 = vector.broadcast %add3A_485 : i32 to vector<16xi32>
      %add3A_487 = arith.addi %get3A_21, %add3A_486 : vector<16xi32>
      %select_n3A_488 = arith.select %lt3A_484, %add3A_487, %get3A_21 : vector<16xi1>, vector<16xi32>
      %broadcast_in_dim3A_489 = vector.shape_cast %select_n3A_488 : vector<16xi32> to vector<16x1xi32>
      %gather3A_490 = vector.shape_cast %broadcast_in_dim3A_489 : vector<16x1xi32> to vector<16xi32>
      %gather3A_491 = tpu.dynamic_gather %get3A_441[%gather3A_490] in [0] : vector<16xf32>, vector<16xi32> -> vector<16xf32>
      %lt3A_492 = arith.constant 0 : i32
      %lt3A_493 = vector.broadcast %lt3A_492 : i32 to vector<16xi32>
      %lt3A_494 = arith.cmpi slt, %get3A_23, %lt3A_493 : vector<16xi32>
      %add3A_495 = arith.constant 16 : i32
      %add3A_496 = vector.broadcast %add3A_495 : i32 to vector<16xi32>
      %add3A_497 = arith.addi %get3A_23, %add3A_496 : vector<16xi32>
      %select_n3A_498 = arith.select %lt3A_494, %add3A_497, %get3A_23 : vector<16xi1>, vector<16xi32>
      %broadcast_in_dim3A_499 = vector.shape_cast %select_n3A_498 : vector<16xi32> to vector<16x1xi32>
      %gather3A_500 = vector.shape_cast %broadcast_in_dim3A_499 : vector<16x1xi32> to vector<16xi32>
      %gather3A_501 = tpu.dynamic_gather %get3A_441[%gather3A_500] in [0] : vector<16xf32>, vector<16xi32> -> vector<16xf32>
      %lt3A_502 = arith.constant 0 : i32
      %lt3A_503 = vector.broadcast %lt3A_502 : i32 to vector<16xi32>
      %lt3A_504 = arith.cmpi slt, %get3A_25, %lt3A_503 : vector<16xi32>
      %add3A_505 = arith.constant 16 : i32
      %add3A_506 = vector.broadcast %add3A_505 : i32 to vector<16xi32>
      %add3A_507 = arith.addi %get3A_25, %add3A_506 : vector<16xi32>
      %select_n3A_508 = arith.select %lt3A_504, %add3A_507, %get3A_25 : vector<16xi1>, vector<16xi32>
      %broadcast_in_dim3A_509 = vector.shape_cast %select_n3A_508 : vector<16xi32> to vector<16x1xi32>
      %gather3A_510 = vector.shape_cast %broadcast_in_dim3A_509 : vector<16x1xi32> to vector<16xi32>
      %gather3A_511 = tpu.dynamic_gather %get3A_441[%gather3A_510] in [0] : vector<16xf32>, vector<16xi32> -> vector<16xf32>
      %lt3A_512 = arith.constant 0 : i32
      %lt3A_513 = vector.broadcast %lt3A_512 : i32 to vector<16xi32>
      %lt3A_514 = arith.cmpi slt, %get3A_27, %lt3A_513 : vector<16xi32>
      %add3A_515 = arith.constant 16 : i32
      %add3A_516 = vector.broadcast %add3A_515 : i32 to vector<16xi32>
      %add3A_517 = arith.addi %get3A_27, %add3A_516 : vector<16xi32>
      %select_n3A_518 = arith.select %lt3A_514, %add3A_517, %get3A_27 : vector<16xi1>, vector<16xi32>
      %broadcast_in_dim3A_519 = vector.shape_cast %select_n3A_518 : vector<16xi32> to vector<16x1xi32>
      %gather3A_520 = vector.shape_cast %broadcast_in_dim3A_519 : vector<16x1xi32> to vector<16xi32>
      %gather3A_521 = tpu.dynamic_gather %get3A_441[%gather3A_520] in [0] : vector<16xf32>, vector<16xi32> -> vector<16xf32>
      %mul3A_522 = arith.constant 4 : i32
      %mul3A_523 = arith.muli %scan3A_171, %mul3A_522 : i32
      %add3A_524 = arith.constant 0 : i32
      %add3A_525 = arith.addi %mul3A_523, %add3A_524 : i32
      %swap3A = arith.index_cast %add3A_525 : i32 to index
      %swap3A_526 = arith.constant 0 : index
      %swap3A_527 = tpu.vector_load %arg8[%swap3A, %swap3A_526] {strides = array<i32>} : memref<64x128xf32, #tpu.memory_space<vmem>>, vector<16xf32>,
      tpu.vector_store %arg8[%swap3A, %swap3A_526], %gather3A_187 {strides = array<i32>} : memref<64x128xf32, #tpu.memory_space<vmem>>, vector<16xf32>,
      %swap3A_528 = arith.index_cast %add3A_525 : i32 to index
      %swap3A_529 = arith.constant 16 : index
      %swap3A_530 = tpu.vector_load %arg8[%swap3A_528, %swap3A_529] {strides = array<i32>} : memref<64x128xf32, #tpu.memory_space<vmem>>, vector<16xf32>,
      tpu.vector_store %arg8[%swap3A_528, %swap3A_529], %gather3A_197 {strides = array<i32>} : memref<64x128xf32, #tpu.memory_space<vmem>>, vector<16xf32>,
      %swap3A_531 = arith.index_cast %add3A_525 : i32 to index
      %swap3A_532 = arith.constant 32 : index
      %swap3A_533 = tpu.vector_load %arg8[%swap3A_531, %swap3A_532] {strides = array<i32>} : memref<64x128xf32, #tpu.memory_space<vmem>>, vector<16xf32>,
      tpu.vector_store %arg8[%swap3A_531, %swap3A_532], %gather3A_207 {strides = array<i32>} : memref<64x128xf32, #tpu.memory_space<vmem>>, vector<16xf32>,
      %swap3A_534 = arith.index_cast %add3A_525 : i32 to index
      %swap3A_535 = arith.constant 48 : index
      %swap3A_536 = tpu.vector_load %arg8[%swap3A_534, %swap3A_535] {strides = array<i32>} : memref<64x128xf32, #tpu.memory_space<vmem>>, vector<16xf32>,
      tpu.vector_store %arg8[%swap3A_534, %swap3A_535], %gather3A_217 {strides = array<i32>} : memref<64x128xf32, #tpu.memory_space<vmem>>, vector<16xf32>,
      %swap3A_537 = arith.index_cast %add3A_525 : i32 to index
      %swap3A_538 = arith.constant 64 : index
      %swap3A_539 = tpu.vector_load %arg8[%swap3A_537, %swap3A_538] {strides = array<i32>} : memref<64x128xf32, #tpu.memory_space<vmem>>, vector<16xf32>,
      tpu.vector_store %arg8[%swap3A_537, %swap3A_538], %gather3A_227 {strides = array<i32>} : memref<64x128xf32, #tpu.memory_space<vmem>>, vector<16xf32>,
      %swap3A_540 = arith.index_cast %add3A_525 : i32 to index
      %swap3A_541 = arith.constant 80 : index
      %swap3A_542 = tpu.vector_load %arg8[%swap3A_540, %swap3A_541] {strides = array<i32>} : memref<64x128xf32, #tpu.memory_space<vmem>>, vector<16xf32>,
      tpu.vector_store %arg8[%swap3A_540, %swap3A_541], %gather3A_237 {strides = array<i32>} : memref<64x128xf32, #tpu.memory_space<vmem>>, vector<16xf32>,
      %swap3A_543 = arith.index_cast %add3A_525 : i32 to index
      %swap3A_544 = arith.constant 96 : index
      %swap3A_545 = tpu.vector_load %arg8[%swap3A_543, %swap3A_544] {strides = array<i32>} : memref<64x128xf32, #tpu.memory_space<vmem>>, vector<16xf32>,
      tpu.vector_store %arg8[%swap3A_543, %swap3A_544], %gather3A_247 {strides = array<i32>} : memref<64x128xf32, #tpu.memory_space<vmem>>, vector<16xf32>,
      %swap3A_546 = arith.index_cast %add3A_525 : i32 to index
      %swap3A_547 = arith.constant 112 : index
      %swap3A_548 = tpu.vector_load %arg8[%swap3A_546, %swap3A_547] {strides = array<i32>} : memref<64x128xf32, #tpu.memory_space<vmem>>, vector<16xf32>,
      tpu.vector_store %arg8[%swap3A_546, %swap3A_547], %gather3A_257 {strides = array<i32>} : memref<64x128xf32, #tpu.memory_space<vmem>>, vector<16xf32>,
      %mul3A_549 = arith.constant 4 : i32
      %mul3A_550 = arith.muli %scan3A_171, %mul3A_549 : i32
      %add3A_551 = arith.constant 1 : i32
      %add3A_552 = arith.addi %mul3A_550, %add3A_551 : i32
      %swap3A_553 = arith.index_cast %add3A_552 : i32 to index
      %swap3A_554 = arith.constant 0 : index
      %swap3A_555 = tpu.vector_load %arg8[%swap3A_553, %swap3A_554] {strides = array<i32>} : memref<64x128xf32, #tpu.memory_space<vmem>>, vector<16xf32>,
      tpu.vector_store %arg8[%swap3A_553, %swap3A_554], %gather3A_275 {strides = array<i32>} : memref<64x128xf32, #tpu.memory_space<vmem>>, vector<16xf32>,
      %swap3A_556 = arith.index_cast %add3A_552 : i32 to index
      %swap3A_557 = arith.constant 16 : index
      %swap3A_558 = tpu.vector_load %arg8[%swap3A_556, %swap3A_557] {strides = array<i32>} : memref<64x128xf32, #tpu.memory_space<vmem>>, vector<16xf32>,
      tpu.vector_store %arg8[%swap3A_556, %swap3A_557], %gather3A_285 {strides = array<i32>} : memref<64x128xf32, #tpu.memory_space<vmem>>, vector<16xf32>,
      %swap3A_559 = arith.index_cast %add3A_552 : i32 to index
      %swap3A_560 = arith.constant 32 : index
      %swap3A_561 = tpu.vector_load %arg8[%swap3A_559, %swap3A_560] {strides = array<i32>} : memref<64x128xf32, #tpu.memory_space<vmem>>, vector<16xf32>,
      tpu.vector_store %arg8[%swap3A_559, %swap3A_560], %gather3A_295 {strides = array<i32>} : memref<64x128xf32, #tpu.memory_space<vmem>>, vector<16xf32>,
      %swap3A_562 = arith.index_cast %add3A_552 : i32 to index
      %swap3A_563 = arith.constant 48 : index
      %swap3A_564 = tpu.vector_load %arg8[%swap3A_562, %swap3A_563] {strides = array<i32>} : memref<64x128xf32, #tpu.memory_space<vmem>>, vector<16xf32>,
      tpu.vector_store %arg8[%swap3A_562, %swap3A_563], %gather3A_305 {strides = array<i32>} : memref<64x128xf32, #tpu.memory_space<vmem>>, vector<16xf32>,
      %swap3A_565 = arith.index_cast %add3A_552 : i32 to index
      %swap3A_566 = arith.constant 64 : index
      %swap3A_567 = tpu.vector_load %arg8[%swap3A_565, %swap3A_566] {strides = array<i32>} : memref<64x128xf32, #tpu.memory_space<vmem>>, vector<16xf32>,
      tpu.vector_store %arg8[%swap3A_565, %swap3A_566], %gather3A_315 {strides = array<i32>} : memref<64x128xf32, #tpu.memory_space<vmem>>, vector<16xf32>,
      %swap3A_568 = arith.index_cast %add3A_552 : i32 to index
      %swap3A_569 = arith.constant 80 : index
      %swap3A_570 = tpu.vector_load %arg8[%swap3A_568, %swap3A_569] {strides = array<i32>} : memref<64x128xf32, #tpu.memory_space<vmem>>, vector<16xf32>,
      tpu.vector_store %arg8[%swap3A_568, %swap3A_569], %gather3A_325 {strides = array<i32>} : memref<64x128xf32, #tpu.memory_space<vmem>>, vector<16xf32>,
      %swap3A_571 = arith.index_cast %add3A_552 : i32 to index
      %swap3A_572 = arith.constant 96 : index
      %swap3A_573 = tpu.vector_load %arg8[%swap3A_571, %swap3A_572] {strides = array<i32>} : memref<64x128xf32, #tpu.memory_space<vmem>>, vector<16xf32>,
      tpu.vector_store %arg8[%swap3A_571, %swap3A_572], %gather3A_335 {strides = array<i32>} : memref<64x128xf32, #tpu.memory_space<vmem>>, vector<16xf32>,
      %swap3A_574 = arith.index_cast %add3A_552 : i32 to index
      %swap3A_575 = arith.constant 112 : index
      %swap3A_576 = tpu.vector_load %arg8[%swap3A_574, %swap3A_575] {strides = array<i32>} : memref<64x128xf32, #tpu.memory_space<vmem>>, vector<16xf32>,
      tpu.vector_store %arg8[%swap3A_574, %swap3A_575], %gather3A_345 {strides = array<i32>} : memref<64x128xf32, #tpu.memory_space<vmem>>, vector<16xf32>,
      %mul3A_577 = arith.constant 4 : i32
      %mul3A_578 = arith.muli %scan3A_171, %mul3A_577 : i32
      %add3A_579 = arith.constant 2 : i32
      %add3A_580 = arith.addi %mul3A_578, %add3A_579 : i32
      %swap3A_581 = arith.index_cast %add3A_580 : i32 to index
      %swap3A_582 = arith.constant 0 : index
      %swap3A_583 = tpu.vector_load %arg8[%swap3A_581, %swap3A_582] {strides = array<i32>} : memref<64x128xf32, #tpu.memory_space<vmem>>, vector<16xf32>,
      tpu.vector_store %arg8[%swap3A_581, %swap3A_582], %gather3A_363 {strides = array<i32>} : memref<64x128xf32, #tpu.memory_space<vmem>>, vector<16xf32>,
      %swap3A_584 = arith.index_cast %add3A_580 : i32 to index
      %swap3A_585 = arith.constant 16 : index
      %swap3A_586 = tpu.vector_load %arg8[%swap3A_584, %swap3A_585] {strides = array<i32>} : memref<64x128xf32, #tpu.memory_space<vmem>>, vector<16xf32>,
      tpu.vector_store %arg8[%swap3A_584, %swap3A_585], %gather3A_373 {strides = array<i32>} : memref<64x128xf32, #tpu.memory_space<vmem>>, vector<16xf32>,
      %swap3A_587 = arith.index_cast %add3A_580 : i32 to index
      %swap3A_588 = arith.constant 32 : index
      %swap3A_589 = tpu.vector_load %arg8[%swap3A_587, %swap3A_588] {strides = array<i32>} : memref<64x128xf32, #tpu.memory_space<vmem>>, vector<16xf32>,
      tpu.vector_store %arg8[%swap3A_587, %swap3A_588], %gather3A_383 {strides = array<i32>} : memref<64x128xf32, #tpu.memory_space<vmem>>, vector<16xf32>,
      %swap3A_590 = arith.index_cast %add3A_580 : i32 to index
      %swap3A_591 = arith.constant 48 : index
      %swap3A_592 = tpu.vector_load %arg8[%swap3A_590, %swap3A_591] {strides = array<i32>} : memref<64x128xf32, #tpu.memory_space<vmem>>, vector<16xf32>,
      tpu.vector_store %arg8[%swap3A_590, %swap3A_591], %gather3A_393 {strides = array<i32>} : memref<64x128xf32, #tpu.memory_space<vmem>>, vector<16xf32>,
      %swap3A_593 = arith.index_cast %add3A_580 : i32 to index
      %swap3A_594 = arith.constant 64 : index
      %swap3A_595 = tpu.vector_load %arg8[%swap3A_593, %swap3A_594] {strides = array<i32>} : memref<64x128xf32, #tpu.memory_space<vmem>>, vector<16xf32>,
      tpu.vector_store %arg8[%swap3A_593, %swap3A_594], %gather3A_403 {strides = array<i32>} : memref<64x128xf32, #tpu.memory_space<vmem>>, vector<16xf32>,
      %swap3A_596 = arith.index_cast %add3A_580 : i32 to index
      %swap3A_597 = arith.constant 80 : index
      %swap3A_598 = tpu.vector_load %arg8[%swap3A_596, %swap3A_597] {strides = array<i32>} : memref<64x128xf32, #tpu.memory_space<vmem>>, vector<16xf32>,
      tpu.vector_store %arg8[%swap3A_596, %swap3A_597], %gather3A_413 {strides = array<i32>} : memref<64x128xf32, #tpu.memory_space<vmem>>, vector<16xf32>,
      %swap3A_599 = arith.index_cast %add3A_580 : i32 to index
      %swap3A_600 = arith.constant 96 : index
      %swap3A_601 = tpu.vector_load %arg8[%swap3A_599, %swap3A_600] {strides = array<i32>} : memref<64x128xf32, #tpu.memory_space<vmem>>, vector<16xf32>,
      tpu.vector_store %arg8[%swap3A_599, %swap3A_600], %gather3A_423 {strides = array<i32>} : memref<64x128xf32, #tpu.memory_space<vmem>>, vector<16xf32>,
      %swap3A_602 = arith.index_cast %add3A_580 : i32 to index
      %swap3A_603 = arith.constant 112 : index
      %swap3A_604 = tpu.vector_load %arg8[%swap3A_602, %swap3A_603] {strides = array<i32>} : memref<64x128xf32, #tpu.memory_space<vmem>>, vector<16xf32>,
      tpu.vector_store %arg8[%swap3A_602, %swap3A_603], %gather3A_433 {strides = array<i32>} : memref<64x128xf32, #tpu.memory_space<vmem>>, vector<16xf32>,
      %mul3A_605 = arith.constant 4 : i32
      %mul3A_606 = arith.muli %scan3A_171, %mul3A_605 : i32
      %add3A_607 = arith.constant 3 : i32
      %add3A_608 = arith.addi %mul3A_606, %add3A_607 : i32
      %swap3A_609 = arith.index_cast %add3A_608 : i32 to index
      %swap3A_610 = arith.constant 0 : index
      %swap3A_611 = tpu.vector_load %arg8[%swap3A_609, %swap3A_610] {strides = array<i32>} : memref<64x128xf32, #tpu.memory_space<vmem>>, vector<16xf32>,
      tpu.vector_store %arg8[%swap3A_609, %swap3A_610], %gather3A_451 {strides = array<i32>} : memref<64x128xf32, #tpu.memory_space<vmem>>, vector<16xf32>,
      %swap3A_612 = arith.index_cast %add3A_608 : i32 to index
      %swap3A_613 = arith.constant 16 : index
      %swap3A_614 = tpu.vector_load %arg8[%swap3A_612, %swap3A_613] {strides = array<i32>} : memref<64x128xf32, #tpu.memory_space<vmem>>, vector<16xf32>,
      tpu.vector_store %arg8[%swap3A_612, %swap3A_613], %gather3A_461 {strides = array<i32>} : memref<64x128xf32, #tpu.memory_space<vmem>>, vector<16xf32>,
      %swap3A_615 = arith.index_cast %add3A_608 : i32 to index
      %swap3A_616 = arith.constant 32 : index
      %swap3A_617 = tpu.vector_load %arg8[%swap3A_615, %swap3A_616] {strides = array<i32>} : memref<64x128xf32, #tpu.memory_space<vmem>>, vector<16xf32>,
      tpu.vector_store %arg8[%swap3A_615, %swap3A_616], %gather3A_471 {strides = array<i32>} : memref<64x128xf32, #tpu.memory_space<vmem>>, vector<16xf32>,
      %swap3A_618 = arith.index_cast %add3A_608 : i32 to index
      %swap3A_619 = arith.constant 48 : index
      %swap3A_620 = tpu.vector_load %arg8[%swap3A_618, %swap3A_619] {strides = array<i32>} : memref<64x128xf32, #tpu.memory_space<vmem>>, vector<16xf32>,
      tpu.vector_store %arg8[%swap3A_618, %swap3A_619], %gather3A_481 {strides = array<i32>} : memref<64x128xf32, #tpu.memory_space<vmem>>, vector<16xf32>,
      %swap3A_621 = arith.index_cast %add3A_608 : i32 to index
      %swap3A_622 = arith.constant 64 : index
      %swap3A_623 = tpu.vector_load %arg8[%swap3A_621, %swap3A_622] {strides = array<i32>} : memref<64x128xf32, #tpu.memory_space<vmem>>, vector<16xf32>,
      tpu.vector_store %arg8[%swap3A_621, %swap3A_622], %gather3A_491 {strides = array<i32>} : memref<64x128xf32, #tpu.memory_space<vmem>>, vector<16xf32>,
      %swap3A_624 = arith.index_cast %add3A_608 : i32 to index
      %swap3A_625 = arith.constant 80 : index
      %swap3A_626 = tpu.vector_load %arg8[%swap3A_624, %swap3A_625] {strides = array<i32>} : memref<64x128xf32, #tpu.memory_space<vmem>>, vector<16xf32>,
      tpu.vector_store %arg8[%swap3A_624, %swap3A_625], %gather3A_501 {strides = array<i32>} : memref<64x128xf32, #tpu.memory_space<vmem>>, vector<16xf32>,
      %swap3A_627 = arith.index_cast %add3A_608 : i32 to index
      %swap3A_628 = arith.constant 96 : index
      %swap3A_629 = tpu.vector_load %arg8[%swap3A_627, %swap3A_628] {strides = array<i32>} : memref<64x128xf32, #tpu.memory_space<vmem>>, vector<16xf32>,
      tpu.vector_store %arg8[%swap3A_627, %swap3A_628], %gather3A_511 {strides = array<i32>} : memref<64x128xf32, #tpu.memory_space<vmem>>, vector<16xf32>,
      %swap3A_630 = arith.index_cast %add3A_608 : i32 to index
      %swap3A_631 = arith.constant 112 : index
      %swap3A_632 = tpu.vector_load %arg8[%swap3A_630, %swap3A_631] {strides = array<i32>} : memref<64x128xf32, #tpu.memory_space<vmem>>, vector<16xf32>,
      tpu.vector_store %arg8[%swap3A_630, %swap3A_631], %gather3A_521 {strides = array<i32>} : memref<64x128xf32, #tpu.memory_space<vmem>>, vector<16xf32>,
    }
    %scan3A_41 = arith.constant 16 : i32
    %mul3A_42 = arith.constant 128 : i32
    %mul3A_43 = arith.muli %add3A, %mul3A_42 : i32
    %dma_start3A_44 = arith.constant 0 : i32
    %dma_start3A_45 = tpu.memref_slice %arg4[%dma_start3A_44, %mul3A_43] : memref<64x800000xf32, #tpu.memory_space<hbm>> -> memref<64x128xf32, #tpu.memory_space<hbm>>
    %dma_start3A_46 = arith.constant 0 : i32
    %dma_start3A_47 = tpu.memref_slice %arg4[%dma_start3A_46, %mul3A_43] : memref<64x800000xf32, #tpu.memory_space<hbm>> -> memref<64x128xf32, #tpu.memory_space<hbm>>
    tpu.enqueue_dma source(%arg8 : memref<64x128xf32, #tpu.memory_space<vmem>>) target(%dma_start3A_47 : memref<64x128xf32, #tpu.memory_space<hbm>>) target_semaphore(%arg10 : memref<!tpu.dma_semaphore, #tpu.memory_space<semaphore_mem>>)
    %mul3A_48 = arith.constant 128 : i32
    %mul3A_49 = arith.muli %add3A_2, %mul3A_48 : i32
    %dma_wait3A_50 = tpu.memref_slice %arg2[%mul3A_49] : memref<800000xi32, #tpu.memory_space<hbm>> -> memref<128xi32, #tpu.memory_space<hbm>>
    %dma_wait3A_51 = tpu.memref_slice %arg2[%mul3A_49] : memref<800000xi32, #tpu.memory_space<hbm>> -> memref<128xi32, #tpu.memory_space<hbm>>
    tpu.wait_dma2 semaphore(%arg13 : memref<!tpu.dma_semaphore, #tpu.memory_space<semaphore_mem>>) src(%dma_wait3A_51 : memref<128xi32, #tpu.memory_space<hbm>>) dst(%arg7 : memref<128xi32, #tpu.memory_space<vmem>>)
    %get3A_52 = arith.constant 0 : index
    %get3A_53 = tpu.vector_load %arg7[%get3A_52] {strides = array<i32>} : memref<128xi32, #tpu.memory_space<vmem>>, vector<16xi32>,
    %get3A_54 = arith.constant 16 : index
    %get3A_55 = tpu.vector_load %arg7[%get3A_54] {strides = array<i32>} : memref<128xi32, #tpu.memory_space<vmem>>, vector<16xi32>,
    %get3A_56 = arith.constant 32 : index
    %get3A_57 = tpu.vector_load %arg7[%get3A_56] {strides = array<i32>} : memref<128xi32, #tpu.memory_space<vmem>>, vector<16xi32>,
    %get3A_58 = arith.constant 48 : index
    %get3A_59 = tpu.vector_load %arg7[%get3A_58] {strides = array<i32>} : memref<128xi32, #tpu.memory_space<vmem>>, vector<16xi32>,
    %get3A_60 = arith.constant 64 : index
    %get3A_61 = tpu.vector_load %arg7[%get3A_60] {strides = array<i32>} : memref<128xi32, #tpu.memory_space<vmem>>, vector<16xi32>,
    %get3A_62 = arith.constant 80 : index
    %get3A_63 = tpu.vector_load %arg7[%get3A_62] {strides = array<i32>} : memref<128xi32, #tpu.memory_space<vmem>>, vector<16xi32>,
    %get3A_64 = arith.constant 96 : index
    %get3A_65 = tpu.vector_load %arg7[%get3A_64] {strides = array<i32>} : memref<128xi32, #tpu.memory_space<vmem>>, vector<16xi32>,
    %get3A_66 = arith.constant 112 : index
    %get3A_67 = tpu.vector_load %arg7[%get3A_66] {strides = array<i32>} : memref<128xi32, #tpu.memory_space<vmem>>, vector<16xi32>,
    %add3A_68 = arith.constant 64 : i32
    %add3A_69 = arith.addi %add3A_2, %add3A_68 : i32
    %lt3A_70 = arith.constant 6250 : i32
    %lt3A_71 = arith.cmpi slt, %add3A_69, %lt3A_70 : i32
    %add3A_72 = arith.constant 64 : i32
    %add3A_73 = arith.addi %add3A_2, %add3A_72 : i32
    %jit3A_74 = arith.constant 0 : i32
    %select_n3A_75 = arith.select %lt3A_71, %add3A_73, %jit3A_74 : i32
    %mul3A_76 = arith.constant 128 : i32
    %mul3A_77 = arith.muli %select_n3A_75, %mul3A_76 : i32
    %dma_start3A_78 = tpu.memref_slice %arg2[%mul3A_77] : memref<800000xi32, #tpu.memory_space<hbm>> -> memref<128xi32, #tpu.memory_space<hbm>>
    %dma_start3A_79 = tpu.memref_slice %arg2[%mul3A_77] : memref<800000xi32, #tpu.memory_space<hbm>> -> memref<128xi32, #tpu.memory_space<hbm>>
    tpu.enqueue_dma source(%dma_start3A_79 : memref<128xi32, #tpu.memory_space<hbm>>) target(%arg7 : memref<128xi32, #tpu.memory_space<vmem>>) target_semaphore(%arg13 : memref<!tpu.dma_semaphore, #tpu.memory_space<semaphore_mem>>)
    %scan3A_80 = arith.constant 0 : i32
    %scan3A_81 = arith.constant 0 : i32
    %scan3A_82 = arith.constant 16 : i32
    %scan3A_83 = arith.addi %scan3A_81, %scan3A_82 : i32
    %scan3A_84 = arith.constant 1 : i32
    scf.for %scan3A_171 = %scan3A_81 to %scan3A_83 step %scan3A_84  : i32 {
      %mul3A_172 = arith.constant 4 : i32
      %mul3A_173 = arith.muli %scan3A_171, %mul3A_172 : i32
      %add3A_174 = arith.constant 0 : i32
      %add3A_175 = arith.addi %mul3A_173, %add3A_174 : i32
      %mul3A_176 = arith.constant 16 : i32
      %mul3A_177 = arith.muli %add3A_175, %mul3A_176 : i32
      %get3A_178 = arith.index_cast %mul3A_177 : i32 to index
      %get3A_179 = tpu.vector_load %arg5[%get3A_178] {strides = array<i32>} : memref<1024xf32, #tpu.memory_space<vmem>>, vector<16xf32>,
      %lt3A_180 = arith.constant 0 : i32
      %lt3A_181 = vector.broadcast %lt3A_180 : i32 to vector<16xi32>
      %lt3A_182 = arith.cmpi slt, %get3A_53, %lt3A_181 : vector<16xi32>
      %add3A_183 = arith.constant 16 : i32
      %add3A_184 = vector.broadcast %add3A_183 : i32 to vector<16xi32>
      %add3A_185 = arith.addi %get3A_53, %add3A_184 : vector<16xi32>
      %select_n3A_186 = arith.select %lt3A_182, %add3A_185, %get3A_53 : vector<16xi1>, vector<16xi32>
      %broadcast_in_dim3A = vector.shape_cast %select_n3A_186 : vector<16xi32> to vector<16x1xi32>
      %gather3A = vector.shape_cast %broadcast_in_dim3A : vector<16x1xi32> to vector<16xi32>
      %gather3A_187 = tpu.dynamic_gather %get3A_179[%gather3A] in [0] : vector<16xf32>, vector<16xi32> -> vector<16xf32>
      %lt3A_188 = arith.constant 0 : i32
      %lt3A_189 = vector.broadcast %lt3A_188 : i32 to vector<16xi32>
      %lt3A_190 = arith.cmpi slt, %get3A_55, %lt3A_189 : vector<16xi32>
      %add3A_191 = arith.constant 16 : i32
      %add3A_192 = vector.broadcast %add3A_191 : i32 to vector<16xi32>
      %add3A_193 = arith.addi %get3A_55, %add3A_192 : vector<16xi32>
      %select_n3A_194 = arith.select %lt3A_190, %add3A_193, %get3A_55 : vector<16xi1>, vector<16xi32>
      %broadcast_in_dim3A_195 = vector.shape_cast %select_n3A_194 : vector<16xi32> to vector<16x1xi32>
      %gather3A_196 = vector.shape_cast %broadcast_in_dim3A_195 : vector<16x1xi32> to vector<16xi32>
      %gather3A_197 = tpu.dynamic_gather %get3A_179[%gather3A_196] in [0] : vector<16xf32>, vector<16xi32> -> vector<16xf32>
      %lt3A_198 = arith.constant 0 : i32
      %lt3A_199 = vector.broadcast %lt3A_198 : i32 to vector<16xi32>
      %lt3A_200 = arith.cmpi slt, %get3A_57, %lt3A_199 : vector<16xi32>
      %add3A_201 = arith.constant 16 : i32
      %add3A_202 = vector.broadcast %add3A_201 : i32 to vector<16xi32>
      %add3A_203 = arith.addi %get3A_57, %add3A_202 : vector<16xi32>
      %select_n3A_204 = arith.select %lt3A_200, %add3A_203, %get3A_57 : vector<16xi1>, vector<16xi32>
      %broadcast_in_dim3A_205 = vector.shape_cast %select_n3A_204 : vector<16xi32> to vector<16x1xi32>
      %gather3A_206 = vector.shape_cast %broadcast_in_dim3A_205 : vector<16x1xi32> to vector<16xi32>
      %gather3A_207 = tpu.dynamic_gather %get3A_179[%gather3A_206] in [0] : vector<16xf32>, vector<16xi32> -> vector<16xf32>
      %lt3A_208 = arith.constant 0 : i32
      %lt3A_209 = vector.broadcast %lt3A_208 : i32 to vector<16xi32>
      %lt3A_210 = arith.cmpi slt, %get3A_59, %lt3A_209 : vector<16xi32>
      %add3A_211 = arith.constant 16 : i32
      %add3A_212 = vector.broadcast %add3A_211 : i32 to vector<16xi32>
      %add3A_213 = arith.addi %get3A_59, %add3A_212 : vector<16xi32>
      %select_n3A_214 = arith.select %lt3A_210, %add3A_213, %get3A_59 : vector<16xi1>, vector<16xi32>
      %broadcast_in_dim3A_215 = vector.shape_cast %select_n3A_214 : vector<16xi32> to vector<16x1xi32>
      %gather3A_216 = vector.shape_cast %broadcast_in_dim3A_215 : vector<16x1xi32> to vector<16xi32>
      %gather3A_217 = tpu.dynamic_gather %get3A_179[%gather3A_216] in [0] : vector<16xf32>, vector<16xi32> -> vector<16xf32>
      %lt3A_218 = arith.constant 0 : i32
      %lt3A_219 = vector.broadcast %lt3A_218 : i32 to vector<16xi32>
      %lt3A_220 = arith.cmpi slt, %get3A_61, %lt3A_219 : vector<16xi32>
      %add3A_221 = arith.constant 16 : i32
      %add3A_222 = vector.broadcast %add3A_221 : i32 to vector<16xi32>
      %add3A_223 = arith.addi %get3A_61, %add3A_222 : vector<16xi32>
      %select_n3A_224 = arith.select %lt3A_220, %add3A_223, %get3A_61 : vector<16xi1>, vector<16xi32>
      %broadcast_in_dim3A_225 = vector.shape_cast %select_n3A_224 : vector<16xi32> to vector<16x1xi32>
      %gather3A_226 = vector.shape_cast %broadcast_in_dim3A_225 : vector<16x1xi32> to vector<16xi32>
      %gather3A_227 = tpu.dynamic_gather %get3A_179[%gather3A_226] in [0] : vector<16xf32>, vector<16xi32> -> vector<16xf32>
      %lt3A_228 = arith.constant 0 : i32
      %lt3A_229 = vector.broadcast %lt3A_228 : i32 to vector<16xi32>
      %lt3A_230 = arith.cmpi slt, %get3A_63, %lt3A_229 : vector<16xi32>
      %add3A_231 = arith.constant 16 : i32
      %add3A_232 = vector.broadcast %add3A_231 : i32 to vector<16xi32>
      %add3A_233 = arith.addi %get3A_63, %add3A_232 : vector<16xi32>
      %select_n3A_234 = arith.select %lt3A_230, %add3A_233, %get3A_63 : vector<16xi1>, vector<16xi32>
      %broadcast_in_dim3A_235 = vector.shape_cast %select_n3A_234 : vector<16xi32> to vector<16x1xi32>
      %gather3A_236 = vector.shape_cast %broadcast_in_dim3A_235 : vector<16x1xi32> to vector<16xi32>
      %gather3A_237 = tpu.dynamic_gather %get3A_179[%gather3A_236] in [0] : vector<16xf32>, vector<16xi32> -> vector<16xf32>
      %lt3A_238 = arith.constant 0 : i32
      %lt3A_239 = vector.broadcast %lt3A_238 : i32 to vector<16xi32>
      %lt3A_240 = arith.cmpi slt, %get3A_65, %lt3A_239 : vector<16xi32>
      %add3A_241 = arith.constant 16 : i32
      %add3A_242 = vector.broadcast %add3A_241 : i32 to vector<16xi32>
      %add3A_243 = arith.addi %get3A_65, %add3A_242 : vector<16xi32>
      %select_n3A_244 = arith.select %lt3A_240, %add3A_243, %get3A_65 : vector<16xi1>, vector<16xi32>
      %broadcast_in_dim3A_245 = vector.shape_cast %select_n3A_244 : vector<16xi32> to vector<16x1xi32>
      %gather3A_246 = vector.shape_cast %broadcast_in_dim3A_245 : vector<16x1xi32> to vector<16xi32>
      %gather3A_247 = tpu.dynamic_gather %get3A_179[%gather3A_246] in [0] : vector<16xf32>, vector<16xi32> -> vector<16xf32>
      %lt3A_248 = arith.constant 0 : i32
      %lt3A_249 = vector.broadcast %lt3A_248 : i32 to vector<16xi32>
      %lt3A_250 = arith.cmpi slt, %get3A_67, %lt3A_249 : vector<16xi32>
      %add3A_251 = arith.constant 16 : i32
      %add3A_252 = vector.broadcast %add3A_251 : i32 to vector<16xi32>
      %add3A_253 = arith.addi %get3A_67, %add3A_252 : vector<16xi32>
      %select_n3A_254 = arith.select %lt3A_250, %add3A_253, %get3A_67 : vector<16xi1>, vector<16xi32>
      %broadcast_in_dim3A_255 = vector.shape_cast %select_n3A_254 : vector<16xi32> to vector<16x1xi32>
      %gather3A_256 = vector.shape_cast %broadcast_in_dim3A_255 : vector<16x1xi32> to vector<16xi32>
      %gather3A_257 = tpu.dynamic_gather %get3A_179[%gather3A_256] in [0] : vector<16xf32>, vector<16xi32> -> vector<16xf32>
      %mul3A_258 = arith.constant 4 : i32
      %mul3A_259 = arith.muli %scan3A_171, %mul3A_258 : i32
      %add3A_260 = arith.constant 1 : i32
      %add3A_261 = arith.addi %mul3A_259, %add3A_260 : i32
      %mul3A_262 = arith.constant 16 : i32
      %mul3A_263 = arith.muli %add3A_261, %mul3A_262 : i32
      %get3A_264 = arith.index_cast %mul3A_263 : i32 to index
      %get3A_265 = tpu.vector_load %arg5[%get3A_264] {strides = array<i32>} : memref<1024xf32, #tpu.memory_space<vmem>>, vector<16xf32>,
      %lt3A_266 = arith.constant 0 : i32
      %lt3A_267 = vector.broadcast %lt3A_266 : i32 to vector<16xi32>
      %lt3A_268 = arith.cmpi slt, %get3A_53, %lt3A_267 : vector<16xi32>
      %add3A_269 = arith.constant 16 : i32
      %add3A_270 = vector.broadcast %add3A_269 : i32 to vector<16xi32>
      %add3A_271 = arith.addi %get3A_53, %add3A_270 : vector<16xi32>
      %select_n3A_272 = arith.select %lt3A_268, %add3A_271, %get3A_53 : vector<16xi1>, vector<16xi32>
      %broadcast_in_dim3A_273 = vector.shape_cast %select_n3A_272 : vector<16xi32> to vector<16x1xi32>
      %gather3A_274 = vector.shape_cast %broadcast_in_dim3A_273 : vector<16x1xi32> to vector<16xi32>
      %gather3A_275 = tpu.dynamic_gather %get3A_265[%gather3A_274] in [0] : vector<16xf32>, vector<16xi32> -> vector<16xf32>
      %lt3A_276 = arith.constant 0 : i32
      %lt3A_277 = vector.broadcast %lt3A_276 : i32 to vector<16xi32>
      %lt3A_278 = arith.cmpi slt, %get3A_55, %lt3A_277 : vector<16xi32>
      %add3A_279 = arith.constant 16 : i32
      %add3A_280 = vector.broadcast %add3A_279 : i32 to vector<16xi32>
      %add3A_281 = arith.addi %get3A_55, %add3A_280 : vector<16xi32>
      %select_n3A_282 = arith.select %lt3A_278, %add3A_281, %get3A_55 : vector<16xi1>, vector<16xi32>
      %broadcast_in_dim3A_283 = vector.shape_cast %select_n3A_282 : vector<16xi32> to vector<16x1xi32>
      %gather3A_284 = vector.shape_cast %broadcast_in_dim3A_283 : vector<16x1xi32> to vector<16xi32>
      %gather3A_285 = tpu.dynamic_gather %get3A_265[%gather3A_284] in [0] : vector<16xf32>, vector<16xi32> -> vector<16xf32>
      %lt3A_286 = arith.constant 0 : i32
      %lt3A_287 = vector.broadcast %lt3A_286 : i32 to vector<16xi32>
      %lt3A_288 = arith.cmpi slt, %get3A_57, %lt3A_287 : vector<16xi32>
      %add3A_289 = arith.constant 16 : i32
      %add3A_290 = vector.broadcast %add3A_289 : i32 to vector<16xi32>
      %add3A_291 = arith.addi %get3A_57, %add3A_290 : vector<16xi32>
      %select_n3A_292 = arith.select %lt3A_288, %add3A_291, %get3A_57 : vector<16xi1>, vector<16xi32>
      %broadcast_in_dim3A_293 = vector.shape_cast %select_n3A_292 : vector<16xi32> to vector<16x1xi32>
      %gather3A_294 = vector.shape_cast %broadcast_in_dim3A_293 : vector<16x1xi32> to vector<16xi32>
      %gather3A_295 = tpu.dynamic_gather %get3A_265[%gather3A_294] in [0] : vector<16xf32>, vector<16xi32> -> vector<16xf32>
      %lt3A_296 = arith.constant 0 : i32
      %lt3A_297 = vector.broadcast %lt3A_296 : i32 to vector<16xi32>
      %lt3A_298 = arith.cmpi slt, %get3A_59, %lt3A_297 : vector<16xi32>
      %add3A_299 = arith.constant 16 : i32
      %add3A_300 = vector.broadcast %add3A_299 : i32 to vector<16xi32>
      %add3A_301 = arith.addi %get3A_59, %add3A_300 : vector<16xi32>
      %select_n3A_302 = arith.select %lt3A_298, %add3A_301, %get3A_59 : vector<16xi1>, vector<16xi32>
      %broadcast_in_dim3A_303 = vector.shape_cast %select_n3A_302 : vector<16xi32> to vector<16x1xi32>
      %gather3A_304 = vector.shape_cast %broadcast_in_dim3A_303 : vector<16x1xi32> to vector<16xi32>
      %gather3A_305 = tpu.dynamic_gather %get3A_265[%gather3A_304] in [0] : vector<16xf32>, vector<16xi32> -> vector<16xf32>
      %lt3A_306 = arith.constant 0 : i32
      %lt3A_307 = vector.broadcast %lt3A_306 : i32 to vector<16xi32>
      %lt3A_308 = arith.cmpi slt, %get3A_61, %lt3A_307 : vector<16xi32>
      %add3A_309 = arith.constant 16 : i32
      %add3A_310 = vector.broadcast %add3A_309 : i32 to vector<16xi32>
      %add3A_311 = arith.addi %get3A_61, %add3A_310 : vector<16xi32>
      %select_n3A_312 = arith.select %lt3A_308, %add3A_311, %get3A_61 : vector<16xi1>, vector<16xi32>
      %broadcast_in_dim3A_313 = vector.shape_cast %select_n3A_312 : vector<16xi32> to vector<16x1xi32>
      %gather3A_314 = vector.shape_cast %broadcast_in_dim3A_313 : vector<16x1xi32> to vector<16xi32>
      %gather3A_315 = tpu.dynamic_gather %get3A_265[%gather3A_314] in [0] : vector<16xf32>, vector<16xi32> -> vector<16xf32>
      %lt3A_316 = arith.constant 0 : i32
      %lt3A_317 = vector.broadcast %lt3A_316 : i32 to vector<16xi32>
      %lt3A_318 = arith.cmpi slt, %get3A_63, %lt3A_317 : vector<16xi32>
      %add3A_319 = arith.constant 16 : i32
      %add3A_320 = vector.broadcast %add3A_319 : i32 to vector<16xi32>
      %add3A_321 = arith.addi %get3A_63, %add3A_320 : vector<16xi32>
      %select_n3A_322 = arith.select %lt3A_318, %add3A_321, %get3A_63 : vector<16xi1>, vector<16xi32>
      %broadcast_in_dim3A_323 = vector.shape_cast %select_n3A_322 : vector<16xi32> to vector<16x1xi32>
      %gather3A_324 = vector.shape_cast %broadcast_in_dim3A_323 : vector<16x1xi32> to vector<16xi32>
      %gather3A_325 = tpu.dynamic_gather %get3A_265[%gather3A_324] in [0] : vector<16xf32>, vector<16xi32> -> vector<16xf32>
      %lt3A_326 = arith.constant 0 : i32
      %lt3A_327 = vector.broadcast %lt3A_326 : i32 to vector<16xi32>
      %lt3A_328 = arith.cmpi slt, %get3A_65, %lt3A_327 : vector<16xi32>
      %add3A_329 = arith.constant 16 : i32
      %add3A_330 = vector.broadcast %add3A_329 : i32 to vector<16xi32>
      %add3A_331 = arith.addi %get3A_65, %add3A_330 : vector<16xi32>
      %select_n3A_332 = arith.select %lt3A_328, %add3A_331, %get3A_65 : vector<16xi1>, vector<16xi32>
      %broadcast_in_dim3A_333 = vector.shape_cast %select_n3A_332 : vector<16xi32> to vector<16x1xi32>
      %gather3A_334 = vector.shape_cast %broadcast_in_dim3A_333 : vector<16x1xi32> to vector<16xi32>
      %gather3A_335 = tpu.dynamic_gather %get3A_265[%gather3A_334] in [0] : vector<16xf32>, vector<16xi32> -> vector<16xf32>
      %lt3A_336 = arith.constant 0 : i32
      %lt3A_337 = vector.broadcast %lt3A_336 : i32 to vector<16xi32>
      %lt3A_338 = arith.cmpi slt, %get3A_67, %lt3A_337 : vector<16xi32>
      %add3A_339 = arith.constant 16 : i32
      %add3A_340 = vector.broadcast %add3A_339 : i32 to vector<16xi32>
      %add3A_341 = arith.addi %get3A_67, %add3A_340 : vector<16xi32>
      %select_n3A_342 = arith.select %lt3A_338, %add3A_341, %get3A_67 : vector<16xi1>, vector<16xi32>
      %broadcast_in_dim3A_343 = vector.shape_cast %select_n3A_342 : vector<16xi32> to vector<16x1xi32>
      %gather3A_344 = vector.shape_cast %broadcast_in_dim3A_343 : vector<16x1xi32> to vector<16xi32>
      %gather3A_345 = tpu.dynamic_gather %get3A_265[%gather3A_344] in [0] : vector<16xf32>, vector<16xi32> -> vector<16xf32>
      %mul3A_346 = arith.constant 4 : i32
      %mul3A_347 = arith.muli %scan3A_171, %mul3A_346 : i32
      %add3A_348 = arith.constant 2 : i32
      %add3A_349 = arith.addi %mul3A_347, %add3A_348 : i32
      %mul3A_350 = arith.constant 16 : i32
      %mul3A_351 = arith.muli %add3A_349, %mul3A_350 : i32
      %get3A_352 = arith.index_cast %mul3A_351 : i32 to index
      %get3A_353 = tpu.vector_load %arg5[%get3A_352] {strides = array<i32>} : memref<1024xf32, #tpu.memory_space<vmem>>, vector<16xf32>,
      %lt3A_354 = arith.constant 0 : i32
      %lt3A_355 = vector.broadcast %lt3A_354 : i32 to vector<16xi32>
      %lt3A_356 = arith.cmpi slt, %get3A_53, %lt3A_355 : vector<16xi32>
      %add3A_357 = arith.constant 16 : i32
      %add3A_358 = vector.broadcast %add3A_357 : i32 to vector<16xi32>
      %add3A_359 = arith.addi %get3A_53, %add3A_358 : vector<16xi32>
      %select_n3A_360 = arith.select %lt3A_356, %add3A_359, %get3A_53 : vector<16xi1>, vector<16xi32>
      %broadcast_in_dim3A_361 = vector.shape_cast %select_n3A_360 : vector<16xi32> to vector<16x1xi32>
      %gather3A_362 = vector.shape_cast %broadcast_in_dim3A_361 : vector<16x1xi32> to vector<16xi32>
      %gather3A_363 = tpu.dynamic_gather %get3A_353[%gather3A_362] in [0] : vector<16xf32>, vector<16xi32> -> vector<16xf32>
      %lt3A_364 = arith.constant 0 : i32
      %lt3A_365 = vector.broadcast %lt3A_364 : i32 to vector<16xi32>
      %lt3A_366 = arith.cmpi slt, %get3A_55, %lt3A_365 : vector<16xi32>
      %add3A_367 = arith.constant 16 : i32
      %add3A_368 = vector.broadcast %add3A_367 : i32 to vector<16xi32>
      %add3A_369 = arith.addi %get3A_55, %add3A_368 : vector<16xi32>
      %select_n3A_370 = arith.select %lt3A_366, %add3A_369, %get3A_55 : vector<16xi1>, vector<16xi32>
      %broadcast_in_dim3A_371 = vector.shape_cast %select_n3A_370 : vector<16xi32> to vector<16x1xi32>
      %gather3A_372 = vector.shape_cast %broadcast_in_dim3A_371 : vector<16x1xi32> to vector<16xi32>
      %gather3A_373 = tpu.dynamic_gather %get3A_353[%gather3A_372] in [0] : vector<16xf32>, vector<16xi32> -> vector<16xf32>
      %lt3A_374 = arith.constant 0 : i32
      %lt3A_375 = vector.broadcast %lt3A_374 : i32 to vector<16xi32>
      %lt3A_376 = arith.cmpi slt, %get3A_57, %lt3A_375 : vector<16xi32>
      %add3A_377 = arith.constant 16 : i32
      %add3A_378 = vector.broadcast %add3A_377 : i32 to vector<16xi32>
      %add3A_379 = arith.addi %get3A_57, %add3A_378 : vector<16xi32>
      %select_n3A_380 = arith.select %lt3A_376, %add3A_379, %get3A_57 : vector<16xi1>, vector<16xi32>
      %broadcast_in_dim3A_381 = vector.shape_cast %select_n3A_380 : vector<16xi32> to vector<16x1xi32>
      %gather3A_382 = vector.shape_cast %broadcast_in_dim3A_381 : vector<16x1xi32> to vector<16xi32>
      %gather3A_383 = tpu.dynamic_gather %get3A_353[%gather3A_382] in [0] : vector<16xf32>, vector<16xi32> -> vector<16xf32>
      %lt3A_384 = arith.constant 0 : i32
      %lt3A_385 = vector.broadcast %lt3A_384 : i32 to vector<16xi32>
      %lt3A_386 = arith.cmpi slt, %get3A_59, %lt3A_385 : vector<16xi32>
      %add3A_387 = arith.constant 16 : i32
      %add3A_388 = vector.broadcast %add3A_387 : i32 to vector<16xi32>
      %add3A_389 = arith.addi %get3A_59, %add3A_388 : vector<16xi32>
      %select_n3A_390 = arith.select %lt3A_386, %add3A_389, %get3A_59 : vector<16xi1>, vector<16xi32>
      %broadcast_in_dim3A_391 = vector.shape_cast %select_n3A_390 : vector<16xi32> to vector<16x1xi32>
      %gather3A_392 = vector.shape_cast %broadcast_in_dim3A_391 : vector<16x1xi32> to vector<16xi32>
      %gather3A_393 = tpu.dynamic_gather %get3A_353[%gather3A_392] in [0] : vector<16xf32>, vector<16xi32> -> vector<16xf32>
      %lt3A_394 = arith.constant 0 : i32
      %lt3A_395 = vector.broadcast %lt3A_394 : i32 to vector<16xi32>
      %lt3A_396 = arith.cmpi slt, %get3A_61, %lt3A_395 : vector<16xi32>
      %add3A_397 = arith.constant 16 : i32
      %add3A_398 = vector.broadcast %add3A_397 : i32 to vector<16xi32>
      %add3A_399 = arith.addi %get3A_61, %add3A_398 : vector<16xi32>
      %select_n3A_400 = arith.select %lt3A_396, %add3A_399, %get3A_61 : vector<16xi1>, vector<16xi32>
      %broadcast_in_dim3A_401 = vector.shape_cast %select_n3A_400 : vector<16xi32> to vector<16x1xi32>
      %gather3A_402 = vector.shape_cast %broadcast_in_dim3A_401 : vector<16x1xi32> to vector<16xi32>
      %gather3A_403 = tpu.dynamic_gather %get3A_353[%gather3A_402] in [0] : vector<16xf32>, vector<16xi32> -> vector<16xf32>
      %lt3A_404 = arith.constant 0 : i32
      %lt3A_405 = vector.broadcast %lt3A_404 : i32 to vector<16xi32>
      %lt3A_406 = arith.cmpi slt, %get3A_63, %lt3A_405 : vector<16xi32>
      %add3A_407 = arith.constant 16 : i32
      %add3A_408 = vector.broadcast %add3A_407 : i32 to vector<16xi32>
      %add3A_409 = arith.addi %get3A_63, %add3A_408 : vector<16xi32>
      %select_n3A_410 = arith.select %lt3A_406, %add3A_409, %get3A_63 : vector<16xi1>, vector<16xi32>
      %broadcast_in_dim3A_411 = vector.shape_cast %select_n3A_410 : vector<16xi32> to vector<16x1xi32>
      %gather3A_412 = vector.shape_cast %broadcast_in_dim3A_411 : vector<16x1xi32> to vector<16xi32>
      %gather3A_413 = tpu.dynamic_gather %get3A_353[%gather3A_412] in [0] : vector<16xf32>, vector<16xi32> -> vector<16xf32>
      %lt3A_414 = arith.constant 0 : i32
      %lt3A_415 = vector.broadcast %lt3A_414 : i32 to vector<16xi32>
      %lt3A_416 = arith.cmpi slt, %get3A_65, %lt3A_415 : vector<16xi32>
      %add3A_417 = arith.constant 16 : i32
      %add3A_418 = vector.broadcast %add3A_417 : i32 to vector<16xi32>
      %add3A_419 = arith.addi %get3A_65, %add3A_418 : vector<16xi32>
      %select_n3A_420 = arith.select %lt3A_416, %add3A_419, %get3A_65 : vector<16xi1>, vector<16xi32>
      %broadcast_in_dim3A_421 = vector.shape_cast %select_n3A_420 : vector<16xi32> to vector<16x1xi32>
      %gather3A_422 = vector.shape_cast %broadcast_in_dim3A_421 : vector<16x1xi32> to vector<16xi32>
      %gather3A_423 = tpu.dynamic_gather %get3A_353[%gather3A_422] in [0] : vector<16xf32>, vector<16xi32> -> vector<16xf32>
      %lt3A_424 = arith.constant 0 : i32
      %lt3A_425 = vector.broadcast %lt3A_424 : i32 to vector<16xi32>
      %lt3A_426 = arith.cmpi slt, %get3A_67, %lt3A_425 : vector<16xi32>
      %add3A_427 = arith.constant 16 : i32
      %add3A_428 = vector.broadcast %add3A_427 : i32 to vector<16xi32>
      %add3A_429 = arith.addi %get3A_67, %add3A_428 : vector<16xi32>
      %select_n3A_430 = arith.select %lt3A_426, %add3A_429, %get3A_67 : vector<16xi1>, vector<16xi32>
      %broadcast_in_dim3A_431 = vector.shape_cast %select_n3A_430 : vector<16xi32> to vector<16x1xi32>
      %gather3A_432 = vector.shape_cast %broadcast_in_dim3A_431 : vector<16x1xi32> to vector<16xi32>
      %gather3A_433 = tpu.dynamic_gather %get3A_353[%gather3A_432] in [0] : vector<16xf32>, vector<16xi32> -> vector<16xf32>
      %mul3A_434 = arith.constant 4 : i32
      %mul3A_435 = arith.muli %scan3A_171, %mul3A_434 : i32
      %add3A_436 = arith.constant 3 : i32
      %add3A_437 = arith.addi %mul3A_435, %add3A_436 : i32
      %mul3A_438 = arith.constant 16 : i32
      %mul3A_439 = arith.muli %add3A_437, %mul3A_438 : i32
      %get3A_440 = arith.index_cast %mul3A_439 : i32 to index
      %get3A_441 = tpu.vector_load %arg5[%get3A_440] {strides = array<i32>} : memref<1024xf32, #tpu.memory_space<vmem>>, vector<16xf32>,
      %lt3A_442 = arith.constant 0 : i32
      %lt3A_443 = vector.broadcast %lt3A_442 : i32 to vector<16xi32>
      %lt3A_444 = arith.cmpi slt, %get3A_53, %lt3A_443 : vector<16xi32>
      %add3A_445 = arith.constant 16 : i32
      %add3A_446 = vector.broadcast %add3A_445 : i32 to vector<16xi32>
      %add3A_447 = arith.addi %get3A_53, %add3A_446 : vector<16xi32>
      %select_n3A_448 = arith.select %lt3A_444, %add3A_447, %get3A_53 : vector<16xi1>, vector<16xi32>
      %broadcast_in_dim3A_449 = vector.shape_cast %select_n3A_448 : vector<16xi32> to vector<16x1xi32>
      %gather3A_450 = vector.shape_cast %broadcast_in_dim3A_449 : vector<16x1xi32> to vector<16xi32>
      %gather3A_451 = tpu.dynamic_gather %get3A_441[%gather3A_450] in [0] : vector<16xf32>, vector<16xi32> -> vector<16xf32>
      %lt3A_452 = arith.constant 0 : i32
      %lt3A_453 = vector.broadcast %lt3A_452 : i32 to vector<16xi32>
      %lt3A_454 = arith.cmpi slt, %get3A_55, %lt3A_453 : vector<16xi32>
      %add3A_455 = arith.constant 16 : i32
      %add3A_456 = vector.broadcast %add3A_455 : i32 to vector<16xi32>
      %add3A_457 = arith.addi %get3A_55, %add3A_456 : vector<16xi32>
      %select_n3A_458 = arith.select %lt3A_454, %add3A_457, %get3A_55 : vector<16xi1>, vector<16xi32>
      %broadcast_in_dim3A_459 = vector.shape_cast %select_n3A_458 : vector<16xi32> to vector<16x1xi32>
      %gather3A_460 = vector.shape_cast %broadcast_in_dim3A_459 : vector<16x1xi32> to vector<16xi32>
      %gather3A_461 = tpu.dynamic_gather %get3A_441[%gather3A_460] in [0] : vector<16xf32>, vector<16xi32> -> vector<16xf32>
      %lt3A_462 = arith.constant 0 : i32
      %lt3A_463 = vector.broadcast %lt3A_462 : i32 to vector<16xi32>
      %lt3A_464 = arith.cmpi slt, %get3A_57, %lt3A_463 : vector<16xi32>
      %add3A_465 = arith.constant 16 : i32
      %add3A_466 = vector.broadcast %add3A_465 : i32 to vector<16xi32>
      %add3A_467 = arith.addi %get3A_57, %add3A_466 : vector<16xi32>
      %select_n3A_468 = arith.select %lt3A_464, %add3A_467, %get3A_57 : vector<16xi1>, vector<16xi32>
      %broadcast_in_dim3A_469 = vector.shape_cast %select_n3A_468 : vector<16xi32> to vector<16x1xi32>
      %gather3A_470 = vector.shape_cast %broadcast_in_dim3A_469 : vector<16x1xi32> to vector<16xi32>
      %gather3A_471 = tpu.dynamic_gather %get3A_441[%gather3A_470] in [0] : vector<16xf32>, vector<16xi32> -> vector<16xf32>
      %lt3A_472 = arith.constant 0 : i32
      %lt3A_473 = vector.broadcast %lt3A_472 : i32 to vector<16xi32>
      %lt3A_474 = arith.cmpi slt, %get3A_59, %lt3A_473 : vector<16xi32>
      %add3A_475 = arith.constant 16 : i32
      %add3A_476 = vector.broadcast %add3A_475 : i32 to vector<16xi32>
      %add3A_477 = arith.addi %get3A_59, %add3A_476 : vector<16xi32>
      %select_n3A_478 = arith.select %lt3A_474, %add3A_477, %get3A_59 : vector<16xi1>, vector<16xi32>
      %broadcast_in_dim3A_479 = vector.shape_cast %select_n3A_478 : vector<16xi32> to vector<16x1xi32>
      %gather3A_480 = vector.shape_cast %broadcast_in_dim3A_479 : vector<16x1xi32> to vector<16xi32>
      %gather3A_481 = tpu.dynamic_gather %get3A_441[%gather3A_480] in [0] : vector<16xf32>, vector<16xi32> -> vector<16xf32>
      %lt3A_482 = arith.constant 0 : i32
      %lt3A_483 = vector.broadcast %lt3A_482 : i32 to vector<16xi32>
      %lt3A_484 = arith.cmpi slt, %get3A_61, %lt3A_483 : vector<16xi32>
      %add3A_485 = arith.constant 16 : i32
      %add3A_486 = vector.broadcast %add3A_485 : i32 to vector<16xi32>
      %add3A_487 = arith.addi %get3A_61, %add3A_486 : vector<16xi32>
      %select_n3A_488 = arith.select %lt3A_484, %add3A_487, %get3A_61 : vector<16xi1>, vector<16xi32>
      %broadcast_in_dim3A_489 = vector.shape_cast %select_n3A_488 : vector<16xi32> to vector<16x1xi32>
      %gather3A_490 = vector.shape_cast %broadcast_in_dim3A_489 : vector<16x1xi32> to vector<16xi32>
      %gather3A_491 = tpu.dynamic_gather %get3A_441[%gather3A_490] in [0] : vector<16xf32>, vector<16xi32> -> vector<16xf32>
      %lt3A_492 = arith.constant 0 : i32
      %lt3A_493 = vector.broadcast %lt3A_492 : i32 to vector<16xi32>
      %lt3A_494 = arith.cmpi slt, %get3A_63, %lt3A_493 : vector<16xi32>
      %add3A_495 = arith.constant 16 : i32
      %add3A_496 = vector.broadcast %add3A_495 : i32 to vector<16xi32>
      %add3A_497 = arith.addi %get3A_63, %add3A_496 : vector<16xi32>
      %select_n3A_498 = arith.select %lt3A_494, %add3A_497, %get3A_63 : vector<16xi1>, vector<16xi32>
      %broadcast_in_dim3A_499 = vector.shape_cast %select_n3A_498 : vector<16xi32> to vector<16x1xi32>
      %gather3A_500 = vector.shape_cast %broadcast_in_dim3A_499 : vector<16x1xi32> to vector<16xi32>
      %gather3A_501 = tpu.dynamic_gather %get3A_441[%gather3A_500] in [0] : vector<16xf32>, vector<16xi32> -> vector<16xf32>
      %lt3A_502 = arith.constant 0 : i32
      %lt3A_503 = vector.broadcast %lt3A_502 : i32 to vector<16xi32>
      %lt3A_504 = arith.cmpi slt, %get3A_65, %lt3A_503 : vector<16xi32>
      %add3A_505 = arith.constant 16 : i32
      %add3A_506 = vector.broadcast %add3A_505 : i32 to vector<16xi32>
      %add3A_507 = arith.addi %get3A_65, %add3A_506 : vector<16xi32>
      %select_n3A_508 = arith.select %lt3A_504, %add3A_507, %get3A_65 : vector<16xi1>, vector<16xi32>
      %broadcast_in_dim3A_509 = vector.shape_cast %select_n3A_508 : vector<16xi32> to vector<16x1xi32>
      %gather3A_510 = vector.shape_cast %broadcast_in_dim3A_509 : vector<16x1xi32> to vector<16xi32>
      %gather3A_511 = tpu.dynamic_gather %get3A_441[%gather3A_510] in [0] : vector<16xf32>, vector<16xi32> -> vector<16xf32>
      %lt3A_512 = arith.constant 0 : i32
      %lt3A_513 = vector.broadcast %lt3A_512 : i32 to vector<16xi32>
      %lt3A_514 = arith.cmpi slt, %get3A_67, %lt3A_513 : vector<16xi32>
      %add3A_515 = arith.constant 16 : i32
      %add3A_516 = vector.broadcast %add3A_515 : i32 to vector<16xi32>
      %add3A_517 = arith.addi %get3A_67, %add3A_516 : vector<16xi32>
      %select_n3A_518 = arith.select %lt3A_514, %add3A_517, %get3A_67 : vector<16xi1>, vector<16xi32>
      %broadcast_in_dim3A_519 = vector.shape_cast %select_n3A_518 : vector<16xi32> to vector<16x1xi32>
      %gather3A_520 = vector.shape_cast %broadcast_in_dim3A_519 : vector<16x1xi32> to vector<16xi32>
      %gather3A_521 = tpu.dynamic_gather %get3A_441[%gather3A_520] in [0] : vector<16xf32>, vector<16xi32> -> vector<16xf32>
      %mul3A_522 = arith.constant 4 : i32
      %mul3A_523 = arith.muli %scan3A_171, %mul3A_522 : i32
      %add3A_524 = arith.constant 0 : i32
      %add3A_525 = arith.addi %mul3A_523, %add3A_524 : i32
      %swap3A = arith.index_cast %add3A_525 : i32 to index
      %swap3A_526 = arith.constant 0 : index
      %swap3A_527 = tpu.vector_load %arg9[%swap3A, %swap3A_526] {strides = array<i32>} : memref<64x128xf32, #tpu.memory_space<vmem>>, vector<16xf32>,
      tpu.vector_store %arg9[%swap3A, %swap3A_526], %gather3A_187 {strides = array<i32>} : memref<64x128xf32, #tpu.memory_space<vmem>>, vector<16xf32>,
      %swap3A_528 = arith.index_cast %add3A_525 : i32 to index
      %swap3A_529 = arith.constant 16 : index
      %swap3A_530 = tpu.vector_load %arg9[%swap3A_528, %swap3A_529] {strides = array<i32>} : memref<64x128xf32, #tpu.memory_space<vmem>>, vector<16xf32>,
      tpu.vector_store %arg9[%swap3A_528, %swap3A_529], %gather3A_197 {strides = array<i32>} : memref<64x128xf32, #tpu.memory_space<vmem>>, vector<16xf32>,
      %swap3A_531 = arith.index_cast %add3A_525 : i32 to index
      %swap3A_532 = arith.constant 32 : index
      %swap3A_533 = tpu.vector_load %arg9[%swap3A_531, %swap3A_532] {strides = array<i32>} : memref<64x128xf32, #tpu.memory_space<vmem>>, vector<16xf32>,
      tpu.vector_store %arg9[%swap3A_531, %swap3A_532], %gather3A_207 {strides = array<i32>} : memref<64x128xf32, #tpu.memory_space<vmem>>, vector<16xf32>,
      %swap3A_534 = arith.index_cast %add3A_525 : i32 to index
      %swap3A_535 = arith.constant 48 : index
      %swap3A_536 = tpu.vector_load %arg9[%swap3A_534, %swap3A_535] {strides = array<i32>} : memref<64x128xf32, #tpu.memory_space<vmem>>, vector<16xf32>,
      tpu.vector_store %arg9[%swap3A_534, %swap3A_535], %gather3A_217 {strides = array<i32>} : memref<64x128xf32, #tpu.memory_space<vmem>>, vector<16xf32>,
      %swap3A_537 = arith.index_cast %add3A_525 : i32 to index
      %swap3A_538 = arith.constant 64 : index
      %swap3A_539 = tpu.vector_load %arg9[%swap3A_537, %swap3A_538] {strides = array<i32>} : memref<64x128xf32, #tpu.memory_space<vmem>>, vector<16xf32>,
      tpu.vector_store %arg9[%swap3A_537, %swap3A_538], %gather3A_227 {strides = array<i32>} : memref<64x128xf32, #tpu.memory_space<vmem>>, vector<16xf32>,
      %swap3A_540 = arith.index_cast %add3A_525 : i32 to index
      %swap3A_541 = arith.constant 80 : index
      %swap3A_542 = tpu.vector_load %arg9[%swap3A_540, %swap3A_541] {strides = array<i32>} : memref<64x128xf32, #tpu.memory_space<vmem>>, vector<16xf32>,
      tpu.vector_store %arg9[%swap3A_540, %swap3A_541], %gather3A_237 {strides = array<i32>} : memref<64x128xf32, #tpu.memory_space<vmem>>, vector<16xf32>,
      %swap3A_543 = arith.index_cast %add3A_525 : i32 to index
      %swap3A_544 = arith.constant 96 : index
      %swap3A_545 = tpu.vector_load %arg9[%swap3A_543, %swap3A_544] {strides = array<i32>} : memref<64x128xf32, #tpu.memory_space<vmem>>, vector<16xf32>,
      tpu.vector_store %arg9[%swap3A_543, %swap3A_544], %gather3A_247 {strides = array<i32>} : memref<64x128xf32, #tpu.memory_space<vmem>>, vector<16xf32>,
      %swap3A_546 = arith.index_cast %add3A_525 : i32 to index
      %swap3A_547 = arith.constant 112 : index
      %swap3A_548 = tpu.vector_load %arg9[%swap3A_546, %swap3A_547] {strides = array<i32>} : memref<64x128xf32, #tpu.memory_space<vmem>>, vector<16xf32>,
      tpu.vector_store %arg9[%swap3A_546, %swap3A_547], %gather3A_257 {strides = array<i32>} : memref<64x128xf32, #tpu.memory_space<vmem>>, vector<16xf32>,
      %mul3A_549 = arith.constant 4 : i32
      %mul3A_550 = arith.muli %scan3A_171, %mul3A_549 : i32
      %add3A_551 = arith.constant 1 : i32
      %add3A_552 = arith.addi %mul3A_550, %add3A_551 : i32
      %swap3A_553 = arith.index_cast %add3A_552 : i32 to index
      %swap3A_554 = arith.constant 0 : index
      %swap3A_555 = tpu.vector_load %arg9[%swap3A_553, %swap3A_554] {strides = array<i32>} : memref<64x128xf32, #tpu.memory_space<vmem>>, vector<16xf32>,
      tpu.vector_store %arg9[%swap3A_553, %swap3A_554], %gather3A_275 {strides = array<i32>} : memref<64x128xf32, #tpu.memory_space<vmem>>, vector<16xf32>,
      %swap3A_556 = arith.index_cast %add3A_552 : i32 to index
      %swap3A_557 = arith.constant 16 : index
      %swap3A_558 = tpu.vector_load %arg9[%swap3A_556, %swap3A_557] {strides = array<i32>} : memref<64x128xf32, #tpu.memory_space<vmem>>, vector<16xf32>,
      tpu.vector_store %arg9[%swap3A_556, %swap3A_557], %gather3A_285 {strides = array<i32>} : memref<64x128xf32, #tpu.memory_space<vmem>>, vector<16xf32>,
      %swap3A_559 = arith.index_cast %add3A_552 : i32 to index
      %swap3A_560 = arith.constant 32 : index
      %swap3A_561 = tpu.vector_load %arg9[%swap3A_559, %swap3A_560] {strides = array<i32>} : memref<64x128xf32, #tpu.memory_space<vmem>>, vector<16xf32>,
      tpu.vector_store %arg9[%swap3A_559, %swap3A_560], %gather3A_295 {strides = array<i32>} : memref<64x128xf32, #tpu.memory_space<vmem>>, vector<16xf32>,
      %swap3A_562 = arith.index_cast %add3A_552 : i32 to index
      %swap3A_563 = arith.constant 48 : index
      %swap3A_564 = tpu.vector_load %arg9[%swap3A_562, %swap3A_563] {strides = array<i32>} : memref<64x128xf32, #tpu.memory_space<vmem>>, vector<16xf32>,
      tpu.vector_store %arg9[%swap3A_562, %swap3A_563], %gather3A_305 {strides = array<i32>} : memref<64x128xf32, #tpu.memory_space<vmem>>, vector<16xf32>,
      %swap3A_565 = arith.index_cast %add3A_552 : i32 to index
      %swap3A_566 = arith.constant 64 : index
      %swap3A_567 = tpu.vector_load %arg9[%swap3A_565, %swap3A_566] {strides = array<i32>} : memref<64x128xf32, #tpu.memory_space<vmem>>, vector<16xf32>,
      tpu.vector_store %arg9[%swap3A_565, %swap3A_566], %gather3A_315 {strides = array<i32>} : memref<64x128xf32, #tpu.memory_space<vmem>>, vector<16xf32>,
      %swap3A_568 = arith.index_cast %add3A_552 : i32 to index
      %swap3A_569 = arith.constant 80 : index
      %swap3A_570 = tpu.vector_load %arg9[%swap3A_568, %swap3A_569] {strides = array<i32>} : memref<64x128xf32, #tpu.memory_space<vmem>>, vector<16xf32>,
      tpu.vector_store %arg9[%swap3A_568, %swap3A_569], %gather3A_325 {strides = array<i32>} : memref<64x128xf32, #tpu.memory_space<vmem>>, vector<16xf32>,
      %swap3A_571 = arith.index_cast %add3A_552 : i32 to index
      %swap3A_572 = arith.constant 96 : index
      %swap3A_573 = tpu.vector_load %arg9[%swap3A_571, %swap3A_572] {strides = array<i32>} : memref<64x128xf32, #tpu.memory_space<vmem>>, vector<16xf32>,
      tpu.vector_store %arg9[%swap3A_571, %swap3A_572], %gather3A_335 {strides = array<i32>} : memref<64x128xf32, #tpu.memory_space<vmem>>, vector<16xf32>,
      %swap3A_574 = arith.index_cast %add3A_552 : i32 to index
      %swap3A_575 = arith.constant 112 : index
      %swap3A_576 = tpu.vector_load %arg9[%swap3A_574, %swap3A_575] {strides = array<i32>} : memref<64x128xf32, #tpu.memory_space<vmem>>, vector<16xf32>,
      tpu.vector_store %arg9[%swap3A_574, %swap3A_575], %gather3A_345 {strides = array<i32>} : memref<64x128xf32, #tpu.memory_space<vmem>>, vector<16xf32>,
      %mul3A_577 = arith.constant 4 : i32
      %mul3A_578 = arith.muli %scan3A_171, %mul3A_577 : i32
      %add3A_579 = arith.constant 2 : i32
      %add3A_580 = arith.addi %mul3A_578, %add3A_579 : i32
      %swap3A_581 = arith.index_cast %add3A_580 : i32 to index
      %swap3A_582 = arith.constant 0 : index
      %swap3A_583 = tpu.vector_load %arg9[%swap3A_581, %swap3A_582] {strides = array<i32>} : memref<64x128xf32, #tpu.memory_space<vmem>>, vector<16xf32>,
      tpu.vector_store %arg9[%swap3A_581, %swap3A_582], %gather3A_363 {strides = array<i32>} : memref<64x128xf32, #tpu.memory_space<vmem>>, vector<16xf32>,
      %swap3A_584 = arith.index_cast %add3A_580 : i32 to index
      %swap3A_585 = arith.constant 16 : index
      %swap3A_586 = tpu.vector_load %arg9[%swap3A_584, %swap3A_585] {strides = array<i32>} : memref<64x128xf32, #tpu.memory_space<vmem>>, vector<16xf32>,
      tpu.vector_store %arg9[%swap3A_584, %swap3A_585], %gather3A_373 {strides = array<i32>} : memref<64x128xf32, #tpu.memory_space<vmem>>, vector<16xf32>,
      %swap3A_587 = arith.index_cast %add3A_580 : i32 to index
      %swap3A_588 = arith.constant 32 : index
      %swap3A_589 = tpu.vector_load %arg9[%swap3A_587, %swap3A_588] {strides = array<i32>} : memref<64x128xf32, #tpu.memory_space<vmem>>, vector<16xf32>,
      tpu.vector_store %arg9[%swap3A_587, %swap3A_588], %gather3A_383 {strides = array<i32>} : memref<64x128xf32, #tpu.memory_space<vmem>>, vector<16xf32>,
      %swap3A_590 = arith.index_cast %add3A_580 : i32 to index
      %swap3A_591 = arith.constant 48 : index
      %swap3A_592 = tpu.vector_load %arg9[%swap3A_590, %swap3A_591] {strides = array<i32>} : memref<64x128xf32, #tpu.memory_space<vmem>>, vector<16xf32>,
      tpu.vector_store %arg9[%swap3A_590, %swap3A_591], %gather3A_393 {strides = array<i32>} : memref<64x128xf32, #tpu.memory_space<vmem>>, vector<16xf32>,
      %swap3A_593 = arith.index_cast %add3A_580 : i32 to index
      %swap3A_594 = arith.constant 64 : index
      %swap3A_595 = tpu.vector_load %arg9[%swap3A_593, %swap3A_594] {strides = array<i32>} : memref<64x128xf32, #tpu.memory_space<vmem>>, vector<16xf32>,
      tpu.vector_store %arg9[%swap3A_593, %swap3A_594], %gather3A_403 {strides = array<i32>} : memref<64x128xf32, #tpu.memory_space<vmem>>, vector<16xf32>,
      %swap3A_596 = arith.index_cast %add3A_580 : i32 to index
      %swap3A_597 = arith.constant 80 : index
      %swap3A_598 = tpu.vector_load %arg9[%swap3A_596, %swap3A_597] {strides = array<i32>} : memref<64x128xf32, #tpu.memory_space<vmem>>, vector<16xf32>,
      tpu.vector_store %arg9[%swap3A_596, %swap3A_597], %gather3A_413 {strides = array<i32>} : memref<64x128xf32, #tpu.memory_space<vmem>>, vector<16xf32>,
      %swap3A_599 = arith.index_cast %add3A_580 : i32 to index
      %swap3A_600 = arith.constant 96 : index
      %swap3A_601 = tpu.vector_load %arg9[%swap3A_599, %swap3A_600] {strides = array<i32>} : memref<64x128xf32, #tpu.memory_space<vmem>>, vector<16xf32>,
      tpu.vector_store %arg9[%swap3A_599, %swap3A_600], %gather3A_423 {strides = array<i32>} : memref<64x128xf32, #tpu.memory_space<vmem>>, vector<16xf32>,
      %swap3A_602 = arith.index_cast %add3A_580 : i32 to index
      %swap3A_603 = arith.constant 112 : index
      %swap3A_604 = tpu.vector_load %arg9[%swap3A_602, %swap3A_603] {strides = array<i32>} : memref<64x128xf32, #tpu.memory_space<vmem>>, vector<16xf32>,
      tpu.vector_store %arg9[%swap3A_602, %swap3A_603], %gather3A_433 {strides = array<i32>} : memref<64x128xf32, #tpu.memory_space<vmem>>, vector<16xf32>,
      %mul3A_605 = arith.constant 4 : i32
      %mul3A_606 = arith.muli %scan3A_171, %mul3A_605 : i32
      %add3A_607 = arith.constant 3 : i32
      %add3A_608 = arith.addi %mul3A_606, %add3A_607 : i32
      %swap3A_609 = arith.index_cast %add3A_608 : i32 to index
      %swap3A_610 = arith.constant 0 : index
      %swap3A_611 = tpu.vector_load %arg9[%swap3A_609, %swap3A_610] {strides = array<i32>} : memref<64x128xf32, #tpu.memory_space<vmem>>, vector<16xf32>,
      tpu.vector_store %arg9[%swap3A_609, %swap3A_610], %gather3A_451 {strides = array<i32>} : memref<64x128xf32, #tpu.memory_space<vmem>>, vector<16xf32>,
      %swap3A_612 = arith.index_cast %add3A_608 : i32 to index
      %swap3A_613 = arith.constant 16 : index
      %swap3A_614 = tpu.vector_load %arg9[%swap3A_612, %swap3A_613] {strides = array<i32>} : memref<64x128xf32, #tpu.memory_space<vmem>>, vector<16xf32>,
      tpu.vector_store %arg9[%swap3A_612, %swap3A_613], %gather3A_461 {strides = array<i32>} : memref<64x128xf32, #tpu.memory_space<vmem>>, vector<16xf32>,
      %swap3A_615 = arith.index_cast %add3A_608 : i32 to index
      %swap3A_616 = arith.constant 32 : index
      %swap3A_617 = tpu.vector_load %arg9[%swap3A_615, %swap3A_616] {strides = array<i32>} : memref<64x128xf32, #tpu.memory_space<vmem>>, vector<16xf32>,
      tpu.vector_store %arg9[%swap3A_615, %swap3A_616], %gather3A_471 {strides = array<i32>} : memref<64x128xf32, #tpu.memory_space<vmem>>, vector<16xf32>,
      %swap3A_618 = arith.index_cast %add3A_608 : i32 to index
      %swap3A_619 = arith.constant 48 : index
      %swap3A_620 = tpu.vector_load %arg9[%swap3A_618, %swap3A_619] {strides = array<i32>} : memref<64x128xf32, #tpu.memory_space<vmem>>, vector<16xf32>,
      tpu.vector_store %arg9[%swap3A_618, %swap3A_619], %gather3A_481 {strides = array<i32>} : memref<64x128xf32, #tpu.memory_space<vmem>>, vector<16xf32>,
      %swap3A_621 = arith.index_cast %add3A_608 : i32 to index
      %swap3A_622 = arith.constant 64 : index
      %swap3A_623 = tpu.vector_load %arg9[%swap3A_621, %swap3A_622] {strides = array<i32>} : memref<64x128xf32, #tpu.memory_space<vmem>>, vector<16xf32>,
      tpu.vector_store %arg9[%swap3A_621, %swap3A_622], %gather3A_491 {strides = array<i32>} : memref<64x128xf32, #tpu.memory_space<vmem>>, vector<16xf32>,
      %swap3A_624 = arith.index_cast %add3A_608 : i32 to index
      %swap3A_625 = arith.constant 80 : index
      %swap3A_626 = tpu.vector_load %arg9[%swap3A_624, %swap3A_625] {strides = array<i32>} : memref<64x128xf32, #tpu.memory_space<vmem>>, vector<16xf32>,
      tpu.vector_store %arg9[%swap3A_624, %swap3A_625], %gather3A_501 {strides = array<i32>} : memref<64x128xf32, #tpu.memory_space<vmem>>, vector<16xf32>,
      %swap3A_627 = arith.index_cast %add3A_608 : i32 to index
      %swap3A_628 = arith.constant 96 : index
      %swap3A_629 = tpu.vector_load %arg9[%swap3A_627, %swap3A_628] {strides = array<i32>} : memref<64x128xf32, #tpu.memory_space<vmem>>, vector<16xf32>,
      tpu.vector_store %arg9[%swap3A_627, %swap3A_628], %gather3A_511 {strides = array<i32>} : memref<64x128xf32, #tpu.memory_space<vmem>>, vector<16xf32>,
      %swap3A_630 = arith.index_cast %add3A_608 : i32 to index
      %swap3A_631 = arith.constant 112 : index
      %swap3A_632 = tpu.vector_load %arg9[%swap3A_630, %swap3A_631] {strides = array<i32>} : memref<64x128xf32, #tpu.memory_space<vmem>>, vector<16xf32>,
      tpu.vector_store %arg9[%swap3A_630, %swap3A_631], %gather3A_521 {strides = array<i32>} : memref<64x128xf32, #tpu.memory_space<vmem>>, vector<16xf32>,
    }
    %scan3A_85 = arith.constant 16 : i32
    %mul3A_86 = arith.constant 128 : i32
    %mul3A_87 = arith.muli %add3A_2, %mul3A_86 : i32
    %dma_start3A_88 = arith.constant 0 : i32
    %dma_start3A_89 = tpu.memref_slice %arg4[%dma_start3A_88, %mul3A_87] : memref<64x800000xf32, #tpu.memory_space<hbm>> -> memref<64x128xf32, #tpu.memory_space<hbm>>
    %dma_start3A_90 = arith.constant 0 : i32
    %dma_start3A_91 = tpu.memref_slice %arg4[%dma_start3A_90, %mul3A_87] : memref<64x800000xf32, #tpu.memory_space<hbm>> -> memref<64x128xf32, #tpu.memory_space<hbm>>
    tpu.enqueue_dma source(%arg9 : memref<64x128xf32, #tpu.memory_space<vmem>>) target(%dma_start3A_91 : memref<64x128xf32, #tpu.memory_space<hbm>>) target_semaphore(%arg11 : memref<!tpu.dma_semaphore, #tpu.memory_space<semaphore_mem>>)
    %scan3A_92 = arith.constant 0 : i32
    %scan3A_93 = arith.constant 1 : i32
    %scan3A_94 = arith.constant 96 : i32
    %scan3A_95 = arith.addi %scan3A_93, %scan3A_94 : i32
    %scan3A_96 = arith.constant 1 : i32
    scf.for %scan3A_171 = %scan3A_93 to %scan3A_95 step %scan3A_96  : i32 {
      %mul3A_172 = arith.constant 2 : i32
      %mul3A_173 = arith.muli %mul3A_172, %scan3A_171 : i32
      %mul3A_174 = arith.constant 32 : i32
      %mul3A_175 = arith.muli %mul3A_174, %mul3A_173 : i32
      %add3A_176 = arith.addi %add3A, %mul3A_175 : i32
      %mul3A_177 = arith.constant 128 : i32
      %mul3A_178 = arith.muli %add3A_176, %mul3A_177 : i32
      %dma_wait3A_179 = arith.constant 0 : i32
      %dma_wait3A_180 = tpu.memref_slice %arg4[%dma_wait3A_179, %mul3A_178] : memref<64x800000xf32, #tpu.memory_space<hbm>> -> memref<64x128xf32, #tpu.memory_space<hbm>>
      %dma_wait3A_181 = arith.constant 0 : i32
      %dma_wait3A_182 = tpu.memref_slice %arg4[%dma_wait3A_181, %mul3A_178] : memref<64x800000xf32, #tpu.memory_space<hbm>> -> memref<64x128xf32, #tpu.memory_space<hbm>>
      tpu.wait_dma2 semaphore(%arg10 : memref<!tpu.dma_semaphore, #tpu.memory_space<semaphore_mem>>) src(%arg8 : memref<64x128xf32, #tpu.memory_space<vmem>>) dst(%dma_wait3A_182 : memref<64x128xf32, #tpu.memory_space<hbm>>)
      %mul3A_183 = arith.constant 128 : i32
      %mul3A_184 = arith.muli %add3A_176, %mul3A_183 : i32
      %dma_wait3A_185 = tpu.memref_slice %arg2[%mul3A_184] : memref<800000xi32, #tpu.memory_space<hbm>> -> memref<128xi32, #tpu.memory_space<hbm>>
      %dma_wait3A_186 = tpu.memref_slice %arg2[%mul3A_184] : memref<800000xi32, #tpu.memory_space<hbm>> -> memref<128xi32, #tpu.memory_space<hbm>>
      tpu.wait_dma2 semaphore(%arg12 : memref<!tpu.dma_semaphore, #tpu.memory_space<semaphore_mem>>) src(%dma_wait3A_186 : memref<128xi32, #tpu.memory_space<hbm>>) dst(%arg6 : memref<128xi32, #tpu.memory_space<vmem>>)
      %get3A_187 = arith.constant 0 : index
      %get3A_188 = tpu.vector_load %arg6[%get3A_187] {strides = array<i32>} : memref<128xi32, #tpu.memory_space<vmem>>, vector<16xi32>,
      %get3A_189 = arith.constant 16 : index
      %get3A_190 = tpu.vector_load %arg6[%get3A_189] {strides = array<i32>} : memref<128xi32, #tpu.memory_space<vmem>>, vector<16xi32>,
      %get3A_191 = arith.constant 32 : index
      %get3A_192 = tpu.vector_load %arg6[%get3A_191] {strides = array<i32>} : memref<128xi32, #tpu.memory_space<vmem>>, vector<16xi32>,
      %get3A_193 = arith.constant 48 : index
      %get3A_194 = tpu.vector_load %arg6[%get3A_193] {strides = array<i32>} : memref<128xi32, #tpu.memory_space<vmem>>, vector<16xi32>,
      %get3A_195 = arith.constant 64 : index
      %get3A_196 = tpu.vector_load %arg6[%get3A_195] {strides = array<i32>} : memref<128xi32, #tpu.memory_space<vmem>>, vector<16xi32>,
      %get3A_197 = arith.constant 80 : index
      %get3A_198 = tpu.vector_load %arg6[%get3A_197] {strides = array<i32>} : memref<128xi32, #tpu.memory_space<vmem>>, vector<16xi32>,
      %get3A_199 = arith.constant 96 : index
      %get3A_200 = tpu.vector_load %arg6[%get3A_199] {strides = array<i32>} : memref<128xi32, #tpu.memory_space<vmem>>, vector<16xi32>,
      %get3A_201 = arith.constant 112 : index
      %get3A_202 = tpu.vector_load %arg6[%get3A_201] {strides = array<i32>} : memref<128xi32, #tpu.memory_space<vmem>>, vector<16xi32>,
      %add3A_203 = arith.constant 64 : i32
      %add3A_204 = arith.addi %add3A_176, %add3A_203 : i32
      %lt3A_205 = arith.constant 6250 : i32
      %lt3A_206 = arith.cmpi slt, %add3A_204, %lt3A_205 : i32
      %add3A_207 = arith.constant 64 : i32
      %add3A_208 = arith.addi %add3A_176, %add3A_207 : i32
      %jit3A_209 = arith.constant 0 : i32
      %select_n3A_210 = arith.select %lt3A_206, %add3A_208, %jit3A_209 : i32
      %mul3A_211 = arith.constant 128 : i32
      %mul3A_212 = arith.muli %select_n3A_210, %mul3A_211 : i32
      %dma_start3A_213 = tpu.memref_slice %arg2[%mul3A_212] : memref<800000xi32, #tpu.memory_space<hbm>> -> memref<128xi32, #tpu.memory_space<hbm>>
      %dma_start3A_214 = tpu.memref_slice %arg2[%mul3A_212] : memref<800000xi32, #tpu.memory_space<hbm>> -> memref<128xi32, #tpu.memory_space<hbm>>
      tpu.enqueue_dma source(%dma_start3A_214 : memref<128xi32, #tpu.memory_space<hbm>>) target(%arg6 : memref<128xi32, #tpu.memory_space<vmem>>) target_semaphore(%arg12 : memref<!tpu.dma_semaphore, #tpu.memory_space<semaphore_mem>>)
      %scan3A_215 = arith.constant 0 : i32
      %scan3A_216 = arith.constant 0 : i32
      %scan3A_217 = arith.constant 16 : i32
      %scan3A_218 = arith.addi %scan3A_216, %scan3A_217 : i32
      %scan3A_219 = arith.constant 1 : i32
      scf.for %scan3A_284 = %scan3A_216 to %scan3A_218 step %scan3A_219  : i32 {
        %mul3A_285 = arith.constant 4 : i32
        %mul3A_286 = arith.muli %scan3A_284, %mul3A_285 : i32
        %add3A_287 = arith.constant 0 : i32
        %add3A_288 = arith.addi %mul3A_286, %add3A_287 : i32
        %mul3A_289 = arith.constant 16 : i32
        %mul3A_290 = arith.muli %add3A_288, %mul3A_289 : i32
        %get3A_291 = arith.index_cast %mul3A_290 : i32 to index
        %get3A_292 = tpu.vector_load %arg5[%get3A_291] {strides = array<i32>} : memref<1024xf32, #tpu.memory_space<vmem>>, vector<16xf32>,
        %lt3A_293 = arith.constant 0 : i32
        %lt3A_294 = vector.broadcast %lt3A_293 : i32 to vector<16xi32>
        %lt3A_295 = arith.cmpi slt, %get3A_188, %lt3A_294 : vector<16xi32>
        %add3A_296 = arith.constant 16 : i32
        %add3A_297 = vector.broadcast %add3A_296 : i32 to vector<16xi32>
        %add3A_298 = arith.addi %get3A_188, %add3A_297 : vector<16xi32>
        %select_n3A_299 = arith.select %lt3A_295, %add3A_298, %get3A_188 : vector<16xi1>, vector<16xi32>
        %broadcast_in_dim3A = vector.shape_cast %select_n3A_299 : vector<16xi32> to vector<16x1xi32>
        %gather3A = vector.shape_cast %broadcast_in_dim3A : vector<16x1xi32> to vector<16xi32>
        %gather3A_300 = tpu.dynamic_gather %get3A_292[%gather3A] in [0] : vector<16xf32>, vector<16xi32> -> vector<16xf32>
        %lt3A_301 = arith.constant 0 : i32
        %lt3A_302 = vector.broadcast %lt3A_301 : i32 to vector<16xi32>
        %lt3A_303 = arith.cmpi slt, %get3A_190, %lt3A_302 : vector<16xi32>
        %add3A_304 = arith.constant 16 : i32
        %add3A_305 = vector.broadcast %add3A_304 : i32 to vector<16xi32>
        %add3A_306 = arith.addi %get3A_190, %add3A_305 : vector<16xi32>
        %select_n3A_307 = arith.select %lt3A_303, %add3A_306, %get3A_190 : vector<16xi1>, vector<16xi32>
        %broadcast_in_dim3A_308 = vector.shape_cast %select_n3A_307 : vector<16xi32> to vector<16x1xi32>
        %gather3A_309 = vector.shape_cast %broadcast_in_dim3A_308 : vector<16x1xi32> to vector<16xi32>
        %gather3A_310 = tpu.dynamic_gather %get3A_292[%gather3A_309] in [0] : vector<16xf32>, vector<16xi32> -> vector<16xf32>
        %lt3A_311 = arith.constant 0 : i32
        %lt3A_312 = vector.broadcast %lt3A_311 : i32 to vector<16xi32>
        %lt3A_313 = arith.cmpi slt, %get3A_192, %lt3A_312 : vector<16xi32>
        %add3A_314 = arith.constant 16 : i32
        %add3A_315 = vector.broadcast %add3A_314 : i32 to vector<16xi32>
        %add3A_316 = arith.addi %get3A_192, %add3A_315 : vector<16xi32>
        %select_n3A_317 = arith.select %lt3A_313, %add3A_316, %get3A_192 : vector<16xi1>, vector<16xi32>
        %broadcast_in_dim3A_318 = vector.shape_cast %select_n3A_317 : vector<16xi32> to vector<16x1xi32>
        %gather3A_319 = vector.shape_cast %broadcast_in_dim3A_318 : vector<16x1xi32> to vector<16xi32>
        %gather3A_320 = tpu.dynamic_gather %get3A_292[%gather3A_319] in [0] : vector<16xf32>, vector<16xi32> -> vector<16xf32>
        %lt3A_321 = arith.constant 0 : i32
        %lt3A_322 = vector.broadcast %lt3A_321 : i32 to vector<16xi32>
        %lt3A_323 = arith.cmpi slt, %get3A_194, %lt3A_322 : vector<16xi32>
        %add3A_324 = arith.constant 16 : i32
        %add3A_325 = vector.broadcast %add3A_324 : i32 to vector<16xi32>
        %add3A_326 = arith.addi %get3A_194, %add3A_325 : vector<16xi32>
        %select_n3A_327 = arith.select %lt3A_323, %add3A_326, %get3A_194 : vector<16xi1>, vector<16xi32>
        %broadcast_in_dim3A_328 = vector.shape_cast %select_n3A_327 : vector<16xi32> to vector<16x1xi32>
        %gather3A_329 = vector.shape_cast %broadcast_in_dim3A_328 : vector<16x1xi32> to vector<16xi32>
        %gather3A_330 = tpu.dynamic_gather %get3A_292[%gather3A_329] in [0] : vector<16xf32>, vector<16xi32> -> vector<16xf32>
        %lt3A_331 = arith.constant 0 : i32
        %lt3A_332 = vector.broadcast %lt3A_331 : i32 to vector<16xi32>
        %lt3A_333 = arith.cmpi slt, %get3A_196, %lt3A_332 : vector<16xi32>
        %add3A_334 = arith.constant 16 : i32
        %add3A_335 = vector.broadcast %add3A_334 : i32 to vector<16xi32>
        %add3A_336 = arith.addi %get3A_196, %add3A_335 : vector<16xi32>
        %select_n3A_337 = arith.select %lt3A_333, %add3A_336, %get3A_196 : vector<16xi1>, vector<16xi32>
        %broadcast_in_dim3A_338 = vector.shape_cast %select_n3A_337 : vector<16xi32> to vector<16x1xi32>
        %gather3A_339 = vector.shape_cast %broadcast_in_dim3A_338 : vector<16x1xi32> to vector<16xi32>
        %gather3A_340 = tpu.dynamic_gather %get3A_292[%gather3A_339] in [0] : vector<16xf32>, vector<16xi32> -> vector<16xf32>
        %lt3A_341 = arith.constant 0 : i32
        %lt3A_342 = vector.broadcast %lt3A_341 : i32 to vector<16xi32>
        %lt3A_343 = arith.cmpi slt, %get3A_198, %lt3A_342 : vector<16xi32>
        %add3A_344 = arith.constant 16 : i32
        %add3A_345 = vector.broadcast %add3A_344 : i32 to vector<16xi32>
        %add3A_346 = arith.addi %get3A_198, %add3A_345 : vector<16xi32>
        %select_n3A_347 = arith.select %lt3A_343, %add3A_346, %get3A_198 : vector<16xi1>, vector<16xi32>
        %broadcast_in_dim3A_348 = vector.shape_cast %select_n3A_347 : vector<16xi32> to vector<16x1xi32>
        %gather3A_349 = vector.shape_cast %broadcast_in_dim3A_348 : vector<16x1xi32> to vector<16xi32>
        %gather3A_350 = tpu.dynamic_gather %get3A_292[%gather3A_349] in [0] : vector<16xf32>, vector<16xi32> -> vector<16xf32>
        %lt3A_351 = arith.constant 0 : i32
        %lt3A_352 = vector.broadcast %lt3A_351 : i32 to vector<16xi32>
        %lt3A_353 = arith.cmpi slt, %get3A_200, %lt3A_352 : vector<16xi32>
        %add3A_354 = arith.constant 16 : i32
        %add3A_355 = vector.broadcast %add3A_354 : i32 to vector<16xi32>
        %add3A_356 = arith.addi %get3A_200, %add3A_355 : vector<16xi32>
        %select_n3A_357 = arith.select %lt3A_353, %add3A_356, %get3A_200 : vector<16xi1>, vector<16xi32>
        %broadcast_in_dim3A_358 = vector.shape_cast %select_n3A_357 : vector<16xi32> to vector<16x1xi32>
        %gather3A_359 = vector.shape_cast %broadcast_in_dim3A_358 : vector<16x1xi32> to vector<16xi32>
        %gather3A_360 = tpu.dynamic_gather %get3A_292[%gather3A_359] in [0] : vector<16xf32>, vector<16xi32> -> vector<16xf32>
        %lt3A_361 = arith.constant 0 : i32
        %lt3A_362 = vector.broadcast %lt3A_361 : i32 to vector<16xi32>
        %lt3A_363 = arith.cmpi slt, %get3A_202, %lt3A_362 : vector<16xi32>
        %add3A_364 = arith.constant 16 : i32
        %add3A_365 = vector.broadcast %add3A_364 : i32 to vector<16xi32>
        %add3A_366 = arith.addi %get3A_202, %add3A_365 : vector<16xi32>
        %select_n3A_367 = arith.select %lt3A_363, %add3A_366, %get3A_202 : vector<16xi1>, vector<16xi32>
        %broadcast_in_dim3A_368 = vector.shape_cast %select_n3A_367 : vector<16xi32> to vector<16x1xi32>
        %gather3A_369 = vector.shape_cast %broadcast_in_dim3A_368 : vector<16x1xi32> to vector<16xi32>
        %gather3A_370 = tpu.dynamic_gather %get3A_292[%gather3A_369] in [0] : vector<16xf32>, vector<16xi32> -> vector<16xf32>
        %mul3A_371 = arith.constant 4 : i32
        %mul3A_372 = arith.muli %scan3A_284, %mul3A_371 : i32
        %add3A_373 = arith.constant 1 : i32
        %add3A_374 = arith.addi %mul3A_372, %add3A_373 : i32
        %mul3A_375 = arith.constant 16 : i32
        %mul3A_376 = arith.muli %add3A_374, %mul3A_375 : i32
        %get3A_377 = arith.index_cast %mul3A_376 : i32 to index
        %get3A_378 = tpu.vector_load %arg5[%get3A_377] {strides = array<i32>} : memref<1024xf32, #tpu.memory_space<vmem>>, vector<16xf32>,
        %lt3A_379 = arith.constant 0 : i32
        %lt3A_380 = vector.broadcast %lt3A_379 : i32 to vector<16xi32>
        %lt3A_381 = arith.cmpi slt, %get3A_188, %lt3A_380 : vector<16xi32>
        %add3A_382 = arith.constant 16 : i32
        %add3A_383 = vector.broadcast %add3A_382 : i32 to vector<16xi32>
        %add3A_384 = arith.addi %get3A_188, %add3A_383 : vector<16xi32>
        %select_n3A_385 = arith.select %lt3A_381, %add3A_384, %get3A_188 : vector<16xi1>, vector<16xi32>
        %broadcast_in_dim3A_386 = vector.shape_cast %select_n3A_385 : vector<16xi32> to vector<16x1xi32>
        %gather3A_387 = vector.shape_cast %broadcast_in_dim3A_386 : vector<16x1xi32> to vector<16xi32>
        %gather3A_388 = tpu.dynamic_gather %get3A_378[%gather3A_387] in [0] : vector<16xf32>, vector<16xi32> -> vector<16xf32>
        %lt3A_389 = arith.constant 0 : i32
        %lt3A_390 = vector.broadcast %lt3A_389 : i32 to vector<16xi32>
        %lt3A_391 = arith.cmpi slt, %get3A_190, %lt3A_390 : vector<16xi32>
        %add3A_392 = arith.constant 16 : i32
        %add3A_393 = vector.broadcast %add3A_392 : i32 to vector<16xi32>
        %add3A_394 = arith.addi %get3A_190, %add3A_393 : vector<16xi32>
        %select_n3A_395 = arith.select %lt3A_391, %add3A_394, %get3A_190 : vector<16xi1>, vector<16xi32>
        %broadcast_in_dim3A_396 = vector.shape_cast %select_n3A_395 : vector<16xi32> to vector<16x1xi32>
        %gather3A_397 = vector.shape_cast %broadcast_in_dim3A_396 : vector<16x1xi32> to vector<16xi32>
        %gather3A_398 = tpu.dynamic_gather %get3A_378[%gather3A_397] in [0] : vector<16xf32>, vector<16xi32> -> vector<16xf32>
        %lt3A_399 = arith.constant 0 : i32
        %lt3A_400 = vector.broadcast %lt3A_399 : i32 to vector<16xi32>
        %lt3A_401 = arith.cmpi slt, %get3A_192, %lt3A_400 : vector<16xi32>
        %add3A_402 = arith.constant 16 : i32
        %add3A_403 = vector.broadcast %add3A_402 : i32 to vector<16xi32>
        %add3A_404 = arith.addi %get3A_192, %add3A_403 : vector<16xi32>
        %select_n3A_405 = arith.select %lt3A_401, %add3A_404, %get3A_192 : vector<16xi1>, vector<16xi32>
        %broadcast_in_dim3A_406 = vector.shape_cast %select_n3A_405 : vector<16xi32> to vector<16x1xi32>
        %gather3A_407 = vector.shape_cast %broadcast_in_dim3A_406 : vector<16x1xi32> to vector<16xi32>
        %gather3A_408 = tpu.dynamic_gather %get3A_378[%gather3A_407] in [0] : vector<16xf32>, vector<16xi32> -> vector<16xf32>
        %lt3A_409 = arith.constant 0 : i32
        %lt3A_410 = vector.broadcast %lt3A_409 : i32 to vector<16xi32>
        %lt3A_411 = arith.cmpi slt, %get3A_194, %lt3A_410 : vector<16xi32>
        %add3A_412 = arith.constant 16 : i32
        %add3A_413 = vector.broadcast %add3A_412 : i32 to vector<16xi32>
        %add3A_414 = arith.addi %get3A_194, %add3A_413 : vector<16xi32>
        %select_n3A_415 = arith.select %lt3A_411, %add3A_414, %get3A_194 : vector<16xi1>, vector<16xi32>
        %broadcast_in_dim3A_416 = vector.shape_cast %select_n3A_415 : vector<16xi32> to vector<16x1xi32>
        %gather3A_417 = vector.shape_cast %broadcast_in_dim3A_416 : vector<16x1xi32> to vector<16xi32>
        %gather3A_418 = tpu.dynamic_gather %get3A_378[%gather3A_417] in [0] : vector<16xf32>, vector<16xi32> -> vector<16xf32>
        %lt3A_419 = arith.constant 0 : i32
        %lt3A_420 = vector.broadcast %lt3A_419 : i32 to vector<16xi32>
        %lt3A_421 = arith.cmpi slt, %get3A_196, %lt3A_420 : vector<16xi32>
        %add3A_422 = arith.constant 16 : i32
        %add3A_423 = vector.broadcast %add3A_422 : i32 to vector<16xi32>
        %add3A_424 = arith.addi %get3A_196, %add3A_423 : vector<16xi32>
        %select_n3A_425 = arith.select %lt3A_421, %add3A_424, %get3A_196 : vector<16xi1>, vector<16xi32>
        %broadcast_in_dim3A_426 = vector.shape_cast %select_n3A_425 : vector<16xi32> to vector<16x1xi32>
        %gather3A_427 = vector.shape_cast %broadcast_in_dim3A_426 : vector<16x1xi32> to vector<16xi32>
        %gather3A_428 = tpu.dynamic_gather %get3A_378[%gather3A_427] in [0] : vector<16xf32>, vector<16xi32> -> vector<16xf32>
        %lt3A_429 = arith.constant 0 : i32
        %lt3A_430 = vector.broadcast %lt3A_429 : i32 to vector<16xi32>
        %lt3A_431 = arith.cmpi slt, %get3A_198, %lt3A_430 : vector<16xi32>
        %add3A_432 = arith.constant 16 : i32
        %add3A_433 = vector.broadcast %add3A_432 : i32 to vector<16xi32>
        %add3A_434 = arith.addi %get3A_198, %add3A_433 : vector<16xi32>
        %select_n3A_435 = arith.select %lt3A_431, %add3A_434, %get3A_198 : vector<16xi1>, vector<16xi32>
        %broadcast_in_dim3A_436 = vector.shape_cast %select_n3A_435 : vector<16xi32> to vector<16x1xi32>
        %gather3A_437 = vector.shape_cast %broadcast_in_dim3A_436 : vector<16x1xi32> to vector<16xi32>
        %gather3A_438 = tpu.dynamic_gather %get3A_378[%gather3A_437] in [0] : vector<16xf32>, vector<16xi32> -> vector<16xf32>
        %lt3A_439 = arith.constant 0 : i32
        %lt3A_440 = vector.broadcast %lt3A_439 : i32 to vector<16xi32>
        %lt3A_441 = arith.cmpi slt, %get3A_200, %lt3A_440 : vector<16xi32>
        %add3A_442 = arith.constant 16 : i32
        %add3A_443 = vector.broadcast %add3A_442 : i32 to vector<16xi32>
        %add3A_444 = arith.addi %get3A_200, %add3A_443 : vector<16xi32>
        %select_n3A_445 = arith.select %lt3A_441, %add3A_444, %get3A_200 : vector<16xi1>, vector<16xi32>
        %broadcast_in_dim3A_446 = vector.shape_cast %select_n3A_445 : vector<16xi32> to vector<16x1xi32>
        %gather3A_447 = vector.shape_cast %broadcast_in_dim3A_446 : vector<16x1xi32> to vector<16xi32>
        %gather3A_448 = tpu.dynamic_gather %get3A_378[%gather3A_447] in [0] : vector<16xf32>, vector<16xi32> -> vector<16xf32>
        %lt3A_449 = arith.constant 0 : i32
        %lt3A_450 = vector.broadcast %lt3A_449 : i32 to vector<16xi32>
        %lt3A_451 = arith.cmpi slt, %get3A_202, %lt3A_450 : vector<16xi32>
        %add3A_452 = arith.constant 16 : i32
        %add3A_453 = vector.broadcast %add3A_452 : i32 to vector<16xi32>
        %add3A_454 = arith.addi %get3A_202, %add3A_453 : vector<16xi32>
        %select_n3A_455 = arith.select %lt3A_451, %add3A_454, %get3A_202 : vector<16xi1>, vector<16xi32>
        %broadcast_in_dim3A_456 = vector.shape_cast %select_n3A_455 : vector<16xi32> to vector<16x1xi32>
        %gather3A_457 = vector.shape_cast %broadcast_in_dim3A_456 : vector<16x1xi32> to vector<16xi32>
        %gather3A_458 = tpu.dynamic_gather %get3A_378[%gather3A_457] in [0] : vector<16xf32>, vector<16xi32> -> vector<16xf32>
        %mul3A_459 = arith.constant 4 : i32
        %mul3A_460 = arith.muli %scan3A_284, %mul3A_459 : i32
        %add3A_461 = arith.constant 2 : i32
        %add3A_462 = arith.addi %mul3A_460, %add3A_461 : i32
        %mul3A_463 = arith.constant 16 : i32
        %mul3A_464 = arith.muli %add3A_462, %mul3A_463 : i32
        %get3A_465 = arith.index_cast %mul3A_464 : i32 to index
        %get3A_466 = tpu.vector_load %arg5[%get3A_465] {strides = array<i32>} : memref<1024xf32, #tpu.memory_space<vmem>>, vector<16xf32>,
        %lt3A_467 = arith.constant 0 : i32
        %lt3A_468 = vector.broadcast %lt3A_467 : i32 to vector<16xi32>
        %lt3A_469 = arith.cmpi slt, %get3A_188, %lt3A_468 : vector<16xi32>
        %add3A_470 = arith.constant 16 : i32
        %add3A_471 = vector.broadcast %add3A_470 : i32 to vector<16xi32>
        %add3A_472 = arith.addi %get3A_188, %add3A_471 : vector<16xi32>
        %select_n3A_473 = arith.select %lt3A_469, %add3A_472, %get3A_188 : vector<16xi1>, vector<16xi32>
        %broadcast_in_dim3A_474 = vector.shape_cast %select_n3A_473 : vector<16xi32> to vector<16x1xi32>
        %gather3A_475 = vector.shape_cast %broadcast_in_dim3A_474 : vector<16x1xi32> to vector<16xi32>
        %gather3A_476 = tpu.dynamic_gather %get3A_466[%gather3A_475] in [0] : vector<16xf32>, vector<16xi32> -> vector<16xf32>
        %lt3A_477 = arith.constant 0 : i32
        %lt3A_478 = vector.broadcast %lt3A_477 : i32 to vector<16xi32>
        %lt3A_479 = arith.cmpi slt, %get3A_190, %lt3A_478 : vector<16xi32>
        %add3A_480 = arith.constant 16 : i32
        %add3A_481 = vector.broadcast %add3A_480 : i32 to vector<16xi32>
        %add3A_482 = arith.addi %get3A_190, %add3A_481 : vector<16xi32>
        %select_n3A_483 = arith.select %lt3A_479, %add3A_482, %get3A_190 : vector<16xi1>, vector<16xi32>
        %broadcast_in_dim3A_484 = vector.shape_cast %select_n3A_483 : vector<16xi32> to vector<16x1xi32>
        %gather3A_485 = vector.shape_cast %broadcast_in_dim3A_484 : vector<16x1xi32> to vector<16xi32>
        %gather3A_486 = tpu.dynamic_gather %get3A_466[%gather3A_485] in [0] : vector<16xf32>, vector<16xi32> -> vector<16xf32>
        %lt3A_487 = arith.constant 0 : i32
        %lt3A_488 = vector.broadcast %lt3A_487 : i32 to vector<16xi32>
        %lt3A_489 = arith.cmpi slt, %get3A_192, %lt3A_488 : vector<16xi32>
        %add3A_490 = arith.constant 16 : i32
        %add3A_491 = vector.broadcast %add3A_490 : i32 to vector<16xi32>
        %add3A_492 = arith.addi %get3A_192, %add3A_491 : vector<16xi32>
        %select_n3A_493 = arith.select %lt3A_489, %add3A_492, %get3A_192 : vector<16xi1>, vector<16xi32>
        %broadcast_in_dim3A_494 = vector.shape_cast %select_n3A_493 : vector<16xi32> to vector<16x1xi32>
        %gather3A_495 = vector.shape_cast %broadcast_in_dim3A_494 : vector<16x1xi32> to vector<16xi32>
        %gather3A_496 = tpu.dynamic_gather %get3A_466[%gather3A_495] in [0] : vector<16xf32>, vector<16xi32> -> vector<16xf32>
        %lt3A_497 = arith.constant 0 : i32
        %lt3A_498 = vector.broadcast %lt3A_497 : i32 to vector<16xi32>
        %lt3A_499 = arith.cmpi slt, %get3A_194, %lt3A_498 : vector<16xi32>
        %add3A_500 = arith.constant 16 : i32
        %add3A_501 = vector.broadcast %add3A_500 : i32 to vector<16xi32>
        %add3A_502 = arith.addi %get3A_194, %add3A_501 : vector<16xi32>
        %select_n3A_503 = arith.select %lt3A_499, %add3A_502, %get3A_194 : vector<16xi1>, vector<16xi32>
        %broadcast_in_dim3A_504 = vector.shape_cast %select_n3A_503 : vector<16xi32> to vector<16x1xi32>
        %gather3A_505 = vector.shape_cast %broadcast_in_dim3A_504 : vector<16x1xi32> to vector<16xi32>
        %gather3A_506 = tpu.dynamic_gather %get3A_466[%gather3A_505] in [0] : vector<16xf32>, vector<16xi32> -> vector<16xf32>
        %lt3A_507 = arith.constant 0 : i32
        %lt3A_508 = vector.broadcast %lt3A_507 : i32 to vector<16xi32>
        %lt3A_509 = arith.cmpi slt, %get3A_196, %lt3A_508 : vector<16xi32>
        %add3A_510 = arith.constant 16 : i32
        %add3A_511 = vector.broadcast %add3A_510 : i32 to vector<16xi32>
        %add3A_512 = arith.addi %get3A_196, %add3A_511 : vector<16xi32>
        %select_n3A_513 = arith.select %lt3A_509, %add3A_512, %get3A_196 : vector<16xi1>, vector<16xi32>
        %broadcast_in_dim3A_514 = vector.shape_cast %select_n3A_513 : vector<16xi32> to vector<16x1xi32>
        %gather3A_515 = vector.shape_cast %broadcast_in_dim3A_514 : vector<16x1xi32> to vector<16xi32>
        %gather3A_516 = tpu.dynamic_gather %get3A_466[%gather3A_515] in [0] : vector<16xf32>, vector<16xi32> -> vector<16xf32>
        %lt3A_517 = arith.constant 0 : i32
        %lt3A_518 = vector.broadcast %lt3A_517 : i32 to vector<16xi32>
        %lt3A_519 = arith.cmpi slt, %get3A_198, %lt3A_518 : vector<16xi32>
        %add3A_520 = arith.constant 16 : i32
        %add3A_521 = vector.broadcast %add3A_520 : i32 to vector<16xi32>
        %add3A_522 = arith.addi %get3A_198, %add3A_521 : vector<16xi32>
        %select_n3A_523 = arith.select %lt3A_519, %add3A_522, %get3A_198 : vector<16xi1>, vector<16xi32>
        %broadcast_in_dim3A_524 = vector.shape_cast %select_n3A_523 : vector<16xi32> to vector<16x1xi32>
        %gather3A_525 = vector.shape_cast %broadcast_in_dim3A_524 : vector<16x1xi32> to vector<16xi32>
        %gather3A_526 = tpu.dynamic_gather %get3A_466[%gather3A_525] in [0] : vector<16xf32>, vector<16xi32> -> vector<16xf32>
        %lt3A_527 = arith.constant 0 : i32
        %lt3A_528 = vector.broadcast %lt3A_527 : i32 to vector<16xi32>
        %lt3A_529 = arith.cmpi slt, %get3A_200, %lt3A_528 : vector<16xi32>
        %add3A_530 = arith.constant 16 : i32
        %add3A_531 = vector.broadcast %add3A_530 : i32 to vector<16xi32>
        %add3A_532 = arith.addi %get3A_200, %add3A_531 : vector<16xi32>
        %select_n3A_533 = arith.select %lt3A_529, %add3A_532, %get3A_200 : vector<16xi1>, vector<16xi32>
        %broadcast_in_dim3A_534 = vector.shape_cast %select_n3A_533 : vector<16xi32> to vector<16x1xi32>
        %gather3A_535 = vector.shape_cast %broadcast_in_dim3A_534 : vector<16x1xi32> to vector<16xi32>
        %gather3A_536 = tpu.dynamic_gather %get3A_466[%gather3A_535] in [0] : vector<16xf32>, vector<16xi32> -> vector<16xf32>
        %lt3A_537 = arith.constant 0 : i32
        %lt3A_538 = vector.broadcast %lt3A_537 : i32 to vector<16xi32>
        %lt3A_539 = arith.cmpi slt, %get3A_202, %lt3A_538 : vector<16xi32>
        %add3A_540 = arith.constant 16 : i32
        %add3A_541 = vector.broadcast %add3A_540 : i32 to vector<16xi32>
        %add3A_542 = arith.addi %get3A_202, %add3A_541 : vector<16xi32>
        %select_n3A_543 = arith.select %lt3A_539, %add3A_542, %get3A_202 : vector<16xi1>, vector<16xi32>
        %broadcast_in_dim3A_544 = vector.shape_cast %select_n3A_543 : vector<16xi32> to vector<16x1xi32>
        %gather3A_545 = vector.shape_cast %broadcast_in_dim3A_544 : vector<16x1xi32> to vector<16xi32>
        %gather3A_546 = tpu.dynamic_gather %get3A_466[%gather3A_545] in [0] : vector<16xf32>, vector<16xi32> -> vector<16xf32>
        %mul3A_547 = arith.constant 4 : i32
        %mul3A_548 = arith.muli %scan3A_284, %mul3A_547 : i32
        %add3A_549 = arith.constant 3 : i32
        %add3A_550 = arith.addi %mul3A_548, %add3A_549 : i32
        %mul3A_551 = arith.constant 16 : i32
        %mul3A_552 = arith.muli %add3A_550, %mul3A_551 : i32
        %get3A_553 = arith.index_cast %mul3A_552 : i32 to index
        %get3A_554 = tpu.vector_load %arg5[%get3A_553] {strides = array<i32>} : memref<1024xf32, #tpu.memory_space<vmem>>, vector<16xf32>,
        %lt3A_555 = arith.constant 0 : i32
        %lt3A_556 = vector.broadcast %lt3A_555 : i32 to vector<16xi32>
        %lt3A_557 = arith.cmpi slt, %get3A_188, %lt3A_556 : vector<16xi32>
        %add3A_558 = arith.constant 16 : i32
        %add3A_559 = vector.broadcast %add3A_558 : i32 to vector<16xi32>
        %add3A_560 = arith.addi %get3A_188, %add3A_559 : vector<16xi32>
        %select_n3A_561 = arith.select %lt3A_557, %add3A_560, %get3A_188 : vector<16xi1>, vector<16xi32>
        %broadcast_in_dim3A_562 = vector.shape_cast %select_n3A_561 : vector<16xi32> to vector<16x1xi32>
        %gather3A_563 = vector.shape_cast %broadcast_in_dim3A_562 : vector<16x1xi32> to vector<16xi32>
        %gather3A_564 = tpu.dynamic_gather %get3A_554[%gather3A_563] in [0] : vector<16xf32>, vector<16xi32> -> vector<16xf32>
        %lt3A_565 = arith.constant 0 : i32
        %lt3A_566 = vector.broadcast %lt3A_565 : i32 to vector<16xi32>
        %lt3A_567 = arith.cmpi slt, %get3A_190, %lt3A_566 : vector<16xi32>
        %add3A_568 = arith.constant 16 : i32
        %add3A_569 = vector.broadcast %add3A_568 : i32 to vector<16xi32>
        %add3A_570 = arith.addi %get3A_190, %add3A_569 : vector<16xi32>
        %select_n3A_571 = arith.select %lt3A_567, %add3A_570, %get3A_190 : vector<16xi1>, vector<16xi32>
        %broadcast_in_dim3A_572 = vector.shape_cast %select_n3A_571 : vector<16xi32> to vector<16x1xi32>
        %gather3A_573 = vector.shape_cast %broadcast_in_dim3A_572 : vector<16x1xi32> to vector<16xi32>
        %gather3A_574 = tpu.dynamic_gather %get3A_554[%gather3A_573] in [0] : vector<16xf32>, vector<16xi32> -> vector<16xf32>
        %lt3A_575 = arith.constant 0 : i32
        %lt3A_576 = vector.broadcast %lt3A_575 : i32 to vector<16xi32>
        %lt3A_577 = arith.cmpi slt, %get3A_192, %lt3A_576 : vector<16xi32>
        %add3A_578 = arith.constant 16 : i32
        %add3A_579 = vector.broadcast %add3A_578 : i32 to vector<16xi32>
        %add3A_580 = arith.addi %get3A_192, %add3A_579 : vector<16xi32>
        %select_n3A_581 = arith.select %lt3A_577, %add3A_580, %get3A_192 : vector<16xi1>, vector<16xi32>
        %broadcast_in_dim3A_582 = vector.shape_cast %select_n3A_581 : vector<16xi32> to vector<16x1xi32>
        %gather3A_583 = vector.shape_cast %broadcast_in_dim3A_582 : vector<16x1xi32> to vector<16xi32>
        %gather3A_584 = tpu.dynamic_gather %get3A_554[%gather3A_583] in [0] : vector<16xf32>, vector<16xi32> -> vector<16xf32>
        %lt3A_585 = arith.constant 0 : i32
        %lt3A_586 = vector.broadcast %lt3A_585 : i32 to vector<16xi32>
        %lt3A_587 = arith.cmpi slt, %get3A_194, %lt3A_586 : vector<16xi32>
        %add3A_588 = arith.constant 16 : i32
        %add3A_589 = vector.broadcast %add3A_588 : i32 to vector<16xi32>
        %add3A_590 = arith.addi %get3A_194, %add3A_589 : vector<16xi32>
        %select_n3A_591 = arith.select %lt3A_587, %add3A_590, %get3A_194 : vector<16xi1>, vector<16xi32>
        %broadcast_in_dim3A_592 = vector.shape_cast %select_n3A_591 : vector<16xi32> to vector<16x1xi32>
        %gather3A_593 = vector.shape_cast %broadcast_in_dim3A_592 : vector<16x1xi32> to vector<16xi32>
        %gather3A_594 = tpu.dynamic_gather %get3A_554[%gather3A_593] in [0] : vector<16xf32>, vector<16xi32> -> vector<16xf32>
        %lt3A_595 = arith.constant 0 : i32
        %lt3A_596 = vector.broadcast %lt3A_595 : i32 to vector<16xi32>
        %lt3A_597 = arith.cmpi slt, %get3A_196, %lt3A_596 : vector<16xi32>
        %add3A_598 = arith.constant 16 : i32
        %add3A_599 = vector.broadcast %add3A_598 : i32 to vector<16xi32>
        %add3A_600 = arith.addi %get3A_196, %add3A_599 : vector<16xi32>
        %select_n3A_601 = arith.select %lt3A_597, %add3A_600, %get3A_196 : vector<16xi1>, vector<16xi32>
        %broadcast_in_dim3A_602 = vector.shape_cast %select_n3A_601 : vector<16xi32> to vector<16x1xi32>
        %gather3A_603 = vector.shape_cast %broadcast_in_dim3A_602 : vector<16x1xi32> to vector<16xi32>
        %gather3A_604 = tpu.dynamic_gather %get3A_554[%gather3A_603] in [0] : vector<16xf32>, vector<16xi32> -> vector<16xf32>
        %lt3A_605 = arith.constant 0 : i32
        %lt3A_606 = vector.broadcast %lt3A_605 : i32 to vector<16xi32>
        %lt3A_607 = arith.cmpi slt, %get3A_198, %lt3A_606 : vector<16xi32>
        %add3A_608 = arith.constant 16 : i32
        %add3A_609 = vector.broadcast %add3A_608 : i32 to vector<16xi32>
        %add3A_610 = arith.addi %get3A_198, %add3A_609 : vector<16xi32>
        %select_n3A_611 = arith.select %lt3A_607, %add3A_610, %get3A_198 : vector<16xi1>, vector<16xi32>
        %broadcast_in_dim3A_612 = vector.shape_cast %select_n3A_611 : vector<16xi32> to vector<16x1xi32>
        %gather3A_613 = vector.shape_cast %broadcast_in_dim3A_612 : vector<16x1xi32> to vector<16xi32>
        %gather3A_614 = tpu.dynamic_gather %get3A_554[%gather3A_613] in [0] : vector<16xf32>, vector<16xi32> -> vector<16xf32>
        %lt3A_615 = arith.constant 0 : i32
        %lt3A_616 = vector.broadcast %lt3A_615 : i32 to vector<16xi32>
        %lt3A_617 = arith.cmpi slt, %get3A_200, %lt3A_616 : vector<16xi32>
        %add3A_618 = arith.constant 16 : i32
        %add3A_619 = vector.broadcast %add3A_618 : i32 to vector<16xi32>
        %add3A_620 = arith.addi %get3A_200, %add3A_619 : vector<16xi32>
        %select_n3A_621 = arith.select %lt3A_617, %add3A_620, %get3A_200 : vector<16xi1>, vector<16xi32>
        %broadcast_in_dim3A_622 = vector.shape_cast %select_n3A_621 : vector<16xi32> to vector<16x1xi32>
        %gather3A_623 = vector.shape_cast %broadcast_in_dim3A_622 : vector<16x1xi32> to vector<16xi32>
        %gather3A_624 = tpu.dynamic_gather %get3A_554[%gather3A_623] in [0] : vector<16xf32>, vector<16xi32> -> vector<16xf32>
        %lt3A_625 = arith.constant 0 : i32
        %lt3A_626 = vector.broadcast %lt3A_625 : i32 to vector<16xi32>
        %lt3A_627 = arith.cmpi slt, %get3A_202, %lt3A_626 : vector<16xi32>
        %add3A_628 = arith.constant 16 : i32
        %add3A_629 = vector.broadcast %add3A_628 : i32 to vector<16xi32>
        %add3A_630 = arith.addi %get3A_202, %add3A_629 : vector<16xi32>
        %select_n3A_631 = arith.select %lt3A_627, %add3A_630, %get3A_202 : vector<16xi1>, vector<16xi32>
        %broadcast_in_dim3A_632 = vector.shape_cast %select_n3A_631 : vector<16xi32> to vector<16x1xi32>
        %gather3A_633 = vector.shape_cast %broadcast_in_dim3A_632 : vector<16x1xi32> to vector<16xi32>
        %gather3A_634 = tpu.dynamic_gather %get3A_554[%gather3A_633] in [0] : vector<16xf32>, vector<16xi32> -> vector<16xf32>
        %mul3A_635 = arith.constant 4 : i32
        %mul3A_636 = arith.muli %scan3A_284, %mul3A_635 : i32
        %add3A_637 = arith.constant 0 : i32
        %add3A_638 = arith.addi %mul3A_636, %add3A_637 : i32
        %swap3A = arith.index_cast %add3A_638 : i32 to index
        %swap3A_639 = arith.constant 0 : index
        %swap3A_640 = tpu.vector_load %arg8[%swap3A, %swap3A_639] {strides = array<i32>} : memref<64x128xf32, #tpu.memory_space<vmem>>, vector<16xf32>,
        tpu.vector_store %arg8[%swap3A, %swap3A_639], %gather3A_300 {strides = array<i32>} : memref<64x128xf32, #tpu.memory_space<vmem>>, vector<16xf32>,
        %swap3A_641 = arith.index_cast %add3A_638 : i32 to index
        %swap3A_642 = arith.constant 16 : index
        %swap3A_643 = tpu.vector_load %arg8[%swap3A_641, %swap3A_642] {strides = array<i32>} : memref<64x128xf32, #tpu.memory_space<vmem>>, vector<16xf32>,
        tpu.vector_store %arg8[%swap3A_641, %swap3A_642], %gather3A_310 {strides = array<i32>} : memref<64x128xf32, #tpu.memory_space<vmem>>, vector<16xf32>,
        %swap3A_644 = arith.index_cast %add3A_638 : i32 to index
        %swap3A_645 = arith.constant 32 : index
        %swap3A_646 = tpu.vector_load %arg8[%swap3A_644, %swap3A_645] {strides = array<i32>} : memref<64x128xf32, #tpu.memory_space<vmem>>, vector<16xf32>,
        tpu.vector_store %arg8[%swap3A_644, %swap3A_645], %gather3A_320 {strides = array<i32>} : memref<64x128xf32, #tpu.memory_space<vmem>>, vector<16xf32>,
        %swap3A_647 = arith.index_cast %add3A_638 : i32 to index
        %swap3A_648 = arith.constant 48 : index
        %swap3A_649 = tpu.vector_load %arg8[%swap3A_647, %swap3A_648] {strides = array<i32>} : memref<64x128xf32, #tpu.memory_space<vmem>>, vector<16xf32>,
        tpu.vector_store %arg8[%swap3A_647, %swap3A_648], %gather3A_330 {strides = array<i32>} : memref<64x128xf32, #tpu.memory_space<vmem>>, vector<16xf32>,
        %swap3A_650 = arith.index_cast %add3A_638 : i32 to index
        %swap3A_651 = arith.constant 64 : index
        %swap3A_652 = tpu.vector_load %arg8[%swap3A_650, %swap3A_651] {strides = array<i32>} : memref<64x128xf32, #tpu.memory_space<vmem>>, vector<16xf32>,
        tpu.vector_store %arg8[%swap3A_650, %swap3A_651], %gather3A_340 {strides = array<i32>} : memref<64x128xf32, #tpu.memory_space<vmem>>, vector<16xf32>,
        %swap3A_653 = arith.index_cast %add3A_638 : i32 to index
        %swap3A_654 = arith.constant 80 : index
        %swap3A_655 = tpu.vector_load %arg8[%swap3A_653, %swap3A_654] {strides = array<i32>} : memref<64x128xf32, #tpu.memory_space<vmem>>, vector<16xf32>,
        tpu.vector_store %arg8[%swap3A_653, %swap3A_654], %gather3A_350 {strides = array<i32>} : memref<64x128xf32, #tpu.memory_space<vmem>>, vector<16xf32>,
        %swap3A_656 = arith.index_cast %add3A_638 : i32 to index
        %swap3A_657 = arith.constant 96 : index
        %swap3A_658 = tpu.vector_load %arg8[%swap3A_656, %swap3A_657] {strides = array<i32>} : memref<64x128xf32, #tpu.memory_space<vmem>>, vector<16xf32>,
        tpu.vector_store %arg8[%swap3A_656, %swap3A_657], %gather3A_360 {strides = array<i32>} : memref<64x128xf32, #tpu.memory_space<vmem>>, vector<16xf32>,
        %swap3A_659 = arith.index_cast %add3A_638 : i32 to index
        %swap3A_660 = arith.constant 112 : index
        %swap3A_661 = tpu.vector_load %arg8[%swap3A_659, %swap3A_660] {strides = array<i32>} : memref<64x128xf32, #tpu.memory_space<vmem>>, vector<16xf32>,
        tpu.vector_store %arg8[%swap3A_659, %swap3A_660], %gather3A_370 {strides = array<i32>} : memref<64x128xf32, #tpu.memory_space<vmem>>, vector<16xf32>,
        %mul3A_662 = arith.constant 4 : i32
        %mul3A_663 = arith.muli %scan3A_284, %mul3A_662 : i32
        %add3A_664 = arith.constant 1 : i32
        %add3A_665 = arith.addi %mul3A_663, %add3A_664 : i32
        %swap3A_666 = arith.index_cast %add3A_665 : i32 to index
        %swap3A_667 = arith.constant 0 : index
        %swap3A_668 = tpu.vector_load %arg8[%swap3A_666, %swap3A_667] {strides = array<i32>} : memref<64x128xf32, #tpu.memory_space<vmem>>, vector<16xf32>,
        tpu.vector_store %arg8[%swap3A_666, %swap3A_667], %gather3A_388 {strides = array<i32>} : memref<64x128xf32, #tpu.memory_space<vmem>>, vector<16xf32>,
        %swap3A_669 = arith.index_cast %add3A_665 : i32 to index
        %swap3A_670 = arith.constant 16 : index
        %swap3A_671 = tpu.vector_load %arg8[%swap3A_669, %swap3A_670] {strides = array<i32>} : memref<64x128xf32, #tpu.memory_space<vmem>>, vector<16xf32>,
        tpu.vector_store %arg8[%swap3A_669, %swap3A_670], %gather3A_398 {strides = array<i32>} : memref<64x128xf32, #tpu.memory_space<vmem>>, vector<16xf32>,
        %swap3A_672 = arith.index_cast %add3A_665 : i32 to index
        %swap3A_673 = arith.constant 32 : index
        %swap3A_674 = tpu.vector_load %arg8[%swap3A_672, %swap3A_673] {strides = array<i32>} : memref<64x128xf32, #tpu.memory_space<vmem>>, vector<16xf32>,
        tpu.vector_store %arg8[%swap3A_672, %swap3A_673], %gather3A_408 {strides = array<i32>} : memref<64x128xf32, #tpu.memory_space<vmem>>, vector<16xf32>,
        %swap3A_675 = arith.index_cast %add3A_665 : i32 to index
        %swap3A_676 = arith.constant 48 : index
        %swap3A_677 = tpu.vector_load %arg8[%swap3A_675, %swap3A_676] {strides = array<i32>} : memref<64x128xf32, #tpu.memory_space<vmem>>, vector<16xf32>,
        tpu.vector_store %arg8[%swap3A_675, %swap3A_676], %gather3A_418 {strides = array<i32>} : memref<64x128xf32, #tpu.memory_space<vmem>>, vector<16xf32>,
        %swap3A_678 = arith.index_cast %add3A_665 : i32 to index
        %swap3A_679 = arith.constant 64 : index
        %swap3A_680 = tpu.vector_load %arg8[%swap3A_678, %swap3A_679] {strides = array<i32>} : memref<64x128xf32, #tpu.memory_space<vmem>>, vector<16xf32>,
        tpu.vector_store %arg8[%swap3A_678, %swap3A_679], %gather3A_428 {strides = array<i32>} : memref<64x128xf32, #tpu.memory_space<vmem>>, vector<16xf32>,
        %swap3A_681 = arith.index_cast %add3A_665 : i32 to index
        %swap3A_682 = arith.constant 80 : index
        %swap3A_683 = tpu.vector_load %arg8[%swap3A_681, %swap3A_682] {strides = array<i32>} : memref<64x128xf32, #tpu.memory_space<vmem>>, vector<16xf32>,
        tpu.vector_store %arg8[%swap3A_681, %swap3A_682], %gather3A_438 {strides = array<i32>} : memref<64x128xf32, #tpu.memory_space<vmem>>, vector<16xf32>,
        %swap3A_684 = arith.index_cast %add3A_665 : i32 to index
        %swap3A_685 = arith.constant 96 : index
        %swap3A_686 = tpu.vector_load %arg8[%swap3A_684, %swap3A_685] {strides = array<i32>} : memref<64x128xf32, #tpu.memory_space<vmem>>, vector<16xf32>,
        tpu.vector_store %arg8[%swap3A_684, %swap3A_685], %gather3A_448 {strides = array<i32>} : memref<64x128xf32, #tpu.memory_space<vmem>>, vector<16xf32>,
        %swap3A_687 = arith.index_cast %add3A_665 : i32 to index
        %swap3A_688 = arith.constant 112 : index
        %swap3A_689 = tpu.vector_load %arg8[%swap3A_687, %swap3A_688] {strides = array<i32>} : memref<64x128xf32, #tpu.memory_space<vmem>>, vector<16xf32>,
        tpu.vector_store %arg8[%swap3A_687, %swap3A_688], %gather3A_458 {strides = array<i32>} : memref<64x128xf32, #tpu.memory_space<vmem>>, vector<16xf32>,
        %mul3A_690 = arith.constant 4 : i32
        %mul3A_691 = arith.muli %scan3A_284, %mul3A_690 : i32
        %add3A_692 = arith.constant 2 : i32
        %add3A_693 = arith.addi %mul3A_691, %add3A_692 : i32
        %swap3A_694 = arith.index_cast %add3A_693 : i32 to index
        %swap3A_695 = arith.constant 0 : index
        %swap3A_696 = tpu.vector_load %arg8[%swap3A_694, %swap3A_695] {strides = array<i32>} : memref<64x128xf32, #tpu.memory_space<vmem>>, vector<16xf32>,
        tpu.vector_store %arg8[%swap3A_694, %swap3A_695], %gather3A_476 {strides = array<i32>} : memref<64x128xf32, #tpu.memory_space<vmem>>, vector<16xf32>,
        %swap3A_697 = arith.index_cast %add3A_693 : i32 to index
        %swap3A_698 = arith.constant 16 : index
        %swap3A_699 = tpu.vector_load %arg8[%swap3A_697, %swap3A_698] {strides = array<i32>} : memref<64x128xf32, #tpu.memory_space<vmem>>, vector<16xf32>,
        tpu.vector_store %arg8[%swap3A_697, %swap3A_698], %gather3A_486 {strides = array<i32>} : memref<64x128xf32, #tpu.memory_space<vmem>>, vector<16xf32>,
        %swap3A_700 = arith.index_cast %add3A_693 : i32 to index
        %swap3A_701 = arith.constant 32 : index
        %swap3A_702 = tpu.vector_load %arg8[%swap3A_700, %swap3A_701] {strides = array<i32>} : memref<64x128xf32, #tpu.memory_space<vmem>>, vector<16xf32>,
        tpu.vector_store %arg8[%swap3A_700, %swap3A_701], %gather3A_496 {strides = array<i32>} : memref<64x128xf32, #tpu.memory_space<vmem>>, vector<16xf32>,
        %swap3A_703 = arith.index_cast %add3A_693 : i32 to index
        %swap3A_704 = arith.constant 48 : index
        %swap3A_705 = tpu.vector_load %arg8[%swap3A_703, %swap3A_704] {strides = array<i32>} : memref<64x128xf32, #tpu.memory_space<vmem>>, vector<16xf32>,
        tpu.vector_store %arg8[%swap3A_703, %swap3A_704], %gather3A_506 {strides = array<i32>} : memref<64x128xf32, #tpu.memory_space<vmem>>, vector<16xf32>,
        %swap3A_706 = arith.index_cast %add3A_693 : i32 to index
        %swap3A_707 = arith.constant 64 : index
        %swap3A_708 = tpu.vector_load %arg8[%swap3A_706, %swap3A_707] {strides = array<i32>} : memref<64x128xf32, #tpu.memory_space<vmem>>, vector<16xf32>,
        tpu.vector_store %arg8[%swap3A_706, %swap3A_707], %gather3A_516 {strides = array<i32>} : memref<64x128xf32, #tpu.memory_space<vmem>>, vector<16xf32>,
        %swap3A_709 = arith.index_cast %add3A_693 : i32 to index
        %swap3A_710 = arith.constant 80 : index
        %swap3A_711 = tpu.vector_load %arg8[%swap3A_709, %swap3A_710] {strides = array<i32>} : memref<64x128xf32, #tpu.memory_space<vmem>>, vector<16xf32>,
        tpu.vector_store %arg8[%swap3A_709, %swap3A_710], %gather3A_526 {strides = array<i32>} : memref<64x128xf32, #tpu.memory_space<vmem>>, vector<16xf32>,
        %swap3A_712 = arith.index_cast %add3A_693 : i32 to index
        %swap3A_713 = arith.constant 96 : index
        %swap3A_714 = tpu.vector_load %arg8[%swap3A_712, %swap3A_713] {strides = array<i32>} : memref<64x128xf32, #tpu.memory_space<vmem>>, vector<16xf32>,
        tpu.vector_store %arg8[%swap3A_712, %swap3A_713], %gather3A_536 {strides = array<i32>} : memref<64x128xf32, #tpu.memory_space<vmem>>, vector<16xf32>,
        %swap3A_715 = arith.index_cast %add3A_693 : i32 to index
        %swap3A_716 = arith.constant 112 : index
        %swap3A_717 = tpu.vector_load %arg8[%swap3A_715, %swap3A_716] {strides = array<i32>} : memref<64x128xf32, #tpu.memory_space<vmem>>, vector<16xf32>,
        tpu.vector_store %arg8[%swap3A_715, %swap3A_716], %gather3A_546 {strides = array<i32>} : memref<64x128xf32, #tpu.memory_space<vmem>>, vector<16xf32>,
        %mul3A_718 = arith.constant 4 : i32
        %mul3A_719 = arith.muli %scan3A_284, %mul3A_718 : i32
        %add3A_720 = arith.constant 3 : i32
        %add3A_721 = arith.addi %mul3A_719, %add3A_720 : i32
        %swap3A_722 = arith.index_cast %add3A_721 : i32 to index
        %swap3A_723 = arith.constant 0 : index
        %swap3A_724 = tpu.vector_load %arg8[%swap3A_722, %swap3A_723] {strides = array<i32>} : memref<64x128xf32, #tpu.memory_space<vmem>>, vector<16xf32>,
        tpu.vector_store %arg8[%swap3A_722, %swap3A_723], %gather3A_564 {strides = array<i32>} : memref<64x128xf32, #tpu.memory_space<vmem>>, vector<16xf32>,
        %swap3A_725 = arith.index_cast %add3A_721 : i32 to index
        %swap3A_726 = arith.constant 16 : index
        %swap3A_727 = tpu.vector_load %arg8[%swap3A_725, %swap3A_726] {strides = array<i32>} : memref<64x128xf32, #tpu.memory_space<vmem>>, vector<16xf32>,
        tpu.vector_store %arg8[%swap3A_725, %swap3A_726], %gather3A_574 {strides = array<i32>} : memref<64x128xf32, #tpu.memory_space<vmem>>, vector<16xf32>,
        %swap3A_728 = arith.index_cast %add3A_721 : i32 to index
        %swap3A_729 = arith.constant 32 : index
        %swap3A_730 = tpu.vector_load %arg8[%swap3A_728, %swap3A_729] {strides = array<i32>} : memref<64x128xf32, #tpu.memory_space<vmem>>, vector<16xf32>,
        tpu.vector_store %arg8[%swap3A_728, %swap3A_729], %gather3A_584 {strides = array<i32>} : memref<64x128xf32, #tpu.memory_space<vmem>>, vector<16xf32>,
        %swap3A_731 = arith.index_cast %add3A_721 : i32 to index
        %swap3A_732 = arith.constant 48 : index
        %swap3A_733 = tpu.vector_load %arg8[%swap3A_731, %swap3A_732] {strides = array<i32>} : memref<64x128xf32, #tpu.memory_space<vmem>>, vector<16xf32>,
        tpu.vector_store %arg8[%swap3A_731, %swap3A_732], %gather3A_594 {strides = array<i32>} : memref<64x128xf32, #tpu.memory_space<vmem>>, vector<16xf32>,
        %swap3A_734 = arith.index_cast %add3A_721 : i32 to index
        %swap3A_735 = arith.constant 64 : index
        %swap3A_736 = tpu.vector_load %arg8[%swap3A_734, %swap3A_735] {strides = array<i32>} : memref<64x128xf32, #tpu.memory_space<vmem>>, vector<16xf32>,
        tpu.vector_store %arg8[%swap3A_734, %swap3A_735], %gather3A_604 {strides = array<i32>} : memref<64x128xf32, #tpu.memory_space<vmem>>, vector<16xf32>,
        %swap3A_737 = arith.index_cast %add3A_721 : i32 to index
        %swap3A_738 = arith.constant 80 : index
        %swap3A_739 = tpu.vector_load %arg8[%swap3A_737, %swap3A_738] {strides = array<i32>} : memref<64x128xf32, #tpu.memory_space<vmem>>, vector<16xf32>,
        tpu.vector_store %arg8[%swap3A_737, %swap3A_738], %gather3A_614 {strides = array<i32>} : memref<64x128xf32, #tpu.memory_space<vmem>>, vector<16xf32>,
        %swap3A_740 = arith.index_cast %add3A_721 : i32 to index
        %swap3A_741 = arith.constant 96 : index
        %swap3A_742 = tpu.vector_load %arg8[%swap3A_740, %swap3A_741] {strides = array<i32>} : memref<64x128xf32, #tpu.memory_space<vmem>>, vector<16xf32>,
        tpu.vector_store %arg8[%swap3A_740, %swap3A_741], %gather3A_624 {strides = array<i32>} : memref<64x128xf32, #tpu.memory_space<vmem>>, vector<16xf32>,
        %swap3A_743 = arith.index_cast %add3A_721 : i32 to index
        %swap3A_744 = arith.constant 112 : index
        %swap3A_745 = tpu.vector_load %arg8[%swap3A_743, %swap3A_744] {strides = array<i32>} : memref<64x128xf32, #tpu.memory_space<vmem>>, vector<16xf32>,
        tpu.vector_store %arg8[%swap3A_743, %swap3A_744], %gather3A_634 {strides = array<i32>} : memref<64x128xf32, #tpu.memory_space<vmem>>, vector<16xf32>,
      }
      %scan3A_220 = arith.constant 16 : i32
      %mul3A_221 = arith.constant 128 : i32
      %mul3A_222 = arith.muli %add3A_176, %mul3A_221 : i32
      %dma_start3A_223 = arith.constant 0 : i32
      %dma_start3A_224 = tpu.memref_slice %arg4[%dma_start3A_223, %mul3A_222] : memref<64x800000xf32, #tpu.memory_space<hbm>> -> memref<64x128xf32, #tpu.memory_space<hbm>>
      %dma_start3A_225 = arith.constant 0 : i32
      %dma_start3A_226 = tpu.memref_slice %arg4[%dma_start3A_225, %mul3A_222] : memref<64x800000xf32, #tpu.memory_space<hbm>> -> memref<64x128xf32, #tpu.memory_space<hbm>>
      tpu.enqueue_dma source(%arg8 : memref<64x128xf32, #tpu.memory_space<vmem>>) target(%dma_start3A_226 : memref<64x128xf32, #tpu.memory_space<hbm>>) target_semaphore(%arg10 : memref<!tpu.dma_semaphore, #tpu.memory_space<semaphore_mem>>)
      %mul3A_227 = arith.constant 2 : i32
      %mul3A_228 = arith.muli %mul3A_227, %scan3A_171 : i32
      %add3A_229 = arith.constant 1 : i32
      %add3A_230 = arith.addi %mul3A_228, %add3A_229 : i32
      %mul3A_231 = arith.constant 32 : i32
      %mul3A_232 = arith.muli %mul3A_231, %add3A_230 : i32
      %add3A_233 = arith.addi %add3A, %mul3A_232 : i32
      %mul3A_234 = arith.constant 128 : i32
      %mul3A_235 = arith.muli %add3A_233, %mul3A_234 : i32
      %dma_wait3A_236 = arith.constant 0 : i32
      %dma_wait3A_237 = tpu.memref_slice %arg4[%dma_wait3A_236, %mul3A_235] : memref<64x800000xf32, #tpu.memory_space<hbm>> -> memref<64x128xf32, #tpu.memory_space<hbm>>
      %dma_wait3A_238 = arith.constant 0 : i32
      %dma_wait3A_239 = tpu.memref_slice %arg4[%dma_wait3A_238, %mul3A_235] : memref<64x800000xf32, #tpu.memory_space<hbm>> -> memref<64x128xf32, #tpu.memory_space<hbm>>
      tpu.wait_dma2 semaphore(%arg11 : memref<!tpu.dma_semaphore, #tpu.memory_space<semaphore_mem>>) src(%arg9 : memref<64x128xf32, #tpu.memory_space<vmem>>) dst(%dma_wait3A_239 : memref<64x128xf32, #tpu.memory_space<hbm>>)
      %mul3A_240 = arith.constant 128 : i32
      %mul3A_241 = arith.muli %add3A_233, %mul3A_240 : i32
      %dma_wait3A_242 = tpu.memref_slice %arg2[%mul3A_241] : memref<800000xi32, #tpu.memory_space<hbm>> -> memref<128xi32, #tpu.memory_space<hbm>>
      %dma_wait3A_243 = tpu.memref_slice %arg2[%mul3A_241] : memref<800000xi32, #tpu.memory_space<hbm>> -> memref<128xi32, #tpu.memory_space<hbm>>
      tpu.wait_dma2 semaphore(%arg13 : memref<!tpu.dma_semaphore, #tpu.memory_space<semaphore_mem>>) src(%dma_wait3A_243 : memref<128xi32, #tpu.memory_space<hbm>>) dst(%arg7 : memref<128xi32, #tpu.memory_space<vmem>>)
      %get3A_244 = arith.constant 0 : index
      %get3A_245 = tpu.vector_load %arg7[%get3A_244] {strides = array<i32>} : memref<128xi32, #tpu.memory_space<vmem>>, vector<16xi32>,
      %get3A_246 = arith.constant 16 : index
      %get3A_247 = tpu.vector_load %arg7[%get3A_246] {strides = array<i32>} : memref<128xi32, #tpu.memory_space<vmem>>, vector<16xi32>,
      %get3A_248 = arith.constant 32 : index
      %get3A_249 = tpu.vector_load %arg7[%get3A_248] {strides = array<i32>} : memref<128xi32, #tpu.memory_space<vmem>>, vector<16xi32>,
      %get3A_250 = arith.constant 48 : index
      %get3A_251 = tpu.vector_load %arg7[%get3A_250] {strides = array<i32>} : memref<128xi32, #tpu.memory_space<vmem>>, vector<16xi32>,
      %get3A_252 = arith.constant 64 : index
      %get3A_253 = tpu.vector_load %arg7[%get3A_252] {strides = array<i32>} : memref<128xi32, #tpu.memory_space<vmem>>, vector<16xi32>,
      %get3A_254 = arith.constant 80 : index
      %get3A_255 = tpu.vector_load %arg7[%get3A_254] {strides = array<i32>} : memref<128xi32, #tpu.memory_space<vmem>>, vector<16xi32>,
      %get3A_256 = arith.constant 96 : index
      %get3A_257 = tpu.vector_load %arg7[%get3A_256] {strides = array<i32>} : memref<128xi32, #tpu.memory_space<vmem>>, vector<16xi32>,
      %get3A_258 = arith.constant 112 : index
      %get3A_259 = tpu.vector_load %arg7[%get3A_258] {strides = array<i32>} : memref<128xi32, #tpu.memory_space<vmem>>, vector<16xi32>,
      %add3A_260 = arith.constant 64 : i32
      %add3A_261 = arith.addi %add3A_233, %add3A_260 : i32
      %lt3A_262 = arith.constant 6250 : i32
      %lt3A_263 = arith.cmpi slt, %add3A_261, %lt3A_262 : i32
      %add3A_264 = arith.constant 64 : i32
      %add3A_265 = arith.addi %add3A_233, %add3A_264 : i32
      %jit3A_266 = arith.constant 0 : i32
      %select_n3A_267 = arith.select %lt3A_263, %add3A_265, %jit3A_266 : i32
      %mul3A_268 = arith.constant 128 : i32
      %mul3A_269 = arith.muli %select_n3A_267, %mul3A_268 : i32
      %dma_start3A_270 = tpu.memref_slice %arg2[%mul3A_269] : memref<800000xi32, #tpu.memory_space<hbm>> -> memref<128xi32, #tpu.memory_space<hbm>>
      %dma_start3A_271 = tpu.memref_slice %arg2[%mul3A_269] : memref<800000xi32, #tpu.memory_space<hbm>> -> memref<128xi32, #tpu.memory_space<hbm>>
      tpu.enqueue_dma source(%dma_start3A_271 : memref<128xi32, #tpu.memory_space<hbm>>) target(%arg7 : memref<128xi32, #tpu.memory_space<vmem>>) target_semaphore(%arg13 : memref<!tpu.dma_semaphore, #tpu.memory_space<semaphore_mem>>)
      %scan3A_272 = arith.constant 0 : i32
      %scan3A_273 = arith.constant 0 : i32
      %scan3A_274 = arith.constant 16 : i32
      %scan3A_275 = arith.addi %scan3A_273, %scan3A_274 : i32
      %scan3A_276 = arith.constant 1 : i32
      scf.for %scan3A_284 = %scan3A_273 to %scan3A_275 step %scan3A_276  : i32 {
        %mul3A_285 = arith.constant 4 : i32
        %mul3A_286 = arith.muli %scan3A_284, %mul3A_285 : i32
        %add3A_287 = arith.constant 0 : i32
        %add3A_288 = arith.addi %mul3A_286, %add3A_287 : i32
        %mul3A_289 = arith.constant 16 : i32
        %mul3A_290 = arith.muli %add3A_288, %mul3A_289 : i32
        %get3A_291 = arith.index_cast %mul3A_290 : i32 to index
        %get3A_292 = tpu.vector_load %arg5[%get3A_291] {strides = array<i32>} : memref<1024xf32, #tpu.memory_space<vmem>>, vector<16xf32>,
        %lt3A_293 = arith.constant 0 : i32
        %lt3A_294 = vector.broadcast %lt3A_293 : i32 to vector<16xi32>
        %lt3A_295 = arith.cmpi slt, %get3A_245, %lt3A_294 : vector<16xi32>
        %add3A_296 = arith.constant 16 : i32
        %add3A_297 = vector.broadcast %add3A_296 : i32 to vector<16xi32>
        %add3A_298 = arith.addi %get3A_245, %add3A_297 : vector<16xi32>
        %select_n3A_299 = arith.select %lt3A_295, %add3A_298, %get3A_245 : vector<16xi1>, vector<16xi32>
        %broadcast_in_dim3A = vector.shape_cast %select_n3A_299 : vector<16xi32> to vector<16x1xi32>
        %gather3A = vector.shape_cast %broadcast_in_dim3A : vector<16x1xi32> to vector<16xi32>
        %gather3A_300 = tpu.dynamic_gather %get3A_292[%gather3A] in [0] : vector<16xf32>, vector<16xi32> -> vector<16xf32>
        %lt3A_301 = arith.constant 0 : i32
        %lt3A_302 = vector.broadcast %lt3A_301 : i32 to vector<16xi32>
        %lt3A_303 = arith.cmpi slt, %get3A_247, %lt3A_302 : vector<16xi32>
        %add3A_304 = arith.constant 16 : i32
        %add3A_305 = vector.broadcast %add3A_304 : i32 to vector<16xi32>
        %add3A_306 = arith.addi %get3A_247, %add3A_305 : vector<16xi32>
        %select_n3A_307 = arith.select %lt3A_303, %add3A_306, %get3A_247 : vector<16xi1>, vector<16xi32>
        %broadcast_in_dim3A_308 = vector.shape_cast %select_n3A_307 : vector<16xi32> to vector<16x1xi32>
        %gather3A_309 = vector.shape_cast %broadcast_in_dim3A_308 : vector<16x1xi32> to vector<16xi32>
        %gather3A_310 = tpu.dynamic_gather %get3A_292[%gather3A_309] in [0] : vector<16xf32>, vector<16xi32> -> vector<16xf32>
        %lt3A_311 = arith.constant 0 : i32
        %lt3A_312 = vector.broadcast %lt3A_311 : i32 to vector<16xi32>
        %lt3A_313 = arith.cmpi slt, %get3A_249, %lt3A_312 : vector<16xi32>
        %add3A_314 = arith.constant 16 : i32
        %add3A_315 = vector.broadcast %add3A_314 : i32 to vector<16xi32>
        %add3A_316 = arith.addi %get3A_249, %add3A_315 : vector<16xi32>
        %select_n3A_317 = arith.select %lt3A_313, %add3A_316, %get3A_249 : vector<16xi1>, vector<16xi32>
        %broadcast_in_dim3A_318 = vector.shape_cast %select_n3A_317 : vector<16xi32> to vector<16x1xi32>
        %gather3A_319 = vector.shape_cast %broadcast_in_dim3A_318 : vector<16x1xi32> to vector<16xi32>
        %gather3A_320 = tpu.dynamic_gather %get3A_292[%gather3A_319] in [0] : vector<16xf32>, vector<16xi32> -> vector<16xf32>
        %lt3A_321 = arith.constant 0 : i32
        %lt3A_322 = vector.broadcast %lt3A_321 : i32 to vector<16xi32>
        %lt3A_323 = arith.cmpi slt, %get3A_251, %lt3A_322 : vector<16xi32>
        %add3A_324 = arith.constant 16 : i32
        %add3A_325 = vector.broadcast %add3A_324 : i32 to vector<16xi32>
        %add3A_326 = arith.addi %get3A_251, %add3A_325 : vector<16xi32>
        %select_n3A_327 = arith.select %lt3A_323, %add3A_326, %get3A_251 : vector<16xi1>, vector<16xi32>
        %broadcast_in_dim3A_328 = vector.shape_cast %select_n3A_327 : vector<16xi32> to vector<16x1xi32>
        %gather3A_329 = vector.shape_cast %broadcast_in_dim3A_328 : vector<16x1xi32> to vector<16xi32>
        %gather3A_330 = tpu.dynamic_gather %get3A_292[%gather3A_329] in [0] : vector<16xf32>, vector<16xi32> -> vector<16xf32>
        %lt3A_331 = arith.constant 0 : i32
        %lt3A_332 = vector.broadcast %lt3A_331 : i32 to vector<16xi32>
        %lt3A_333 = arith.cmpi slt, %get3A_253, %lt3A_332 : vector<16xi32>
        %add3A_334 = arith.constant 16 : i32
        %add3A_335 = vector.broadcast %add3A_334 : i32 to vector<16xi32>
        %add3A_336 = arith.addi %get3A_253, %add3A_335 : vector<16xi32>
        %select_n3A_337 = arith.select %lt3A_333, %add3A_336, %get3A_253 : vector<16xi1>, vector<16xi32>
        %broadcast_in_dim3A_338 = vector.shape_cast %select_n3A_337 : vector<16xi32> to vector<16x1xi32>
        %gather3A_339 = vector.shape_cast %broadcast_in_dim3A_338 : vector<16x1xi32> to vector<16xi32>
        %gather3A_340 = tpu.dynamic_gather %get3A_292[%gather3A_339] in [0] : vector<16xf32>, vector<16xi32> -> vector<16xf32>
        %lt3A_341 = arith.constant 0 : i32
        %lt3A_342 = vector.broadcast %lt3A_341 : i32 to vector<16xi32>
        %lt3A_343 = arith.cmpi slt, %get3A_255, %lt3A_342 : vector<16xi32>
        %add3A_344 = arith.constant 16 : i32
        %add3A_345 = vector.broadcast %add3A_344 : i32 to vector<16xi32>
        %add3A_346 = arith.addi %get3A_255, %add3A_345 : vector<16xi32>
        %select_n3A_347 = arith.select %lt3A_343, %add3A_346, %get3A_255 : vector<16xi1>, vector<16xi32>
        %broadcast_in_dim3A_348 = vector.shape_cast %select_n3A_347 : vector<16xi32> to vector<16x1xi32>
        %gather3A_349 = vector.shape_cast %broadcast_in_dim3A_348 : vector<16x1xi32> to vector<16xi32>
        %gather3A_350 = tpu.dynamic_gather %get3A_292[%gather3A_349] in [0] : vector<16xf32>, vector<16xi32> -> vector<16xf32>
        %lt3A_351 = arith.constant 0 : i32
        %lt3A_352 = vector.broadcast %lt3A_351 : i32 to vector<16xi32>
        %lt3A_353 = arith.cmpi slt, %get3A_257, %lt3A_352 : vector<16xi32>
        %add3A_354 = arith.constant 16 : i32
        %add3A_355 = vector.broadcast %add3A_354 : i32 to vector<16xi32>
        %add3A_356 = arith.addi %get3A_257, %add3A_355 : vector<16xi32>
        %select_n3A_357 = arith.select %lt3A_353, %add3A_356, %get3A_257 : vector<16xi1>, vector<16xi32>
        %broadcast_in_dim3A_358 = vector.shape_cast %select_n3A_357 : vector<16xi32> to vector<16x1xi32>
        %gather3A_359 = vector.shape_cast %broadcast_in_dim3A_358 : vector<16x1xi32> to vector<16xi32>
        %gather3A_360 = tpu.dynamic_gather %get3A_292[%gather3A_359] in [0] : vector<16xf32>, vector<16xi32> -> vector<16xf32>
        %lt3A_361 = arith.constant 0 : i32
        %lt3A_362 = vector.broadcast %lt3A_361 : i32 to vector<16xi32>
        %lt3A_363 = arith.cmpi slt, %get3A_259, %lt3A_362 : vector<16xi32>
        %add3A_364 = arith.constant 16 : i32
        %add3A_365 = vector.broadcast %add3A_364 : i32 to vector<16xi32>
        %add3A_366 = arith.addi %get3A_259, %add3A_365 : vector<16xi32>
        %select_n3A_367 = arith.select %lt3A_363, %add3A_366, %get3A_259 : vector<16xi1>, vector<16xi32>
        %broadcast_in_dim3A_368 = vector.shape_cast %select_n3A_367 : vector<16xi32> to vector<16x1xi32>
        %gather3A_369 = vector.shape_cast %broadcast_in_dim3A_368 : vector<16x1xi32> to vector<16xi32>
        %gather3A_370 = tpu.dynamic_gather %get3A_292[%gather3A_369] in [0] : vector<16xf32>, vector<16xi32> -> vector<16xf32>
        %mul3A_371 = arith.constant 4 : i32
        %mul3A_372 = arith.muli %scan3A_284, %mul3A_371 : i32
        %add3A_373 = arith.constant 1 : i32
        %add3A_374 = arith.addi %mul3A_372, %add3A_373 : i32
        %mul3A_375 = arith.constant 16 : i32
        %mul3A_376 = arith.muli %add3A_374, %mul3A_375 : i32
        %get3A_377 = arith.index_cast %mul3A_376 : i32 to index
        %get3A_378 = tpu.vector_load %arg5[%get3A_377] {strides = array<i32>} : memref<1024xf32, #tpu.memory_space<vmem>>, vector<16xf32>,
        %lt3A_379 = arith.constant 0 : i32
        %lt3A_380 = vector.broadcast %lt3A_379 : i32 to vector<16xi32>
        %lt3A_381 = arith.cmpi slt, %get3A_245, %lt3A_380 : vector<16xi32>
        %add3A_382 = arith.constant 16 : i32
        %add3A_383 = vector.broadcast %add3A_382 : i32 to vector<16xi32>
        %add3A_384 = arith.addi %get3A_245, %add3A_383 : vector<16xi32>
        %select_n3A_385 = arith.select %lt3A_381, %add3A_384, %get3A_245 : vector<16xi1>, vector<16xi32>
        %broadcast_in_dim3A_386 = vector.shape_cast %select_n3A_385 : vector<16xi32> to vector<16x1xi32>
        %gather3A_387 = vector.shape_cast %broadcast_in_dim3A_386 : vector<16x1xi32> to vector<16xi32>
        %gather3A_388 = tpu.dynamic_gather %get3A_378[%gather3A_387] in [0] : vector<16xf32>, vector<16xi32> -> vector<16xf32>
        %lt3A_389 = arith.constant 0 : i32
        %lt3A_390 = vector.broadcast %lt3A_389 : i32 to vector<16xi32>
        %lt3A_391 = arith.cmpi slt, %get3A_247, %lt3A_390 : vector<16xi32>
        %add3A_392 = arith.constant 16 : i32
        %add3A_393 = vector.broadcast %add3A_392 : i32 to vector<16xi32>
        %add3A_394 = arith.addi %get3A_247, %add3A_393 : vector<16xi32>
        %select_n3A_395 = arith.select %lt3A_391, %add3A_394, %get3A_247 : vector<16xi1>, vector<16xi32>
        %broadcast_in_dim3A_396 = vector.shape_cast %select_n3A_395 : vector<16xi32> to vector<16x1xi32>
        %gather3A_397 = vector.shape_cast %broadcast_in_dim3A_396 : vector<16x1xi32> to vector<16xi32>
        %gather3A_398 = tpu.dynamic_gather %get3A_378[%gather3A_397] in [0] : vector<16xf32>, vector<16xi32> -> vector<16xf32>
        %lt3A_399 = arith.constant 0 : i32
        %lt3A_400 = vector.broadcast %lt3A_399 : i32 to vector<16xi32>
        %lt3A_401 = arith.cmpi slt, %get3A_249, %lt3A_400 : vector<16xi32>
        %add3A_402 = arith.constant 16 : i32
        %add3A_403 = vector.broadcast %add3A_402 : i32 to vector<16xi32>
        %add3A_404 = arith.addi %get3A_249, %add3A_403 : vector<16xi32>
        %select_n3A_405 = arith.select %lt3A_401, %add3A_404, %get3A_249 : vector<16xi1>, vector<16xi32>
        %broadcast_in_dim3A_406 = vector.shape_cast %select_n3A_405 : vector<16xi32> to vector<16x1xi32>
        %gather3A_407 = vector.shape_cast %broadcast_in_dim3A_406 : vector<16x1xi32> to vector<16xi32>
        %gather3A_408 = tpu.dynamic_gather %get3A_378[%gather3A_407] in [0] : vector<16xf32>, vector<16xi32> -> vector<16xf32>
        %lt3A_409 = arith.constant 0 : i32
        %lt3A_410 = vector.broadcast %lt3A_409 : i32 to vector<16xi32>
        %lt3A_411 = arith.cmpi slt, %get3A_251, %lt3A_410 : vector<16xi32>
        %add3A_412 = arith.constant 16 : i32
        %add3A_413 = vector.broadcast %add3A_412 : i32 to vector<16xi32>
        %add3A_414 = arith.addi %get3A_251, %add3A_413 : vector<16xi32>
        %select_n3A_415 = arith.select %lt3A_411, %add3A_414, %get3A_251 : vector<16xi1>, vector<16xi32>
        %broadcast_in_dim3A_416 = vector.shape_cast %select_n3A_415 : vector<16xi32> to vector<16x1xi32>
        %gather3A_417 = vector.shape_cast %broadcast_in_dim3A_416 : vector<16x1xi32> to vector<16xi32>
        %gather3A_418 = tpu.dynamic_gather %get3A_378[%gather3A_417] in [0] : vector<16xf32>, vector<16xi32> -> vector<16xf32>
        %lt3A_419 = arith.constant 0 : i32
        %lt3A_420 = vector.broadcast %lt3A_419 : i32 to vector<16xi32>
        %lt3A_421 = arith.cmpi slt, %get3A_253, %lt3A_420 : vector<16xi32>
        %add3A_422 = arith.constant 16 : i32
        %add3A_423 = vector.broadcast %add3A_422 : i32 to vector<16xi32>
        %add3A_424 = arith.addi %get3A_253, %add3A_423 : vector<16xi32>
        %select_n3A_425 = arith.select %lt3A_421, %add3A_424, %get3A_253 : vector<16xi1>, vector<16xi32>
        %broadcast_in_dim3A_426 = vector.shape_cast %select_n3A_425 : vector<16xi32> to vector<16x1xi32>
        %gather3A_427 = vector.shape_cast %broadcast_in_dim3A_426 : vector<16x1xi32> to vector<16xi32>
        %gather3A_428 = tpu.dynamic_gather %get3A_378[%gather3A_427] in [0] : vector<16xf32>, vector<16xi32> -> vector<16xf32>
        %lt3A_429 = arith.constant 0 : i32
        %lt3A_430 = vector.broadcast %lt3A_429 : i32 to vector<16xi32>
        %lt3A_431 = arith.cmpi slt, %get3A_255, %lt3A_430 : vector<16xi32>
        %add3A_432 = arith.constant 16 : i32
        %add3A_433 = vector.broadcast %add3A_432 : i32 to vector<16xi32>
        %add3A_434 = arith.addi %get3A_255, %add3A_433 : vector<16xi32>
        %select_n3A_435 = arith.select %lt3A_431, %add3A_434, %get3A_255 : vector<16xi1>, vector<16xi32>
        %broadcast_in_dim3A_436 = vector.shape_cast %select_n3A_435 : vector<16xi32> to vector<16x1xi32>
        %gather3A_437 = vector.shape_cast %broadcast_in_dim3A_436 : vector<16x1xi32> to vector<16xi32>
        %gather3A_438 = tpu.dynamic_gather %get3A_378[%gather3A_437] in [0] : vector<16xf32>, vector<16xi32> -> vector<16xf32>
        %lt3A_439 = arith.constant 0 : i32
        %lt3A_440 = vector.broadcast %lt3A_439 : i32 to vector<16xi32>
        %lt3A_441 = arith.cmpi slt, %get3A_257, %lt3A_440 : vector<16xi32>
        %add3A_442 = arith.constant 16 : i32
        %add3A_443 = vector.broadcast %add3A_442 : i32 to vector<16xi32>
        %add3A_444 = arith.addi %get3A_257, %add3A_443 : vector<16xi32>
        %select_n3A_445 = arith.select %lt3A_441, %add3A_444, %get3A_257 : vector<16xi1>, vector<16xi32>
        %broadcast_in_dim3A_446 = vector.shape_cast %select_n3A_445 : vector<16xi32> to vector<16x1xi32>
        %gather3A_447 = vector.shape_cast %broadcast_in_dim3A_446 : vector<16x1xi32> to vector<16xi32>
        %gather3A_448 = tpu.dynamic_gather %get3A_378[%gather3A_447] in [0] : vector<16xf32>, vector<16xi32> -> vector<16xf32>
        %lt3A_449 = arith.constant 0 : i32
        %lt3A_450 = vector.broadcast %lt3A_449 : i32 to vector<16xi32>
        %lt3A_451 = arith.cmpi slt, %get3A_259, %lt3A_450 : vector<16xi32>
        %add3A_452 = arith.constant 16 : i32
        %add3A_453 = vector.broadcast %add3A_452 : i32 to vector<16xi32>
        %add3A_454 = arith.addi %get3A_259, %add3A_453 : vector<16xi32>
        %select_n3A_455 = arith.select %lt3A_451, %add3A_454, %get3A_259 : vector<16xi1>, vector<16xi32>
        %broadcast_in_dim3A_456 = vector.shape_cast %select_n3A_455 : vector<16xi32> to vector<16x1xi32>
        %gather3A_457 = vector.shape_cast %broadcast_in_dim3A_456 : vector<16x1xi32> to vector<16xi32>
        %gather3A_458 = tpu.dynamic_gather %get3A_378[%gather3A_457] in [0] : vector<16xf32>, vector<16xi32> -> vector<16xf32>
        %mul3A_459 = arith.constant 4 : i32
        %mul3A_460 = arith.muli %scan3A_284, %mul3A_459 : i32
        %add3A_461 = arith.constant 2 : i32
        %add3A_462 = arith.addi %mul3A_460, %add3A_461 : i32
        %mul3A_463 = arith.constant 16 : i32
        %mul3A_464 = arith.muli %add3A_462, %mul3A_463 : i32
        %get3A_465 = arith.index_cast %mul3A_464 : i32 to index
        %get3A_466 = tpu.vector_load %arg5[%get3A_465] {strides = array<i32>} : memref<1024xf32, #tpu.memory_space<vmem>>, vector<16xf32>,
        %lt3A_467 = arith.constant 0 : i32
        %lt3A_468 = vector.broadcast %lt3A_467 : i32 to vector<16xi32>
        %lt3A_469 = arith.cmpi slt, %get3A_245, %lt3A_468 : vector<16xi32>
        %add3A_470 = arith.constant 16 : i32
        %add3A_471 = vector.broadcast %add3A_470 : i32 to vector<16xi32>
        %add3A_472 = arith.addi %get3A_245, %add3A_471 : vector<16xi32>
        %select_n3A_473 = arith.select %lt3A_469, %add3A_472, %get3A_245 : vector<16xi1>, vector<16xi32>
        %broadcast_in_dim3A_474 = vector.shape_cast %select_n3A_473 : vector<16xi32> to vector<16x1xi32>
        %gather3A_475 = vector.shape_cast %broadcast_in_dim3A_474 : vector<16x1xi32> to vector<16xi32>
        %gather3A_476 = tpu.dynamic_gather %get3A_466[%gather3A_475] in [0] : vector<16xf32>, vector<16xi32> -> vector<16xf32>
        %lt3A_477 = arith.constant 0 : i32
        %lt3A_478 = vector.broadcast %lt3A_477 : i32 to vector<16xi32>
        %lt3A_479 = arith.cmpi slt, %get3A_247, %lt3A_478 : vector<16xi32>
        %add3A_480 = arith.constant 16 : i32
        %add3A_481 = vector.broadcast %add3A_480 : i32 to vector<16xi32>
        %add3A_482 = arith.addi %get3A_247, %add3A_481 : vector<16xi32>
        %select_n3A_483 = arith.select %lt3A_479, %add3A_482, %get3A_247 : vector<16xi1>, vector<16xi32>
        %broadcast_in_dim3A_484 = vector.shape_cast %select_n3A_483 : vector<16xi32> to vector<16x1xi32>
        %gather3A_485 = vector.shape_cast %broadcast_in_dim3A_484 : vector<16x1xi32> to vector<16xi32>
        %gather3A_486 = tpu.dynamic_gather %get3A_466[%gather3A_485] in [0] : vector<16xf32>, vector<16xi32> -> vector<16xf32>
        %lt3A_487 = arith.constant 0 : i32
        %lt3A_488 = vector.broadcast %lt3A_487 : i32 to vector<16xi32>
        %lt3A_489 = arith.cmpi slt, %get3A_249, %lt3A_488 : vector<16xi32>
        %add3A_490 = arith.constant 16 : i32
        %add3A_491 = vector.broadcast %add3A_490 : i32 to vector<16xi32>
        %add3A_492 = arith.addi %get3A_249, %add3A_491 : vector<16xi32>
        %select_n3A_493 = arith.select %lt3A_489, %add3A_492, %get3A_249 : vector<16xi1>, vector<16xi32>
        %broadcast_in_dim3A_494 = vector.shape_cast %select_n3A_493 : vector<16xi32> to vector<16x1xi32>
        %gather3A_495 = vector.shape_cast %broadcast_in_dim3A_494 : vector<16x1xi32> to vector<16xi32>
        %gather3A_496 = tpu.dynamic_gather %get3A_466[%gather3A_495] in [0] : vector<16xf32>, vector<16xi32> -> vector<16xf32>
        %lt3A_497 = arith.constant 0 : i32
        %lt3A_498 = vector.broadcast %lt3A_497 : i32 to vector<16xi32>
        %lt3A_499 = arith.cmpi slt, %get3A_251, %lt3A_498 : vector<16xi32>
        %add3A_500 = arith.constant 16 : i32
        %add3A_501 = vector.broadcast %add3A_500 : i32 to vector<16xi32>
        %add3A_502 = arith.addi %get3A_251, %add3A_501 : vector<16xi32>
        %select_n3A_503 = arith.select %lt3A_499, %add3A_502, %get3A_251 : vector<16xi1>, vector<16xi32>
        %broadcast_in_dim3A_504 = vector.shape_cast %select_n3A_503 : vector<16xi32> to vector<16x1xi32>
        %gather3A_505 = vector.shape_cast %broadcast_in_dim3A_504 : vector<16x1xi32> to vector<16xi32>
        %gather3A_506 = tpu.dynamic_gather %get3A_466[%gather3A_505] in [0] : vector<16xf32>, vector<16xi32> -> vector<16xf32>
        %lt3A_507 = arith.constant 0 : i32
        %lt3A_508 = vector.broadcast %lt3A_507 : i32 to vector<16xi32>
        %lt3A_509 = arith.cmpi slt, %get3A_253, %lt3A_508 : vector<16xi32>
        %add3A_510 = arith.constant 16 : i32
        %add3A_511 = vector.broadcast %add3A_510 : i32 to vector<16xi32>
        %add3A_512 = arith.addi %get3A_253, %add3A_511 : vector<16xi32>
        %select_n3A_513 = arith.select %lt3A_509, %add3A_512, %get3A_253 : vector<16xi1>, vector<16xi32>
        %broadcast_in_dim3A_514 = vector.shape_cast %select_n3A_513 : vector<16xi32> to vector<16x1xi32>
        %gather3A_515 = vector.shape_cast %broadcast_in_dim3A_514 : vector<16x1xi32> to vector<16xi32>
        %gather3A_516 = tpu.dynamic_gather %get3A_466[%gather3A_515] in [0] : vector<16xf32>, vector<16xi32> -> vector<16xf32>
        %lt3A_517 = arith.constant 0 : i32
        %lt3A_518 = vector.broadcast %lt3A_517 : i32 to vector<16xi32>
        %lt3A_519 = arith.cmpi slt, %get3A_255, %lt3A_518 : vector<16xi32>
        %add3A_520 = arith.constant 16 : i32
        %add3A_521 = vector.broadcast %add3A_520 : i32 to vector<16xi32>
        %add3A_522 = arith.addi %get3A_255, %add3A_521 : vector<16xi32>
        %select_n3A_523 = arith.select %lt3A_519, %add3A_522, %get3A_255 : vector<16xi1>, vector<16xi32>
        %broadcast_in_dim3A_524 = vector.shape_cast %select_n3A_523 : vector<16xi32> to vector<16x1xi32>
        %gather3A_525 = vector.shape_cast %broadcast_in_dim3A_524 : vector<16x1xi32> to vector<16xi32>
        %gather3A_526 = tpu.dynamic_gather %get3A_466[%gather3A_525] in [0] : vector<16xf32>, vector<16xi32> -> vector<16xf32>
        %lt3A_527 = arith.constant 0 : i32
        %lt3A_528 = vector.broadcast %lt3A_527 : i32 to vector<16xi32>
        %lt3A_529 = arith.cmpi slt, %get3A_257, %lt3A_528 : vector<16xi32>
        %add3A_530 = arith.constant 16 : i32
        %add3A_531 = vector.broadcast %add3A_530 : i32 to vector<16xi32>
        %add3A_532 = arith.addi %get3A_257, %add3A_531 : vector<16xi32>
        %select_n3A_533 = arith.select %lt3A_529, %add3A_532, %get3A_257 : vector<16xi1>, vector<16xi32>
        %broadcast_in_dim3A_534 = vector.shape_cast %select_n3A_533 : vector<16xi32> to vector<16x1xi32>
        %gather3A_535 = vector.shape_cast %broadcast_in_dim3A_534 : vector<16x1xi32> to vector<16xi32>
        %gather3A_536 = tpu.dynamic_gather %get3A_466[%gather3A_535] in [0] : vector<16xf32>, vector<16xi32> -> vector<16xf32>
        %lt3A_537 = arith.constant 0 : i32
        %lt3A_538 = vector.broadcast %lt3A_537 : i32 to vector<16xi32>
        %lt3A_539 = arith.cmpi slt, %get3A_259, %lt3A_538 : vector<16xi32>
        %add3A_540 = arith.constant 16 : i32
        %add3A_541 = vector.broadcast %add3A_540 : i32 to vector<16xi32>
        %add3A_542 = arith.addi %get3A_259, %add3A_541 : vector<16xi32>
        %select_n3A_543 = arith.select %lt3A_539, %add3A_542, %get3A_259 : vector<16xi1>, vector<16xi32>
        %broadcast_in_dim3A_544 = vector.shape_cast %select_n3A_543 : vector<16xi32> to vector<16x1xi32>
        %gather3A_545 = vector.shape_cast %broadcast_in_dim3A_544 : vector<16x1xi32> to vector<16xi32>
        %gather3A_546 = tpu.dynamic_gather %get3A_466[%gather3A_545] in [0] : vector<16xf32>, vector<16xi32> -> vector<16xf32>
        %mul3A_547 = arith.constant 4 : i32
        %mul3A_548 = arith.muli %scan3A_284, %mul3A_547 : i32
        %add3A_549 = arith.constant 3 : i32
        %add3A_550 = arith.addi %mul3A_548, %add3A_549 : i32
        %mul3A_551 = arith.constant 16 : i32
        %mul3A_552 = arith.muli %add3A_550, %mul3A_551 : i32
        %get3A_553 = arith.index_cast %mul3A_552 : i32 to index
        %get3A_554 = tpu.vector_load %arg5[%get3A_553] {strides = array<i32>} : memref<1024xf32, #tpu.memory_space<vmem>>, vector<16xf32>,
        %lt3A_555 = arith.constant 0 : i32
        %lt3A_556 = vector.broadcast %lt3A_555 : i32 to vector<16xi32>
        %lt3A_557 = arith.cmpi slt, %get3A_245, %lt3A_556 : vector<16xi32>
        %add3A_558 = arith.constant 16 : i32
        %add3A_559 = vector.broadcast %add3A_558 : i32 to vector<16xi32>
        %add3A_560 = arith.addi %get3A_245, %add3A_559 : vector<16xi32>
        %select_n3A_561 = arith.select %lt3A_557, %add3A_560, %get3A_245 : vector<16xi1>, vector<16xi32>
        %broadcast_in_dim3A_562 = vector.shape_cast %select_n3A_561 : vector<16xi32> to vector<16x1xi32>
        %gather3A_563 = vector.shape_cast %broadcast_in_dim3A_562 : vector<16x1xi32> to vector<16xi32>
        %gather3A_564 = tpu.dynamic_gather %get3A_554[%gather3A_563] in [0] : vector<16xf32>, vector<16xi32> -> vector<16xf32>
        %lt3A_565 = arith.constant 0 : i32
        %lt3A_566 = vector.broadcast %lt3A_565 : i32 to vector<16xi32>
        %lt3A_567 = arith.cmpi slt, %get3A_247, %lt3A_566 : vector<16xi32>
        %add3A_568 = arith.constant 16 : i32
        %add3A_569 = vector.broadcast %add3A_568 : i32 to vector<16xi32>
        %add3A_570 = arith.addi %get3A_247, %add3A_569 : vector<16xi32>
        %select_n3A_571 = arith.select %lt3A_567, %add3A_570, %get3A_247 : vector<16xi1>, vector<16xi32>
        %broadcast_in_dim3A_572 = vector.shape_cast %select_n3A_571 : vector<16xi32> to vector<16x1xi32>
        %gather3A_573 = vector.shape_cast %broadcast_in_dim3A_572 : vector<16x1xi32> to vector<16xi32>
        %gather3A_574 = tpu.dynamic_gather %get3A_554[%gather3A_573] in [0] : vector<16xf32>, vector<16xi32> -> vector<16xf32>
        %lt3A_575 = arith.constant 0 : i32
        %lt3A_576 = vector.broadcast %lt3A_575 : i32 to vector<16xi32>
        %lt3A_577 = arith.cmpi slt, %get3A_249, %lt3A_576 : vector<16xi32>
        %add3A_578 = arith.constant 16 : i32
        %add3A_579 = vector.broadcast %add3A_578 : i32 to vector<16xi32>
        %add3A_580 = arith.addi %get3A_249, %add3A_579 : vector<16xi32>
        %select_n3A_581 = arith.select %lt3A_577, %add3A_580, %get3A_249 : vector<16xi1>, vector<16xi32>
        %broadcast_in_dim3A_582 = vector.shape_cast %select_n3A_581 : vector<16xi32> to vector<16x1xi32>
        %gather3A_583 = vector.shape_cast %broadcast_in_dim3A_582 : vector<16x1xi32> to vector<16xi32>
        %gather3A_584 = tpu.dynamic_gather %get3A_554[%gather3A_583] in [0] : vector<16xf32>, vector<16xi32> -> vector<16xf32>
        %lt3A_585 = arith.constant 0 : i32
        %lt3A_586 = vector.broadcast %lt3A_585 : i32 to vector<16xi32>
        %lt3A_587 = arith.cmpi slt, %get3A_251, %lt3A_586 : vector<16xi32>
        %add3A_588 = arith.constant 16 : i32
        %add3A_589 = vector.broadcast %add3A_588 : i32 to vector<16xi32>
        %add3A_590 = arith.addi %get3A_251, %add3A_589 : vector<16xi32>
        %select_n3A_591 = arith.select %lt3A_587, %add3A_590, %get3A_251 : vector<16xi1>, vector<16xi32>
        %broadcast_in_dim3A_592 = vector.shape_cast %select_n3A_591 : vector<16xi32> to vector<16x1xi32>
        %gather3A_593 = vector.shape_cast %broadcast_in_dim3A_592 : vector<16x1xi32> to vector<16xi32>
        %gather3A_594 = tpu.dynamic_gather %get3A_554[%gather3A_593] in [0] : vector<16xf32>, vector<16xi32> -> vector<16xf32>
        %lt3A_595 = arith.constant 0 : i32
        %lt3A_596 = vector.broadcast %lt3A_595 : i32 to vector<16xi32>
        %lt3A_597 = arith.cmpi slt, %get3A_253, %lt3A_596 : vector<16xi32>
        %add3A_598 = arith.constant 16 : i32
        %add3A_599 = vector.broadcast %add3A_598 : i32 to vector<16xi32>
        %add3A_600 = arith.addi %get3A_253, %add3A_599 : vector<16xi32>
        %select_n3A_601 = arith.select %lt3A_597, %add3A_600, %get3A_253 : vector<16xi1>, vector<16xi32>
        %broadcast_in_dim3A_602 = vector.shape_cast %select_n3A_601 : vector<16xi32> to vector<16x1xi32>
        %gather3A_603 = vector.shape_cast %broadcast_in_dim3A_602 : vector<16x1xi32> to vector<16xi32>
        %gather3A_604 = tpu.dynamic_gather %get3A_554[%gather3A_603] in [0] : vector<16xf32>, vector<16xi32> -> vector<16xf32>
        %lt3A_605 = arith.constant 0 : i32
        %lt3A_606 = vector.broadcast %lt3A_605 : i32 to vector<16xi32>
        %lt3A_607 = arith.cmpi slt, %get3A_255, %lt3A_606 : vector<16xi32>
        %add3A_608 = arith.constant 16 : i32
        %add3A_609 = vector.broadcast %add3A_608 : i32 to vector<16xi32>
        %add3A_610 = arith.addi %get3A_255, %add3A_609 : vector<16xi32>
        %select_n3A_611 = arith.select %lt3A_607, %add3A_610, %get3A_255 : vector<16xi1>, vector<16xi32>
        %broadcast_in_dim3A_612 = vector.shape_cast %select_n3A_611 : vector<16xi32> to vector<16x1xi32>
        %gather3A_613 = vector.shape_cast %broadcast_in_dim3A_612 : vector<16x1xi32> to vector<16xi32>
        %gather3A_614 = tpu.dynamic_gather %get3A_554[%gather3A_613] in [0] : vector<16xf32>, vector<16xi32> -> vector<16xf32>
        %lt3A_615 = arith.constant 0 : i32
        %lt3A_616 = vector.broadcast %lt3A_615 : i32 to vector<16xi32>
        %lt3A_617 = arith.cmpi slt, %get3A_257, %lt3A_616 : vector<16xi32>
        %add3A_618 = arith.constant 16 : i32
        %add3A_619 = vector.broadcast %add3A_618 : i32 to vector<16xi32>
        %add3A_620 = arith.addi %get3A_257, %add3A_619 : vector<16xi32>
        %select_n3A_621 = arith.select %lt3A_617, %add3A_620, %get3A_257 : vector<16xi1>, vector<16xi32>
        %broadcast_in_dim3A_622 = vector.shape_cast %select_n3A_621 : vector<16xi32> to vector<16x1xi32>
        %gather3A_623 = vector.shape_cast %broadcast_in_dim3A_622 : vector<16x1xi32> to vector<16xi32>
        %gather3A_624 = tpu.dynamic_gather %get3A_554[%gather3A_623] in [0] : vector<16xf32>, vector<16xi32> -> vector<16xf32>
        %lt3A_625 = arith.constant 0 : i32
        %lt3A_626 = vector.broadcast %lt3A_625 : i32 to vector<16xi32>
        %lt3A_627 = arith.cmpi slt, %get3A_259, %lt3A_626 : vector<16xi32>
        %add3A_628 = arith.constant 16 : i32
        %add3A_629 = vector.broadcast %add3A_628 : i32 to vector<16xi32>
        %add3A_630 = arith.addi %get3A_259, %add3A_629 : vector<16xi32>
        %select_n3A_631 = arith.select %lt3A_627, %add3A_630, %get3A_259 : vector<16xi1>, vector<16xi32>
        %broadcast_in_dim3A_632 = vector.shape_cast %select_n3A_631 : vector<16xi32> to vector<16x1xi32>
        %gather3A_633 = vector.shape_cast %broadcast_in_dim3A_632 : vector<16x1xi32> to vector<16xi32>
        %gather3A_634 = tpu.dynamic_gather %get3A_554[%gather3A_633] in [0] : vector<16xf32>, vector<16xi32> -> vector<16xf32>
        %mul3A_635 = arith.constant 4 : i32
        %mul3A_636 = arith.muli %scan3A_284, %mul3A_635 : i32
        %add3A_637 = arith.constant 0 : i32
        %add3A_638 = arith.addi %mul3A_636, %add3A_637 : i32
        %swap3A = arith.index_cast %add3A_638 : i32 to index
        %swap3A_639 = arith.constant 0 : index
        %swap3A_640 = tpu.vector_load %arg9[%swap3A, %swap3A_639] {strides = array<i32>} : memref<64x128xf32, #tpu.memory_space<vmem>>, vector<16xf32>,
        tpu.vector_store %arg9[%swap3A, %swap3A_639], %gather3A_300 {strides = array<i32>} : memref<64x128xf32, #tpu.memory_space<vmem>>, vector<16xf32>,
        %swap3A_641 = arith.index_cast %add3A_638 : i32 to index
        %swap3A_642 = arith.constant 16 : index
        %swap3A_643 = tpu.vector_load %arg9[%swap3A_641, %swap3A_642] {strides = array<i32>} : memref<64x128xf32, #tpu.memory_space<vmem>>, vector<16xf32>,
        tpu.vector_store %arg9[%swap3A_641, %swap3A_642], %gather3A_310 {strides = array<i32>} : memref<64x128xf32, #tpu.memory_space<vmem>>, vector<16xf32>,
        %swap3A_644 = arith.index_cast %add3A_638 : i32 to index
        %swap3A_645 = arith.constant 32 : index
        %swap3A_646 = tpu.vector_load %arg9[%swap3A_644, %swap3A_645] {strides = array<i32>} : memref<64x128xf32, #tpu.memory_space<vmem>>, vector<16xf32>,
        tpu.vector_store %arg9[%swap3A_644, %swap3A_645], %gather3A_320 {strides = array<i32>} : memref<64x128xf32, #tpu.memory_space<vmem>>, vector<16xf32>,
        %swap3A_647 = arith.index_cast %add3A_638 : i32 to index
        %swap3A_648 = arith.constant 48 : index
        %swap3A_649 = tpu.vector_load %arg9[%swap3A_647, %swap3A_648] {strides = array<i32>} : memref<64x128xf32, #tpu.memory_space<vmem>>, vector<16xf32>,
        tpu.vector_store %arg9[%swap3A_647, %swap3A_648], %gather3A_330 {strides = array<i32>} : memref<64x128xf32, #tpu.memory_space<vmem>>, vector<16xf32>,
        %swap3A_650 = arith.index_cast %add3A_638 : i32 to index
        %swap3A_651 = arith.constant 64 : index
        %swap3A_652 = tpu.vector_load %arg9[%swap3A_650, %swap3A_651] {strides = array<i32>} : memref<64x128xf32, #tpu.memory_space<vmem>>, vector<16xf32>,
        tpu.vector_store %arg9[%swap3A_650, %swap3A_651], %gather3A_340 {strides = array<i32>} : memref<64x128xf32, #tpu.memory_space<vmem>>, vector<16xf32>,
        %swap3A_653 = arith.index_cast %add3A_638 : i32 to index
        %swap3A_654 = arith.constant 80 : index
        %swap3A_655 = tpu.vector_load %arg9[%swap3A_653, %swap3A_654] {strides = array<i32>} : memref<64x128xf32, #tpu.memory_space<vmem>>, vector<16xf32>,
        tpu.vector_store %arg9[%swap3A_653, %swap3A_654], %gather3A_350 {strides = array<i32>} : memref<64x128xf32, #tpu.memory_space<vmem>>, vector<16xf32>,
        %swap3A_656 = arith.index_cast %add3A_638 : i32 to index
        %swap3A_657 = arith.constant 96 : index
        %swap3A_658 = tpu.vector_load %arg9[%swap3A_656, %swap3A_657] {strides = array<i32>} : memref<64x128xf32, #tpu.memory_space<vmem>>, vector<16xf32>,
        tpu.vector_store %arg9[%swap3A_656, %swap3A_657], %gather3A_360 {strides = array<i32>} : memref<64x128xf32, #tpu.memory_space<vmem>>, vector<16xf32>,
        %swap3A_659 = arith.index_cast %add3A_638 : i32 to index
        %swap3A_660 = arith.constant 112 : index
        %swap3A_661 = tpu.vector_load %arg9[%swap3A_659, %swap3A_660] {strides = array<i32>} : memref<64x128xf32, #tpu.memory_space<vmem>>, vector<16xf32>,
        tpu.vector_store %arg9[%swap3A_659, %swap3A_660], %gather3A_370 {strides = array<i32>} : memref<64x128xf32, #tpu.memory_space<vmem>>, vector<16xf32>,
        %mul3A_662 = arith.constant 4 : i32
        %mul3A_663 = arith.muli %scan3A_284, %mul3A_662 : i32
        %add3A_664 = arith.constant 1 : i32
        %add3A_665 = arith.addi %mul3A_663, %add3A_664 : i32
        %swap3A_666 = arith.index_cast %add3A_665 : i32 to index
        %swap3A_667 = arith.constant 0 : index
        %swap3A_668 = tpu.vector_load %arg9[%swap3A_666, %swap3A_667] {strides = array<i32>} : memref<64x128xf32, #tpu.memory_space<vmem>>, vector<16xf32>,
        tpu.vector_store %arg9[%swap3A_666, %swap3A_667], %gather3A_388 {strides = array<i32>} : memref<64x128xf32, #tpu.memory_space<vmem>>, vector<16xf32>,
        %swap3A_669 = arith.index_cast %add3A_665 : i32 to index
        %swap3A_670 = arith.constant 16 : index
        %swap3A_671 = tpu.vector_load %arg9[%swap3A_669, %swap3A_670] {strides = array<i32>} : memref<64x128xf32, #tpu.memory_space<vmem>>, vector<16xf32>,
        tpu.vector_store %arg9[%swap3A_669, %swap3A_670], %gather3A_398 {strides = array<i32>} : memref<64x128xf32, #tpu.memory_space<vmem>>, vector<16xf32>,
        %swap3A_672 = arith.index_cast %add3A_665 : i32 to index
        %swap3A_673 = arith.constant 32 : index
        %swap3A_674 = tpu.vector_load %arg9[%swap3A_672, %swap3A_673] {strides = array<i32>} : memref<64x128xf32, #tpu.memory_space<vmem>>, vector<16xf32>,
        tpu.vector_store %arg9[%swap3A_672, %swap3A_673], %gather3A_408 {strides = array<i32>} : memref<64x128xf32, #tpu.memory_space<vmem>>, vector<16xf32>,
        %swap3A_675 = arith.index_cast %add3A_665 : i32 to index
        %swap3A_676 = arith.constant 48 : index
        %swap3A_677 = tpu.vector_load %arg9[%swap3A_675, %swap3A_676] {strides = array<i32>} : memref<64x128xf32, #tpu.memory_space<vmem>>, vector<16xf32>,
        tpu.vector_store %arg9[%swap3A_675, %swap3A_676], %gather3A_418 {strides = array<i32>} : memref<64x128xf32, #tpu.memory_space<vmem>>, vector<16xf32>,
        %swap3A_678 = arith.index_cast %add3A_665 : i32 to index
        %swap3A_679 = arith.constant 64 : index
        %swap3A_680 = tpu.vector_load %arg9[%swap3A_678, %swap3A_679] {strides = array<i32>} : memref<64x128xf32, #tpu.memory_space<vmem>>, vector<16xf32>,
        tpu.vector_store %arg9[%swap3A_678, %swap3A_679], %gather3A_428 {strides = array<i32>} : memref<64x128xf32, #tpu.memory_space<vmem>>, vector<16xf32>,
        %swap3A_681 = arith.index_cast %add3A_665 : i32 to index
        %swap3A_682 = arith.constant 80 : index
        %swap3A_683 = tpu.vector_load %arg9[%swap3A_681, %swap3A_682] {strides = array<i32>} : memref<64x128xf32, #tpu.memory_space<vmem>>, vector<16xf32>,
        tpu.vector_store %arg9[%swap3A_681, %swap3A_682], %gather3A_438 {strides = array<i32>} : memref<64x128xf32, #tpu.memory_space<vmem>>, vector<16xf32>,
        %swap3A_684 = arith.index_cast %add3A_665 : i32 to index
        %swap3A_685 = arith.constant 96 : index
        %swap3A_686 = tpu.vector_load %arg9[%swap3A_684, %swap3A_685] {strides = array<i32>} : memref<64x128xf32, #tpu.memory_space<vmem>>, vector<16xf32>,
        tpu.vector_store %arg9[%swap3A_684, %swap3A_685], %gather3A_448 {strides = array<i32>} : memref<64x128xf32, #tpu.memory_space<vmem>>, vector<16xf32>,
        %swap3A_687 = arith.index_cast %add3A_665 : i32 to index
        %swap3A_688 = arith.constant 112 : index
        %swap3A_689 = tpu.vector_load %arg9[%swap3A_687, %swap3A_688] {strides = array<i32>} : memref<64x128xf32, #tpu.memory_space<vmem>>, vector<16xf32>,
        tpu.vector_store %arg9[%swap3A_687, %swap3A_688], %gather3A_458 {strides = array<i32>} : memref<64x128xf32, #tpu.memory_space<vmem>>, vector<16xf32>,
        %mul3A_690 = arith.constant 4 : i32
        %mul3A_691 = arith.muli %scan3A_284, %mul3A_690 : i32
        %add3A_692 = arith.constant 2 : i32
        %add3A_693 = arith.addi %mul3A_691, %add3A_692 : i32
        %swap3A_694 = arith.index_cast %add3A_693 : i32 to index
        %swap3A_695 = arith.constant 0 : index
        %swap3A_696 = tpu.vector_load %arg9[%swap3A_694, %swap3A_695] {strides = array<i32>} : memref<64x128xf32, #tpu.memory_space<vmem>>, vector<16xf32>,
        tpu.vector_store %arg9[%swap3A_694, %swap3A_695], %gather3A_476 {strides = array<i32>} : memref<64x128xf32, #tpu.memory_space<vmem>>, vector<16xf32>,
        %swap3A_697 = arith.index_cast %add3A_693 : i32 to index
        %swap3A_698 = arith.constant 16 : index
        %swap3A_699 = tpu.vector_load %arg9[%swap3A_697, %swap3A_698] {strides = array<i32>} : memref<64x128xf32, #tpu.memory_space<vmem>>, vector<16xf32>,
        tpu.vector_store %arg9[%swap3A_697, %swap3A_698], %gather3A_486 {strides = array<i32>} : memref<64x128xf32, #tpu.memory_space<vmem>>, vector<16xf32>,
        %swap3A_700 = arith.index_cast %add3A_693 : i32 to index
        %swap3A_701 = arith.constant 32 : index
        %swap3A_702 = tpu.vector_load %arg9[%swap3A_700, %swap3A_701] {strides = array<i32>} : memref<64x128xf32, #tpu.memory_space<vmem>>, vector<16xf32>,
        tpu.vector_store %arg9[%swap3A_700, %swap3A_701], %gather3A_496 {strides = array<i32>} : memref<64x128xf32, #tpu.memory_space<vmem>>, vector<16xf32>,
        %swap3A_703 = arith.index_cast %add3A_693 : i32 to index
        %swap3A_704 = arith.constant 48 : index
        %swap3A_705 = tpu.vector_load %arg9[%swap3A_703, %swap3A_704] {strides = array<i32>} : memref<64x128xf32, #tpu.memory_space<vmem>>, vector<16xf32>,
        tpu.vector_store %arg9[%swap3A_703, %swap3A_704], %gather3A_506 {strides = array<i32>} : memref<64x128xf32, #tpu.memory_space<vmem>>, vector<16xf32>,
        %swap3A_706 = arith.index_cast %add3A_693 : i32 to index
        %swap3A_707 = arith.constant 64 : index
        %swap3A_708 = tpu.vector_load %arg9[%swap3A_706, %swap3A_707] {strides = array<i32>} : memref<64x128xf32, #tpu.memory_space<vmem>>, vector<16xf32>,
        tpu.vector_store %arg9[%swap3A_706, %swap3A_707], %gather3A_516 {strides = array<i32>} : memref<64x128xf32, #tpu.memory_space<vmem>>, vector<16xf32>,
        %swap3A_709 = arith.index_cast %add3A_693 : i32 to index
        %swap3A_710 = arith.constant 80 : index
        %swap3A_711 = tpu.vector_load %arg9[%swap3A_709, %swap3A_710] {strides = array<i32>} : memref<64x128xf32, #tpu.memory_space<vmem>>, vector<16xf32>,
        tpu.vector_store %arg9[%swap3A_709, %swap3A_710], %gather3A_526 {strides = array<i32>} : memref<64x128xf32, #tpu.memory_space<vmem>>, vector<16xf32>,
        %swap3A_712 = arith.index_cast %add3A_693 : i32 to index
        %swap3A_713 = arith.constant 96 : index
        %swap3A_714 = tpu.vector_load %arg9[%swap3A_712, %swap3A_713] {strides = array<i32>} : memref<64x128xf32, #tpu.memory_space<vmem>>, vector<16xf32>,
        tpu.vector_store %arg9[%swap3A_712, %swap3A_713], %gather3A_536 {strides = array<i32>} : memref<64x128xf32, #tpu.memory_space<vmem>>, vector<16xf32>,
        %swap3A_715 = arith.index_cast %add3A_693 : i32 to index
        %swap3A_716 = arith.constant 112 : index
        %swap3A_717 = tpu.vector_load %arg9[%swap3A_715, %swap3A_716] {strides = array<i32>} : memref<64x128xf32, #tpu.memory_space<vmem>>, vector<16xf32>,
        tpu.vector_store %arg9[%swap3A_715, %swap3A_716], %gather3A_546 {strides = array<i32>} : memref<64x128xf32, #tpu.memory_space<vmem>>, vector<16xf32>,
        %mul3A_718 = arith.constant 4 : i32
        %mul3A_719 = arith.muli %scan3A_284, %mul3A_718 : i32
        %add3A_720 = arith.constant 3 : i32
        %add3A_721 = arith.addi %mul3A_719, %add3A_720 : i32
        %swap3A_722 = arith.index_cast %add3A_721 : i32 to index
        %swap3A_723 = arith.constant 0 : index
        %swap3A_724 = tpu.vector_load %arg9[%swap3A_722, %swap3A_723] {strides = array<i32>} : memref<64x128xf32, #tpu.memory_space<vmem>>, vector<16xf32>,
        tpu.vector_store %arg9[%swap3A_722, %swap3A_723], %gather3A_564 {strides = array<i32>} : memref<64x128xf32, #tpu.memory_space<vmem>>, vector<16xf32>,
        %swap3A_725 = arith.index_cast %add3A_721 : i32 to index
        %swap3A_726 = arith.constant 16 : index
        %swap3A_727 = tpu.vector_load %arg9[%swap3A_725, %swap3A_726] {strides = array<i32>} : memref<64x128xf32, #tpu.memory_space<vmem>>, vector<16xf32>,
        tpu.vector_store %arg9[%swap3A_725, %swap3A_726], %gather3A_574 {strides = array<i32>} : memref<64x128xf32, #tpu.memory_space<vmem>>, vector<16xf32>,
        %swap3A_728 = arith.index_cast %add3A_721 : i32 to index
        %swap3A_729 = arith.constant 32 : index
        %swap3A_730 = tpu.vector_load %arg9[%swap3A_728, %swap3A_729] {strides = array<i32>} : memref<64x128xf32, #tpu.memory_space<vmem>>, vector<16xf32>,
        tpu.vector_store %arg9[%swap3A_728, %swap3A_729], %gather3A_584 {strides = array<i32>} : memref<64x128xf32, #tpu.memory_space<vmem>>, vector<16xf32>,
        %swap3A_731 = arith.index_cast %add3A_721 : i32 to index
        %swap3A_732 = arith.constant 48 : index
        %swap3A_733 = tpu.vector_load %arg9[%swap3A_731, %swap3A_732] {strides = array<i32>} : memref<64x128xf32, #tpu.memory_space<vmem>>, vector<16xf32>,
        tpu.vector_store %arg9[%swap3A_731, %swap3A_732], %gather3A_594 {strides = array<i32>} : memref<64x128xf32, #tpu.memory_space<vmem>>, vector<16xf32>,
        %swap3A_734 = arith.index_cast %add3A_721 : i32 to index
        %swap3A_735 = arith.constant 64 : index
        %swap3A_736 = tpu.vector_load %arg9[%swap3A_734, %swap3A_735] {strides = array<i32>} : memref<64x128xf32, #tpu.memory_space<vmem>>, vector<16xf32>,
        tpu.vector_store %arg9[%swap3A_734, %swap3A_735], %gather3A_604 {strides = array<i32>} : memref<64x128xf32, #tpu.memory_space<vmem>>, vector<16xf32>,
        %swap3A_737 = arith.index_cast %add3A_721 : i32 to index
        %swap3A_738 = arith.constant 80 : index
        %swap3A_739 = tpu.vector_load %arg9[%swap3A_737, %swap3A_738] {strides = array<i32>} : memref<64x128xf32, #tpu.memory_space<vmem>>, vector<16xf32>,
        tpu.vector_store %arg9[%swap3A_737, %swap3A_738], %gather3A_614 {strides = array<i32>} : memref<64x128xf32, #tpu.memory_space<vmem>>, vector<16xf32>,
        %swap3A_740 = arith.index_cast %add3A_721 : i32 to index
        %swap3A_741 = arith.constant 96 : index
        %swap3A_742 = tpu.vector_load %arg9[%swap3A_740, %swap3A_741] {strides = array<i32>} : memref<64x128xf32, #tpu.memory_space<vmem>>, vector<16xf32>,
        tpu.vector_store %arg9[%swap3A_740, %swap3A_741], %gather3A_624 {strides = array<i32>} : memref<64x128xf32, #tpu.memory_space<vmem>>, vector<16xf32>,
        %swap3A_743 = arith.index_cast %add3A_721 : i32 to index
        %swap3A_744 = arith.constant 112 : index
        %swap3A_745 = tpu.vector_load %arg9[%swap3A_743, %swap3A_744] {strides = array<i32>} : memref<64x128xf32, #tpu.memory_space<vmem>>, vector<16xf32>,
        tpu.vector_store %arg9[%swap3A_743, %swap3A_744], %gather3A_634 {strides = array<i32>} : memref<64x128xf32, #tpu.memory_space<vmem>>, vector<16xf32>,
      }
      %scan3A_277 = arith.constant 16 : i32
      %mul3A_278 = arith.constant 128 : i32
      %mul3A_279 = arith.muli %add3A_233, %mul3A_278 : i32
      %dma_start3A_280 = arith.constant 0 : i32
      %dma_start3A_281 = tpu.memref_slice %arg4[%dma_start3A_280, %mul3A_279] : memref<64x800000xf32, #tpu.memory_space<hbm>> -> memref<64x128xf32, #tpu.memory_space<hbm>>
      %dma_start3A_282 = arith.constant 0 : i32
      %dma_start3A_283 = tpu.memref_slice %arg4[%dma_start3A_282, %mul3A_279] : memref<64x800000xf32, #tpu.memory_space<hbm>> -> memref<64x128xf32, #tpu.memory_space<hbm>>
      tpu.enqueue_dma source(%arg9 : memref<64x128xf32, #tpu.memory_space<vmem>>) target(%dma_start3A_283 : memref<64x128xf32, #tpu.memory_space<hbm>>) target_semaphore(%arg11 : memref<!tpu.dma_semaphore, #tpu.memory_space<semaphore_mem>>)
    }
    %scan3A_97 = arith.constant 96 : i32
    %mul3A_98 = arith.constant 128 : i32
    %mul3A_99 = arith.muli %add3A, %mul3A_98 : i32
    %dma_wait3A_100 = arith.constant 0 : i32
    %dma_wait3A_101 = tpu.memref_slice %arg4[%dma_wait3A_100, %mul3A_99] : memref<64x800000xf32, #tpu.memory_space<hbm>> -> memref<64x128xf32, #tpu.memory_space<hbm>>
    %dma_wait3A_102 = arith.constant 0 : i32
    %dma_wait3A_103 = tpu.memref_slice %arg4[%dma_wait3A_102, %mul3A_99] : memref<64x800000xf32, #tpu.memory_space<hbm>> -> memref<64x128xf32, #tpu.memory_space<hbm>>
    tpu.wait_dma2 semaphore(%arg10 : memref<!tpu.dma_semaphore, #tpu.memory_space<semaphore_mem>>) src(%arg8 : memref<64x128xf32, #tpu.memory_space<vmem>>) dst(%dma_wait3A_103 : memref<64x128xf32, #tpu.memory_space<hbm>>)
    %mul3A_104 = arith.constant 128 : i32
    %mul3A_105 = arith.muli %add3A_2, %mul3A_104 : i32
    %dma_wait3A_106 = arith.constant 0 : i32
    %dma_wait3A_107 = tpu.memref_slice %arg4[%dma_wait3A_106, %mul3A_105] : memref<64x800000xf32, #tpu.memory_space<hbm>> -> memref<64x128xf32, #tpu.memory_space<hbm>>
    %dma_wait3A_108 = arith.constant 0 : i32
    %dma_wait3A_109 = tpu.memref_slice %arg4[%dma_wait3A_108, %mul3A_105] : memref<64x800000xf32, #tpu.memory_space<hbm>> -> memref<64x128xf32, #tpu.memory_space<hbm>>
    tpu.wait_dma2 semaphore(%arg11 : memref<!tpu.dma_semaphore, #tpu.memory_space<semaphore_mem>>) src(%arg9 : memref<64x128xf32, #tpu.memory_space<vmem>>) dst(%dma_wait3A_109 : memref<64x128xf32, #tpu.memory_space<hbm>>)
    %add3A_110 = arith.constant 6208 : i32
    %add3A_111 = arith.addi %add3A_110, %add3A : i32
    %mul3A_112 = arith.constant 128 : i32
    %mul3A_113 = arith.muli %add3A_111, %mul3A_112 : i32
    %dma_wait3A_114 = tpu.memref_slice %arg2[%mul3A_113] : memref<800000xi32, #tpu.memory_space<hbm>> -> memref<128xi32, #tpu.memory_space<hbm>>
    %dma_wait3A_115 = tpu.memref_slice %arg2[%mul3A_113] : memref<800000xi32, #tpu.memory_space<hbm>> -> memref<128xi32, #tpu.memory_space<hbm>>
    tpu.wait_dma2 semaphore(%arg12 : memref<!tpu.dma_semaphore, #tpu.memory_space<semaphore_mem>>) src(%dma_wait3A_115 : memref<128xi32, #tpu.memory_space<hbm>>) dst(%arg6 : memref<128xi32, #tpu.memory_space<vmem>>)
    %get3A_116 = arith.constant 0 : index
    %get3A_117 = tpu.vector_load %arg6[%get3A_116] {strides = array<i32>} : memref<128xi32, #tpu.memory_space<vmem>>, vector<16xi32>,
    %get3A_118 = arith.constant 16 : index
    %get3A_119 = tpu.vector_load %arg6[%get3A_118] {strides = array<i32>} : memref<128xi32, #tpu.memory_space<vmem>>, vector<16xi32>,
    %get3A_120 = arith.constant 32 : index
    %get3A_121 = tpu.vector_load %arg6[%get3A_120] {strides = array<i32>} : memref<128xi32, #tpu.memory_space<vmem>>, vector<16xi32>,
    %get3A_122 = arith.constant 48 : index
    %get3A_123 = tpu.vector_load %arg6[%get3A_122] {strides = array<i32>} : memref<128xi32, #tpu.memory_space<vmem>>, vector<16xi32>,
    %get3A_124 = arith.constant 64 : index
    %get3A_125 = tpu.vector_load %arg6[%get3A_124] {strides = array<i32>} : memref<128xi32, #tpu.memory_space<vmem>>, vector<16xi32>,
    %get3A_126 = arith.constant 80 : index
    %get3A_127 = tpu.vector_load %arg6[%get3A_126] {strides = array<i32>} : memref<128xi32, #tpu.memory_space<vmem>>, vector<16xi32>,
    %get3A_128 = arith.constant 96 : index
    %get3A_129 = tpu.vector_load %arg6[%get3A_128] {strides = array<i32>} : memref<128xi32, #tpu.memory_space<vmem>>, vector<16xi32>,
    %get3A_130 = arith.constant 112 : index
    %get3A_131 = tpu.vector_load %arg6[%get3A_130] {strides = array<i32>} : memref<128xi32, #tpu.memory_space<vmem>>, vector<16xi32>,
    %add3A_132 = arith.constant 64 : i32
    %add3A_133 = arith.addi %add3A_111, %add3A_132 : i32
    %lt3A_134 = arith.constant 6250 : i32
    %lt3A_135 = arith.cmpi slt, %add3A_133, %lt3A_134 : i32
    %add3A_136 = arith.constant 64 : i32
    %add3A_137 = arith.addi %add3A_111, %add3A_136 : i32
    %jit3A_138 = arith.constant 0 : i32
    %select_n3A_139 = arith.select %lt3A_135, %add3A_137, %jit3A_138 : i32
    %mul3A_140 = arith.constant 128 : i32
    %mul3A_141 = arith.muli %select_n3A_139, %mul3A_140 : i32
    %dma_start3A_142 = tpu.memref_slice %arg2[%mul3A_141] : memref<800000xi32, #tpu.memory_space<hbm>> -> memref<128xi32, #tpu.memory_space<hbm>>
    %dma_start3A_143 = tpu.memref_slice %arg2[%mul3A_141] : memref<800000xi32, #tpu.memory_space<hbm>> -> memref<128xi32, #tpu.memory_space<hbm>>
    tpu.enqueue_dma source(%dma_start3A_143 : memref<128xi32, #tpu.memory_space<hbm>>) target(%arg6 : memref<128xi32, #tpu.memory_space<vmem>>) target_semaphore(%arg12 : memref<!tpu.dma_semaphore, #tpu.memory_space<semaphore_mem>>)
    %scan3A_144 = arith.constant 0 : i32
    %scan3A_145 = arith.constant 0 : i32
    %scan3A_146 = arith.constant 16 : i32
    %scan3A_147 = arith.addi %scan3A_145, %scan3A_146 : i32
    %scan3A_148 = arith.constant 1 : i32
    scf.for %scan3A_171 = %scan3A_145 to %scan3A_147 step %scan3A_148  : i32 {
      %mul3A_172 = arith.constant 4 : i32
      %mul3A_173 = arith.muli %scan3A_171, %mul3A_172 : i32
      %add3A_174 = arith.constant 0 : i32
      %add3A_175 = arith.addi %mul3A_173, %add3A_174 : i32
      %mul3A_176 = arith.constant 16 : i32
      %mul3A_177 = arith.muli %add3A_175, %mul3A_176 : i32
      %get3A_178 = arith.index_cast %mul3A_177 : i32 to index
      %get3A_179 = tpu.vector_load %arg5[%get3A_178] {strides = array<i32>} : memref<1024xf32, #tpu.memory_space<vmem>>, vector<16xf32>,
      %lt3A_180 = arith.constant 0 : i32
      %lt3A_181 = vector.broadcast %lt3A_180 : i32 to vector<16xi32>
      %lt3A_182 = arith.cmpi slt, %get3A_117, %lt3A_181 : vector<16xi32>
      %add3A_183 = arith.constant 16 : i32
      %add3A_184 = vector.broadcast %add3A_183 : i32 to vector<16xi32>
      %add3A_185 = arith.addi %get3A_117, %add3A_184 : vector<16xi32>
      %select_n3A_186 = arith.select %lt3A_182, %add3A_185, %get3A_117 : vector<16xi1>, vector<16xi32>
      %broadcast_in_dim3A = vector.shape_cast %select_n3A_186 : vector<16xi32> to vector<16x1xi32>
      %gather3A = vector.shape_cast %broadcast_in_dim3A : vector<16x1xi32> to vector<16xi32>
      %gather3A_187 = tpu.dynamic_gather %get3A_179[%gather3A] in [0] : vector<16xf32>, vector<16xi32> -> vector<16xf32>
      %lt3A_188 = arith.constant 0 : i32
      %lt3A_189 = vector.broadcast %lt3A_188 : i32 to vector<16xi32>
      %lt3A_190 = arith.cmpi slt, %get3A_119, %lt3A_189 : vector<16xi32>
      %add3A_191 = arith.constant 16 : i32
      %add3A_192 = vector.broadcast %add3A_191 : i32 to vector<16xi32>
      %add3A_193 = arith.addi %get3A_119, %add3A_192 : vector<16xi32>
      %select_n3A_194 = arith.select %lt3A_190, %add3A_193, %get3A_119 : vector<16xi1>, vector<16xi32>
      %broadcast_in_dim3A_195 = vector.shape_cast %select_n3A_194 : vector<16xi32> to vector<16x1xi32>
      %gather3A_196 = vector.shape_cast %broadcast_in_dim3A_195 : vector<16x1xi32> to vector<16xi32>
      %gather3A_197 = tpu.dynamic_gather %get3A_179[%gather3A_196] in [0] : vector<16xf32>, vector<16xi32> -> vector<16xf32>
      %lt3A_198 = arith.constant 0 : i32
      %lt3A_199 = vector.broadcast %lt3A_198 : i32 to vector<16xi32>
      %lt3A_200 = arith.cmpi slt, %get3A_121, %lt3A_199 : vector<16xi32>
      %add3A_201 = arith.constant 16 : i32
      %add3A_202 = vector.broadcast %add3A_201 : i32 to vector<16xi32>
      %add3A_203 = arith.addi %get3A_121, %add3A_202 : vector<16xi32>
      %select_n3A_204 = arith.select %lt3A_200, %add3A_203, %get3A_121 : vector<16xi1>, vector<16xi32>
      %broadcast_in_dim3A_205 = vector.shape_cast %select_n3A_204 : vector<16xi32> to vector<16x1xi32>
      %gather3A_206 = vector.shape_cast %broadcast_in_dim3A_205 : vector<16x1xi32> to vector<16xi32>
      %gather3A_207 = tpu.dynamic_gather %get3A_179[%gather3A_206] in [0] : vector<16xf32>, vector<16xi32> -> vector<16xf32>
      %lt3A_208 = arith.constant 0 : i32
      %lt3A_209 = vector.broadcast %lt3A_208 : i32 to vector<16xi32>
      %lt3A_210 = arith.cmpi slt, %get3A_123, %lt3A_209 : vector<16xi32>
      %add3A_211 = arith.constant 16 : i32
      %add3A_212 = vector.broadcast %add3A_211 : i32 to vector<16xi32>
      %add3A_213 = arith.addi %get3A_123, %add3A_212 : vector<16xi32>
      %select_n3A_214 = arith.select %lt3A_210, %add3A_213, %get3A_123 : vector<16xi1>, vector<16xi32>
      %broadcast_in_dim3A_215 = vector.shape_cast %select_n3A_214 : vector<16xi32> to vector<16x1xi32>
      %gather3A_216 = vector.shape_cast %broadcast_in_dim3A_215 : vector<16x1xi32> to vector<16xi32>
      %gather3A_217 = tpu.dynamic_gather %get3A_179[%gather3A_216] in [0] : vector<16xf32>, vector<16xi32> -> vector<16xf32>
      %lt3A_218 = arith.constant 0 : i32
      %lt3A_219 = vector.broadcast %lt3A_218 : i32 to vector<16xi32>
      %lt3A_220 = arith.cmpi slt, %get3A_125, %lt3A_219 : vector<16xi32>
      %add3A_221 = arith.constant 16 : i32
      %add3A_222 = vector.broadcast %add3A_221 : i32 to vector<16xi32>
      %add3A_223 = arith.addi %get3A_125, %add3A_222 : vector<16xi32>
      %select_n3A_224 = arith.select %lt3A_220, %add3A_223, %get3A_125 : vector<16xi1>, vector<16xi32>
      %broadcast_in_dim3A_225 = vector.shape_cast %select_n3A_224 : vector<16xi32> to vector<16x1xi32>
      %gather3A_226 = vector.shape_cast %broadcast_in_dim3A_225 : vector<16x1xi32> to vector<16xi32>
      %gather3A_227 = tpu.dynamic_gather %get3A_179[%gather3A_226] in [0] : vector<16xf32>, vector<16xi32> -> vector<16xf32>
      %lt3A_228 = arith.constant 0 : i32
      %lt3A_229 = vector.broadcast %lt3A_228 : i32 to vector<16xi32>
      %lt3A_230 = arith.cmpi slt, %get3A_127, %lt3A_229 : vector<16xi32>
      %add3A_231 = arith.constant 16 : i32
      %add3A_232 = vector.broadcast %add3A_231 : i32 to vector<16xi32>
      %add3A_233 = arith.addi %get3A_127, %add3A_232 : vector<16xi32>
      %select_n3A_234 = arith.select %lt3A_230, %add3A_233, %get3A_127 : vector<16xi1>, vector<16xi32>
      %broadcast_in_dim3A_235 = vector.shape_cast %select_n3A_234 : vector<16xi32> to vector<16x1xi32>
      %gather3A_236 = vector.shape_cast %broadcast_in_dim3A_235 : vector<16x1xi32> to vector<16xi32>
      %gather3A_237 = tpu.dynamic_gather %get3A_179[%gather3A_236] in [0] : vector<16xf32>, vector<16xi32> -> vector<16xf32>
      %lt3A_238 = arith.constant 0 : i32
      %lt3A_239 = vector.broadcast %lt3A_238 : i32 to vector<16xi32>
      %lt3A_240 = arith.cmpi slt, %get3A_129, %lt3A_239 : vector<16xi32>
      %add3A_241 = arith.constant 16 : i32
      %add3A_242 = vector.broadcast %add3A_241 : i32 to vector<16xi32>
      %add3A_243 = arith.addi %get3A_129, %add3A_242 : vector<16xi32>
      %select_n3A_244 = arith.select %lt3A_240, %add3A_243, %get3A_129 : vector<16xi1>, vector<16xi32>
      %broadcast_in_dim3A_245 = vector.shape_cast %select_n3A_244 : vector<16xi32> to vector<16x1xi32>
      %gather3A_246 = vector.shape_cast %broadcast_in_dim3A_245 : vector<16x1xi32> to vector<16xi32>
      %gather3A_247 = tpu.dynamic_gather %get3A_179[%gather3A_246] in [0] : vector<16xf32>, vector<16xi32> -> vector<16xf32>
      %lt3A_248 = arith.constant 0 : i32
      %lt3A_249 = vector.broadcast %lt3A_248 : i32 to vector<16xi32>
      %lt3A_250 = arith.cmpi slt, %get3A_131, %lt3A_249 : vector<16xi32>
      %add3A_251 = arith.constant 16 : i32
      %add3A_252 = vector.broadcast %add3A_251 : i32 to vector<16xi32>
      %add3A_253 = arith.addi %get3A_131, %add3A_252 : vector<16xi32>
      %select_n3A_254 = arith.select %lt3A_250, %add3A_253, %get3A_131 : vector<16xi1>, vector<16xi32>
      %broadcast_in_dim3A_255 = vector.shape_cast %select_n3A_254 : vector<16xi32> to vector<16x1xi32>
      %gather3A_256 = vector.shape_cast %broadcast_in_dim3A_255 : vector<16x1xi32> to vector<16xi32>
      %gather3A_257 = tpu.dynamic_gather %get3A_179[%gather3A_256] in [0] : vector<16xf32>, vector<16xi32> -> vector<16xf32>
      %mul3A_258 = arith.constant 4 : i32
      %mul3A_259 = arith.muli %scan3A_171, %mul3A_258 : i32
      %add3A_260 = arith.constant 1 : i32
      %add3A_261 = arith.addi %mul3A_259, %add3A_260 : i32
      %mul3A_262 = arith.constant 16 : i32
      %mul3A_263 = arith.muli %add3A_261, %mul3A_262 : i32
      %get3A_264 = arith.index_cast %mul3A_263 : i32 to index
      %get3A_265 = tpu.vector_load %arg5[%get3A_264] {strides = array<i32>} : memref<1024xf32, #tpu.memory_space<vmem>>, vector<16xf32>,
      %lt3A_266 = arith.constant 0 : i32
      %lt3A_267 = vector.broadcast %lt3A_266 : i32 to vector<16xi32>
      %lt3A_268 = arith.cmpi slt, %get3A_117, %lt3A_267 : vector<16xi32>
      %add3A_269 = arith.constant 16 : i32
      %add3A_270 = vector.broadcast %add3A_269 : i32 to vector<16xi32>
      %add3A_271 = arith.addi %get3A_117, %add3A_270 : vector<16xi32>
      %select_n3A_272 = arith.select %lt3A_268, %add3A_271, %get3A_117 : vector<16xi1>, vector<16xi32>
      %broadcast_in_dim3A_273 = vector.shape_cast %select_n3A_272 : vector<16xi32> to vector<16x1xi32>
      %gather3A_274 = vector.shape_cast %broadcast_in_dim3A_273 : vector<16x1xi32> to vector<16xi32>
      %gather3A_275 = tpu.dynamic_gather %get3A_265[%gather3A_274] in [0] : vector<16xf32>, vector<16xi32> -> vector<16xf32>
      %lt3A_276 = arith.constant 0 : i32
      %lt3A_277 = vector.broadcast %lt3A_276 : i32 to vector<16xi32>
      %lt3A_278 = arith.cmpi slt, %get3A_119, %lt3A_277 : vector<16xi32>
      %add3A_279 = arith.constant 16 : i32
      %add3A_280 = vector.broadcast %add3A_279 : i32 to vector<16xi32>
      %add3A_281 = arith.addi %get3A_119, %add3A_280 : vector<16xi32>
      %select_n3A_282 = arith.select %lt3A_278, %add3A_281, %get3A_119 : vector<16xi1>, vector<16xi32>
      %broadcast_in_dim3A_283 = vector.shape_cast %select_n3A_282 : vector<16xi32> to vector<16x1xi32>
      %gather3A_284 = vector.shape_cast %broadcast_in_dim3A_283 : vector<16x1xi32> to vector<16xi32>
      %gather3A_285 = tpu.dynamic_gather %get3A_265[%gather3A_284] in [0] : vector<16xf32>, vector<16xi32> -> vector<16xf32>
      %lt3A_286 = arith.constant 0 : i32
      %lt3A_287 = vector.broadcast %lt3A_286 : i32 to vector<16xi32>
      %lt3A_288 = arith.cmpi slt, %get3A_121, %lt3A_287 : vector<16xi32>
      %add3A_289 = arith.constant 16 : i32
      %add3A_290 = vector.broadcast %add3A_289 : i32 to vector<16xi32>
      %add3A_291 = arith.addi %get3A_121, %add3A_290 : vector<16xi32>
      %select_n3A_292 = arith.select %lt3A_288, %add3A_291, %get3A_121 : vector<16xi1>, vector<16xi32>
      %broadcast_in_dim3A_293 = vector.shape_cast %select_n3A_292 : vector<16xi32> to vector<16x1xi32>
      %gather3A_294 = vector.shape_cast %broadcast_in_dim3A_293 : vector<16x1xi32> to vector<16xi32>
      %gather3A_295 = tpu.dynamic_gather %get3A_265[%gather3A_294] in [0] : vector<16xf32>, vector<16xi32> -> vector<16xf32>
      %lt3A_296 = arith.constant 0 : i32
      %lt3A_297 = vector.broadcast %lt3A_296 : i32 to vector<16xi32>
      %lt3A_298 = arith.cmpi slt, %get3A_123, %lt3A_297 : vector<16xi32>
      %add3A_299 = arith.constant 16 : i32
      %add3A_300 = vector.broadcast %add3A_299 : i32 to vector<16xi32>
      %add3A_301 = arith.addi %get3A_123, %add3A_300 : vector<16xi32>
      %select_n3A_302 = arith.select %lt3A_298, %add3A_301, %get3A_123 : vector<16xi1>, vector<16xi32>
      %broadcast_in_dim3A_303 = vector.shape_cast %select_n3A_302 : vector<16xi32> to vector<16x1xi32>
      %gather3A_304 = vector.shape_cast %broadcast_in_dim3A_303 : vector<16x1xi32> to vector<16xi32>
      %gather3A_305 = tpu.dynamic_gather %get3A_265[%gather3A_304] in [0] : vector<16xf32>, vector<16xi32> -> vector<16xf32>
      %lt3A_306 = arith.constant 0 : i32
      %lt3A_307 = vector.broadcast %lt3A_306 : i32 to vector<16xi32>
      %lt3A_308 = arith.cmpi slt, %get3A_125, %lt3A_307 : vector<16xi32>
      %add3A_309 = arith.constant 16 : i32
      %add3A_310 = vector.broadcast %add3A_309 : i32 to vector<16xi32>
      %add3A_311 = arith.addi %get3A_125, %add3A_310 : vector<16xi32>
      %select_n3A_312 = arith.select %lt3A_308, %add3A_311, %get3A_125 : vector<16xi1>, vector<16xi32>
      %broadcast_in_dim3A_313 = vector.shape_cast %select_n3A_312 : vector<16xi32> to vector<16x1xi32>
      %gather3A_314 = vector.shape_cast %broadcast_in_dim3A_313 : vector<16x1xi32> to vector<16xi32>
      %gather3A_315 = tpu.dynamic_gather %get3A_265[%gather3A_314] in [0] : vector<16xf32>, vector<16xi32> -> vector<16xf32>
      %lt3A_316 = arith.constant 0 : i32
      %lt3A_317 = vector.broadcast %lt3A_316 : i32 to vector<16xi32>
      %lt3A_318 = arith.cmpi slt, %get3A_127, %lt3A_317 : vector<16xi32>
      %add3A_319 = arith.constant 16 : i32
      %add3A_320 = vector.broadcast %add3A_319 : i32 to vector<16xi32>
      %add3A_321 = arith.addi %get3A_127, %add3A_320 : vector<16xi32>
      %select_n3A_322 = arith.select %lt3A_318, %add3A_321, %get3A_127 : vector<16xi1>, vector<16xi32>
      %broadcast_in_dim3A_323 = vector.shape_cast %select_n3A_322 : vector<16xi32> to vector<16x1xi32>
      %gather3A_324 = vector.shape_cast %broadcast_in_dim3A_323 : vector<16x1xi32> to vector<16xi32>
      %gather3A_325 = tpu.dynamic_gather %get3A_265[%gather3A_324] in [0] : vector<16xf32>, vector<16xi32> -> vector<16xf32>
      %lt3A_326 = arith.constant 0 : i32
      %lt3A_327 = vector.broadcast %lt3A_326 : i32 to vector<16xi32>
      %lt3A_328 = arith.cmpi slt, %get3A_129, %lt3A_327 : vector<16xi32>
      %add3A_329 = arith.constant 16 : i32
      %add3A_330 = vector.broadcast %add3A_329 : i32 to vector<16xi32>
      %add3A_331 = arith.addi %get3A_129, %add3A_330 : vector<16xi32>
      %select_n3A_332 = arith.select %lt3A_328, %add3A_331, %get3A_129 : vector<16xi1>, vector<16xi32>
      %broadcast_in_dim3A_333 = vector.shape_cast %select_n3A_332 : vector<16xi32> to vector<16x1xi32>
      %gather3A_334 = vector.shape_cast %broadcast_in_dim3A_333 : vector<16x1xi32> to vector<16xi32>
      %gather3A_335 = tpu.dynamic_gather %get3A_265[%gather3A_334] in [0] : vector<16xf32>, vector<16xi32> -> vector<16xf32>
      %lt3A_336 = arith.constant 0 : i32
      %lt3A_337 = vector.broadcast %lt3A_336 : i32 to vector<16xi32>
      %lt3A_338 = arith.cmpi slt, %get3A_131, %lt3A_337 : vector<16xi32>
      %add3A_339 = arith.constant 16 : i32
      %add3A_340 = vector.broadcast %add3A_339 : i32 to vector<16xi32>
      %add3A_341 = arith.addi %get3A_131, %add3A_340 : vector<16xi32>
      %select_n3A_342 = arith.select %lt3A_338, %add3A_341, %get3A_131 : vector<16xi1>, vector<16xi32>
      %broadcast_in_dim3A_343 = vector.shape_cast %select_n3A_342 : vector<16xi32> to vector<16x1xi32>
      %gather3A_344 = vector.shape_cast %broadcast_in_dim3A_343 : vector<16x1xi32> to vector<16xi32>
      %gather3A_345 = tpu.dynamic_gather %get3A_265[%gather3A_344] in [0] : vector<16xf32>, vector<16xi32> -> vector<16xf32>
      %mul3A_346 = arith.constant 4 : i32
      %mul3A_347 = arith.muli %scan3A_171, %mul3A_346 : i32
      %add3A_348 = arith.constant 2 : i32
      %add3A_349 = arith.addi %mul3A_347, %add3A_348 : i32
      %mul3A_350 = arith.constant 16 : i32
      %mul3A_351 = arith.muli %add3A_349, %mul3A_350 : i32
      %get3A_352 = arith.index_cast %mul3A_351 : i32 to index
      %get3A_353 = tpu.vector_load %arg5[%get3A_352] {strides = array<i32>} : memref<1024xf32, #tpu.memory_space<vmem>>, vector<16xf32>,
      %lt3A_354 = arith.constant 0 : i32
      %lt3A_355 = vector.broadcast %lt3A_354 : i32 to vector<16xi32>
      %lt3A_356 = arith.cmpi slt, %get3A_117, %lt3A_355 : vector<16xi32>
      %add3A_357 = arith.constant 16 : i32
      %add3A_358 = vector.broadcast %add3A_357 : i32 to vector<16xi32>
      %add3A_359 = arith.addi %get3A_117, %add3A_358 : vector<16xi32>
      %select_n3A_360 = arith.select %lt3A_356, %add3A_359, %get3A_117 : vector<16xi1>, vector<16xi32>
      %broadcast_in_dim3A_361 = vector.shape_cast %select_n3A_360 : vector<16xi32> to vector<16x1xi32>
      %gather3A_362 = vector.shape_cast %broadcast_in_dim3A_361 : vector<16x1xi32> to vector<16xi32>
      %gather3A_363 = tpu.dynamic_gather %get3A_353[%gather3A_362] in [0] : vector<16xf32>, vector<16xi32> -> vector<16xf32>
      %lt3A_364 = arith.constant 0 : i32
      %lt3A_365 = vector.broadcast %lt3A_364 : i32 to vector<16xi32>
      %lt3A_366 = arith.cmpi slt, %get3A_119, %lt3A_365 : vector<16xi32>
      %add3A_367 = arith.constant 16 : i32
      %add3A_368 = vector.broadcast %add3A_367 : i32 to vector<16xi32>
      %add3A_369 = arith.addi %get3A_119, %add3A_368 : vector<16xi32>
      %select_n3A_370 = arith.select %lt3A_366, %add3A_369, %get3A_119 : vector<16xi1>, vector<16xi32>
      %broadcast_in_dim3A_371 = vector.shape_cast %select_n3A_370 : vector<16xi32> to vector<16x1xi32>
      %gather3A_372 = vector.shape_cast %broadcast_in_dim3A_371 : vector<16x1xi32> to vector<16xi32>
      %gather3A_373 = tpu.dynamic_gather %get3A_353[%gather3A_372] in [0] : vector<16xf32>, vector<16xi32> -> vector<16xf32>
      %lt3A_374 = arith.constant 0 : i32
      %lt3A_375 = vector.broadcast %lt3A_374 : i32 to vector<16xi32>
      %lt3A_376 = arith.cmpi slt, %get3A_121, %lt3A_375 : vector<16xi32>
      %add3A_377 = arith.constant 16 : i32
      %add3A_378 = vector.broadcast %add3A_377 : i32 to vector<16xi32>
      %add3A_379 = arith.addi %get3A_121, %add3A_378 : vector<16xi32>
      %select_n3A_380 = arith.select %lt3A_376, %add3A_379, %get3A_121 : vector<16xi1>, vector<16xi32>
      %broadcast_in_dim3A_381 = vector.shape_cast %select_n3A_380 : vector<16xi32> to vector<16x1xi32>
      %gather3A_382 = vector.shape_cast %broadcast_in_dim3A_381 : vector<16x1xi32> to vector<16xi32>
      %gather3A_383 = tpu.dynamic_gather %get3A_353[%gather3A_382] in [0] : vector<16xf32>, vector<16xi32> -> vector<16xf32>
      %lt3A_384 = arith.constant 0 : i32
      %lt3A_385 = vector.broadcast %lt3A_384 : i32 to vector<16xi32>
      %lt3A_386 = arith.cmpi slt, %get3A_123, %lt3A_385 : vector<16xi32>
      %add3A_387 = arith.constant 16 : i32
      %add3A_388 = vector.broadcast %add3A_387 : i32 to vector<16xi32>
      %add3A_389 = arith.addi %get3A_123, %add3A_388 : vector<16xi32>
      %select_n3A_390 = arith.select %lt3A_386, %add3A_389, %get3A_123 : vector<16xi1>, vector<16xi32>
      %broadcast_in_dim3A_391 = vector.shape_cast %select_n3A_390 : vector<16xi32> to vector<16x1xi32>
      %gather3A_392 = vector.shape_cast %broadcast_in_dim3A_391 : vector<16x1xi32> to vector<16xi32>
      %gather3A_393 = tpu.dynamic_gather %get3A_353[%gather3A_392] in [0] : vector<16xf32>, vector<16xi32> -> vector<16xf32>
      %lt3A_394 = arith.constant 0 : i32
      %lt3A_395 = vector.broadcast %lt3A_394 : i32 to vector<16xi32>
      %lt3A_396 = arith.cmpi slt, %get3A_125, %lt3A_395 : vector<16xi32>
      %add3A_397 = arith.constant 16 : i32
      %add3A_398 = vector.broadcast %add3A_397 : i32 to vector<16xi32>
      %add3A_399 = arith.addi %get3A_125, %add3A_398 : vector<16xi32>
      %select_n3A_400 = arith.select %lt3A_396, %add3A_399, %get3A_125 : vector<16xi1>, vector<16xi32>
      %broadcast_in_dim3A_401 = vector.shape_cast %select_n3A_400 : vector<16xi32> to vector<16x1xi32>
      %gather3A_402 = vector.shape_cast %broadcast_in_dim3A_401 : vector<16x1xi32> to vector<16xi32>
      %gather3A_403 = tpu.dynamic_gather %get3A_353[%gather3A_402] in [0] : vector<16xf32>, vector<16xi32> -> vector<16xf32>
      %lt3A_404 = arith.constant 0 : i32
      %lt3A_405 = vector.broadcast %lt3A_404 : i32 to vector<16xi32>
      %lt3A_406 = arith.cmpi slt, %get3A_127, %lt3A_405 : vector<16xi32>
      %add3A_407 = arith.constant 16 : i32
      %add3A_408 = vector.broadcast %add3A_407 : i32 to vector<16xi32>
      %add3A_409 = arith.addi %get3A_127, %add3A_408 : vector<16xi32>
      %select_n3A_410 = arith.select %lt3A_406, %add3A_409, %get3A_127 : vector<16xi1>, vector<16xi32>
      %broadcast_in_dim3A_411 = vector.shape_cast %select_n3A_410 : vector<16xi32> to vector<16x1xi32>
      %gather3A_412 = vector.shape_cast %broadcast_in_dim3A_411 : vector<16x1xi32> to vector<16xi32>
      %gather3A_413 = tpu.dynamic_gather %get3A_353[%gather3A_412] in [0] : vector<16xf32>, vector<16xi32> -> vector<16xf32>
      %lt3A_414 = arith.constant 0 : i32
      %lt3A_415 = vector.broadcast %lt3A_414 : i32 to vector<16xi32>
      %lt3A_416 = arith.cmpi slt, %get3A_129, %lt3A_415 : vector<16xi32>
      %add3A_417 = arith.constant 16 : i32
      %add3A_418 = vector.broadcast %add3A_417 : i32 to vector<16xi32>
      %add3A_419 = arith.addi %get3A_129, %add3A_418 : vector<16xi32>
      %select_n3A_420 = arith.select %lt3A_416, %add3A_419, %get3A_129 : vector<16xi1>, vector<16xi32>
      %broadcast_in_dim3A_421 = vector.shape_cast %select_n3A_420 : vector<16xi32> to vector<16x1xi32>
      %gather3A_422 = vector.shape_cast %broadcast_in_dim3A_421 : vector<16x1xi32> to vector<16xi32>
      %gather3A_423 = tpu.dynamic_gather %get3A_353[%gather3A_422] in [0] : vector<16xf32>, vector<16xi32> -> vector<16xf32>
      %lt3A_424 = arith.constant 0 : i32
      %lt3A_425 = vector.broadcast %lt3A_424 : i32 to vector<16xi32>
      %lt3A_426 = arith.cmpi slt, %get3A_131, %lt3A_425 : vector<16xi32>
      %add3A_427 = arith.constant 16 : i32
      %add3A_428 = vector.broadcast %add3A_427 : i32 to vector<16xi32>
      %add3A_429 = arith.addi %get3A_131, %add3A_428 : vector<16xi32>
      %select_n3A_430 = arith.select %lt3A_426, %add3A_429, %get3A_131 : vector<16xi1>, vector<16xi32>
      %broadcast_in_dim3A_431 = vector.shape_cast %select_n3A_430 : vector<16xi32> to vector<16x1xi32>
      %gather3A_432 = vector.shape_cast %broadcast_in_dim3A_431 : vector<16x1xi32> to vector<16xi32>
      %gather3A_433 = tpu.dynamic_gather %get3A_353[%gather3A_432] in [0] : vector<16xf32>, vector<16xi32> -> vector<16xf32>
      %mul3A_434 = arith.constant 4 : i32
      %mul3A_435 = arith.muli %scan3A_171, %mul3A_434 : i32
      %add3A_436 = arith.constant 3 : i32
      %add3A_437 = arith.addi %mul3A_435, %add3A_436 : i32
      %mul3A_438 = arith.constant 16 : i32
      %mul3A_439 = arith.muli %add3A_437, %mul3A_438 : i32
      %get3A_440 = arith.index_cast %mul3A_439 : i32 to index
      %get3A_441 = tpu.vector_load %arg5[%get3A_440] {strides = array<i32>} : memref<1024xf32, #tpu.memory_space<vmem>>, vector<16xf32>,
      %lt3A_442 = arith.constant 0 : i32
      %lt3A_443 = vector.broadcast %lt3A_442 : i32 to vector<16xi32>
      %lt3A_444 = arith.cmpi slt, %get3A_117, %lt3A_443 : vector<16xi32>
      %add3A_445 = arith.constant 16 : i32
      %add3A_446 = vector.broadcast %add3A_445 : i32 to vector<16xi32>
      %add3A_447 = arith.addi %get3A_117, %add3A_446 : vector<16xi32>
      %select_n3A_448 = arith.select %lt3A_444, %add3A_447, %get3A_117 : vector<16xi1>, vector<16xi32>
      %broadcast_in_dim3A_449 = vector.shape_cast %select_n3A_448 : vector<16xi32> to vector<16x1xi32>
      %gather3A_450 = vector.shape_cast %broadcast_in_dim3A_449 : vector<16x1xi32> to vector<16xi32>
      %gather3A_451 = tpu.dynamic_gather %get3A_441[%gather3A_450] in [0] : vector<16xf32>, vector<16xi32> -> vector<16xf32>
      %lt3A_452 = arith.constant 0 : i32
      %lt3A_453 = vector.broadcast %lt3A_452 : i32 to vector<16xi32>
      %lt3A_454 = arith.cmpi slt, %get3A_119, %lt3A_453 : vector<16xi32>
      %add3A_455 = arith.constant 16 : i32
      %add3A_456 = vector.broadcast %add3A_455 : i32 to vector<16xi32>
      %add3A_457 = arith.addi %get3A_119, %add3A_456 : vector<16xi32>
      %select_n3A_458 = arith.select %lt3A_454, %add3A_457, %get3A_119 : vector<16xi1>, vector<16xi32>
      %broadcast_in_dim3A_459 = vector.shape_cast %select_n3A_458 : vector<16xi32> to vector<16x1xi32>
      %gather3A_460 = vector.shape_cast %broadcast_in_dim3A_459 : vector<16x1xi32> to vector<16xi32>
      %gather3A_461 = tpu.dynamic_gather %get3A_441[%gather3A_460] in [0] : vector<16xf32>, vector<16xi32> -> vector<16xf32>
      %lt3A_462 = arith.constant 0 : i32
      %lt3A_463 = vector.broadcast %lt3A_462 : i32 to vector<16xi32>
      %lt3A_464 = arith.cmpi slt, %get3A_121, %lt3A_463 : vector<16xi32>
      %add3A_465 = arith.constant 16 : i32
      %add3A_466 = vector.broadcast %add3A_465 : i32 to vector<16xi32>
      %add3A_467 = arith.addi %get3A_121, %add3A_466 : vector<16xi32>
      %select_n3A_468 = arith.select %lt3A_464, %add3A_467, %get3A_121 : vector<16xi1>, vector<16xi32>
      %broadcast_in_dim3A_469 = vector.shape_cast %select_n3A_468 : vector<16xi32> to vector<16x1xi32>
      %gather3A_470 = vector.shape_cast %broadcast_in_dim3A_469 : vector<16x1xi32> to vector<16xi32>
      %gather3A_471 = tpu.dynamic_gather %get3A_441[%gather3A_470] in [0] : vector<16xf32>, vector<16xi32> -> vector<16xf32>
      %lt3A_472 = arith.constant 0 : i32
      %lt3A_473 = vector.broadcast %lt3A_472 : i32 to vector<16xi32>
      %lt3A_474 = arith.cmpi slt, %get3A_123, %lt3A_473 : vector<16xi32>
      %add3A_475 = arith.constant 16 : i32
      %add3A_476 = vector.broadcast %add3A_475 : i32 to vector<16xi32>
      %add3A_477 = arith.addi %get3A_123, %add3A_476 : vector<16xi32>
      %select_n3A_478 = arith.select %lt3A_474, %add3A_477, %get3A_123 : vector<16xi1>, vector<16xi32>
      %broadcast_in_dim3A_479 = vector.shape_cast %select_n3A_478 : vector<16xi32> to vector<16x1xi32>
      %gather3A_480 = vector.shape_cast %broadcast_in_dim3A_479 : vector<16x1xi32> to vector<16xi32>
      %gather3A_481 = tpu.dynamic_gather %get3A_441[%gather3A_480] in [0] : vector<16xf32>, vector<16xi32> -> vector<16xf32>
      %lt3A_482 = arith.constant 0 : i32
      %lt3A_483 = vector.broadcast %lt3A_482 : i32 to vector<16xi32>
      %lt3A_484 = arith.cmpi slt, %get3A_125, %lt3A_483 : vector<16xi32>
      %add3A_485 = arith.constant 16 : i32
      %add3A_486 = vector.broadcast %add3A_485 : i32 to vector<16xi32>
      %add3A_487 = arith.addi %get3A_125, %add3A_486 : vector<16xi32>
      %select_n3A_488 = arith.select %lt3A_484, %add3A_487, %get3A_125 : vector<16xi1>, vector<16xi32>
      %broadcast_in_dim3A_489 = vector.shape_cast %select_n3A_488 : vector<16xi32> to vector<16x1xi32>
      %gather3A_490 = vector.shape_cast %broadcast_in_dim3A_489 : vector<16x1xi32> to vector<16xi32>
      %gather3A_491 = tpu.dynamic_gather %get3A_441[%gather3A_490] in [0] : vector<16xf32>, vector<16xi32> -> vector<16xf32>
      %lt3A_492 = arith.constant 0 : i32
      %lt3A_493 = vector.broadcast %lt3A_492 : i32 to vector<16xi32>
      %lt3A_494 = arith.cmpi slt, %get3A_127, %lt3A_493 : vector<16xi32>
      %add3A_495 = arith.constant 16 : i32
      %add3A_496 = vector.broadcast %add3A_495 : i32 to vector<16xi32>
      %add3A_497 = arith.addi %get3A_127, %add3A_496 : vector<16xi32>
      %select_n3A_498 = arith.select %lt3A_494, %add3A_497, %get3A_127 : vector<16xi1>, vector<16xi32>
      %broadcast_in_dim3A_499 = vector.shape_cast %select_n3A_498 : vector<16xi32> to vector<16x1xi32>
      %gather3A_500 = vector.shape_cast %broadcast_in_dim3A_499 : vector<16x1xi32> to vector<16xi32>
      %gather3A_501 = tpu.dynamic_gather %get3A_441[%gather3A_500] in [0] : vector<16xf32>, vector<16xi32> -> vector<16xf32>
      %lt3A_502 = arith.constant 0 : i32
      %lt3A_503 = vector.broadcast %lt3A_502 : i32 to vector<16xi32>
      %lt3A_504 = arith.cmpi slt, %get3A_129, %lt3A_503 : vector<16xi32>
      %add3A_505 = arith.constant 16 : i32
      %add3A_506 = vector.broadcast %add3A_505 : i32 to vector<16xi32>
      %add3A_507 = arith.addi %get3A_129, %add3A_506 : vector<16xi32>
      %select_n3A_508 = arith.select %lt3A_504, %add3A_507, %get3A_129 : vector<16xi1>, vector<16xi32>
      %broadcast_in_dim3A_509 = vector.shape_cast %select_n3A_508 : vector<16xi32> to vector<16x1xi32>
      %gather3A_510 = vector.shape_cast %broadcast_in_dim3A_509 : vector<16x1xi32> to vector<16xi32>
      %gather3A_511 = tpu.dynamic_gather %get3A_441[%gather3A_510] in [0] : vector<16xf32>, vector<16xi32> -> vector<16xf32>
      %lt3A_512 = arith.constant 0 : i32
      %lt3A_513 = vector.broadcast %lt3A_512 : i32 to vector<16xi32>
      %lt3A_514 = arith.cmpi slt, %get3A_131, %lt3A_513 : vector<16xi32>
      %add3A_515 = arith.constant 16 : i32
      %add3A_516 = vector.broadcast %add3A_515 : i32 to vector<16xi32>
      %add3A_517 = arith.addi %get3A_131, %add3A_516 : vector<16xi32>
      %select_n3A_518 = arith.select %lt3A_514, %add3A_517, %get3A_131 : vector<16xi1>, vector<16xi32>
      %broadcast_in_dim3A_519 = vector.shape_cast %select_n3A_518 : vector<16xi32> to vector<16x1xi32>
      %gather3A_520 = vector.shape_cast %broadcast_in_dim3A_519 : vector<16x1xi32> to vector<16xi32>
      %gather3A_521 = tpu.dynamic_gather %get3A_441[%gather3A_520] in [0] : vector<16xf32>, vector<16xi32> -> vector<16xf32>
      %mul3A_522 = arith.constant 4 : i32
      %mul3A_523 = arith.muli %scan3A_171, %mul3A_522 : i32
      %add3A_524 = arith.constant 0 : i32
      %add3A_525 = arith.addi %mul3A_523, %add3A_524 : i32
      %swap3A = arith.index_cast %add3A_525 : i32 to index
      %swap3A_526 = arith.constant 0 : index
      %swap3A_527 = tpu.vector_load %arg8[%swap3A, %swap3A_526] {strides = array<i32>} : memref<64x128xf32, #tpu.memory_space<vmem>>, vector<16xf32>,
      tpu.vector_store %arg8[%swap3A, %swap3A_526], %gather3A_187 {strides = array<i32>} : memref<64x128xf32, #tpu.memory_space<vmem>>, vector<16xf32>,
      %swap3A_528 = arith.index_cast %add3A_525 : i32 to index
      %swap3A_529 = arith.constant 16 : index
      %swap3A_530 = tpu.vector_load %arg8[%swap3A_528, %swap3A_529] {strides = array<i32>} : memref<64x128xf32, #tpu.memory_space<vmem>>, vector<16xf32>,
      tpu.vector_store %arg8[%swap3A_528, %swap3A_529], %gather3A_197 {strides = array<i32>} : memref<64x128xf32, #tpu.memory_space<vmem>>, vector<16xf32>,
      %swap3A_531 = arith.index_cast %add3A_525 : i32 to index
      %swap3A_532 = arith.constant 32 : index
      %swap3A_533 = tpu.vector_load %arg8[%swap3A_531, %swap3A_532] {strides = array<i32>} : memref<64x128xf32, #tpu.memory_space<vmem>>, vector<16xf32>,
      tpu.vector_store %arg8[%swap3A_531, %swap3A_532], %gather3A_207 {strides = array<i32>} : memref<64x128xf32, #tpu.memory_space<vmem>>, vector<16xf32>,
      %swap3A_534 = arith.index_cast %add3A_525 : i32 to index
      %swap3A_535 = arith.constant 48 : index
      %swap3A_536 = tpu.vector_load %arg8[%swap3A_534, %swap3A_535] {strides = array<i32>} : memref<64x128xf32, #tpu.memory_space<vmem>>, vector<16xf32>,
      tpu.vector_store %arg8[%swap3A_534, %swap3A_535], %gather3A_217 {strides = array<i32>} : memref<64x128xf32, #tpu.memory_space<vmem>>, vector<16xf32>,
      %swap3A_537 = arith.index_cast %add3A_525 : i32 to index
      %swap3A_538 = arith.constant 64 : index
      %swap3A_539 = tpu.vector_load %arg8[%swap3A_537, %swap3A_538] {strides = array<i32>} : memref<64x128xf32, #tpu.memory_space<vmem>>, vector<16xf32>,
      tpu.vector_store %arg8[%swap3A_537, %swap3A_538], %gather3A_227 {strides = array<i32>} : memref<64x128xf32, #tpu.memory_space<vmem>>, vector<16xf32>,
      %swap3A_540 = arith.index_cast %add3A_525 : i32 to index
      %swap3A_541 = arith.constant 80 : index
      %swap3A_542 = tpu.vector_load %arg8[%swap3A_540, %swap3A_541] {strides = array<i32>} : memref<64x128xf32, #tpu.memory_space<vmem>>, vector<16xf32>,
      tpu.vector_store %arg8[%swap3A_540, %swap3A_541], %gather3A_237 {strides = array<i32>} : memref<64x128xf32, #tpu.memory_space<vmem>>, vector<16xf32>,
      %swap3A_543 = arith.index_cast %add3A_525 : i32 to index
      %swap3A_544 = arith.constant 96 : index
      %swap3A_545 = tpu.vector_load %arg8[%swap3A_543, %swap3A_544] {strides = array<i32>} : memref<64x128xf32, #tpu.memory_space<vmem>>, vector<16xf32>,
      tpu.vector_store %arg8[%swap3A_543, %swap3A_544], %gather3A_247 {strides = array<i32>} : memref<64x128xf32, #tpu.memory_space<vmem>>, vector<16xf32>,
      %swap3A_546 = arith.index_cast %add3A_525 : i32 to index
      %swap3A_547 = arith.constant 112 : index
      %swap3A_548 = tpu.vector_load %arg8[%swap3A_546, %swap3A_547] {strides = array<i32>} : memref<64x128xf32, #tpu.memory_space<vmem>>, vector<16xf32>,
      tpu.vector_store %arg8[%swap3A_546, %swap3A_547], %gather3A_257 {strides = array<i32>} : memref<64x128xf32, #tpu.memory_space<vmem>>, vector<16xf32>,
      %mul3A_549 = arith.constant 4 : i32
      %mul3A_550 = arith.muli %scan3A_171, %mul3A_549 : i32
      %add3A_551 = arith.constant 1 : i32
      %add3A_552 = arith.addi %mul3A_550, %add3A_551 : i32
      %swap3A_553 = arith.index_cast %add3A_552 : i32 to index
      %swap3A_554 = arith.constant 0 : index
      %swap3A_555 = tpu.vector_load %arg8[%swap3A_553, %swap3A_554] {strides = array<i32>} : memref<64x128xf32, #tpu.memory_space<vmem>>, vector<16xf32>,
      tpu.vector_store %arg8[%swap3A_553, %swap3A_554], %gather3A_275 {strides = array<i32>} : memref<64x128xf32, #tpu.memory_space<vmem>>, vector<16xf32>,
      %swap3A_556 = arith.index_cast %add3A_552 : i32 to index
      %swap3A_557 = arith.constant 16 : index
      %swap3A_558 = tpu.vector_load %arg8[%swap3A_556, %swap3A_557] {strides = array<i32>} : memref<64x128xf32, #tpu.memory_space<vmem>>, vector<16xf32>,
      tpu.vector_store %arg8[%swap3A_556, %swap3A_557], %gather3A_285 {strides = array<i32>} : memref<64x128xf32, #tpu.memory_space<vmem>>, vector<16xf32>,
      %swap3A_559 = arith.index_cast %add3A_552 : i32 to index
      %swap3A_560 = arith.constant 32 : index
      %swap3A_561 = tpu.vector_load %arg8[%swap3A_559, %swap3A_560] {strides = array<i32>} : memref<64x128xf32, #tpu.memory_space<vmem>>, vector<16xf32>,
      tpu.vector_store %arg8[%swap3A_559, %swap3A_560], %gather3A_295 {strides = array<i32>} : memref<64x128xf32, #tpu.memory_space<vmem>>, vector<16xf32>,
      %swap3A_562 = arith.index_cast %add3A_552 : i32 to index
      %swap3A_563 = arith.constant 48 : index
      %swap3A_564 = tpu.vector_load %arg8[%swap3A_562, %swap3A_563] {strides = array<i32>} : memref<64x128xf32, #tpu.memory_space<vmem>>, vector<16xf32>,
      tpu.vector_store %arg8[%swap3A_562, %swap3A_563], %gather3A_305 {strides = array<i32>} : memref<64x128xf32, #tpu.memory_space<vmem>>, vector<16xf32>,
      %swap3A_565 = arith.index_cast %add3A_552 : i32 to index
      %swap3A_566 = arith.constant 64 : index
      %swap3A_567 = tpu.vector_load %arg8[%swap3A_565, %swap3A_566] {strides = array<i32>} : memref<64x128xf32, #tpu.memory_space<vmem>>, vector<16xf32>,
      tpu.vector_store %arg8[%swap3A_565, %swap3A_566], %gather3A_315 {strides = array<i32>} : memref<64x128xf32, #tpu.memory_space<vmem>>, vector<16xf32>,
      %swap3A_568 = arith.index_cast %add3A_552 : i32 to index
      %swap3A_569 = arith.constant 80 : index
      %swap3A_570 = tpu.vector_load %arg8[%swap3A_568, %swap3A_569] {strides = array<i32>} : memref<64x128xf32, #tpu.memory_space<vmem>>, vector<16xf32>,
      tpu.vector_store %arg8[%swap3A_568, %swap3A_569], %gather3A_325 {strides = array<i32>} : memref<64x128xf32, #tpu.memory_space<vmem>>, vector<16xf32>,
      %swap3A_571 = arith.index_cast %add3A_552 : i32 to index
      %swap3A_572 = arith.constant 96 : index
      %swap3A_573 = tpu.vector_load %arg8[%swap3A_571, %swap3A_572] {strides = array<i32>} : memref<64x128xf32, #tpu.memory_space<vmem>>, vector<16xf32>,
      tpu.vector_store %arg8[%swap3A_571, %swap3A_572], %gather3A_335 {strides = array<i32>} : memref<64x128xf32, #tpu.memory_space<vmem>>, vector<16xf32>,
      %swap3A_574 = arith.index_cast %add3A_552 : i32 to index
      %swap3A_575 = arith.constant 112 : index
      %swap3A_576 = tpu.vector_load %arg8[%swap3A_574, %swap3A_575] {strides = array<i32>} : memref<64x128xf32, #tpu.memory_space<vmem>>, vector<16xf32>,
      tpu.vector_store %arg8[%swap3A_574, %swap3A_575], %gather3A_345 {strides = array<i32>} : memref<64x128xf32, #tpu.memory_space<vmem>>, vector<16xf32>,
      %mul3A_577 = arith.constant 4 : i32
      %mul3A_578 = arith.muli %scan3A_171, %mul3A_577 : i32
      %add3A_579 = arith.constant 2 : i32
      %add3A_580 = arith.addi %mul3A_578, %add3A_579 : i32
      %swap3A_581 = arith.index_cast %add3A_580 : i32 to index
      %swap3A_582 = arith.constant 0 : index
      %swap3A_583 = tpu.vector_load %arg8[%swap3A_581, %swap3A_582] {strides = array<i32>} : memref<64x128xf32, #tpu.memory_space<vmem>>, vector<16xf32>,
      tpu.vector_store %arg8[%swap3A_581, %swap3A_582], %gather3A_363 {strides = array<i32>} : memref<64x128xf32, #tpu.memory_space<vmem>>, vector<16xf32>,
      %swap3A_584 = arith.index_cast %add3A_580 : i32 to index
      %swap3A_585 = arith.constant 16 : index
      %swap3A_586 = tpu.vector_load %arg8[%swap3A_584, %swap3A_585] {strides = array<i32>} : memref<64x128xf32, #tpu.memory_space<vmem>>, vector<16xf32>,
      tpu.vector_store %arg8[%swap3A_584, %swap3A_585], %gather3A_373 {strides = array<i32>} : memref<64x128xf32, #tpu.memory_space<vmem>>, vector<16xf32>,
      %swap3A_587 = arith.index_cast %add3A_580 : i32 to index
      %swap3A_588 = arith.constant 32 : index
      %swap3A_589 = tpu.vector_load %arg8[%swap3A_587, %swap3A_588] {strides = array<i32>} : memref<64x128xf32, #tpu.memory_space<vmem>>, vector<16xf32>,
      tpu.vector_store %arg8[%swap3A_587, %swap3A_588], %gather3A_383 {strides = array<i32>} : memref<64x128xf32, #tpu.memory_space<vmem>>, vector<16xf32>,
      %swap3A_590 = arith.index_cast %add3A_580 : i32 to index
      %swap3A_591 = arith.constant 48 : index
      %swap3A_592 = tpu.vector_load %arg8[%swap3A_590, %swap3A_591] {strides = array<i32>} : memref<64x128xf32, #tpu.memory_space<vmem>>, vector<16xf32>,
      tpu.vector_store %arg8[%swap3A_590, %swap3A_591], %gather3A_393 {strides = array<i32>} : memref<64x128xf32, #tpu.memory_space<vmem>>, vector<16xf32>,
      %swap3A_593 = arith.index_cast %add3A_580 : i32 to index
      %swap3A_594 = arith.constant 64 : index
      %swap3A_595 = tpu.vector_load %arg8[%swap3A_593, %swap3A_594] {strides = array<i32>} : memref<64x128xf32, #tpu.memory_space<vmem>>, vector<16xf32>,
      tpu.vector_store %arg8[%swap3A_593, %swap3A_594], %gather3A_403 {strides = array<i32>} : memref<64x128xf32, #tpu.memory_space<vmem>>, vector<16xf32>,
      %swap3A_596 = arith.index_cast %add3A_580 : i32 to index
      %swap3A_597 = arith.constant 80 : index
      %swap3A_598 = tpu.vector_load %arg8[%swap3A_596, %swap3A_597] {strides = array<i32>} : memref<64x128xf32, #tpu.memory_space<vmem>>, vector<16xf32>,
      tpu.vector_store %arg8[%swap3A_596, %swap3A_597], %gather3A_413 {strides = array<i32>} : memref<64x128xf32, #tpu.memory_space<vmem>>, vector<16xf32>,
      %swap3A_599 = arith.index_cast %add3A_580 : i32 to index
      %swap3A_600 = arith.constant 96 : index
      %swap3A_601 = tpu.vector_load %arg8[%swap3A_599, %swap3A_600] {strides = array<i32>} : memref<64x128xf32, #tpu.memory_space<vmem>>, vector<16xf32>,
      tpu.vector_store %arg8[%swap3A_599, %swap3A_600], %gather3A_423 {strides = array<i32>} : memref<64x128xf32, #tpu.memory_space<vmem>>, vector<16xf32>,
      %swap3A_602 = arith.index_cast %add3A_580 : i32 to index
      %swap3A_603 = arith.constant 112 : index
      %swap3A_604 = tpu.vector_load %arg8[%swap3A_602, %swap3A_603] {strides = array<i32>} : memref<64x128xf32, #tpu.memory_space<vmem>>, vector<16xf32>,
      tpu.vector_store %arg8[%swap3A_602, %swap3A_603], %gather3A_433 {strides = array<i32>} : memref<64x128xf32, #tpu.memory_space<vmem>>, vector<16xf32>,
      %mul3A_605 = arith.constant 4 : i32
      %mul3A_606 = arith.muli %scan3A_171, %mul3A_605 : i32
      %add3A_607 = arith.constant 3 : i32
      %add3A_608 = arith.addi %mul3A_606, %add3A_607 : i32
      %swap3A_609 = arith.index_cast %add3A_608 : i32 to index
      %swap3A_610 = arith.constant 0 : index
      %swap3A_611 = tpu.vector_load %arg8[%swap3A_609, %swap3A_610] {strides = array<i32>} : memref<64x128xf32, #tpu.memory_space<vmem>>, vector<16xf32>,
      tpu.vector_store %arg8[%swap3A_609, %swap3A_610], %gather3A_451 {strides = array<i32>} : memref<64x128xf32, #tpu.memory_space<vmem>>, vector<16xf32>,
      %swap3A_612 = arith.index_cast %add3A_608 : i32 to index
      %swap3A_613 = arith.constant 16 : index
      %swap3A_614 = tpu.vector_load %arg8[%swap3A_612, %swap3A_613] {strides = array<i32>} : memref<64x128xf32, #tpu.memory_space<vmem>>, vector<16xf32>,
      tpu.vector_store %arg8[%swap3A_612, %swap3A_613], %gather3A_461 {strides = array<i32>} : memref<64x128xf32, #tpu.memory_space<vmem>>, vector<16xf32>,
      %swap3A_615 = arith.index_cast %add3A_608 : i32 to index
      %swap3A_616 = arith.constant 32 : index
      %swap3A_617 = tpu.vector_load %arg8[%swap3A_615, %swap3A_616] {strides = array<i32>} : memref<64x128xf32, #tpu.memory_space<vmem>>, vector<16xf32>,
      tpu.vector_store %arg8[%swap3A_615, %swap3A_616], %gather3A_471 {strides = array<i32>} : memref<64x128xf32, #tpu.memory_space<vmem>>, vector<16xf32>,
      %swap3A_618 = arith.index_cast %add3A_608 : i32 to index
      %swap3A_619 = arith.constant 48 : index
      %swap3A_620 = tpu.vector_load %arg8[%swap3A_618, %swap3A_619] {strides = array<i32>} : memref<64x128xf32, #tpu.memory_space<vmem>>, vector<16xf32>,
      tpu.vector_store %arg8[%swap3A_618, %swap3A_619], %gather3A_481 {strides = array<i32>} : memref<64x128xf32, #tpu.memory_space<vmem>>, vector<16xf32>,
      %swap3A_621 = arith.index_cast %add3A_608 : i32 to index
      %swap3A_622 = arith.constant 64 : index
      %swap3A_623 = tpu.vector_load %arg8[%swap3A_621, %swap3A_622] {strides = array<i32>} : memref<64x128xf32, #tpu.memory_space<vmem>>, vector<16xf32>,
      tpu.vector_store %arg8[%swap3A_621, %swap3A_622], %gather3A_491 {strides = array<i32>} : memref<64x128xf32, #tpu.memory_space<vmem>>, vector<16xf32>,
      %swap3A_624 = arith.index_cast %add3A_608 : i32 to index
      %swap3A_625 = arith.constant 80 : index
      %swap3A_626 = tpu.vector_load %arg8[%swap3A_624, %swap3A_625] {strides = array<i32>} : memref<64x128xf32, #tpu.memory_space<vmem>>, vector<16xf32>,
      tpu.vector_store %arg8[%swap3A_624, %swap3A_625], %gather3A_501 {strides = array<i32>} : memref<64x128xf32, #tpu.memory_space<vmem>>, vector<16xf32>,
      %swap3A_627 = arith.index_cast %add3A_608 : i32 to index
      %swap3A_628 = arith.constant 96 : index
      %swap3A_629 = tpu.vector_load %arg8[%swap3A_627, %swap3A_628] {strides = array<i32>} : memref<64x128xf32, #tpu.memory_space<vmem>>, vector<16xf32>,
      tpu.vector_store %arg8[%swap3A_627, %swap3A_628], %gather3A_511 {strides = array<i32>} : memref<64x128xf32, #tpu.memory_space<vmem>>, vector<16xf32>,
      %swap3A_630 = arith.index_cast %add3A_608 : i32 to index
      %swap3A_631 = arith.constant 112 : index
      %swap3A_632 = tpu.vector_load %arg8[%swap3A_630, %swap3A_631] {strides = array<i32>} : memref<64x128xf32, #tpu.memory_space<vmem>>, vector<16xf32>,
      tpu.vector_store %arg8[%swap3A_630, %swap3A_631], %gather3A_521 {strides = array<i32>} : memref<64x128xf32, #tpu.memory_space<vmem>>, vector<16xf32>,
    }
    %scan3A_149 = arith.constant 16 : i32
    %mul3A_150 = arith.constant 128 : i32
    %mul3A_151 = arith.muli %add3A_111, %mul3A_150 : i32
    %dma_start3A_152 = arith.constant 0 : i32
    %dma_start3A_153 = tpu.memref_slice %arg4[%dma_start3A_152, %mul3A_151] : memref<64x800000xf32, #tpu.memory_space<hbm>> -> memref<64x128xf32, #tpu.memory_space<hbm>>
    %dma_start3A_154 = arith.constant 0 : i32
    %dma_start3A_155 = tpu.memref_slice %arg4[%dma_start3A_154, %mul3A_151] : memref<64x800000xf32, #tpu.memory_space<hbm>> -> memref<64x128xf32, #tpu.memory_space<hbm>>
    tpu.enqueue_dma source(%arg8 : memref<64x128xf32, #tpu.memory_space<vmem>>) target(%dma_start3A_155 : memref<64x128xf32, #tpu.memory_space<hbm>>) target_semaphore(%arg10 : memref<!tpu.dma_semaphore, #tpu.memory_space<semaphore_mem>>)
    %dma_wait3A_156 = arith.constant 0 : i32
    %dma_wait3A_157 = tpu.memref_slice %arg4[%dma_wait3A_156, %mul3A_151] : memref<64x800000xf32, #tpu.memory_space<hbm>> -> memref<64x128xf32, #tpu.memory_space<hbm>>
    %dma_wait3A_158 = arith.constant 0 : i32
    %dma_wait3A_159 = tpu.memref_slice %arg4[%dma_wait3A_158, %mul3A_151] : memref<64x800000xf32, #tpu.memory_space<hbm>> -> memref<64x128xf32, #tpu.memory_space<hbm>>
    tpu.wait_dma2 semaphore(%arg10 : memref<!tpu.dma_semaphore, #tpu.memory_space<semaphore_mem>>) src(%arg8 : memref<64x128xf32, #tpu.memory_space<vmem>>) dst(%dma_wait3A_159 : memref<64x128xf32, #tpu.memory_space<hbm>>)
    %lt3A_160 = arith.constant 10 : i32
    %lt3A_161 = arith.cmpi slt, %add3A, %lt3A_160 : i32
    %convert_element_type3A = arith.extui %lt3A_161 : i1 to i32
    %cond3A = arith.constant 0 : i32
    %cond3A_162 = arith.cmpi ne, %convert_element_type3A, %cond3A : i32
    scf.if %cond3A_162 {
      %add3A_171 = arith.constant 6240 : i32
      %add3A_172 = arith.addi %add3A_171, %add3A : i32
      %mul3A_173 = arith.constant 128 : i32
      %mul3A_174 = arith.muli %add3A_172, %mul3A_173 : i32
      %dma_wait3A_175 = tpu.memref_slice %arg2[%mul3A_174] : memref<800000xi32, #tpu.memory_space<hbm>> -> memref<128xi32, #tpu.memory_space<hbm>>
      %dma_wait3A_176 = tpu.memref_slice %arg2[%mul3A_174] : memref<800000xi32, #tpu.memory_space<hbm>> -> memref<128xi32, #tpu.memory_space<hbm>>
      tpu.wait_dma2 semaphore(%arg13 : memref<!tpu.dma_semaphore, #tpu.memory_space<semaphore_mem>>) src(%dma_wait3A_176 : memref<128xi32, #tpu.memory_space<hbm>>) dst(%arg7 : memref<128xi32, #tpu.memory_space<vmem>>)
      %get3A_177 = arith.constant 0 : index
      %get3A_178 = tpu.vector_load %arg7[%get3A_177] {strides = array<i32>} : memref<128xi32, #tpu.memory_space<vmem>>, vector<16xi32>,
      %get3A_179 = arith.constant 16 : index
      %get3A_180 = tpu.vector_load %arg7[%get3A_179] {strides = array<i32>} : memref<128xi32, #tpu.memory_space<vmem>>, vector<16xi32>,
      %get3A_181 = arith.constant 32 : index
      %get3A_182 = tpu.vector_load %arg7[%get3A_181] {strides = array<i32>} : memref<128xi32, #tpu.memory_space<vmem>>, vector<16xi32>,
      %get3A_183 = arith.constant 48 : index
      %get3A_184 = tpu.vector_load %arg7[%get3A_183] {strides = array<i32>} : memref<128xi32, #tpu.memory_space<vmem>>, vector<16xi32>,
      %get3A_185 = arith.constant 64 : index
      %get3A_186 = tpu.vector_load %arg7[%get3A_185] {strides = array<i32>} : memref<128xi32, #tpu.memory_space<vmem>>, vector<16xi32>,
      %get3A_187 = arith.constant 80 : index
      %get3A_188 = tpu.vector_load %arg7[%get3A_187] {strides = array<i32>} : memref<128xi32, #tpu.memory_space<vmem>>, vector<16xi32>,
      %get3A_189 = arith.constant 96 : index
      %get3A_190 = tpu.vector_load %arg7[%get3A_189] {strides = array<i32>} : memref<128xi32, #tpu.memory_space<vmem>>, vector<16xi32>,
      %get3A_191 = arith.constant 112 : index
      %get3A_192 = tpu.vector_load %arg7[%get3A_191] {strides = array<i32>} : memref<128xi32, #tpu.memory_space<vmem>>, vector<16xi32>,
      %add3A_193 = arith.constant 64 : i32
      %add3A_194 = arith.addi %add3A_172, %add3A_193 : i32
      %lt3A_195 = arith.constant 6250 : i32
      %lt3A_196 = arith.cmpi slt, %add3A_194, %lt3A_195 : i32
      %add3A_197 = arith.constant 64 : i32
      %add3A_198 = arith.addi %add3A_172, %add3A_197 : i32
      %jit3A_199 = arith.constant 0 : i32
      %select_n3A_200 = arith.select %lt3A_196, %add3A_198, %jit3A_199 : i32
      %mul3A_201 = arith.constant 128 : i32
      %mul3A_202 = arith.muli %select_n3A_200, %mul3A_201 : i32
      %dma_start3A_203 = tpu.memref_slice %arg2[%mul3A_202] : memref<800000xi32, #tpu.memory_space<hbm>> -> memref<128xi32, #tpu.memory_space<hbm>>
      %dma_start3A_204 = tpu.memref_slice %arg2[%mul3A_202] : memref<800000xi32, #tpu.memory_space<hbm>> -> memref<128xi32, #tpu.memory_space<hbm>>
      tpu.enqueue_dma source(%dma_start3A_204 : memref<128xi32, #tpu.memory_space<hbm>>) target(%arg7 : memref<128xi32, #tpu.memory_space<vmem>>) target_semaphore(%arg13 : memref<!tpu.dma_semaphore, #tpu.memory_space<semaphore_mem>>)
      %scan3A_205 = arith.constant 0 : i32
      %scan3A_206 = arith.constant 0 : i32
      %scan3A_207 = arith.constant 16 : i32
      %scan3A_208 = arith.addi %scan3A_206, %scan3A_207 : i32
      %scan3A_209 = arith.constant 1 : i32
      scf.for %scan3A_221 = %scan3A_206 to %scan3A_208 step %scan3A_209  : i32 {
        %mul3A_222 = arith.constant 4 : i32
        %mul3A_223 = arith.muli %scan3A_221, %mul3A_222 : i32
        %add3A_224 = arith.constant 0 : i32
        %add3A_225 = arith.addi %mul3A_223, %add3A_224 : i32
        %mul3A_226 = arith.constant 16 : i32
        %mul3A_227 = arith.muli %add3A_225, %mul3A_226 : i32
        %get3A_228 = arith.index_cast %mul3A_227 : i32 to index
        %get3A_229 = tpu.vector_load %arg5[%get3A_228] {strides = array<i32>} : memref<1024xf32, #tpu.memory_space<vmem>>, vector<16xf32>,
        %lt3A_230 = arith.constant 0 : i32
        %lt3A_231 = vector.broadcast %lt3A_230 : i32 to vector<16xi32>
        %lt3A_232 = arith.cmpi slt, %get3A_178, %lt3A_231 : vector<16xi32>
        %add3A_233 = arith.constant 16 : i32
        %add3A_234 = vector.broadcast %add3A_233 : i32 to vector<16xi32>
        %add3A_235 = arith.addi %get3A_178, %add3A_234 : vector<16xi32>
        %select_n3A_236 = arith.select %lt3A_232, %add3A_235, %get3A_178 : vector<16xi1>, vector<16xi32>
        %broadcast_in_dim3A = vector.shape_cast %select_n3A_236 : vector<16xi32> to vector<16x1xi32>
        %gather3A = vector.shape_cast %broadcast_in_dim3A : vector<16x1xi32> to vector<16xi32>
        %gather3A_237 = tpu.dynamic_gather %get3A_229[%gather3A] in [0] : vector<16xf32>, vector<16xi32> -> vector<16xf32>
        %lt3A_238 = arith.constant 0 : i32
        %lt3A_239 = vector.broadcast %lt3A_238 : i32 to vector<16xi32>
        %lt3A_240 = arith.cmpi slt, %get3A_180, %lt3A_239 : vector<16xi32>
        %add3A_241 = arith.constant 16 : i32
        %add3A_242 = vector.broadcast %add3A_241 : i32 to vector<16xi32>
        %add3A_243 = arith.addi %get3A_180, %add3A_242 : vector<16xi32>
        %select_n3A_244 = arith.select %lt3A_240, %add3A_243, %get3A_180 : vector<16xi1>, vector<16xi32>
        %broadcast_in_dim3A_245 = vector.shape_cast %select_n3A_244 : vector<16xi32> to vector<16x1xi32>
        %gather3A_246 = vector.shape_cast %broadcast_in_dim3A_245 : vector<16x1xi32> to vector<16xi32>
        %gather3A_247 = tpu.dynamic_gather %get3A_229[%gather3A_246] in [0] : vector<16xf32>, vector<16xi32> -> vector<16xf32>
        %lt3A_248 = arith.constant 0 : i32
        %lt3A_249 = vector.broadcast %lt3A_248 : i32 to vector<16xi32>
        %lt3A_250 = arith.cmpi slt, %get3A_182, %lt3A_249 : vector<16xi32>
        %add3A_251 = arith.constant 16 : i32
        %add3A_252 = vector.broadcast %add3A_251 : i32 to vector<16xi32>
        %add3A_253 = arith.addi %get3A_182, %add3A_252 : vector<16xi32>
        %select_n3A_254 = arith.select %lt3A_250, %add3A_253, %get3A_182 : vector<16xi1>, vector<16xi32>
        %broadcast_in_dim3A_255 = vector.shape_cast %select_n3A_254 : vector<16xi32> to vector<16x1xi32>
        %gather3A_256 = vector.shape_cast %broadcast_in_dim3A_255 : vector<16x1xi32> to vector<16xi32>
        %gather3A_257 = tpu.dynamic_gather %get3A_229[%gather3A_256] in [0] : vector<16xf32>, vector<16xi32> -> vector<16xf32>
        %lt3A_258 = arith.constant 0 : i32
        %lt3A_259 = vector.broadcast %lt3A_258 : i32 to vector<16xi32>
        %lt3A_260 = arith.cmpi slt, %get3A_184, %lt3A_259 : vector<16xi32>
        %add3A_261 = arith.constant 16 : i32
        %add3A_262 = vector.broadcast %add3A_261 : i32 to vector<16xi32>
        %add3A_263 = arith.addi %get3A_184, %add3A_262 : vector<16xi32>
        %select_n3A_264 = arith.select %lt3A_260, %add3A_263, %get3A_184 : vector<16xi1>, vector<16xi32>
        %broadcast_in_dim3A_265 = vector.shape_cast %select_n3A_264 : vector<16xi32> to vector<16x1xi32>
        %gather3A_266 = vector.shape_cast %broadcast_in_dim3A_265 : vector<16x1xi32> to vector<16xi32>
        %gather3A_267 = tpu.dynamic_gather %get3A_229[%gather3A_266] in [0] : vector<16xf32>, vector<16xi32> -> vector<16xf32>
        %lt3A_268 = arith.constant 0 : i32
        %lt3A_269 = vector.broadcast %lt3A_268 : i32 to vector<16xi32>
        %lt3A_270 = arith.cmpi slt, %get3A_186, %lt3A_269 : vector<16xi32>
        %add3A_271 = arith.constant 16 : i32
        %add3A_272 = vector.broadcast %add3A_271 : i32 to vector<16xi32>
        %add3A_273 = arith.addi %get3A_186, %add3A_272 : vector<16xi32>
        %select_n3A_274 = arith.select %lt3A_270, %add3A_273, %get3A_186 : vector<16xi1>, vector<16xi32>
        %broadcast_in_dim3A_275 = vector.shape_cast %select_n3A_274 : vector<16xi32> to vector<16x1xi32>
        %gather3A_276 = vector.shape_cast %broadcast_in_dim3A_275 : vector<16x1xi32> to vector<16xi32>
        %gather3A_277 = tpu.dynamic_gather %get3A_229[%gather3A_276] in [0] : vector<16xf32>, vector<16xi32> -> vector<16xf32>
        %lt3A_278 = arith.constant 0 : i32
        %lt3A_279 = vector.broadcast %lt3A_278 : i32 to vector<16xi32>
        %lt3A_280 = arith.cmpi slt, %get3A_188, %lt3A_279 : vector<16xi32>
        %add3A_281 = arith.constant 16 : i32
        %add3A_282 = vector.broadcast %add3A_281 : i32 to vector<16xi32>
        %add3A_283 = arith.addi %get3A_188, %add3A_282 : vector<16xi32>
        %select_n3A_284 = arith.select %lt3A_280, %add3A_283, %get3A_188 : vector<16xi1>, vector<16xi32>
        %broadcast_in_dim3A_285 = vector.shape_cast %select_n3A_284 : vector<16xi32> to vector<16x1xi32>
        %gather3A_286 = vector.shape_cast %broadcast_in_dim3A_285 : vector<16x1xi32> to vector<16xi32>
        %gather3A_287 = tpu.dynamic_gather %get3A_229[%gather3A_286] in [0] : vector<16xf32>, vector<16xi32> -> vector<16xf32>
        %lt3A_288 = arith.constant 0 : i32
        %lt3A_289 = vector.broadcast %lt3A_288 : i32 to vector<16xi32>
        %lt3A_290 = arith.cmpi slt, %get3A_190, %lt3A_289 : vector<16xi32>
        %add3A_291 = arith.constant 16 : i32
        %add3A_292 = vector.broadcast %add3A_291 : i32 to vector<16xi32>
        %add3A_293 = arith.addi %get3A_190, %add3A_292 : vector<16xi32>
        %select_n3A_294 = arith.select %lt3A_290, %add3A_293, %get3A_190 : vector<16xi1>, vector<16xi32>
        %broadcast_in_dim3A_295 = vector.shape_cast %select_n3A_294 : vector<16xi32> to vector<16x1xi32>
        %gather3A_296 = vector.shape_cast %broadcast_in_dim3A_295 : vector<16x1xi32> to vector<16xi32>
        %gather3A_297 = tpu.dynamic_gather %get3A_229[%gather3A_296] in [0] : vector<16xf32>, vector<16xi32> -> vector<16xf32>
        %lt3A_298 = arith.constant 0 : i32
        %lt3A_299 = vector.broadcast %lt3A_298 : i32 to vector<16xi32>
        %lt3A_300 = arith.cmpi slt, %get3A_192, %lt3A_299 : vector<16xi32>
        %add3A_301 = arith.constant 16 : i32
        %add3A_302 = vector.broadcast %add3A_301 : i32 to vector<16xi32>
        %add3A_303 = arith.addi %get3A_192, %add3A_302 : vector<16xi32>
        %select_n3A_304 = arith.select %lt3A_300, %add3A_303, %get3A_192 : vector<16xi1>, vector<16xi32>
        %broadcast_in_dim3A_305 = vector.shape_cast %select_n3A_304 : vector<16xi32> to vector<16x1xi32>
        %gather3A_306 = vector.shape_cast %broadcast_in_dim3A_305 : vector<16x1xi32> to vector<16xi32>
        %gather3A_307 = tpu.dynamic_gather %get3A_229[%gather3A_306] in [0] : vector<16xf32>, vector<16xi32> -> vector<16xf32>
        %mul3A_308 = arith.constant 4 : i32
        %mul3A_309 = arith.muli %scan3A_221, %mul3A_308 : i32
        %add3A_310 = arith.constant 1 : i32
        %add3A_311 = arith.addi %mul3A_309, %add3A_310 : i32
        %mul3A_312 = arith.constant 16 : i32
        %mul3A_313 = arith.muli %add3A_311, %mul3A_312 : i32
        %get3A_314 = arith.index_cast %mul3A_313 : i32 to index
        %get3A_315 = tpu.vector_load %arg5[%get3A_314] {strides = array<i32>} : memref<1024xf32, #tpu.memory_space<vmem>>, vector<16xf32>,
        %lt3A_316 = arith.constant 0 : i32
        %lt3A_317 = vector.broadcast %lt3A_316 : i32 to vector<16xi32>
        %lt3A_318 = arith.cmpi slt, %get3A_178, %lt3A_317 : vector<16xi32>
        %add3A_319 = arith.constant 16 : i32
        %add3A_320 = vector.broadcast %add3A_319 : i32 to vector<16xi32>
        %add3A_321 = arith.addi %get3A_178, %add3A_320 : vector<16xi32>
        %select_n3A_322 = arith.select %lt3A_318, %add3A_321, %get3A_178 : vector<16xi1>, vector<16xi32>
        %broadcast_in_dim3A_323 = vector.shape_cast %select_n3A_322 : vector<16xi32> to vector<16x1xi32>
        %gather3A_324 = vector.shape_cast %broadcast_in_dim3A_323 : vector<16x1xi32> to vector<16xi32>
        %gather3A_325 = tpu.dynamic_gather %get3A_315[%gather3A_324] in [0] : vector<16xf32>, vector<16xi32> -> vector<16xf32>
        %lt3A_326 = arith.constant 0 : i32
        %lt3A_327 = vector.broadcast %lt3A_326 : i32 to vector<16xi32>
        %lt3A_328 = arith.cmpi slt, %get3A_180, %lt3A_327 : vector<16xi32>
        %add3A_329 = arith.constant 16 : i32
        %add3A_330 = vector.broadcast %add3A_329 : i32 to vector<16xi32>
        %add3A_331 = arith.addi %get3A_180, %add3A_330 : vector<16xi32>
        %select_n3A_332 = arith.select %lt3A_328, %add3A_331, %get3A_180 : vector<16xi1>, vector<16xi32>
        %broadcast_in_dim3A_333 = vector.shape_cast %select_n3A_332 : vector<16xi32> to vector<16x1xi32>
        %gather3A_334 = vector.shape_cast %broadcast_in_dim3A_333 : vector<16x1xi32> to vector<16xi32>
        %gather3A_335 = tpu.dynamic_gather %get3A_315[%gather3A_334] in [0] : vector<16xf32>, vector<16xi32> -> vector<16xf32>
        %lt3A_336 = arith.constant 0 : i32
        %lt3A_337 = vector.broadcast %lt3A_336 : i32 to vector<16xi32>
        %lt3A_338 = arith.cmpi slt, %get3A_182, %lt3A_337 : vector<16xi32>
        %add3A_339 = arith.constant 16 : i32
        %add3A_340 = vector.broadcast %add3A_339 : i32 to vector<16xi32>
        %add3A_341 = arith.addi %get3A_182, %add3A_340 : vector<16xi32>
        %select_n3A_342 = arith.select %lt3A_338, %add3A_341, %get3A_182 : vector<16xi1>, vector<16xi32>
        %broadcast_in_dim3A_343 = vector.shape_cast %select_n3A_342 : vector<16xi32> to vector<16x1xi32>
        %gather3A_344 = vector.shape_cast %broadcast_in_dim3A_343 : vector<16x1xi32> to vector<16xi32>
        %gather3A_345 = tpu.dynamic_gather %get3A_315[%gather3A_344] in [0] : vector<16xf32>, vector<16xi32> -> vector<16xf32>
        %lt3A_346 = arith.constant 0 : i32
        %lt3A_347 = vector.broadcast %lt3A_346 : i32 to vector<16xi32>
        %lt3A_348 = arith.cmpi slt, %get3A_184, %lt3A_347 : vector<16xi32>
        %add3A_349 = arith.constant 16 : i32
        %add3A_350 = vector.broadcast %add3A_349 : i32 to vector<16xi32>
        %add3A_351 = arith.addi %get3A_184, %add3A_350 : vector<16xi32>
        %select_n3A_352 = arith.select %lt3A_348, %add3A_351, %get3A_184 : vector<16xi1>, vector<16xi32>
        %broadcast_in_dim3A_353 = vector.shape_cast %select_n3A_352 : vector<16xi32> to vector<16x1xi32>
        %gather3A_354 = vector.shape_cast %broadcast_in_dim3A_353 : vector<16x1xi32> to vector<16xi32>
        %gather3A_355 = tpu.dynamic_gather %get3A_315[%gather3A_354] in [0] : vector<16xf32>, vector<16xi32> -> vector<16xf32>
        %lt3A_356 = arith.constant 0 : i32
        %lt3A_357 = vector.broadcast %lt3A_356 : i32 to vector<16xi32>
        %lt3A_358 = arith.cmpi slt, %get3A_186, %lt3A_357 : vector<16xi32>
        %add3A_359 = arith.constant 16 : i32
        %add3A_360 = vector.broadcast %add3A_359 : i32 to vector<16xi32>
        %add3A_361 = arith.addi %get3A_186, %add3A_360 : vector<16xi32>
        %select_n3A_362 = arith.select %lt3A_358, %add3A_361, %get3A_186 : vector<16xi1>, vector<16xi32>
        %broadcast_in_dim3A_363 = vector.shape_cast %select_n3A_362 : vector<16xi32> to vector<16x1xi32>
        %gather3A_364 = vector.shape_cast %broadcast_in_dim3A_363 : vector<16x1xi32> to vector<16xi32>
        %gather3A_365 = tpu.dynamic_gather %get3A_315[%gather3A_364] in [0] : vector<16xf32>, vector<16xi32> -> vector<16xf32>
        %lt3A_366 = arith.constant 0 : i32
        %lt3A_367 = vector.broadcast %lt3A_366 : i32 to vector<16xi32>
        %lt3A_368 = arith.cmpi slt, %get3A_188, %lt3A_367 : vector<16xi32>
        %add3A_369 = arith.constant 16 : i32
        %add3A_370 = vector.broadcast %add3A_369 : i32 to vector<16xi32>
        %add3A_371 = arith.addi %get3A_188, %add3A_370 : vector<16xi32>
        %select_n3A_372 = arith.select %lt3A_368, %add3A_371, %get3A_188 : vector<16xi1>, vector<16xi32>
        %broadcast_in_dim3A_373 = vector.shape_cast %select_n3A_372 : vector<16xi32> to vector<16x1xi32>
        %gather3A_374 = vector.shape_cast %broadcast_in_dim3A_373 : vector<16x1xi32> to vector<16xi32>
        %gather3A_375 = tpu.dynamic_gather %get3A_315[%gather3A_374] in [0] : vector<16xf32>, vector<16xi32> -> vector<16xf32>
        %lt3A_376 = arith.constant 0 : i32
        %lt3A_377 = vector.broadcast %lt3A_376 : i32 to vector<16xi32>
        %lt3A_378 = arith.cmpi slt, %get3A_190, %lt3A_377 : vector<16xi32>
        %add3A_379 = arith.constant 16 : i32
        %add3A_380 = vector.broadcast %add3A_379 : i32 to vector<16xi32>
        %add3A_381 = arith.addi %get3A_190, %add3A_380 : vector<16xi32>
        %select_n3A_382 = arith.select %lt3A_378, %add3A_381, %get3A_190 : vector<16xi1>, vector<16xi32>
        %broadcast_in_dim3A_383 = vector.shape_cast %select_n3A_382 : vector<16xi32> to vector<16x1xi32>
        %gather3A_384 = vector.shape_cast %broadcast_in_dim3A_383 : vector<16x1xi32> to vector<16xi32>
        %gather3A_385 = tpu.dynamic_gather %get3A_315[%gather3A_384] in [0] : vector<16xf32>, vector<16xi32> -> vector<16xf32>
        %lt3A_386 = arith.constant 0 : i32
        %lt3A_387 = vector.broadcast %lt3A_386 : i32 to vector<16xi32>
        %lt3A_388 = arith.cmpi slt, %get3A_192, %lt3A_387 : vector<16xi32>
        %add3A_389 = arith.constant 16 : i32
        %add3A_390 = vector.broadcast %add3A_389 : i32 to vector<16xi32>
        %add3A_391 = arith.addi %get3A_192, %add3A_390 : vector<16xi32>
        %select_n3A_392 = arith.select %lt3A_388, %add3A_391, %get3A_192 : vector<16xi1>, vector<16xi32>
        %broadcast_in_dim3A_393 = vector.shape_cast %select_n3A_392 : vector<16xi32> to vector<16x1xi32>
        %gather3A_394 = vector.shape_cast %broadcast_in_dim3A_393 : vector<16x1xi32> to vector<16xi32>
        %gather3A_395 = tpu.dynamic_gather %get3A_315[%gather3A_394] in [0] : vector<16xf32>, vector<16xi32> -> vector<16xf32>
        %mul3A_396 = arith.constant 4 : i32
        %mul3A_397 = arith.muli %scan3A_221, %mul3A_396 : i32
        %add3A_398 = arith.constant 2 : i32
        %add3A_399 = arith.addi %mul3A_397, %add3A_398 : i32
        %mul3A_400 = arith.constant 16 : i32
        %mul3A_401 = arith.muli %add3A_399, %mul3A_400 : i32
        %get3A_402 = arith.index_cast %mul3A_401 : i32 to index
        %get3A_403 = tpu.vector_load %arg5[%get3A_402] {strides = array<i32>} : memref<1024xf32, #tpu.memory_space<vmem>>, vector<16xf32>,
        %lt3A_404 = arith.constant 0 : i32
        %lt3A_405 = vector.broadcast %lt3A_404 : i32 to vector<16xi32>
        %lt3A_406 = arith.cmpi slt, %get3A_178, %lt3A_405 : vector<16xi32>
        %add3A_407 = arith.constant 16 : i32
        %add3A_408 = vector.broadcast %add3A_407 : i32 to vector<16xi32>
        %add3A_409 = arith.addi %get3A_178, %add3A_408 : vector<16xi32>
        %select_n3A_410 = arith.select %lt3A_406, %add3A_409, %get3A_178 : vector<16xi1>, vector<16xi32>
        %broadcast_in_dim3A_411 = vector.shape_cast %select_n3A_410 : vector<16xi32> to vector<16x1xi32>
        %gather3A_412 = vector.shape_cast %broadcast_in_dim3A_411 : vector<16x1xi32> to vector<16xi32>
        %gather3A_413 = tpu.dynamic_gather %get3A_403[%gather3A_412] in [0] : vector<16xf32>, vector<16xi32> -> vector<16xf32>
        %lt3A_414 = arith.constant 0 : i32
        %lt3A_415 = vector.broadcast %lt3A_414 : i32 to vector<16xi32>
        %lt3A_416 = arith.cmpi slt, %get3A_180, %lt3A_415 : vector<16xi32>
        %add3A_417 = arith.constant 16 : i32
        %add3A_418 = vector.broadcast %add3A_417 : i32 to vector<16xi32>
        %add3A_419 = arith.addi %get3A_180, %add3A_418 : vector<16xi32>
        %select_n3A_420 = arith.select %lt3A_416, %add3A_419, %get3A_180 : vector<16xi1>, vector<16xi32>
        %broadcast_in_dim3A_421 = vector.shape_cast %select_n3A_420 : vector<16xi32> to vector<16x1xi32>
        %gather3A_422 = vector.shape_cast %broadcast_in_dim3A_421 : vector<16x1xi32> to vector<16xi32>
        %gather3A_423 = tpu.dynamic_gather %get3A_403[%gather3A_422] in [0] : vector<16xf32>, vector<16xi32> -> vector<16xf32>
        %lt3A_424 = arith.constant 0 : i32
        %lt3A_425 = vector.broadcast %lt3A_424 : i32 to vector<16xi32>
        %lt3A_426 = arith.cmpi slt, %get3A_182, %lt3A_425 : vector<16xi32>
        %add3A_427 = arith.constant 16 : i32
        %add3A_428 = vector.broadcast %add3A_427 : i32 to vector<16xi32>
        %add3A_429 = arith.addi %get3A_182, %add3A_428 : vector<16xi32>
        %select_n3A_430 = arith.select %lt3A_426, %add3A_429, %get3A_182 : vector<16xi1>, vector<16xi32>
        %broadcast_in_dim3A_431 = vector.shape_cast %select_n3A_430 : vector<16xi32> to vector<16x1xi32>
        %gather3A_432 = vector.shape_cast %broadcast_in_dim3A_431 : vector<16x1xi32> to vector<16xi32>
        %gather3A_433 = tpu.dynamic_gather %get3A_403[%gather3A_432] in [0] : vector<16xf32>, vector<16xi32> -> vector<16xf32>
        %lt3A_434 = arith.constant 0 : i32
        %lt3A_435 = vector.broadcast %lt3A_434 : i32 to vector<16xi32>
        %lt3A_436 = arith.cmpi slt, %get3A_184, %lt3A_435 : vector<16xi32>
        %add3A_437 = arith.constant 16 : i32
        %add3A_438 = vector.broadcast %add3A_437 : i32 to vector<16xi32>
        %add3A_439 = arith.addi %get3A_184, %add3A_438 : vector<16xi32>
        %select_n3A_440 = arith.select %lt3A_436, %add3A_439, %get3A_184 : vector<16xi1>, vector<16xi32>
        %broadcast_in_dim3A_441 = vector.shape_cast %select_n3A_440 : vector<16xi32> to vector<16x1xi32>
        %gather3A_442 = vector.shape_cast %broadcast_in_dim3A_441 : vector<16x1xi32> to vector<16xi32>
        %gather3A_443 = tpu.dynamic_gather %get3A_403[%gather3A_442] in [0] : vector<16xf32>, vector<16xi32> -> vector<16xf32>
        %lt3A_444 = arith.constant 0 : i32
        %lt3A_445 = vector.broadcast %lt3A_444 : i32 to vector<16xi32>
        %lt3A_446 = arith.cmpi slt, %get3A_186, %lt3A_445 : vector<16xi32>
        %add3A_447 = arith.constant 16 : i32
        %add3A_448 = vector.broadcast %add3A_447 : i32 to vector<16xi32>
        %add3A_449 = arith.addi %get3A_186, %add3A_448 : vector<16xi32>
        %select_n3A_450 = arith.select %lt3A_446, %add3A_449, %get3A_186 : vector<16xi1>, vector<16xi32>
        %broadcast_in_dim3A_451 = vector.shape_cast %select_n3A_450 : vector<16xi32> to vector<16x1xi32>
        %gather3A_452 = vector.shape_cast %broadcast_in_dim3A_451 : vector<16x1xi32> to vector<16xi32>
        %gather3A_453 = tpu.dynamic_gather %get3A_403[%gather3A_452] in [0] : vector<16xf32>, vector<16xi32> -> vector<16xf32>
        %lt3A_454 = arith.constant 0 : i32
        %lt3A_455 = vector.broadcast %lt3A_454 : i32 to vector<16xi32>
        %lt3A_456 = arith.cmpi slt, %get3A_188, %lt3A_455 : vector<16xi32>
        %add3A_457 = arith.constant 16 : i32
        %add3A_458 = vector.broadcast %add3A_457 : i32 to vector<16xi32>
        %add3A_459 = arith.addi %get3A_188, %add3A_458 : vector<16xi32>
        %select_n3A_460 = arith.select %lt3A_456, %add3A_459, %get3A_188 : vector<16xi1>, vector<16xi32>
        %broadcast_in_dim3A_461 = vector.shape_cast %select_n3A_460 : vector<16xi32> to vector<16x1xi32>
        %gather3A_462 = vector.shape_cast %broadcast_in_dim3A_461 : vector<16x1xi32> to vector<16xi32>
        %gather3A_463 = tpu.dynamic_gather %get3A_403[%gather3A_462] in [0] : vector<16xf32>, vector<16xi32> -> vector<16xf32>
        %lt3A_464 = arith.constant 0 : i32
        %lt3A_465 = vector.broadcast %lt3A_464 : i32 to vector<16xi32>
        %lt3A_466 = arith.cmpi slt, %get3A_190, %lt3A_465 : vector<16xi32>
        %add3A_467 = arith.constant 16 : i32
        %add3A_468 = vector.broadcast %add3A_467 : i32 to vector<16xi32>
        %add3A_469 = arith.addi %get3A_190, %add3A_468 : vector<16xi32>
        %select_n3A_470 = arith.select %lt3A_466, %add3A_469, %get3A_190 : vector<16xi1>, vector<16xi32>
        %broadcast_in_dim3A_471 = vector.shape_cast %select_n3A_470 : vector<16xi32> to vector<16x1xi32>
        %gather3A_472 = vector.shape_cast %broadcast_in_dim3A_471 : vector<16x1xi32> to vector<16xi32>
        %gather3A_473 = tpu.dynamic_gather %get3A_403[%gather3A_472] in [0] : vector<16xf32>, vector<16xi32> -> vector<16xf32>
        %lt3A_474 = arith.constant 0 : i32
        %lt3A_475 = vector.broadcast %lt3A_474 : i32 to vector<16xi32>
        %lt3A_476 = arith.cmpi slt, %get3A_192, %lt3A_475 : vector<16xi32>
        %add3A_477 = arith.constant 16 : i32
        %add3A_478 = vector.broadcast %add3A_477 : i32 to vector<16xi32>
        %add3A_479 = arith.addi %get3A_192, %add3A_478 : vector<16xi32>
        %select_n3A_480 = arith.select %lt3A_476, %add3A_479, %get3A_192 : vector<16xi1>, vector<16xi32>
        %broadcast_in_dim3A_481 = vector.shape_cast %select_n3A_480 : vector<16xi32> to vector<16x1xi32>
        %gather3A_482 = vector.shape_cast %broadcast_in_dim3A_481 : vector<16x1xi32> to vector<16xi32>
        %gather3A_483 = tpu.dynamic_gather %get3A_403[%gather3A_482] in [0] : vector<16xf32>, vector<16xi32> -> vector<16xf32>
        %mul3A_484 = arith.constant 4 : i32
        %mul3A_485 = arith.muli %scan3A_221, %mul3A_484 : i32
        %add3A_486 = arith.constant 3 : i32
        %add3A_487 = arith.addi %mul3A_485, %add3A_486 : i32
        %mul3A_488 = arith.constant 16 : i32
        %mul3A_489 = arith.muli %add3A_487, %mul3A_488 : i32
        %get3A_490 = arith.index_cast %mul3A_489 : i32 to index
        %get3A_491 = tpu.vector_load %arg5[%get3A_490] {strides = array<i32>} : memref<1024xf32, #tpu.memory_space<vmem>>, vector<16xf32>,
        %lt3A_492 = arith.constant 0 : i32
        %lt3A_493 = vector.broadcast %lt3A_492 : i32 to vector<16xi32>
        %lt3A_494 = arith.cmpi slt, %get3A_178, %lt3A_493 : vector<16xi32>
        %add3A_495 = arith.constant 16 : i32
        %add3A_496 = vector.broadcast %add3A_495 : i32 to vector<16xi32>
        %add3A_497 = arith.addi %get3A_178, %add3A_496 : vector<16xi32>
        %select_n3A_498 = arith.select %lt3A_494, %add3A_497, %get3A_178 : vector<16xi1>, vector<16xi32>
        %broadcast_in_dim3A_499 = vector.shape_cast %select_n3A_498 : vector<16xi32> to vector<16x1xi32>
        %gather3A_500 = vector.shape_cast %broadcast_in_dim3A_499 : vector<16x1xi32> to vector<16xi32>
        %gather3A_501 = tpu.dynamic_gather %get3A_491[%gather3A_500] in [0] : vector<16xf32>, vector<16xi32> -> vector<16xf32>
        %lt3A_502 = arith.constant 0 : i32
        %lt3A_503 = vector.broadcast %lt3A_502 : i32 to vector<16xi32>
        %lt3A_504 = arith.cmpi slt, %get3A_180, %lt3A_503 : vector<16xi32>
        %add3A_505 = arith.constant 16 : i32
        %add3A_506 = vector.broadcast %add3A_505 : i32 to vector<16xi32>
        %add3A_507 = arith.addi %get3A_180, %add3A_506 : vector<16xi32>
        %select_n3A_508 = arith.select %lt3A_504, %add3A_507, %get3A_180 : vector<16xi1>, vector<16xi32>
        %broadcast_in_dim3A_509 = vector.shape_cast %select_n3A_508 : vector<16xi32> to vector<16x1xi32>
        %gather3A_510 = vector.shape_cast %broadcast_in_dim3A_509 : vector<16x1xi32> to vector<16xi32>
        %gather3A_511 = tpu.dynamic_gather %get3A_491[%gather3A_510] in [0] : vector<16xf32>, vector<16xi32> -> vector<16xf32>
        %lt3A_512 = arith.constant 0 : i32
        %lt3A_513 = vector.broadcast %lt3A_512 : i32 to vector<16xi32>
        %lt3A_514 = arith.cmpi slt, %get3A_182, %lt3A_513 : vector<16xi32>
        %add3A_515 = arith.constant 16 : i32
        %add3A_516 = vector.broadcast %add3A_515 : i32 to vector<16xi32>
        %add3A_517 = arith.addi %get3A_182, %add3A_516 : vector<16xi32>
        %select_n3A_518 = arith.select %lt3A_514, %add3A_517, %get3A_182 : vector<16xi1>, vector<16xi32>
        %broadcast_in_dim3A_519 = vector.shape_cast %select_n3A_518 : vector<16xi32> to vector<16x1xi32>
        %gather3A_520 = vector.shape_cast %broadcast_in_dim3A_519 : vector<16x1xi32> to vector<16xi32>
        %gather3A_521 = tpu.dynamic_gather %get3A_491[%gather3A_520] in [0] : vector<16xf32>, vector<16xi32> -> vector<16xf32>
        %lt3A_522 = arith.constant 0 : i32
        %lt3A_523 = vector.broadcast %lt3A_522 : i32 to vector<16xi32>
        %lt3A_524 = arith.cmpi slt, %get3A_184, %lt3A_523 : vector<16xi32>
        %add3A_525 = arith.constant 16 : i32
        %add3A_526 = vector.broadcast %add3A_525 : i32 to vector<16xi32>
        %add3A_527 = arith.addi %get3A_184, %add3A_526 : vector<16xi32>
        %select_n3A_528 = arith.select %lt3A_524, %add3A_527, %get3A_184 : vector<16xi1>, vector<16xi32>
        %broadcast_in_dim3A_529 = vector.shape_cast %select_n3A_528 : vector<16xi32> to vector<16x1xi32>
        %gather3A_530 = vector.shape_cast %broadcast_in_dim3A_529 : vector<16x1xi32> to vector<16xi32>
        %gather3A_531 = tpu.dynamic_gather %get3A_491[%gather3A_530] in [0] : vector<16xf32>, vector<16xi32> -> vector<16xf32>
        %lt3A_532 = arith.constant 0 : i32
        %lt3A_533 = vector.broadcast %lt3A_532 : i32 to vector<16xi32>
        %lt3A_534 = arith.cmpi slt, %get3A_186, %lt3A_533 : vector<16xi32>
        %add3A_535 = arith.constant 16 : i32
        %add3A_536 = vector.broadcast %add3A_535 : i32 to vector<16xi32>
        %add3A_537 = arith.addi %get3A_186, %add3A_536 : vector<16xi32>
        %select_n3A_538 = arith.select %lt3A_534, %add3A_537, %get3A_186 : vector<16xi1>, vector<16xi32>
        %broadcast_in_dim3A_539 = vector.shape_cast %select_n3A_538 : vector<16xi32> to vector<16x1xi32>
        %gather3A_540 = vector.shape_cast %broadcast_in_dim3A_539 : vector<16x1xi32> to vector<16xi32>
        %gather3A_541 = tpu.dynamic_gather %get3A_491[%gather3A_540] in [0] : vector<16xf32>, vector<16xi32> -> vector<16xf32>
        %lt3A_542 = arith.constant 0 : i32
        %lt3A_543 = vector.broadcast %lt3A_542 : i32 to vector<16xi32>
        %lt3A_544 = arith.cmpi slt, %get3A_188, %lt3A_543 : vector<16xi32>
        %add3A_545 = arith.constant 16 : i32
        %add3A_546 = vector.broadcast %add3A_545 : i32 to vector<16xi32>
        %add3A_547 = arith.addi %get3A_188, %add3A_546 : vector<16xi32>
        %select_n3A_548 = arith.select %lt3A_544, %add3A_547, %get3A_188 : vector<16xi1>, vector<16xi32>
        %broadcast_in_dim3A_549 = vector.shape_cast %select_n3A_548 : vector<16xi32> to vector<16x1xi32>
        %gather3A_550 = vector.shape_cast %broadcast_in_dim3A_549 : vector<16x1xi32> to vector<16xi32>
        %gather3A_551 = tpu.dynamic_gather %get3A_491[%gather3A_550] in [0] : vector<16xf32>, vector<16xi32> -> vector<16xf32>
        %lt3A_552 = arith.constant 0 : i32
        %lt3A_553 = vector.broadcast %lt3A_552 : i32 to vector<16xi32>
        %lt3A_554 = arith.cmpi slt, %get3A_190, %lt3A_553 : vector<16xi32>
        %add3A_555 = arith.constant 16 : i32
        %add3A_556 = vector.broadcast %add3A_555 : i32 to vector<16xi32>
        %add3A_557 = arith.addi %get3A_190, %add3A_556 : vector<16xi32>
        %select_n3A_558 = arith.select %lt3A_554, %add3A_557, %get3A_190 : vector<16xi1>, vector<16xi32>
        %broadcast_in_dim3A_559 = vector.shape_cast %select_n3A_558 : vector<16xi32> to vector<16x1xi32>
        %gather3A_560 = vector.shape_cast %broadcast_in_dim3A_559 : vector<16x1xi32> to vector<16xi32>
        %gather3A_561 = tpu.dynamic_gather %get3A_491[%gather3A_560] in [0] : vector<16xf32>, vector<16xi32> -> vector<16xf32>
        %lt3A_562 = arith.constant 0 : i32
        %lt3A_563 = vector.broadcast %lt3A_562 : i32 to vector<16xi32>
        %lt3A_564 = arith.cmpi slt, %get3A_192, %lt3A_563 : vector<16xi32>
        %add3A_565 = arith.constant 16 : i32
        %add3A_566 = vector.broadcast %add3A_565 : i32 to vector<16xi32>
        %add3A_567 = arith.addi %get3A_192, %add3A_566 : vector<16xi32>
        %select_n3A_568 = arith.select %lt3A_564, %add3A_567, %get3A_192 : vector<16xi1>, vector<16xi32>
        %broadcast_in_dim3A_569 = vector.shape_cast %select_n3A_568 : vector<16xi32> to vector<16x1xi32>
        %gather3A_570 = vector.shape_cast %broadcast_in_dim3A_569 : vector<16x1xi32> to vector<16xi32>
        %gather3A_571 = tpu.dynamic_gather %get3A_491[%gather3A_570] in [0] : vector<16xf32>, vector<16xi32> -> vector<16xf32>
        %mul3A_572 = arith.constant 4 : i32
        %mul3A_573 = arith.muli %scan3A_221, %mul3A_572 : i32
        %add3A_574 = arith.constant 0 : i32
        %add3A_575 = arith.addi %mul3A_573, %add3A_574 : i32
        %swap3A = arith.index_cast %add3A_575 : i32 to index
        %swap3A_576 = arith.constant 0 : index
        %swap3A_577 = tpu.vector_load %arg9[%swap3A, %swap3A_576] {strides = array<i32>} : memref<64x128xf32, #tpu.memory_space<vmem>>, vector<16xf32>,
        tpu.vector_store %arg9[%swap3A, %swap3A_576], %gather3A_237 {strides = array<i32>} : memref<64x128xf32, #tpu.memory_space<vmem>>, vector<16xf32>,
        %swap3A_578 = arith.index_cast %add3A_575 : i32 to index
        %swap3A_579 = arith.constant 16 : index
        %swap3A_580 = tpu.vector_load %arg9[%swap3A_578, %swap3A_579] {strides = array<i32>} : memref<64x128xf32, #tpu.memory_space<vmem>>, vector<16xf32>,
        tpu.vector_store %arg9[%swap3A_578, %swap3A_579], %gather3A_247 {strides = array<i32>} : memref<64x128xf32, #tpu.memory_space<vmem>>, vector<16xf32>,
        %swap3A_581 = arith.index_cast %add3A_575 : i32 to index
        %swap3A_582 = arith.constant 32 : index
        %swap3A_583 = tpu.vector_load %arg9[%swap3A_581, %swap3A_582] {strides = array<i32>} : memref<64x128xf32, #tpu.memory_space<vmem>>, vector<16xf32>,
        tpu.vector_store %arg9[%swap3A_581, %swap3A_582], %gather3A_257 {strides = array<i32>} : memref<64x128xf32, #tpu.memory_space<vmem>>, vector<16xf32>,
        %swap3A_584 = arith.index_cast %add3A_575 : i32 to index
        %swap3A_585 = arith.constant 48 : index
        %swap3A_586 = tpu.vector_load %arg9[%swap3A_584, %swap3A_585] {strides = array<i32>} : memref<64x128xf32, #tpu.memory_space<vmem>>, vector<16xf32>,
        tpu.vector_store %arg9[%swap3A_584, %swap3A_585], %gather3A_267 {strides = array<i32>} : memref<64x128xf32, #tpu.memory_space<vmem>>, vector<16xf32>,
        %swap3A_587 = arith.index_cast %add3A_575 : i32 to index
        %swap3A_588 = arith.constant 64 : index
        %swap3A_589 = tpu.vector_load %arg9[%swap3A_587, %swap3A_588] {strides = array<i32>} : memref<64x128xf32, #tpu.memory_space<vmem>>, vector<16xf32>,
        tpu.vector_store %arg9[%swap3A_587, %swap3A_588], %gather3A_277 {strides = array<i32>} : memref<64x128xf32, #tpu.memory_space<vmem>>, vector<16xf32>,
        %swap3A_590 = arith.index_cast %add3A_575 : i32 to index
        %swap3A_591 = arith.constant 80 : index
        %swap3A_592 = tpu.vector_load %arg9[%swap3A_590, %swap3A_591] {strides = array<i32>} : memref<64x128xf32, #tpu.memory_space<vmem>>, vector<16xf32>,
        tpu.vector_store %arg9[%swap3A_590, %swap3A_591], %gather3A_287 {strides = array<i32>} : memref<64x128xf32, #tpu.memory_space<vmem>>, vector<16xf32>,
        %swap3A_593 = arith.index_cast %add3A_575 : i32 to index
        %swap3A_594 = arith.constant 96 : index
        %swap3A_595 = tpu.vector_load %arg9[%swap3A_593, %swap3A_594] {strides = array<i32>} : memref<64x128xf32, #tpu.memory_space<vmem>>, vector<16xf32>,
        tpu.vector_store %arg9[%swap3A_593, %swap3A_594], %gather3A_297 {strides = array<i32>} : memref<64x128xf32, #tpu.memory_space<vmem>>, vector<16xf32>,
        %swap3A_596 = arith.index_cast %add3A_575 : i32 to index
        %swap3A_597 = arith.constant 112 : index
        %swap3A_598 = tpu.vector_load %arg9[%swap3A_596, %swap3A_597] {strides = array<i32>} : memref<64x128xf32, #tpu.memory_space<vmem>>, vector<16xf32>,
        tpu.vector_store %arg9[%swap3A_596, %swap3A_597], %gather3A_307 {strides = array<i32>} : memref<64x128xf32, #tpu.memory_space<vmem>>, vector<16xf32>,
        %mul3A_599 = arith.constant 4 : i32
        %mul3A_600 = arith.muli %scan3A_221, %mul3A_599 : i32
        %add3A_601 = arith.constant 1 : i32
        %add3A_602 = arith.addi %mul3A_600, %add3A_601 : i32
        %swap3A_603 = arith.index_cast %add3A_602 : i32 to index
        %swap3A_604 = arith.constant 0 : index
        %swap3A_605 = tpu.vector_load %arg9[%swap3A_603, %swap3A_604] {strides = array<i32>} : memref<64x128xf32, #tpu.memory_space<vmem>>, vector<16xf32>,
        tpu.vector_store %arg9[%swap3A_603, %swap3A_604], %gather3A_325 {strides = array<i32>} : memref<64x128xf32, #tpu.memory_space<vmem>>, vector<16xf32>,
        %swap3A_606 = arith.index_cast %add3A_602 : i32 to index
        %swap3A_607 = arith.constant 16 : index
        %swap3A_608 = tpu.vector_load %arg9[%swap3A_606, %swap3A_607] {strides = array<i32>} : memref<64x128xf32, #tpu.memory_space<vmem>>, vector<16xf32>,
        tpu.vector_store %arg9[%swap3A_606, %swap3A_607], %gather3A_335 {strides = array<i32>} : memref<64x128xf32, #tpu.memory_space<vmem>>, vector<16xf32>,
        %swap3A_609 = arith.index_cast %add3A_602 : i32 to index
        %swap3A_610 = arith.constant 32 : index
        %swap3A_611 = tpu.vector_load %arg9[%swap3A_609, %swap3A_610] {strides = array<i32>} : memref<64x128xf32, #tpu.memory_space<vmem>>, vector<16xf32>,
        tpu.vector_store %arg9[%swap3A_609, %swap3A_610], %gather3A_345 {strides = array<i32>} : memref<64x128xf32, #tpu.memory_space<vmem>>, vector<16xf32>,
        %swap3A_612 = arith.index_cast %add3A_602 : i32 to index
        %swap3A_613 = arith.constant 48 : index
        %swap3A_614 = tpu.vector_load %arg9[%swap3A_612, %swap3A_613] {strides = array<i32>} : memref<64x128xf32, #tpu.memory_space<vmem>>, vector<16xf32>,
        tpu.vector_store %arg9[%swap3A_612, %swap3A_613], %gather3A_355 {strides = array<i32>} : memref<64x128xf32, #tpu.memory_space<vmem>>, vector<16xf32>,
        %swap3A_615 = arith.index_cast %add3A_602 : i32 to index
        %swap3A_616 = arith.constant 64 : index
        %swap3A_617 = tpu.vector_load %arg9[%swap3A_615, %swap3A_616] {strides = array<i32>} : memref<64x128xf32, #tpu.memory_space<vmem>>, vector<16xf32>,
        tpu.vector_store %arg9[%swap3A_615, %swap3A_616], %gather3A_365 {strides = array<i32>} : memref<64x128xf32, #tpu.memory_space<vmem>>, vector<16xf32>,
        %swap3A_618 = arith.index_cast %add3A_602 : i32 to index
        %swap3A_619 = arith.constant 80 : index
        %swap3A_620 = tpu.vector_load %arg9[%swap3A_618, %swap3A_619] {strides = array<i32>} : memref<64x128xf32, #tpu.memory_space<vmem>>, vector<16xf32>,
        tpu.vector_store %arg9[%swap3A_618, %swap3A_619], %gather3A_375 {strides = array<i32>} : memref<64x128xf32, #tpu.memory_space<vmem>>, vector<16xf32>,
        %swap3A_621 = arith.index_cast %add3A_602 : i32 to index
        %swap3A_622 = arith.constant 96 : index
        %swap3A_623 = tpu.vector_load %arg9[%swap3A_621, %swap3A_622] {strides = array<i32>} : memref<64x128xf32, #tpu.memory_space<vmem>>, vector<16xf32>,
        tpu.vector_store %arg9[%swap3A_621, %swap3A_622], %gather3A_385 {strides = array<i32>} : memref<64x128xf32, #tpu.memory_space<vmem>>, vector<16xf32>,
        %swap3A_624 = arith.index_cast %add3A_602 : i32 to index
        %swap3A_625 = arith.constant 112 : index
        %swap3A_626 = tpu.vector_load %arg9[%swap3A_624, %swap3A_625] {strides = array<i32>} : memref<64x128xf32, #tpu.memory_space<vmem>>, vector<16xf32>,
        tpu.vector_store %arg9[%swap3A_624, %swap3A_625], %gather3A_395 {strides = array<i32>} : memref<64x128xf32, #tpu.memory_space<vmem>>, vector<16xf32>,
        %mul3A_627 = arith.constant 4 : i32
        %mul3A_628 = arith.muli %scan3A_221, %mul3A_627 : i32
        %add3A_629 = arith.constant 2 : i32
        %add3A_630 = arith.addi %mul3A_628, %add3A_629 : i32
        %swap3A_631 = arith.index_cast %add3A_630 : i32 to index
        %swap3A_632 = arith.constant 0 : index
        %swap3A_633 = tpu.vector_load %arg9[%swap3A_631, %swap3A_632] {strides = array<i32>} : memref<64x128xf32, #tpu.memory_space<vmem>>, vector<16xf32>,
        tpu.vector_store %arg9[%swap3A_631, %swap3A_632], %gather3A_413 {strides = array<i32>} : memref<64x128xf32, #tpu.memory_space<vmem>>, vector<16xf32>,
        %swap3A_634 = arith.index_cast %add3A_630 : i32 to index
        %swap3A_635 = arith.constant 16 : index
        %swap3A_636 = tpu.vector_load %arg9[%swap3A_634, %swap3A_635] {strides = array<i32>} : memref<64x128xf32, #tpu.memory_space<vmem>>, vector<16xf32>,
        tpu.vector_store %arg9[%swap3A_634, %swap3A_635], %gather3A_423 {strides = array<i32>} : memref<64x128xf32, #tpu.memory_space<vmem>>, vector<16xf32>,
        %swap3A_637 = arith.index_cast %add3A_630 : i32 to index
        %swap3A_638 = arith.constant 32 : index
        %swap3A_639 = tpu.vector_load %arg9[%swap3A_637, %swap3A_638] {strides = array<i32>} : memref<64x128xf32, #tpu.memory_space<vmem>>, vector<16xf32>,
        tpu.vector_store %arg9[%swap3A_637, %swap3A_638], %gather3A_433 {strides = array<i32>} : memref<64x128xf32, #tpu.memory_space<vmem>>, vector<16xf32>,
        %swap3A_640 = arith.index_cast %add3A_630 : i32 to index
        %swap3A_641 = arith.constant 48 : index
        %swap3A_642 = tpu.vector_load %arg9[%swap3A_640, %swap3A_641] {strides = array<i32>} : memref<64x128xf32, #tpu.memory_space<vmem>>, vector<16xf32>,
        tpu.vector_store %arg9[%swap3A_640, %swap3A_641], %gather3A_443 {strides = array<i32>} : memref<64x128xf32, #tpu.memory_space<vmem>>, vector<16xf32>,
        %swap3A_643 = arith.index_cast %add3A_630 : i32 to index
        %swap3A_644 = arith.constant 64 : index
        %swap3A_645 = tpu.vector_load %arg9[%swap3A_643, %swap3A_644] {strides = array<i32>} : memref<64x128xf32, #tpu.memory_space<vmem>>, vector<16xf32>,
        tpu.vector_store %arg9[%swap3A_643, %swap3A_644], %gather3A_453 {strides = array<i32>} : memref<64x128xf32, #tpu.memory_space<vmem>>, vector<16xf32>,
        %swap3A_646 = arith.index_cast %add3A_630 : i32 to index
        %swap3A_647 = arith.constant 80 : index
        %swap3A_648 = tpu.vector_load %arg9[%swap3A_646, %swap3A_647] {strides = array<i32>} : memref<64x128xf32, #tpu.memory_space<vmem>>, vector<16xf32>,
        tpu.vector_store %arg9[%swap3A_646, %swap3A_647], %gather3A_463 {strides = array<i32>} : memref<64x128xf32, #tpu.memory_space<vmem>>, vector<16xf32>,
        %swap3A_649 = arith.index_cast %add3A_630 : i32 to index
        %swap3A_650 = arith.constant 96 : index
        %swap3A_651 = tpu.vector_load %arg9[%swap3A_649, %swap3A_650] {strides = array<i32>} : memref<64x128xf32, #tpu.memory_space<vmem>>, vector<16xf32>,
        tpu.vector_store %arg9[%swap3A_649, %swap3A_650], %gather3A_473 {strides = array<i32>} : memref<64x128xf32, #tpu.memory_space<vmem>>, vector<16xf32>,
        %swap3A_652 = arith.index_cast %add3A_630 : i32 to index
        %swap3A_653 = arith.constant 112 : index
        %swap3A_654 = tpu.vector_load %arg9[%swap3A_652, %swap3A_653] {strides = array<i32>} : memref<64x128xf32, #tpu.memory_space<vmem>>, vector<16xf32>,
        tpu.vector_store %arg9[%swap3A_652, %swap3A_653], %gather3A_483 {strides = array<i32>} : memref<64x128xf32, #tpu.memory_space<vmem>>, vector<16xf32>,
        %mul3A_655 = arith.constant 4 : i32
        %mul3A_656 = arith.muli %scan3A_221, %mul3A_655 : i32
        %add3A_657 = arith.constant 3 : i32
        %add3A_658 = arith.addi %mul3A_656, %add3A_657 : i32
        %swap3A_659 = arith.index_cast %add3A_658 : i32 to index
        %swap3A_660 = arith.constant 0 : index
        %swap3A_661 = tpu.vector_load %arg9[%swap3A_659, %swap3A_660] {strides = array<i32>} : memref<64x128xf32, #tpu.memory_space<vmem>>, vector<16xf32>,
        tpu.vector_store %arg9[%swap3A_659, %swap3A_660], %gather3A_501 {strides = array<i32>} : memref<64x128xf32, #tpu.memory_space<vmem>>, vector<16xf32>,
        %swap3A_662 = arith.index_cast %add3A_658 : i32 to index
        %swap3A_663 = arith.constant 16 : index
        %swap3A_664 = tpu.vector_load %arg9[%swap3A_662, %swap3A_663] {strides = array<i32>} : memref<64x128xf32, #tpu.memory_space<vmem>>, vector<16xf32>,
        tpu.vector_store %arg9[%swap3A_662, %swap3A_663], %gather3A_511 {strides = array<i32>} : memref<64x128xf32, #tpu.memory_space<vmem>>, vector<16xf32>,
        %swap3A_665 = arith.index_cast %add3A_658 : i32 to index
        %swap3A_666 = arith.constant 32 : index
        %swap3A_667 = tpu.vector_load %arg9[%swap3A_665, %swap3A_666] {strides = array<i32>} : memref<64x128xf32, #tpu.memory_space<vmem>>, vector<16xf32>,
        tpu.vector_store %arg9[%swap3A_665, %swap3A_666], %gather3A_521 {strides = array<i32>} : memref<64x128xf32, #tpu.memory_space<vmem>>, vector<16xf32>,
        %swap3A_668 = arith.index_cast %add3A_658 : i32 to index
        %swap3A_669 = arith.constant 48 : index
        %swap3A_670 = tpu.vector_load %arg9[%swap3A_668, %swap3A_669] {strides = array<i32>} : memref<64x128xf32, #tpu.memory_space<vmem>>, vector<16xf32>,
        tpu.vector_store %arg9[%swap3A_668, %swap3A_669], %gather3A_531 {strides = array<i32>} : memref<64x128xf32, #tpu.memory_space<vmem>>, vector<16xf32>,
        %swap3A_671 = arith.index_cast %add3A_658 : i32 to index
        %swap3A_672 = arith.constant 64 : index
        %swap3A_673 = tpu.vector_load %arg9[%swap3A_671, %swap3A_672] {strides = array<i32>} : memref<64x128xf32, #tpu.memory_space<vmem>>, vector<16xf32>,
        tpu.vector_store %arg9[%swap3A_671, %swap3A_672], %gather3A_541 {strides = array<i32>} : memref<64x128xf32, #tpu.memory_space<vmem>>, vector<16xf32>,
        %swap3A_674 = arith.index_cast %add3A_658 : i32 to index
        %swap3A_675 = arith.constant 80 : index
        %swap3A_676 = tpu.vector_load %arg9[%swap3A_674, %swap3A_675] {strides = array<i32>} : memref<64x128xf32, #tpu.memory_space<vmem>>, vector<16xf32>,
        tpu.vector_store %arg9[%swap3A_674, %swap3A_675], %gather3A_551 {strides = array<i32>} : memref<64x128xf32, #tpu.memory_space<vmem>>, vector<16xf32>,
        %swap3A_677 = arith.index_cast %add3A_658 : i32 to index
        %swap3A_678 = arith.constant 96 : index
        %swap3A_679 = tpu.vector_load %arg9[%swap3A_677, %swap3A_678] {strides = array<i32>} : memref<64x128xf32, #tpu.memory_space<vmem>>, vector<16xf32>,
        tpu.vector_store %arg9[%swap3A_677, %swap3A_678], %gather3A_561 {strides = array<i32>} : memref<64x128xf32, #tpu.memory_space<vmem>>, vector<16xf32>,
        %swap3A_680 = arith.index_cast %add3A_658 : i32 to index
        %swap3A_681 = arith.constant 112 : index
        %swap3A_682 = tpu.vector_load %arg9[%swap3A_680, %swap3A_681] {strides = array<i32>} : memref<64x128xf32, #tpu.memory_space<vmem>>, vector<16xf32>,
        tpu.vector_store %arg9[%swap3A_680, %swap3A_681], %gather3A_571 {strides = array<i32>} : memref<64x128xf32, #tpu.memory_space<vmem>>, vector<16xf32>,
      }
      %scan3A_210 = arith.constant 16 : i32
      %mul3A_211 = arith.constant 128 : i32
      %mul3A_212 = arith.muli %add3A_172, %mul3A_211 : i32
      %dma_start3A_213 = arith.constant 0 : i32
      %dma_start3A_214 = tpu.memref_slice %arg4[%dma_start3A_213, %mul3A_212] : memref<64x800000xf32, #tpu.memory_space<hbm>> -> memref<64x128xf32, #tpu.memory_space<hbm>>
      %dma_start3A_215 = arith.constant 0 : i32
      %dma_start3A_216 = tpu.memref_slice %arg4[%dma_start3A_215, %mul3A_212] : memref<64x800000xf32, #tpu.memory_space<hbm>> -> memref<64x128xf32, #tpu.memory_space<hbm>>
      tpu.enqueue_dma source(%arg9 : memref<64x128xf32, #tpu.memory_space<vmem>>) target(%dma_start3A_216 : memref<64x128xf32, #tpu.memory_space<hbm>>) target_semaphore(%arg11 : memref<!tpu.dma_semaphore, #tpu.memory_space<semaphore_mem>>)
      %dma_wait3A_217 = arith.constant 0 : i32
      %dma_wait3A_218 = tpu.memref_slice %arg4[%dma_wait3A_217, %mul3A_212] : memref<64x800000xf32, #tpu.memory_space<hbm>> -> memref<64x128xf32, #tpu.memory_space<hbm>>
      %dma_wait3A_219 = arith.constant 0 : i32
      %dma_wait3A_220 = tpu.memref_slice %arg4[%dma_wait3A_219, %mul3A_212] : memref<64x800000xf32, #tpu.memory_space<hbm>> -> memref<64x128xf32, #tpu.memory_space<hbm>>
      tpu.wait_dma2 semaphore(%arg11 : memref<!tpu.dma_semaphore, #tpu.memory_space<semaphore_mem>>) src(%arg9 : memref<64x128xf32, #tpu.memory_space<vmem>>) dst(%dma_wait3A_220 : memref<64x128xf32, #tpu.memory_space<hbm>>)
    } else {
    }
    %mul3A_163 = arith.constant 128 : i32
    %mul3A_164 = arith.muli %add3A, %mul3A_163 : i32
    %dma_wait3A_165 = tpu.memref_slice %arg2[%mul3A_164] : memref<800000xi32, #tpu.memory_space<hbm>> -> memref<128xi32, #tpu.memory_space<hbm>>
    %dma_wait3A_166 = tpu.memref_slice %arg2[%mul3A_164] : memref<800000xi32, #tpu.memory_space<hbm>> -> memref<128xi32, #tpu.memory_space<hbm>>
    tpu.wait_dma2 semaphore(%arg12 : memref<!tpu.dma_semaphore, #tpu.memory_space<semaphore_mem>>) src(%dma_wait3A_166 : memref<128xi32, #tpu.memory_space<hbm>>) dst(%arg6 : memref<128xi32, #tpu.memory_space<vmem>>)
    %mul3A_167 = arith.constant 128 : i32
    %mul3A_168 = arith.muli %add3A_2, %mul3A_167 : i32
    %dma_wait3A_169 = tpu.memref_slice %arg2[%mul3A_168] : memref<800000xi32, #tpu.memory_space<hbm>> -> memref<128xi32, #tpu.memory_space<hbm>>
    %dma_wait3A_170 = tpu.memref_slice %arg2[%mul3A_168] : memref<800000xi32, #tpu.memory_space<hbm>> -> memref<128xi32, #tpu.memory_space<hbm>>
    tpu.wait_dma2 semaphore(%arg13 : memref<!tpu.dma_semaphore, #tpu.memory_space<semaphore_mem>>) src(%dma_wait3A_170 : memref<128xi32, #tpu.memory_space<hbm>>) dst(%arg7 : memref<128xi32, #tpu.memory_space<vmem>>)
    return
  }
}

</mosaic_0001>

<sc_bundles>
// kernel: kernel.3.cloned.1.call-start
scs
__scs_entry_jumppad:
0x0: {  	(pc) =	sbr.rel $0x88, $3  }
0x1: {  	(tag) =	ssettag $0x0;
	lr =	simm.s32 $0x1  }
0x2: {  	[smem:$0x3F9F] =	sst lr;
	_ =	strace $0xD0000000  }
0x3: {  	_ = 	snop  }
0x4: {  	_ = 	snop  }
0x5: {  	_ = 	snop  }
0x6: {  	_ = 	snop  }
0x7: {  	_ = 	snop  }
__scs_overlays_trampoline_lowered:
0x8: {  	[smem:$0x3FAE] =	sst s0  }
0x9: {  	[smem:$0x3FAF] =	sst s1  }
0xa: {  	[smem:$0x3FB0] =	sst s2  }
0xb: {  	[smem:$0x3FB1] =	sst s3  }
0xc: {  	[smem:$0x3FB2] =	sst s4  }
0xd: {  	[smem:$0x3FB3] =	sst s5  }
0xe: {  	[smem:$0x3FB4] =	sst s6  }
0xf: {  	[smem:$0x3FB5] =	sst s7  }
0x10: {  	[smem:$0x3FB6] =	sst s8  }
0x11: {  	[smem:$0x3FB7] =	sst s9;
	s0 =	simm.s32 @!p0 $0x0  }
0x12: {  	s1 =	sld [smem:$0x3F9D];
	s0 =	simm.s32 @p0 $0x1  }
0x13: {  	[smem:$0x3FB8] =	sst s0;
	s0 =	simm.s32 @!p1 $0x0  }
0x14: {  	s2 =	sld [smem:$0x3F9C];
	s0 =	simm.s32 @p1 $0x1  }
0x15: {  	[smem:$0x3FB9] =	sst s0;
	s0 =	simm.s32 @!p2 $0x0  }
0x16: {  	s3 =	sld [smem:$0x3FDB];
	s0 =	simm.s32 @p2 $0x1  }
0x17: {  	s4 =	simm.s32 $0x1BF5;
	[smem:$0x3FBB] =	sst s0  }
0x18: {  	s0 =	sld [smem:$0x3F9E];
	_ =	swait.ge [sflag:s4], $0x0  }
0x19: {  	s7 =	sld [smem:$0x3F9F]  }
0x1a: {  	s8 =	sadd.s32 $0xFFFFE003, lr  }
0x1b: {  	s9 =	sadd.s32 $0xFFFFFEF7, lr;
	s5 =	simm.s32 $0xFFFFFFFF;
	p2 =	slt.u32 s8, $0xFFFFF086  }
0x1c: {  	p1 =	slt.u32 s9, $0xF7A;
	s5 =	simm.s32 @!p2 $0x0  }
0x1d: {  	s5 =	simm.s32 @p1 $0x1;
	p0 =	seq.s32 s7, s2  }
0x1e: {  	s7 =	smul.u32 @!p0 $0xF7A, s2;
	p2 =	seq.s32 @!p0 s5, $0x0  }
0x1f: {  	s9 =	smul.u32 $0xF7A, s1;
	s8 =	simm.s32 @!p0 $0x1BF5;
	p2 =	por !p2, p0  }
0x20: {  	[sflag:s8] =	ssyncset.s32 @!p0 $0xFFFFF086;
	s6 =	sadd.s32 @!p0 s3, s7;
	s7 =	simm.s32 @!p0 $0x108  }
0x21: {  	s3 =	sadd.s32 s3, s9;
	s6 =	sadd.s32 @!p0 $0x88, s6;
	s7 =	simm.s32 @p2 $0x1082  }
0x22: {  	[simem:s7], [sflag:s8] =	dma.local @!p0 [hbm:s6], $0xF7A  }
0x23: {  	s9 =	sor.u32 $0xD0000000, s2;
	s6 =	simm.s32 $0x108;
	_ =	swait.ge @!p0 [sflag:s8], $0x0  }
0x24: {  	s3 =	sadd.s32 $0x88, s3;
	s6 =	simm.s32 @!p1 $0x1082;
	[sflag:s4] =	ssyncset.s32 $0xFFFFF086  }
0x25: {  	[simem:s6], [sflag:s4] =	dma.local [hbm:s3], $0xF7A  }
0x26: {  	[smem:$0x3F9F] =	sst s1;
	(tag) =	ssettag s2;
	_ =	strace s9  }
0x27: {  	s1 =	sld [smem:$0x3FAF]  }
0x28: {  	s2 =	sld [smem:$0x3FB0]  }
0x29: {  	s4 =	sld [smem:$0x3FB2]  }
0x2a: {  	p0 =	seq.s32 s5, $0x0;
	s5 =	sld [smem:$0x3FB3]  }
0x2b: {  	s6 =	sld [smem:$0x3FB4]  }
0x2c: {  	s7 =	sld [smem:$0x3FB5]  }
0x2d: {  	s3 =	simm.s32 $0x108;
	s8 =	sld [smem:$0x3FB6]  }
0x2e: {  	s3 =	simm.s32 @!p0 $0x1082;
	s9 =	sld [smem:$0x3FB7]  }
0x2f: {  	lr =	sadd.s32 s0, s3;
	s0 =	sld [smem:$0x3FAE]  }
0x30: {  	s3 =	sld [smem:$0x3FB1]  }
0x31: {  	[smem:$0x3FBA] =	sst s10  }
0x32: {  	s10 =	sld [smem:$0x3FB8];
	_ =	sdelay $0x3  }
0x33: {  	p0 =	seq.s32 s10, $0x1;
	s10 =	sld [smem:$0x3FBA];
	_ =	sdelay $0x3  }
0x34: {  	[smem:$0x3FBA] =	sst s10  }
0x35: {  	s10 =	sld [smem:$0x3FB9];
	_ =	sdelay $0x3  }
0x36: {  	p1 =	seq.s32 s10, $0x1;
	s10 =	sld [smem:$0x3FBA];
	_ =	sdelay $0x3  }
0x37: {  	[smem:$0x3FBA] =	sst s10  }
0x38: {  	s10 =	sld [smem:$0x3FBB]  }
0x39: {  	_ = 	snop;
	(pc) =	sbr.ind lr, $3  }
0x3a: {  	_ = 	snop  }
0x3b: {  	_ = 	snop  }
0x3c: {  	p2 =	seq.s32 s10, $0x1;
	s10 =	sld [smem:$0x3FBA]  }
0x3d: {  	_ =	shalt  }
0x3e: {  	_ =	shalt  }
0x3f: {  	_ =	shalt  }
0x40: {  	_ =	shalt  }
0x41: {  	_ =	shalt  }
0x42: {  	_ =	shalt  }
0x43: {  	_ =	shalt  }
0x44: {  	_ =	shalt  }
0x45: {  	_ =	shalt  }
0x46: {  	_ =	shalt  }
0x47: {  	_ =	shalt  }
0x48: {  	_ =	shalt  }
0x49: {  	_ =	shalt  }
0x4a: {  	_ =	shalt  }
0x4b: {  	_ =	shalt  }
0x4c: {  	_ =	shalt  }
0x4d: {  	_ =	shalt  }
0x4e: {  	_ =	shalt  }
0x4f: {  	_ =	shalt  }
0x50: {  	_ =	shalt  }
0x51: {  	_ =	shalt  }
0x52: {  	_ =	shalt  }
0x53: {  	_ =	shalt  }
0x54: {  	_ =	shalt  }
0x55: {  	_ =	shalt  }
0x56: {  	_ =	shalt  }
0x57: {  	_ =	shalt  }
0x58: {  	_ =	shalt  }
0x59: {  	_ =	shalt  }
0x5a: {  	_ =	shalt  }
0x5b: {  	_ =	shalt  }
0x5c: {  	_ =	shalt  }
0x5d: {  	_ =	shalt  }
0x5e: {  	_ =	shalt  }
0x5f: {  	_ =	shalt  }
0x60: {  	_ =	shalt  }
0x61: {  	_ =	shalt  }
0x62: {  	_ =	shalt  }
0x63: {  	_ =	shalt  }
0x64: {  	_ =	shalt  }
0x65: {  	_ =	shalt  }
0x66: {  	_ =	shalt  }
0x67: {  	_ =	shalt  }
0x68: {  	_ =	shalt  }
0x69: {  	_ =	shalt  }
0x6a: {  	_ =	shalt  }
0x6b: {  	_ =	shalt  }
0x6c: {  	_ =	shalt  }
0x6d: {  	_ =	shalt  }
0x6e: {  	_ =	shalt  }
0x6f: {  	_ =	shalt  }
0x70: {  	_ =	shalt  }
0x71: {  	_ =	shalt  }
0x72: {  	_ =	shalt  }
0x73: {  	_ =	shalt  }
0x74: {  	_ =	shalt  }
0x75: {  	_ =	shalt  }
0x76: {  	_ =	shalt  }
0x77: {  	_ =	shalt  }
0x78: {  	_ =	shalt  }
0x79: {  	_ =	shalt  }
0x7a: {  	_ =	shalt  }
0x7b: {  	_ =	shalt  }
0x7c: {  	_ =	shalt  }
0x7d: {  	_ =	shalt  }
0x7e: {  	_ =	shalt  }
0x7f: {  	_ =	shalt  }
0x80: {  	_ =	shalt  }
0x81: {  	_ =	shalt  }
0x82: {  	_ =	shalt  }
0x83: {  	_ =	shalt  }
0x84: {  	_ =	shalt  }
0x85: {  	_ =	shalt  }
0x86: {  	_ =	shalt  }
0x87: {  	_ =	shalt  }
.Lfunc_end0:
.L_simem_size_0:
called_computation_lowered:
.L_overlay_start_0:
0x88: {  	s2 =	sld [smem:$0x3FD9]  }
0x89: {  	s3 =	sld [smem:$0x3FFE];
	_ =	sdelay $0x1  }
0x8a: {  	s1 =	srdreg.scid  }
0x8b: {  	s0 =	sand.u32 $0x1, s1  }
0x8c: {  	s17 =	sshll.u32 s0, $0xA;
	s2 =	sadd.s32 s3, s2  }
0x8d: {  	s2 =	sadd.s32 s2, s17  }
0x8e: {  	[smem:$0x3FC6] =	sst s2  }
0x8f: {  	_ = 	snop  }
0x90: {  	s2 =	sld [smem:$0x3FC9]  }
0x91: {  	s18 =	sld [smem:$0x3FD0];
	(tm) =	ssettm $0x1  }
0x92: {  	s4 =	sld [smem:$0x3FFB];
	_ =	sdelay $0x3  }
0x93: {  	_ =	strace s4  }
0x94: {  	s4 =	sld [smem:$0x3FFC];
	_ =	sdelay $0x3  }
0x95: {  	_ =	strace s4  }
0x96: {  	s4 =	sld [smem:$0x3FFD];
	_ =	sdelay $0x3  }
0x97: {  	_ =	strace s4  }
0x98: {  	_ =	strace $0x8FFFFFFF  }
0x99: {  	s19 =	sld [smem:$0x3FDB];
	_ =	sdelay $0x1  }
0x9a: {  	s5 =	simm.s32 $_scs_section_size  }
0x9b: {  	s6 =	simm.s32 $_size__tile_overlayer_lowered;
	s7 =	simm.s32 $_tile_overlayer_lowered  }
0x9c: {  	s22 =	simm.s32 $0x1BFF;
	s21 =	sshll.u32 s7, $0x1;
	s4 =	sadd.s32 s5, s19  }
0x9d: {  	s8 =	simm.s32 $0x0;
	s20 =	sshll.u32 s6, $0x1;
	s6 =	sadd.s32 s21, s4  }
0x9e: {  	[timem:s8], [sflag:s22] =	dma.local [hbm:s6], s20  }
0x9f: {  	_ =	swait.ge [sflag:s22], s20  }
0xa0: {  	s5 =	ssub.s32 $0x0, s20;
	[sflag:s22] =	ssyncset.done $0x0  }
0xa1: {  	[sflag:s22] =	ssyncadd.s32 s5;
	_ =	sdelay $0x1  }
0xa2: {  	s23 =	simm.s32 $0x1B8B  }
0xa3: {  	_ =	swait.ge [sflag:s23], $0x1  }
0xa4: {  	[sflag:s23] =	ssyncset.done $0x0  }
0xa5: {  	s25 =	simm.s32 $0x1B8E;
	s24 =	sld [smem:$0x3FFE];
	[sflag:s23] =	ssyncadd.s32 $0xFFFFFFFF  }
0xa6: {  	s26 =	simm.s32 $execute0_lowered;
	[smem:$0x3FD2] =	sst s25  }
0xa7: {  	s6 =	sshll.u32 s26, $0x1;
	_ =	strace $0x80000046;
	[dreg:$0x1] =	wrdreg $0xFFFFFFFF  }
0xa8: {  	s28 =	simm.s32 $_size_execute0_lowered;
	s4 =	sadd.s32 s4, s6;
	[dreg:$0x0] =	wrdreg $0x0  }
0xa9: {  	s6 =	sshll.u32 s28, $0x1;
	[dreg:$0x2] =	wrdreg s4  }
0xaa: {  	[dreg:$0x3] =	wrdreg s6  }
0xab: {  	[dreg:$0x4] =	wrdreg $0xC0  }
0xac: {  	_ =	task [dreg:s8], $0x5FFFF  }
0xad: {  	[dreg:$0x1] =	wrdreg $0xFFFFFFFF  }
0xae: {  	[dreg:$0x0] =	wrdreg $0x60  }
0xaf: {  	[dreg:$0x2] =	wrdreg s2  }
0xb0: {  	[dreg:$0x3] =	wrdreg s24  }
0xb1: {  	[dreg:$0x4] =	wrdreg s18  }
0xb2: {  	[dreg:$0x5] =	wrdreg $0x9  }
0xb3: {  	_ =	task.clear_ibuf [dreg:s8], $0x6FFFF;
	_ =	strace $0x90000046  }
0xb4: {  	s29 =	simm.s32 $0x9;
	_ =	strace $0x80000048  }
0xb5: {  	_ =	swait.ge [sflag:s29], $0x1  }
0xb6: {  	[sflag:s29] =	ssyncadd.s32 $0xFFFFFFFF  }
0xb7: {  	_ =	strace $0x90000048  }
0xb8: {  	_ =	sfence  }
0xb9: {  	s30 =	sld [smem:$0x0];
	_ =	sdelay $0x2  }
0xba: {  	s31 =	sshll.u32 s1, $0xD;
	s1 =	sshrl.u32 s1, $0x2  }
0xbb: {  	s3 =	sand.u32 $0x4000, s31;
	s1 =	sadd.s32 s1, s30  }
0xbc: {  	s0 =	sor.u32 s3, s0;
	s1 =	sshll.u32 s1, $0x11  }
0xbd: {  	s0 =	sor.u32 s1, s0  }
0xbe: {  	s0 =	sadd.s32 $0x8F2B, s0  }
0xbf: {  	[sflag:s0] =	ssyncadd.remote.s32 $0x1  }
0xc0: {  	_ =	sfence.sel $0xFFFF  }
0xc1: {  	[dreg:$0x0] =	wrdreg $0xFFFFFFFF;
	(pc) =	sbr.abs _section_cstart, $3  }
0xc2: {  	[dreg:$0x1] =	wrdreg $0xFFFFFFFF  }
0xc3: {  	_ =	task.clear_ibuf [dreg:s8], $0x2FFFF;
	_ =	strace $0x9FFFFFFF  }
0xc4: {  	(tm) =	ssettm $0x7FFFFFFF  }
0xc5: {  	_ =	shalt  }
tec
execute0_lowered:
.L_overlay_start_1:
0x0: {  	(tag) =	ssettag $0x1  }
0x1: {  	s1 =	rddreg [dreg:$0x0]  }
0x2: {  	s0 =	rddreg [dreg:$0x1]  }
0x3: {  	s3 =	rddreg [dreg:$0x2];
	s4 =	simm.s32 $0x0;
	s2 =	srdreg.scid  }
0x4: {  	s15 =	stileid.u32;
	s17 =	simm.s32 $0x5;
	s18 =	simm.s32 $0x400  }
0x5: {  	s19 =	simm.s32 $0x480;
	s20 =	simm.s32 $0x3;
	s21 =	simm.s32 $0x61A800  }
0x6: {  	s22 =	simm.s32 $0x500;
	s23 =	simm.s32 $0x4;
	s24 =	simm.s32 $0x2500  }
0x7: {  	s25 =	simm.s32 $0x1;
	s26 =	simm.s32 $0x2;
	s28 =	simm.s32 $0x0  }
0x8: {  	[smem:$0x7FF] =	sst s4;
	s2 =	sand.u32 $0x1, s2;
	s5 =	sshll.u32 s15, $0x1  }
0x9: {  	s6 =	sadd.s32 $0x400, s0;
	s9 =	sadd.s32 $0x400, s1;
	p0 =	sgt.u32 s15, $0x4  }
0xa: {  	_ =	strace $0x80000047;
	s7 =	ssub.s32 $0x2, s2;
	s5 =	sor.u32 s2, s5  }
0xb: {  	s30 =	sshrl.u32 s7, $0x1;
	s2 =	sor.u32 $0x20, s5;
	s10 =	sshll.u32 s5, $0x4  }
.Ltmp0:
0xc: {  	s11 =	sshll.u32 s5, $0x7;
	s0 =	ssub.s32 s7, s30;
	(pc) =	sbr.rel .LBB2_1-.Ltmp0, $4  }
0xd: {  	s8 =	sshll.u32 s2, $0x4;
	s7 =	sadd.s32 s1, s10;
	s10 =	sadd.s32 s10, s9  }
0xe: {  	s2 =	sshll.u32 s2, $0x7;
	s11 =	sadd.s32 s3, s11;
	s8 =	sadd.s32 s1, s8  }
0xf: {  	s12 =	sadd.s32 $0x600, s7;
	s13 =	sadd.s32 s3, s2;
	s31 =	sadd.s32 $0xC3000, s11  }
0x10: {  	s14 =	sadd.s32 $0xC2000, s11;
	s16 =	smax.u32 s0, $0x1;
	[dreg:$0x4] =	wrdreg s31  }
.LBB2_17:
0x11: {  	s28 =	sadd.s32 $0x1, s28  }
0x12: {  	_ =	swait.ge [sflag:s20], $0x80;
	p1 =	sne.s32 s28, s16  }
.Ltmp1:
0x13: {  	[sflag:s20] =	ssyncset.done $0x0;
	(pc) =	sbr.rel @!p1 .LBB2_18-.Ltmp1, $4  }
0x14: {  	[sflag:s20] =	ssyncadd.s32 $0xFFFFFF80  }
0x15: {  	_ =	swait.ge [sflag:s23], $0x80  }
0x16: {  	[sflag:s23] =	ssyncset.done $0x0  }
0x17: {  	[sflag:s23] =	ssyncadd.s32 $0xFFFFFF80  }
.LBB2_1:
0x18: {  	[tilespmem:s4], [sflag:$0x5] =	stream.linear.gather [hbm4b:s6+s4], $0x400, $0x38;
	[tilespmem:$0x4500] =	vst v63  }
0x19: {  	_ =	swait.ge [sflag:s17], $0x400  }
0x1a: {  	[sflag:s17] =	ssyncset.done $0x0  }
0x1b: {  	[sflag:s17] =	ssyncadd.s32 $0xFFFFFC00  }
0x1c: {  	[tilespmem:s18], [sflag:$0x3] =	stream.linear.gather [hbm4b:s7+s4], $0x80, $0x38;
	[tilespmem:$0x4500] =	vst v63  }
0x1d: {  	_ = 	snop  }
0x1e: {  	[tilespmem:s19], [sflag:$0x4] =	stream.linear.gather [hbm4b:s8+s4], $0x80, $0x38;
	[tilespmem:$0x4500] =	vst v63  }
0x1f: {  	_ =	swait.ge [sflag:s20], $0x80  }
0x20: {  	[sflag:s20] =	ssyncset.done $0x0  }
0x21: {  	[sflag:s20] =	ssyncadd.s32 $0xFFFFFF80  }
0x22: {  	v0 =	vld [tilespmem:$0x400];
	_ =	sdelay $0x1  }
0x23: {  	v1 =	vld [tilespmem:$0x410]  }
0x24: {  	v2 =	vld [tilespmem:$0x420]  }
0x25: {  	v3 =	vld [tilespmem:$0x430]  }
0x26: {  	v5 =	vld [tilespmem:$0x440];
	v4 =	vshrl.u32 v0, $0x1B  }
0x27: {  	v6 =	vld [tilespmem:$0x450];
	v4 =	vand.u32 $0x10, v4  }
0x28: {  	v0 =	vadd.s32 v0, v4;
	v4 =	vshrl.u32 v1, $0x1B  }
0x29: {  	v11 =	vld [tilespmem:$0x470];
	v9 =	vshrl.u32 v2, $0x1B;
	v4 =	vand.u32 $0x10, v4  }
0x2a: {  	s0 =	simm.s32 $0x0;
	v8 =	vld [tilespmem:$0x460];
	v10 =	vshrl.u32 v3, $0x1B;
	v7 =	vadd.s32 v1, v4;
	v1 =	vand.u32 $0x10, v9  }
0x2b: {  	[tilespmem:s18], [sflag:$0x3] =	stream.linear.gather [hbm4b:s10+s4], $0x80, $0x38;
	v10 =	vand.u32 $0x10, v10;
	v4 =	vadd.s32 v2, v1;
	[tilespmem:$0x4500] =	vst v63  }
0x2c: {  	v9 =	vld [tilespmem:s0+$0x30];
	v1 =	vadd.s32 v3, v10;
	v2 =	vshrl.u32 v5, $0x1B;
	v3 =	vshrl.u32 v6, $0x1B  }
0x2d: {  	v10 =	vld [tilespmem:s0+$0x20];
	v2 =	vand.u32 $0x10, v2;
	v3 =	vand.u32 $0x10, v3  }
0x2e: {  	v2 =	vadd.s32 v5, v2;
	v5 =	vadd.s32 v6, v3;
	v6 =	vshrl.u32 v11, $0x1B  }
0x2f: {  	v12 =	vshrl.u32 v8, $0x1B;
	v6 =	vand.u32 $0x10, v6  }
0x30: {  	v12 =	vand.u32 $0x10, v12;
	v6 =	vadd.s32 v11, v6;
	v11 =	vld [tilespmem:s0+$0x0]  }
0x31: {  	v3 =	vadd.s32 v8, v12;
	v8 =	vld [tilespmem:s0+$0x10];
	v14 =	vperm.xlane v9, v0;
	v12 =	vperm.xlane v9, v4  }
0x32: {  	s29 =	simm.s32 $0x600;
	s30 =	simm.s32 $0x100;
	v13 =	vperm.xlane v9, v7;
	s0 =	simm.s32 $0x600;
	v15 =	vperm.xlane v10, v0  }
.LBB2_2:
0x33: {  	p1 =	sne.s32 s30, $0xF00  }
0x34: {  	v16 =	vperm.xlane v10, v4;
	v17 =	vperm.xlane v9, v5;
	[tilespmem:s29+$0x80] =	vst v14;
	s0 =	sadd.s32 $0x200, s0;
	s2 =	smov.u32 s30;
	s30 =	sadd.s32 $0x100, s30  }
0x35: {  	v18 =	vperm.xlane v9, v3;
	v14 =	vperm.xlane v11, v7;
	[tilespmem:s29+$0x0] =	vst v15  }
0x36: {  	v19 =	vperm.xlane v8, v0;
	v15 =	vperm.xlane v11, v4;
	[tilespmem:s29+$0x90] =	vst v13  }
0x37: {  	v20 =	vperm.xlane v9, v2;
	v13 =	vperm.xlane v8, v4;
	[tilespmem:s29+$0xD0] =	vst v17  }
0x38: {  	v21 =	vperm.xlane v10, v5;
	v17 =	vperm.xlane v11, v5;
	[tilespmem:s29+$0xA0] =	vst v12  }
0x39: {  	v22 =	vperm.xlane v10, v7;
	v12 =	vperm.xlane v11, v0;
	[tilespmem:s29+$0xC0] =	vst v20  }
0x3a: {  	v23 =	vperm.xlane v8, v2;
	v20 =	vperm.xlane v11, v3;
	[tilespmem:s29+$0xE0] =	vst v18  }
0x3b: {  	v24 =	vperm.xlane v8, v7;
	v18 =	vperm.xlane v11, v1;
	[tilespmem:s29+$0x20] =	vst v16  }
0x3c: {  	v16 =	vperm.xlane v11, v2;
	v11 =	vperm.xlane v11, v6;
	[tilespmem:s29+$0x50] =	vst v21  }
0x3d: {  	v25 =	vperm.xlane v10, v2;
	v21 =	vperm.xlane v8, v5;
	[tilespmem:s29+$0xFFFFFF10] =	vst v14  }
0x3e: {  	v26 =	vperm.xlane v10, v6;
	v14 =	vperm.xlane v10, v1;
	[tilespmem:s29+$0x10] =	vst v22  }
0x3f: {  	v27 =	vperm.xlane v8, v6;
	v22 =	vperm.xlane v8, v1;
	[tilespmem:s29+$0xFFFFFFC0] =	vst v23  }
0x40: {  	v23 =	vperm.xlane v9, v1;
	v9 =	vperm.xlane v9, v6;
	[tilespmem:s29+$0xFFFFFF20] =	vst v15  }
0x41: {  	v10 =	vperm.xlane v10, v3;
	[tilespmem:s29+$0xFFFFFF80] =	vst v19  }
0x42: {  	v8 =	vperm.xlane v8, v3;
	[tilespmem:s29+$0xFFFFFF90] =	vst v24  }
0x43: {  	[tilespmem:s29+$0x40] =	vst v25  }
0x44: {  	[tilespmem:s29+$0x30] =	vst v14  }
0x45: {  	[tilespmem:s29+$0xB0] =	vst v23  }
0x46: {  	[tilespmem:s29+$0xFFFFFF50] =	vst v17  }
0x47: {  	[tilespmem:s29+$0xFFFFFFA0] =	vst v13  }
0x48: {  	[tilespmem:s29+$0x60] =	vst v10  }
0x49: {  	[tilespmem:s29+$0xF0] =	vst v9  }
0x4a: {  	[tilespmem:s29+$0x70] =	vst v26  }
0x4b: {  	[tilespmem:s29+$0xFFFFFFD0] =	vst v21  }
0x4c: {  	[tilespmem:s29+$0xFFFFFFF0] =	vst v27  }
0x4d: {  	[tilespmem:s29+$0xFFFFFFE0] =	vst v8  }
0x4e: {  	[tilespmem:s29+$0xFFFFFF70] =	vst v11  }
0x4f: {  	[tilespmem:s29+$0xFFFFFF00] =	vst v12  }
0x50: {  	[tilespmem:s29+$0xFFFFFFB0] =	vst v22  }
0x51: {  	[tilespmem:s29+$0xFFFFFF60] =	vst v20  }
0x52: {  	[tilespmem:s29+$0xFFFFFF40] =	vst v16  }
0x53: {  	s2 =	sshra.s32 s2, $0x2;
	[tilespmem:s29+$0xFFFFFF30] =	vst v18;
	s29 =	smov.u32 s0  }
0x54: {  	v9 =	vld [tilespmem:s2+$0x30]  }
0x55: {  	v10 =	vld [tilespmem:s2+$0x20]  }
.Ltmp2:
0x56: {  	v8 =	vld [tilespmem:s2+$0x10];
	(pc) =	sbr.rel @p1 .LBB2_2-.Ltmp2, $3  }
0x57: {  	v11 =	vld [tilespmem:s2+$0x0];
	_ =	sdelay $0x1  }
0x58: {  	v14 =	vperm.xlane v9, v0;
	v12 =	vperm.xlane v9, v4  }
0x59: {  	v13 =	vperm.xlane v9, v7;
	v15 =	vperm.xlane v10, v0  }
0x5a: {  	[tilespmem:s29+$0x80] =	vst v14  }
0x5b: {  	[tilespmem:s29+$0xA0] =	vst v12  }
0x5c: {  	v14 =	vperm.xlane v9, v5;
	[tilespmem:s29+$0x0] =	vst v15  }
0x5d: {  	v12 =	vperm.xlane v10, v4;
	[tilespmem:s29+$0x90] =	vst v13  }
0x5e: {  	v13 =	vperm.xlane v9, v2;
	[tilespmem:s29+$0xD0] =	vst v14  }
0x5f: {  	v14 =	vperm.xlane v9, v3;
	[tilespmem:s29+$0x20] =	vst v12  }
0x60: {  	v12 =	vperm.xlane v10, v7;
	[tilespmem:s29+$0xC0] =	vst v13  }
0x61: {  	v13 =	vperm.xlane v10, v5;
	[tilespmem:s29+$0xE0] =	vst v14  }
0x62: {  	v14 =	vperm.xlane v11, v7;
	[tilespmem:s29+$0x10] =	vst v12  }
0x63: {  	v12 =	vperm.xlane v8, v0;
	[tilespmem:s29+$0x50] =	vst v13  }
0x64: {  	v7 =	vperm.xlane v8, v7;
	[tilespmem:s29+$0xFFFFFF10] =	vst v14  }
0x65: {  	v0 =	vperm.xlane v11, v0;
	[tilespmem:s29+$0xFFFFFF80] =	vst v12  }
0x66: {  	v13 =	vperm.xlane v8, v2;
	[tilespmem:s29+$0xFFFFFF90] =	vst v7  }
0x67: {  	v14 =	vperm.xlane v11, v4;
	[tilespmem:s29+$0xFFFFFF00] =	vst v0  }
0x68: {  	v12 =	vperm.xlane v10, v1;
	[tilespmem:s29+$0xFFFFFFC0] =	vst v13  }
0x69: {  	v7 =	vperm.xlane v9, v1;
	[tilespmem:s29+$0xFFFFFF20] =	vst v14  }
0x6a: {  	v4 =	vperm.xlane v8, v4;
	[tilespmem:s29+$0x30] =	vst v12  }
0x6b: {  	v9 =	vperm.xlane v9, v6;
	[tilespmem:s29+$0xB0] =	vst v7  }
0x6c: {  	v0 =	vperm.xlane v11, v2;
	[tilespmem:s29+$0xFFFFFFA0] =	vst v4  }
0x6d: {  	v13 =	vperm.xlane v10, v2;
	[tilespmem:s29+$0xF0] =	vst v9  }
0x6e: {  	v7 =	vperm.xlane v10, v3;
	[tilespmem:s29+$0xFFFFFF40] =	vst v0  }
0x6f: {  	v4 =	vperm.xlane v10, v6;
	[tilespmem:s29+$0x40] =	vst v13  }
0x70: {  	v13 =	vperm.xlane v11, v5;
	[tilespmem:s29+$0x60] =	vst v7  }
0x71: {  	v5 =	vperm.xlane v8, v5;
	[tilespmem:s29+$0x70] =	vst v4  }
0x72: {  	v7 =	vperm.xlane v8, v6;
	[tilespmem:s29+$0xFFFFFF50] =	vst v13  }
0x73: {  	v4 =	vperm.xlane v8, v3;
	[tilespmem:s29+$0xFFFFFFD0] =	vst v5  }
0x74: {  	v3 =	vperm.xlane v11, v3;
	[tilespmem:s29+$0xFFFFFFF0] =	vst v7  }
0x75: {  	v5 =	vperm.xlane v11, v6;
	[tilespmem:s29+$0xFFFFFFE0] =	vst v4  }
0x76: {  	v4 =	vperm.xlane v8, v1;
	[tilespmem:s29+$0xFFFFFF60] =	vst v3  }
0x77: {  	v1 =	vperm.xlane v11, v1;
	[tilespmem:s29+$0xFFFFFF70] =	vst v5  }
0x78: {  	[tilespmem:s29+$0xFFFFFFB0] =	vst v4  }
0x79: {  	[tilespmem:s29+$0xFFFFFF30] =	vst v1  }
0x7a: {  	[hbm4b:s11+s18] =	stream.strided.scatter [tilespmem:s22], [sflag:$0x1], $0x2000, s21, s18, $0x38;
	[tilespmem:$0x4500] =	vst v63  }
0x7b: {  	_ =	swait.ge [sflag:s23], $0x80  }
0x7c: {  	[sflag:s23] =	ssyncset.done $0x0  }
0x7d: {  	[sflag:s23] =	ssyncadd.s32 $0xFFFFFF80  }
0x7e: {  	v0 =	vld [tilespmem:$0x480];
	_ =	sdelay $0x1  }
0x7f: {  	v1 =	vld [tilespmem:$0x490]  }
0x80: {  	v2 =	vld [tilespmem:$0x4A0]  }
0x81: {  	v3 =	vld [tilespmem:$0x4B0]  }
0x82: {  	v5 =	vld [tilespmem:$0x4C0];
	v4 =	vshrl.u32 v0, $0x1B  }
0x83: {  	v6 =	vld [tilespmem:$0x4D0];
	v4 =	vand.u32 $0x10, v4  }
0x84: {  	v0 =	vadd.s32 v0, v4;
	v4 =	vshrl.u32 v1, $0x1B  }
0x85: {  	v11 =	vld [tilespmem:$0x4F0];
	v9 =	vshrl.u32 v2, $0x1B;
	v4 =	vand.u32 $0x10, v4  }
0x86: {  	s0 =	simm.s32 $0x0;
	s31 =	simm.s32 $0x0;
	v8 =	vld [tilespmem:$0x4E0];
	v10 =	vshrl.u32 v3, $0x1B;
	v7 =	vadd.s32 v1, v4;
	v1 =	vand.u32 $0x10, v9  }
0x87: {  	[tilespmem:s19], [sflag:$0x4] =	stream.linear.gather [hbm4b:s12+s0], $0x80, $0x38;
	v10 =	vand.u32 $0x10, v10;
	v4 =	vadd.s32 v2, v1;
	[tilespmem:$0x4500] =	vst v63  }
0x88: {  	v9 =	vld [tilespmem:s31+$0x30];
	v1 =	vadd.s32 v3, v10;
	v2 =	vshrl.u32 v5, $0x1B;
	v3 =	vshrl.u32 v6, $0x1B  }
0x89: {  	v10 =	vld [tilespmem:s31+$0x20];
	v2 =	vand.u32 $0x10, v2;
	v3 =	vand.u32 $0x10, v3  }
0x8a: {  	v2 =	vadd.s32 v5, v2;
	v5 =	vadd.s32 v6, v3;
	v6 =	vshrl.u32 v11, $0x1B  }
0x8b: {  	v12 =	vshrl.u32 v8, $0x1B;
	v6 =	vand.u32 $0x10, v6  }
0x8c: {  	v12 =	vand.u32 $0x10, v12;
	v6 =	vadd.s32 v11, v6;
	v11 =	vld [tilespmem:s31+$0x0]  }
0x8d: {  	v3 =	vadd.s32 v8, v12;
	v8 =	vld [tilespmem:s31+$0x10];
	v14 =	vperm.xlane v9, v0;
	v12 =	vperm.xlane v9, v4  }
0x8e: {  	s30 =	simm.s32 $0x100;
	s29 =	simm.s32 $0x2600;
	s0 =	simm.s32 $0x2600;
	v13 =	vperm.xlane v9, v7;
	v15 =	vperm.xlane v10, v0  }
.LBB2_4:
0x8f: {  	p1 =	sne.s32 s30, $0xF00  }
0x90: {  	v16 =	vperm.xlane v10, v4;
	v17 =	vperm.xlane v9, v5;
	[tilespmem:s29+$0x80] =	vst v14;
	s0 =	sadd.s32 $0x200, s0;
	s2 =	smov.u32 s30;
	s30 =	sadd.s32 $0x100, s30  }
0x91: {  	v18 =	vperm.xlane v9, v3;
	v14 =	vperm.xlane v11, v7;
	[tilespmem:s29+$0x0] =	vst v15  }
0x92: {  	v19 =	vperm.xlane v8, v0;
	v15 =	vperm.xlane v11, v4;
	[tilespmem:s29+$0x90] =	vst v13  }
0x93: {  	v20 =	vperm.xlane v9, v2;
	v13 =	vperm.xlane v8, v4;
	[tilespmem:s29+$0xD0] =	vst v17  }
0x94: {  	v21 =	vperm.xlane v10, v5;
	v17 =	vperm.xlane v11, v5;
	[tilespmem:s29+$0xA0] =	vst v12  }
0x95: {  	v22 =	vperm.xlane v10, v7;
	v12 =	vperm.xlane v11, v0;
	[tilespmem:s29+$0xC0] =	vst v20  }
0x96: {  	v23 =	vperm.xlane v8, v2;
	v20 =	vperm.xlane v11, v3;
	[tilespmem:s29+$0xE0] =	vst v18  }
0x97: {  	v24 =	vperm.xlane v8, v7;
	v18 =	vperm.xlane v11, v1;
	[tilespmem:s29+$0x20] =	vst v16  }
0x98: {  	v16 =	vperm.xlane v11, v2;
	v11 =	vperm.xlane v11, v6;
	[tilespmem:s29+$0x50] =	vst v21  }
0x99: {  	v25 =	vperm.xlane v10, v2;
	v21 =	vperm.xlane v8, v5;
	[tilespmem:s29+$0xFFFFFF10] =	vst v14  }
0x9a: {  	v26 =	vperm.xlane v10, v6;
	v14 =	vperm.xlane v10, v1;
	[tilespmem:s29+$0x10] =	vst v22  }
0x9b: {  	v27 =	vperm.xlane v8, v6;
	v22 =	vperm.xlane v8, v1;
	[tilespmem:s29+$0xFFFFFFC0] =	vst v23  }
0x9c: {  	v23 =	vperm.xlane v9, v1;
	v9 =	vperm.xlane v9, v6;
	[tilespmem:s29+$0xFFFFFF20] =	vst v15  }
0x9d: {  	v10 =	vperm.xlane v10, v3;
	[tilespmem:s29+$0xFFFFFF80] =	vst v19  }
0x9e: {  	v8 =	vperm.xlane v8, v3;
	[tilespmem:s29+$0xFFFFFF90] =	vst v24  }
0x9f: {  	[tilespmem:s29+$0x40] =	vst v25  }
0xa0: {  	[tilespmem:s29+$0x30] =	vst v14  }
0xa1: {  	[tilespmem:s29+$0xB0] =	vst v23  }
0xa2: {  	[tilespmem:s29+$0xFFFFFF50] =	vst v17  }
0xa3: {  	[tilespmem:s29+$0xFFFFFFA0] =	vst v13  }
0xa4: {  	[tilespmem:s29+$0x60] =	vst v10  }
0xa5: {  	[tilespmem:s29+$0xF0] =	vst v9  }
0xa6: {  	[tilespmem:s29+$0x70] =	vst v26  }
0xa7: {  	[tilespmem:s29+$0xFFFFFFD0] =	vst v21  }
0xa8: {  	[tilespmem:s29+$0xFFFFFFF0] =	vst v27  }
0xa9: {  	[tilespmem:s29+$0xFFFFFFE0] =	vst v8  }
0xaa: {  	[tilespmem:s29+$0xFFFFFF70] =	vst v11  }
0xab: {  	[tilespmem:s29+$0xFFFFFF00] =	vst v12  }
0xac: {  	[tilespmem:s29+$0xFFFFFFB0] =	vst v22  }
0xad: {  	[tilespmem:s29+$0xFFFFFF60] =	vst v20  }
0xae: {  	[tilespmem:s29+$0xFFFFFF40] =	vst v16  }
0xaf: {  	s2 =	sshra.s32 s2, $0x2;
	[tilespmem:s29+$0xFFFFFF30] =	vst v18;
	s29 =	smov.u32 s0  }
0xb0: {  	v9 =	vld [tilespmem:s2+$0x30]  }
0xb1: {  	v10 =	vld [tilespmem:s2+$0x20]  }
.Ltmp3:
0xb2: {  	v8 =	vld [tilespmem:s2+$0x10];
	(pc) =	sbr.rel @p1 .LBB2_4-.Ltmp3, $3  }
0xb3: {  	v11 =	vld [tilespmem:s2+$0x0];
	_ =	sdelay $0x1  }
0xb4: {  	v14 =	vperm.xlane v9, v0;
	v12 =	vperm.xlane v9, v4  }
0xb5: {  	v13 =	vperm.xlane v9, v7;
	v15 =	vperm.xlane v10, v0  }
0xb6: {  	[tilespmem:s29+$0x80] =	vst v14  }
0xb7: {  	[tilespmem:s29+$0xA0] =	vst v12  }
0xb8: {  	v36 =	vperm.xlane v9, v5;
	[tilespmem:s29+$0x0] =	vst v15  }
0xb9: {  	v37 =	vperm.xlane v9, v2;
	[tilespmem:s29+$0x90] =	vst v13  }
0xba: {  	v38 =	vperm.xlane v9, v3;
	[tilespmem:s29+$0xD0] =	vst v36  }
0xbb: {  	v39 =	vperm.xlane v10, v4;
	[tilespmem:s29+$0xC0] =	vst v37  }
0xbc: {  	v40 =	vperm.xlane v10, v5;
	[tilespmem:s29+$0xE0] =	vst v38  }
0xbd: {  	v42 =	vperm.xlane v10, v7;
	[tilespmem:s29+$0x20] =	vst v39  }
0xbe: {  	v43 =	vperm.xlane v8, v2;
	[tilespmem:s29+$0x50] =	vst v40  }
0xbf: {  	v45 =	vperm.xlane v8, v0;
	[tilespmem:s29+$0x10] =	vst v42  }
0xc0: {  	v46 =	vperm.xlane v8, v7;
	[tilespmem:s29+$0xFFFFFFC0] =	vst v43  }
0xc1: {  	v47 =	vperm.xlane v10, v2;
	[tilespmem:s29+$0xFFFFFF80] =	vst v45  }
0xc2: {  	v48 =	vperm.xlane v10, v1;
	[tilespmem:s29+$0xFFFFFF90] =	vst v46  }
0xc3: {  	v49 =	vperm.xlane v9, v1;
	[tilespmem:s29+$0x40] =	vst v47  }
0xc4: {  	v51 =	vperm.xlane v8, v4;
	[tilespmem:s29+$0x30] =	vst v48  }
0xc5: {  	v52 =	vperm.xlane v10, v3;
	[tilespmem:s29+$0xB0] =	vst v49  }
0xc6: {  	v53 =	vperm.xlane v9, v6;
	[tilespmem:s29+$0xFFFFFFA0] =	vst v51  }
0xc7: {  	v54 =	vperm.xlane v10, v6;
	[tilespmem:s29+$0x60] =	vst v52  }
0xc8: {  	v55 =	vperm.xlane v8, v5;
	[tilespmem:s29+$0xF0] =	vst v53  }
0xc9: {  	v56 =	vperm.xlane v8, v6;
	[tilespmem:s29+$0x70] =	vst v54  }
0xca: {  	v57 =	vperm.xlane v8, v3;
	[tilespmem:s29+$0xFFFFFFD0] =	vst v55  }
0xcb: {  	v60 =	vperm.xlane v8, v1;
	[tilespmem:s29+$0xFFFFFFF0] =	vst v56  }
0xcc: {  	v41 =	vperm.xlane v11, v7;
	[tilespmem:s29+$0xFFFFFFE0] =	vst v57  }
0xcd: {  	v44 =	vperm.xlane v11, v4;
	[tilespmem:s29+$0xFFFFFFB0] =	vst v60  }
0xce: {  	v50 =	vperm.xlane v11, v5;
	[tilespmem:s29+$0xFFFFFF10] =	vst v41  }
0xcf: {  	v58 =	vperm.xlane v11, v6;
	[tilespmem:s29+$0xFFFFFF20] =	vst v44  }
0xd0: {  	v59 =	vperm.xlane v11, v0;
	[tilespmem:s29+$0xFFFFFF50] =	vst v50  }
0xd1: {  	v61 =	vperm.xlane v11, v3;
	[tilespmem:s29+$0xFFFFFF70] =	vst v58  }
0xd2: {  	v62 =	vperm.xlane v11, v2;
	[tilespmem:s29+$0xFFFFFF00] =	vst v59  }
0xd3: {  	v63 =	vperm.xlane v11, v1;
	[tilespmem:s29+$0xFFFFFF60] =	vst v61  }
0xd4: {  	[tilespmem:s29+$0xFFFFFF40] =	vst v62  }
0xd5: {  	[tilespmem:s29+$0xFFFFFF30] =	vst v63;
	s29 =	simm.s32 $0x1  }
0xd6: {  	[hbm4b:s13+s18] =	stream.strided.scatter [tilespmem:s24], [sflag:$0x2], $0x2000, s21, s18, $0x38;
	[tilespmem:$0x4500] =	vst v63  }
.LBB2_6:
0xd7: {  	_ =	swait.ge [sflag:s25], $0x2000  }
0xd8: {  	[sflag:s25] =	ssyncset.done $0x0  }
0xd9: {  	[sflag:s25] =	ssyncadd.s32 $0xFFFFE000  }
0xda: {  	_ =	swait.ge [sflag:s20], $0x80  }
0xdb: {  	[sflag:s20] =	ssyncset.done $0x0  }
0xdc: {  	[sflag:s20] =	ssyncadd.s32 $0xFFFFFF80  }
0xdd: {  	v0 =	vld [tilespmem:$0x400];
	_ =	sdelay $0x1  }
0xde: {  	v1 =	vld [tilespmem:$0x410]  }
0xdf: {  	v2 =	vld [tilespmem:$0x420]  }
0xe0: {  	v3 =	vld [tilespmem:$0x430]  }
0xe1: {  	v5 =	vld [tilespmem:$0x440];
	v4 =	vshrl.u32 v0, $0x1B  }
0xe2: {  	s0 =	sshll.u32 s29, $0x6;
	v6 =	vld [tilespmem:$0x450];
	v4 =	vand.u32 $0x10, v4  }
0xe3: {  	s30 =	sor.u32 s5, s0;
	v0 =	vadd.s32 v0, v4;
	v4 =	vshrl.u32 v1, $0x1B  }
0xe4: {  	s0 =	sshll.u32 s30, $0x4;
	v11 =	vld [tilespmem:$0x470];
	v9 =	vshrl.u32 v2, $0x1B;
	v4 =	vand.u32 $0x10, v4  }
0xe5: {  	s2 =	simm.s32 $0x0;
	s15 =	simm.s32 $0x0;
	s0 =	sadd.s32 s9, s0;
	v8 =	vld [tilespmem:$0x460];
	v10 =	vshrl.u32 v3, $0x1B;
	v7 =	vadd.s32 v1, v4;
	v1 =	vand.u32 $0x10, v9  }
0xe6: {  	[tilespmem:s18], [sflag:$0x3] =	stream.linear.gather [hbm4b:s0+s2], $0x80, $0x38;
	v10 =	vand.u32 $0x10, v10;
	v4 =	vadd.s32 v2, v1;
	[tilespmem:$0x4500] =	vst v63  }
0xe7: {  	v9 =	vld [tilespmem:s15+$0x30];
	v1 =	vadd.s32 v3, v10;
	v2 =	vshrl.u32 v5, $0x1B;
	v3 =	vshrl.u32 v6, $0x1B  }
0xe8: {  	v10 =	vld [tilespmem:s15+$0x20];
	v2 =	vand.u32 $0x10, v2;
	v3 =	vand.u32 $0x10, v3  }
0xe9: {  	v2 =	vadd.s32 v5, v2;
	v5 =	vadd.s32 v6, v3;
	v6 =	vshrl.u32 v11, $0x1B  }
0xea: {  	v12 =	vshrl.u32 v8, $0x1B;
	v6 =	vand.u32 $0x10, v6  }
0xeb: {  	v12 =	vand.u32 $0x10, v12;
	v6 =	vadd.s32 v11, v6;
	v11 =	vld [tilespmem:s15+$0x0]  }
0xec: {  	v3 =	vadd.s32 v8, v12;
	v8 =	vld [tilespmem:s15+$0x10];
	v14 =	vperm.xlane v9, v0;
	v12 =	vperm.xlane v9, v4  }
0xed: {  	s31 =	simm.s32 $0x600;
	s0 =	simm.s32 $0x100;
	s2 =	simm.s32 $0x600;
	v13 =	vperm.xlane v9, v7;
	v15 =	vperm.xlane v10, v0  }
.LBB2_7:
0xee: {  	p1 =	sne.s32 s0, $0xF00  }
0xef: {  	v16 =	vperm.xlane v10, v4;
	v17 =	vperm.xlane v9, v5;
	[tilespmem:s31+$0x80] =	vst v14;
	s2 =	sadd.s32 $0x200, s2;
	s15 =	smov.u32 s0;
	s0 =	sadd.s32 $0x100, s0  }
0xf0: {  	v18 =	vperm.xlane v9, v3;
	v14 =	vperm.xlane v11, v7;
	[tilespmem:s31+$0x0] =	vst v15  }
0xf1: {  	v19 =	vperm.xlane v8, v0;
	v15 =	vperm.xlane v11, v4;
	[tilespmem:s31+$0x90] =	vst v13  }
0xf2: {  	v20 =	vperm.xlane v9, v2;
	v13 =	vperm.xlane v8, v4;
	[tilespmem:s31+$0xD0] =	vst v17  }
0xf3: {  	v21 =	vperm.xlane v10, v5;
	v17 =	vperm.xlane v11, v5;
	[tilespmem:s31+$0xA0] =	vst v12  }
0xf4: {  	v22 =	vperm.xlane v10, v7;
	v12 =	vperm.xlane v11, v0;
	[tilespmem:s31+$0xC0] =	vst v20  }
0xf5: {  	v23 =	vperm.xlane v8, v2;
	v20 =	vperm.xlane v11, v3;
	[tilespmem:s31+$0xE0] =	vst v18  }
0xf6: {  	v24 =	vperm.xlane v8, v7;
	v18 =	vperm.xlane v11, v1;
	[tilespmem:s31+$0x20] =	vst v16  }
0xf7: {  	v16 =	vperm.xlane v11, v2;
	v11 =	vperm.xlane v11, v6;
	[tilespmem:s31+$0x50] =	vst v21  }
0xf8: {  	v25 =	vperm.xlane v10, v2;
	v21 =	vperm.xlane v8, v5;
	[tilespmem:s31+$0xFFFFFF10] =	vst v14  }
0xf9: {  	v26 =	vperm.xlane v10, v6;
	v14 =	vperm.xlane v10, v1;
	[tilespmem:s31+$0x10] =	vst v22  }
0xfa: {  	v27 =	vperm.xlane v8, v6;
	v22 =	vperm.xlane v8, v1;
	[tilespmem:s31+$0xFFFFFFC0] =	vst v23  }
0xfb: {  	v23 =	vperm.xlane v9, v1;
	v9 =	vperm.xlane v9, v6;
	[tilespmem:s31+$0xFFFFFF20] =	vst v15  }
0xfc: {  	v10 =	vperm.xlane v10, v3;
	[tilespmem:s31+$0xFFFFFF80] =	vst v19  }
0xfd: {  	v8 =	vperm.xlane v8, v3;
	[tilespmem:s31+$0xFFFFFF90] =	vst v24  }
0xfe: {  	[tilespmem:s31+$0x40] =	vst v25  }
0xff: {  	[tilespmem:s31+$0x30] =	vst v14  }
0x100: {  	[tilespmem:s31+$0xB0] =	vst v23  }
0x101: {  	[tilespmem:s31+$0xFFFFFF50] =	vst v17  }
0x102: {  	[tilespmem:s31+$0xFFFFFFA0] =	vst v13  }
0x103: {  	[tilespmem:s31+$0x60] =	vst v10  }
0x104: {  	[tilespmem:s31+$0xF0] =	vst v9  }
0x105: {  	[tilespmem:s31+$0x70] =	vst v26  }
0x106: {  	[tilespmem:s31+$0xFFFFFFD0] =	vst v21  }
0x107: {  	[tilespmem:s31+$0xFFFFFFF0] =	vst v27  }
0x108: {  	[tilespmem:s31+$0xFFFFFFE0] =	vst v8  }
0x109: {  	[tilespmem:s31+$0xFFFFFF70] =	vst v11  }
0x10a: {  	[tilespmem:s31+$0xFFFFFF00] =	vst v12  }
0x10b: {  	[tilespmem:s31+$0xFFFFFFB0] =	vst v22  }
0x10c: {  	[tilespmem:s31+$0xFFFFFF60] =	vst v20  }
0x10d: {  	[tilespmem:s31+$0xFFFFFF40] =	vst v16  }
0x10e: {  	s15 =	sshra.s32 s15, $0x2;
	[tilespmem:s31+$0xFFFFFF30] =	vst v18;
	s31 =	smov.u32 s2  }
0x10f: {  	v9 =	vld [tilespmem:s15+$0x30]  }
0x110: {  	v10 =	vld [tilespmem:s15+$0x20]  }
.Ltmp4:
0x111: {  	v8 =	vld [tilespmem:s15+$0x10];
	(pc) =	sbr.rel @p1 .LBB2_7-.Ltmp4, $3  }
0x112: {  	v11 =	vld [tilespmem:s15+$0x0];
	_ =	sdelay $0x1  }
0x113: {  	v14 =	vperm.xlane v9, v0;
	v12 =	vperm.xlane v9, v4  }
0x114: {  	v13 =	vperm.xlane v9, v7;
	v15 =	vperm.xlane v10, v0  }
0x115: {  	[tilespmem:s31+$0x80] =	vst v14  }
0x116: {  	[tilespmem:s31+$0xA0] =	vst v12  }
0x117: {  	v14 =	vperm.xlane v9, v5;
	[tilespmem:s31+$0x0] =	vst v15  }
0x118: {  	v12 =	vperm.xlane v10, v4;
	[tilespmem:s31+$0x90] =	vst v13  }
0x119: {  	v13 =	vperm.xlane v9, v2;
	[tilespmem:s31+$0xD0] =	vst v14  }
0x11a: {  	v14 =	vperm.xlane v9, v3;
	[tilespmem:s31+$0x20] =	vst v12  }
0x11b: {  	v12 =	vperm.xlane v10, v7;
	[tilespmem:s31+$0xC0] =	vst v13  }
0x11c: {  	v13 =	vperm.xlane v10, v5;
	[tilespmem:s31+$0xE0] =	vst v14  }
0x11d: {  	v14 =	vperm.xlane v11, v7;
	[tilespmem:s31+$0x10] =	vst v12  }
0x11e: {  	v12 =	vperm.xlane v8, v0;
	[tilespmem:s31+$0x50] =	vst v13  }
0x11f: {  	v7 =	vperm.xlane v8, v7;
	[tilespmem:s31+$0xFFFFFF10] =	vst v14  }
0x120: {  	v0 =	vperm.xlane v11, v0;
	[tilespmem:s31+$0xFFFFFF80] =	vst v12  }
0x121: {  	v13 =	vperm.xlane v8, v2;
	[tilespmem:s31+$0xFFFFFF90] =	vst v7  }
0x122: {  	v14 =	vperm.xlane v11, v4;
	[tilespmem:s31+$0xFFFFFF00] =	vst v0  }
0x123: {  	v12 =	vperm.xlane v10, v1;
	[tilespmem:s31+$0xFFFFFFC0] =	vst v13  }
0x124: {  	v7 =	vperm.xlane v9, v1;
	[tilespmem:s31+$0xFFFFFF20] =	vst v14  }
0x125: {  	v4 =	vperm.xlane v8, v4;
	[tilespmem:s31+$0x30] =	vst v12  }
0x126: {  	v9 =	vperm.xlane v9, v6;
	[tilespmem:s31+$0xB0] =	vst v7  }
0x127: {  	v0 =	vperm.xlane v11, v2;
	[tilespmem:s31+$0xFFFFFFA0] =	vst v4  }
0x128: {  	v13 =	vperm.xlane v10, v2;
	[tilespmem:s31+$0xF0] =	vst v9  }
0x129: {  	v7 =	vperm.xlane v10, v3;
	[tilespmem:s31+$0xFFFFFF40] =	vst v0  }
0x12a: {  	v4 =	vperm.xlane v10, v6;
	[tilespmem:s31+$0x40] =	vst v13  }
0x12b: {  	v13 =	vperm.xlane v11, v5;
	[tilespmem:s31+$0x60] =	vst v7  }
0x12c: {  	v5 =	vperm.xlane v8, v5;
	[tilespmem:s31+$0x70] =	vst v4  }
0x12d: {  	v7 =	vperm.xlane v8, v6;
	[tilespmem:s31+$0xFFFFFF50] =	vst v13  }
0x12e: {  	v4 =	vperm.xlane v8, v3;
	[tilespmem:s31+$0xFFFFFFD0] =	vst v5  }
0x12f: {  	v3 =	vperm.xlane v11, v3;
	[tilespmem:s31+$0xFFFFFFF0] =	vst v7  }
0x130: {  	v5 =	vperm.xlane v11, v6;
	[tilespmem:s31+$0xFFFFFFE0] =	vst v4  }
0x131: {  	v4 =	vperm.xlane v8, v1;
	[tilespmem:s31+$0xFFFFFF60] =	vst v3  }
0x132: {  	v1 =	vperm.xlane v11, v1;
	[tilespmem:s31+$0xFFFFFF70] =	vst v5  }
0x133: {  	s0 =	sshll.u32 s30, $0x7;
	[tilespmem:s31+$0xFFFFFFB0] =	vst v4  }
0x134: {  	s0 =	sadd.s32 s3, s0;
	[tilespmem:s31+$0xFFFFFF30] =	vst v1  }
0x135: {  	[hbm4b:s0+s18] =	stream.strided.scatter [tilespmem:s22], [sflag:$0x1], $0x2000, s21, s18, $0x38;
	[tilespmem:$0x4500] =	vst v63  }
0x136: {  	_ =	swait.ge [sflag:s26], $0x2000  }
0x137: {  	[sflag:s26] =	ssyncset.done $0x0  }
0x138: {  	[sflag:s26] =	ssyncadd.s32 $0xFFFFE000  }
0x139: {  	_ =	swait.ge [sflag:s23], $0x80  }
0x13a: {  	[sflag:s23] =	ssyncset.done $0x0  }
0x13b: {  	[sflag:s23] =	ssyncadd.s32 $0xFFFFFF80  }
0x13c: {  	v0 =	vld [tilespmem:$0x480];
	_ =	sdelay $0x1  }
0x13d: {  	v1 =	vld [tilespmem:$0x490]  }
0x13e: {  	v2 =	vld [tilespmem:$0x4A0]  }
0x13f: {  	v3 =	vld [tilespmem:$0x4B0]  }
0x140: {  	s30 =	sor.u32 $0x20, s30;
	v5 =	vld [tilespmem:$0x4C0];
	v4 =	vshrl.u32 v0, $0x1B  }
0x141: {  	s2 =	sshll.u32 s30, $0x4;
	v6 =	vld [tilespmem:$0x4D0];
	v4 =	vand.u32 $0x10, v4  }
0x142: {  	p1 =	slt.u32 s30, $0x182A;
	s0 =	sadd.s32 $0x400, s2;
	v0 =	vadd.s32 v0, v4;
	v4 =	vshrl.u32 v1, $0x1B  }
0x143: {  	s0 =	simm.s32 @!p1 $0x0;
	v11 =	vld [tilespmem:$0x4F0];
	v9 =	vshrl.u32 v2, $0x1B;
	v4 =	vand.u32 $0x10, v4  }
0x144: {  	s15 =	simm.s32 $0x0;
	s2 =	simm.s32 $0x0;
	s0 =	sadd.s32 s1, s0;
	v8 =	vld [tilespmem:$0x4E0];
	v10 =	vshrl.u32 v3, $0x1B;
	v7 =	vadd.s32 v1, v4;
	v1 =	vand.u32 $0x10, v9  }
0x145: {  	[tilespmem:s19], [sflag:$0x4] =	stream.linear.gather [hbm4b:s0+s2], $0x80, $0x38;
	v10 =	vand.u32 $0x10, v10;
	v4 =	vadd.s32 v2, v1;
	[tilespmem:$0x4500] =	vst v63  }
0x146: {  	v9 =	vld [tilespmem:s15+$0x30];
	v1 =	vadd.s32 v3, v10;
	v2 =	vshrl.u32 v5, $0x1B;
	v3 =	vshrl.u32 v6, $0x1B  }
0x147: {  	v10 =	vld [tilespmem:s15+$0x20];
	v2 =	vand.u32 $0x10, v2;
	v3 =	vand.u32 $0x10, v3  }
0x148: {  	v2 =	vadd.s32 v5, v2;
	v5 =	vadd.s32 v6, v3;
	v6 =	vshrl.u32 v11, $0x1B  }
0x149: {  	v12 =	vshrl.u32 v8, $0x1B;
	v6 =	vand.u32 $0x10, v6  }
0x14a: {  	v12 =	vand.u32 $0x10, v12;
	v6 =	vadd.s32 v11, v6;
	v11 =	vld [tilespmem:s15+$0x0]  }
0x14b: {  	v3 =	vadd.s32 v8, v12;
	v8 =	vld [tilespmem:s15+$0x10];
	v14 =	vperm.xlane v9, v0;
	v12 =	vperm.xlane v9, v4  }
0x14c: {  	s31 =	simm.s32 $0x2600;
	s0 =	simm.s32 $0x100;
	s2 =	simm.s32 $0x2600;
	v13 =	vperm.xlane v9, v7;
	v15 =	vperm.xlane v10, v0  }
.LBB2_9:
0x14d: {  	p1 =	sne.s32 s0, $0xF00  }
0x14e: {  	v16 =	vperm.xlane v10, v4;
	v17 =	vperm.xlane v9, v5;
	[tilespmem:s31+$0x80] =	vst v14;
	s2 =	sadd.s32 $0x200, s2;
	s15 =	smov.u32 s0;
	s0 =	sadd.s32 $0x100, s0  }
0x14f: {  	v18 =	vperm.xlane v9, v3;
	v14 =	vperm.xlane v11, v7;
	[tilespmem:s31+$0x0] =	vst v15  }
0x150: {  	v19 =	vperm.xlane v8, v0;
	v15 =	vperm.xlane v11, v4;
	[tilespmem:s31+$0x90] =	vst v13  }
0x151: {  	v20 =	vperm.xlane v9, v2;
	v13 =	vperm.xlane v8, v4;
	[tilespmem:s31+$0xD0] =	vst v17  }
0x152: {  	v21 =	vperm.xlane v10, v5;
	v17 =	vperm.xlane v11, v5;
	[tilespmem:s31+$0xA0] =	vst v12  }
0x153: {  	v22 =	vperm.xlane v10, v7;
	v12 =	vperm.xlane v11, v0;
	[tilespmem:s31+$0xC0] =	vst v20  }
0x154: {  	v23 =	vperm.xlane v8, v2;
	v20 =	vperm.xlane v11, v3;
	[tilespmem:s31+$0xE0] =	vst v18  }
0x155: {  	v24 =	vperm.xlane v8, v7;
	v18 =	vperm.xlane v11, v1;
	[tilespmem:s31+$0x20] =	vst v16  }
0x156: {  	v16 =	vperm.xlane v11, v2;
	v11 =	vperm.xlane v11, v6;
	[tilespmem:s31+$0x50] =	vst v21  }
0x157: {  	v25 =	vperm.xlane v10, v2;
	v21 =	vperm.xlane v8, v5;
	[tilespmem:s31+$0xFFFFFF10] =	vst v14  }
0x158: {  	v26 =	vperm.xlane v10, v6;
	v14 =	vperm.xlane v10, v1;
	[tilespmem:s31+$0x10] =	vst v22  }
0x159: {  	v27 =	vperm.xlane v8, v6;
	v22 =	vperm.xlane v8, v1;
	[tilespmem:s31+$0xFFFFFFC0] =	vst v23  }
0x15a: {  	v23 =	vperm.xlane v9, v1;
	v9 =	vperm.xlane v9, v6;
	[tilespmem:s31+$0xFFFFFF20] =	vst v15  }
0x15b: {  	v10 =	vperm.xlane v10, v3;
	[tilespmem:s31+$0xFFFFFF80] =	vst v19  }
0x15c: {  	v8 =	vperm.xlane v8, v3;
	[tilespmem:s31+$0xFFFFFF90] =	vst v24  }
0x15d: {  	[tilespmem:s31+$0x40] =	vst v25  }
0x15e: {  	[tilespmem:s31+$0x30] =	vst v14  }
0x15f: {  	[tilespmem:s31+$0xB0] =	vst v23  }
0x160: {  	[tilespmem:s31+$0xFFFFFF50] =	vst v17  }
0x161: {  	[tilespmem:s31+$0xFFFFFFA0] =	vst v13  }
0x162: {  	[tilespmem:s31+$0x60] =	vst v10  }
0x163: {  	[tilespmem:s31+$0xF0] =	vst v9  }
0x164: {  	[tilespmem:s31+$0x70] =	vst v26  }
0x165: {  	[tilespmem:s31+$0xFFFFFFD0] =	vst v21  }
0x166: {  	[tilespmem:s31+$0xFFFFFFF0] =	vst v27  }
0x167: {  	[tilespmem:s31+$0xFFFFFFE0] =	vst v8  }
0x168: {  	[tilespmem:s31+$0xFFFFFF70] =	vst v11  }
0x169: {  	[tilespmem:s31+$0xFFFFFF00] =	vst v12  }
0x16a: {  	[tilespmem:s31+$0xFFFFFFB0] =	vst v22  }
0x16b: {  	[tilespmem:s31+$0xFFFFFF60] =	vst v20  }
0x16c: {  	[tilespmem:s31+$0xFFFFFF40] =	vst v16  }
0x16d: {  	s15 =	sshra.s32 s15, $0x2;
	[tilespmem:s31+$0xFFFFFF30] =	vst v18;
	s31 =	smov.u32 s2  }
0x16e: {  	v9 =	vld [tilespmem:s15+$0x30]  }
0x16f: {  	v10 =	vld [tilespmem:s15+$0x20]  }
.Ltmp5:
0x170: {  	v8 =	vld [tilespmem:s15+$0x10];
	(pc) =	sbr.rel @p1 .LBB2_9-.Ltmp5, $3  }
0x171: {  	v11 =	vld [tilespmem:s15+$0x0];
	_ =	sdelay $0x1  }
0x172: {  	v14 =	vperm.xlane v9, v0;
	v12 =	vperm.xlane v9, v4  }
0x173: {  	v13 =	vperm.xlane v9, v7;
	v15 =	vperm.xlane v10, v0  }
0x174: {  	[tilespmem:s31+$0x80] =	vst v14  }
0x175: {  	[tilespmem:s31+$0xA0] =	vst v12  }
0x176: {  	v36 =	vperm.xlane v9, v5;
	[tilespmem:s31+$0x0] =	vst v15  }
0x177: {  	v37 =	vperm.xlane v9, v2;
	[tilespmem:s31+$0x90] =	vst v13  }
0x178: {  	v38 =	vperm.xlane v9, v3;
	[tilespmem:s31+$0xD0] =	vst v36  }
0x179: {  	v39 =	vperm.xlane v10, v4;
	[tilespmem:s31+$0xC0] =	vst v37  }
0x17a: {  	v40 =	vperm.xlane v10, v5;
	[tilespmem:s31+$0xE0] =	vst v38  }
0x17b: {  	v42 =	vperm.xlane v10, v7;
	[tilespmem:s31+$0x20] =	vst v39  }
0x17c: {  	v43 =	vperm.xlane v8, v2;
	[tilespmem:s31+$0x50] =	vst v40  }
0x17d: {  	v45 =	vperm.xlane v8, v0;
	[tilespmem:s31+$0x10] =	vst v42  }
0x17e: {  	v46 =	vperm.xlane v8, v7;
	[tilespmem:s31+$0xFFFFFFC0] =	vst v43  }
0x17f: {  	v47 =	vperm.xlane v10, v2;
	[tilespmem:s31+$0xFFFFFF80] =	vst v45  }
0x180: {  	v48 =	vperm.xlane v10, v1;
	[tilespmem:s31+$0xFFFFFF90] =	vst v46  }
0x181: {  	v49 =	vperm.xlane v9, v1;
	[tilespmem:s31+$0x40] =	vst v47  }
0x182: {  	v51 =	vperm.xlane v8, v4;
	[tilespmem:s31+$0x30] =	vst v48  }
0x183: {  	v52 =	vperm.xlane v10, v3;
	[tilespmem:s31+$0xB0] =	vst v49  }
0x184: {  	v53 =	vperm.xlane v9, v6;
	[tilespmem:s31+$0xFFFFFFA0] =	vst v51  }
0x185: {  	v54 =	vperm.xlane v10, v6;
	[tilespmem:s31+$0x60] =	vst v52  }
0x186: {  	v55 =	vperm.xlane v8, v5;
	[tilespmem:s31+$0xF0] =	vst v53  }
0x187: {  	v56 =	vperm.xlane v8, v6;
	[tilespmem:s31+$0x70] =	vst v54  }
0x188: {  	v57 =	vperm.xlane v8, v3;
	[tilespmem:s31+$0xFFFFFFD0] =	vst v55  }
0x189: {  	v60 =	vperm.xlane v8, v1;
	[tilespmem:s31+$0xFFFFFFF0] =	vst v56  }
0x18a: {  	v41 =	vperm.xlane v11, v7;
	[tilespmem:s31+$0xFFFFFFE0] =	vst v57  }
0x18b: {  	v44 =	vperm.xlane v11, v4;
	[tilespmem:s31+$0xFFFFFFB0] =	vst v60  }
0x18c: {  	v50 =	vperm.xlane v11, v5;
	[tilespmem:s31+$0xFFFFFF10] =	vst v41  }
0x18d: {  	v58 =	vperm.xlane v11, v6;
	[tilespmem:s31+$0xFFFFFF20] =	vst v44  }
0x18e: {  	s29 =	sadd.s32 $0x1, s29;
	v59 =	vperm.xlane v11, v0;
	[tilespmem:s31+$0xFFFFFF50] =	vst v50  }
0x18f: {  	v61 =	vperm.xlane v11, v3;
	p1 =	sne.s32 s29, $0x61;
	[tilespmem:s31+$0xFFFFFF70] =	vst v58  }
.Ltmp6:
0x190: {  	v62 =	vperm.xlane v11, v2;
	[tilespmem:s31+$0xFFFFFF00] =	vst v59;
	(pc) =	sbr.rel @p1 .LBB2_6-.Ltmp6, $4  }
0x191: {  	v63 =	vperm.xlane v11, v1;
	[tilespmem:s31+$0xFFFFFF60] =	vst v61  }
0x192: {  	s0 =	sshll.u32 s30, $0x7;
	[tilespmem:s31+$0xFFFFFF40] =	vst v62  }
0x193: {  	s0 =	sadd.s32 s3, s0;
	[tilespmem:s31+$0xFFFFFF30] =	vst v63  }
0x194: {  	[hbm4b:s0+s18] =	stream.strided.scatter [tilespmem:s24], [sflag:$0x2], $0x2000, s21, s18, $0x38;
	[tilespmem:$0x4500] =	vst v63  }
0x195: {  	_ =	swait.ge [sflag:s25], $0x2000  }
0x196: {  	[sflag:s25] =	ssyncset.done $0x0  }
0x197: {  	[sflag:s25] =	ssyncadd.s32 $0xFFFFE000  }
0x198: {  	_ =	swait.ge [sflag:s26], $0x2000  }
0x199: {  	[sflag:s26] =	ssyncset.done $0x0  }
0x19a: {  	[sflag:s26] =	ssyncadd.s32 $0xFFFFE000  }
0x19b: {  	_ =	swait.ge [sflag:s20], $0x80  }
0x19c: {  	[sflag:s20] =	ssyncset.done $0x0  }
0x19d: {  	[sflag:s20] =	ssyncadd.s32 $0xFFFFFF80  }
0x19e: {  	v0 =	vld [tilespmem:$0x400];
	_ =	sdelay $0x1  }
0x19f: {  	v1 =	vld [tilespmem:$0x410]  }
0x1a0: {  	v2 =	vld [tilespmem:$0x420]  }
0x1a1: {  	v3 =	vld [tilespmem:$0x430]  }
0x1a2: {  	v5 =	vld [tilespmem:$0x440];
	v4 =	vshrl.u32 v0, $0x1B  }
0x1a3: {  	v6 =	vld [tilespmem:$0x450];
	v4 =	vand.u32 $0x10, v4  }
0x1a4: {  	v0 =	vadd.s32 v0, v4;
	v4 =	vshrl.u32 v1, $0x1B  }
0x1a5: {  	v11 =	vld [tilespmem:$0x470];
	v9 =	vshrl.u32 v2, $0x1B;
	v4 =	vand.u32 $0x10, v4  }
0x1a6: {  	s0 =	simm.s32 $0x0;
	s2 =	simm.s32 $0x0;
	v8 =	vld [tilespmem:$0x460];
	v10 =	vshrl.u32 v3, $0x1B;
	v7 =	vadd.s32 v1, v4;
	v1 =	vand.u32 $0x10, v9  }
0x1a7: {  	[tilespmem:s18], [sflag:$0x3] =	stream.linear.gather [hbm4b:s1+s0], $0x80, $0x38;
	v10 =	vand.u32 $0x10, v10;
	v4 =	vadd.s32 v2, v1;
	[tilespmem:$0x4500] =	vst v63  }
0x1a8: {  	v9 =	vld [tilespmem:s2+$0x30];
	v1 =	vadd.s32 v3, v10;
	v2 =	vshrl.u32 v5, $0x1B;
	v3 =	vshrl.u32 v6, $0x1B  }
0x1a9: {  	v10 =	vld [tilespmem:s2+$0x20];
	v2 =	vand.u32 $0x10, v2;
	v3 =	vand.u32 $0x10, v3  }
0x1aa: {  	v2 =	vadd.s32 v5, v2;
	v5 =	vadd.s32 v6, v3;
	v6 =	vshrl.u32 v11, $0x1B  }
0x1ab: {  	v12 =	vshrl.u32 v8, $0x1B;
	v6 =	vand.u32 $0x10, v6  }
0x1ac: {  	v12 =	vand.u32 $0x10, v12;
	v6 =	vadd.s32 v11, v6;
	v11 =	vld [tilespmem:s2+$0x0]  }
0x1ad: {  	v3 =	vadd.s32 v8, v12;
	v8 =	vld [tilespmem:s2+$0x10];
	v14 =	vperm.xlane v9, v0;
	v12 =	vperm.xlane v9, v4  }
0x1ae: {  	s29 =	simm.s32 $0x600;
	s0 =	simm.s32 $0x100;
	v13 =	vperm.xlane v9, v7;
	s2 =	simm.s32 $0x600;
	v15 =	vperm.xlane v10, v0  }
.LBB2_12:
0x1af: {  	p1 =	sne.s32 s0, $0xF00  }
0x1b0: {  	v16 =	vperm.xlane v10, v4;
	v17 =	vperm.xlane v9, v5;
	[tilespmem:s29+$0x80] =	vst v14;
	s2 =	sadd.s32 $0x200, s2;
	s15 =	smov.u32 s0;
	s0 =	sadd.s32 $0x100, s0  }
0x1b1: {  	v18 =	vperm.xlane v9, v3;
	v14 =	vperm.xlane v11, v7;
	[tilespmem:s29+$0x0] =	vst v15  }
0x1b2: {  	v19 =	vperm.xlane v8, v0;
	v15 =	vperm.xlane v11, v4;
	[tilespmem:s29+$0x90] =	vst v13  }
0x1b3: {  	v20 =	vperm.xlane v9, v2;
	v13 =	vperm.xlane v8, v4;
	[tilespmem:s29+$0xD0] =	vst v17  }
0x1b4: {  	v21 =	vperm.xlane v10, v5;
	v17 =	vperm.xlane v11, v5;
	[tilespmem:s29+$0xA0] =	vst v12  }
0x1b5: {  	v22 =	vperm.xlane v10, v7;
	v12 =	vperm.xlane v11, v0;
	[tilespmem:s29+$0xC0] =	vst v20  }
0x1b6: {  	v23 =	vperm.xlane v8, v2;
	v20 =	vperm.xlane v11, v3;
	[tilespmem:s29+$0xE0] =	vst v18  }
0x1b7: {  	v24 =	vperm.xlane v8, v7;
	v18 =	vperm.xlane v11, v1;
	[tilespmem:s29+$0x20] =	vst v16  }
0x1b8: {  	v16 =	vperm.xlane v11, v2;
	v11 =	vperm.xlane v11, v6;
	[tilespmem:s29+$0x50] =	vst v21  }
0x1b9: {  	v25 =	vperm.xlane v10, v2;
	v21 =	vperm.xlane v8, v5;
	[tilespmem:s29+$0xFFFFFF10] =	vst v14  }
0x1ba: {  	v26 =	vperm.xlane v10, v6;
	v14 =	vperm.xlane v10, v1;
	[tilespmem:s29+$0x10] =	vst v22  }
0x1bb: {  	v27 =	vperm.xlane v8, v6;
	v22 =	vperm.xlane v8, v1;
	[tilespmem:s29+$0xFFFFFFC0] =	vst v23  }
0x1bc: {  	v23 =	vperm.xlane v9, v1;
	v9 =	vperm.xlane v9, v6;
	[tilespmem:s29+$0xFFFFFF20] =	vst v15  }
0x1bd: {  	v10 =	vperm.xlane v10, v3;
	[tilespmem:s29+$0xFFFFFF80] =	vst v19  }
0x1be: {  	v8 =	vperm.xlane v8, v3;
	[tilespmem:s29+$0xFFFFFF90] =	vst v24  }
0x1bf: {  	[tilespmem:s29+$0x40] =	vst v25  }
0x1c0: {  	[tilespmem:s29+$0x30] =	vst v14  }
0x1c1: {  	[tilespmem:s29+$0xB0] =	vst v23  }
0x1c2: {  	[tilespmem:s29+$0xFFFFFF50] =	vst v17  }
0x1c3: {  	[tilespmem:s29+$0xFFFFFFA0] =	vst v13  }
0x1c4: {  	[tilespmem:s29+$0x60] =	vst v10  }
0x1c5: {  	[tilespmem:s29+$0xF0] =	vst v9  }
0x1c6: {  	[tilespmem:s29+$0x70] =	vst v26  }
0x1c7: {  	[tilespmem:s29+$0xFFFFFFD0] =	vst v21  }
0x1c8: {  	[tilespmem:s29+$0xFFFFFFF0] =	vst v27  }
0x1c9: {  	[tilespmem:s29+$0xFFFFFFE0] =	vst v8  }
0x1ca: {  	[tilespmem:s29+$0xFFFFFF70] =	vst v11  }
0x1cb: {  	[tilespmem:s29+$0xFFFFFF00] =	vst v12  }
0x1cc: {  	[tilespmem:s29+$0xFFFFFFB0] =	vst v22  }
0x1cd: {  	[tilespmem:s29+$0xFFFFFF60] =	vst v20  }
0x1ce: {  	[tilespmem:s29+$0xFFFFFF40] =	vst v16  }
0x1cf: {  	s15 =	sshra.s32 s15, $0x2;
	[tilespmem:s29+$0xFFFFFF30] =	vst v18;
	s29 =	smov.u32 s2  }
0x1d0: {  	v9 =	vld [tilespmem:s15+$0x30]  }
0x1d1: {  	v10 =	vld [tilespmem:s15+$0x20]  }
.Ltmp7:
0x1d2: {  	v8 =	vld [tilespmem:s15+$0x10];
	(pc) =	sbr.rel @p1 .LBB2_12-.Ltmp7, $3  }
0x1d3: {  	v11 =	vld [tilespmem:s15+$0x0];
	_ =	sdelay $0x1  }
0x1d4: {  	v14 =	vperm.xlane v9, v0;
	v12 =	vperm.xlane v9, v4  }
0x1d5: {  	v13 =	vperm.xlane v9, v7;
	v15 =	vperm.xlane v10, v0  }
0x1d6: {  	[tilespmem:s29+$0x80] =	vst v14  }
0x1d7: {  	[tilespmem:s29+$0xA0] =	vst v12  }
0x1d8: {  	v36 =	vperm.xlane v9, v5;
	[tilespmem:s29+$0x0] =	vst v15  }
0x1d9: {  	v37 =	vperm.xlane v9, v2;
	[tilespmem:s29+$0x90] =	vst v13  }
0x1da: {  	v38 =	vperm.xlane v9, v3;
	[tilespmem:s29+$0xD0] =	vst v36  }
0x1db: {  	v39 =	vperm.xlane v10, v4;
	[tilespmem:s29+$0xC0] =	vst v37  }
0x1dc: {  	v40 =	vperm.xlane v10, v5;
	[tilespmem:s29+$0xE0] =	vst v38  }
0x1dd: {  	v42 =	vperm.xlane v10, v7;
	[tilespmem:s29+$0x20] =	vst v39  }
0x1de: {  	v43 =	vperm.xlane v8, v2;
	[tilespmem:s29+$0x50] =	vst v40  }
0x1df: {  	v45 =	vperm.xlane v8, v0;
	[tilespmem:s29+$0x10] =	vst v42  }
0x1e0: {  	v46 =	vperm.xlane v8, v7;
	[tilespmem:s29+$0xFFFFFFC0] =	vst v43  }
0x1e1: {  	v47 =	vperm.xlane v10, v2;
	[tilespmem:s29+$0xFFFFFF80] =	vst v45  }
0x1e2: {  	v48 =	vperm.xlane v10, v1;
	[tilespmem:s29+$0xFFFFFF90] =	vst v46  }
0x1e3: {  	v49 =	vperm.xlane v9, v1;
	[tilespmem:s29+$0x40] =	vst v47  }
0x1e4: {  	v51 =	vperm.xlane v8, v4;
	[tilespmem:s29+$0x30] =	vst v48  }
0x1e5: {  	v52 =	vperm.xlane v10, v3;
	[tilespmem:s29+$0xB0] =	vst v49  }
0x1e6: {  	v53 =	vperm.xlane v9, v6;
	[tilespmem:s29+$0xFFFFFFA0] =	vst v51  }
0x1e7: {  	v54 =	vperm.xlane v10, v6;
	[tilespmem:s29+$0x60] =	vst v52  }
0x1e8: {  	v55 =	vperm.xlane v8, v5;
	[tilespmem:s29+$0xF0] =	vst v53  }
0x1e9: {  	v56 =	vperm.xlane v8, v6;
	[tilespmem:s29+$0x70] =	vst v54  }
0x1ea: {  	v57 =	vperm.xlane v8, v3;
	[tilespmem:s29+$0xFFFFFFD0] =	vst v55  }
0x1eb: {  	v60 =	vperm.xlane v8, v1;
	[tilespmem:s29+$0xFFFFFFF0] =	vst v56  }
0x1ec: {  	v41 =	vperm.xlane v11, v7;
	[tilespmem:s29+$0xFFFFFFE0] =	vst v57  }
0x1ed: {  	v44 =	vperm.xlane v11, v4;
	[tilespmem:s29+$0xFFFFFFB0] =	vst v60  }
0x1ee: {  	v50 =	vperm.xlane v11, v5;
	[tilespmem:s29+$0xFFFFFF10] =	vst v41  }
0x1ef: {  	v58 =	vperm.xlane v11, v6;
	[tilespmem:s29+$0xFFFFFF20] =	vst v44  }
0x1f0: {  	v59 =	vperm.xlane v11, v0;
	[tilespmem:s29+$0xFFFFFF50] =	vst v50  }
0x1f1: {  	v61 =	vperm.xlane v11, v3;
	[tilespmem:s29+$0xFFFFFF70] =	vst v58  }
0x1f2: {  	v62 =	vperm.xlane v11, v2;
	[tilespmem:s29+$0xFFFFFF00] =	vst v59  }
0x1f3: {  	v63 =	vperm.xlane v11, v1;
	[tilespmem:s29+$0xFFFFFF60] =	vst v61  }
0x1f4: {  	[tilespmem:s29+$0xFFFFFF40] =	vst v62  }
.Ltmp8:
0x1f5: {  	[tilespmem:s29+$0xFFFFFF30] =	vst v63;
	(pc) =	sbr.rel @p0 .LBB2_17-.Ltmp8, $4  }
0x1f6: {  	[hbm4b:s14+s18] =	stream.strided.scatter [tilespmem:s22], [sflag:$0x1], $0x2000, s21, s18, $0x38;
	[tilespmem:$0x4500] =	vst v63  }
0x1f7: {  	_ =	swait.ge [sflag:s25], $0x2000  }
0x1f8: {  	[sflag:s25] =	ssyncset.done $0x0  }
0x1f9: {  	[sflag:s25] =	ssyncadd.s32 $0xFFFFE000  }
0x1fa: {  	_ =	swait.ge [sflag:s23], $0x80  }
0x1fb: {  	[sflag:s23] =	ssyncset.done $0x0  }
0x1fc: {  	[sflag:s23] =	ssyncadd.s32 $0xFFFFFF80  }
0x1fd: {  	v0 =	vld [tilespmem:$0x480];
	_ =	sdelay $0x1  }
0x1fe: {  	v1 =	vld [tilespmem:$0x490]  }
0x1ff: {  	v2 =	vld [tilespmem:$0x4A0]  }
0x200: {  	v3 =	vld [tilespmem:$0x4B0]  }
0x201: {  	v5 =	vld [tilespmem:$0x4C0];
	v4 =	vshrl.u32 v0, $0x1B  }
0x202: {  	v6 =	vld [tilespmem:$0x4D0];
	v4 =	vand.u32 $0x10, v4  }
0x203: {  	v0 =	vadd.s32 v0, v4;
	v4 =	vshrl.u32 v1, $0x1B  }
0x204: {  	v11 =	vld [tilespmem:$0x4F0];
	v9 =	vshrl.u32 v2, $0x1B;
	v4 =	vand.u32 $0x10, v4  }
0x205: {  	s0 =	simm.s32 $0x0;
	s2 =	simm.s32 $0x0;
	v8 =	vld [tilespmem:$0x4E0];
	v10 =	vshrl.u32 v3, $0x1B;
	v7 =	vadd.s32 v1, v4;
	v1 =	vand.u32 $0x10, v9  }
0x206: {  	[tilespmem:s19], [sflag:$0x4] =	stream.linear.gather [hbm4b:s1+s0], $0x80, $0x38;
	v10 =	vand.u32 $0x10, v10;
	v4 =	vadd.s32 v2, v1;
	[tilespmem:$0x4500] =	vst v63  }
0x207: {  	v9 =	vld [tilespmem:s2+$0x30];
	v1 =	vadd.s32 v3, v10;
	v2 =	vshrl.u32 v5, $0x1B;
	v3 =	vshrl.u32 v6, $0x1B  }
0x208: {  	v10 =	vld [tilespmem:s2+$0x20];
	v2 =	vand.u32 $0x10, v2;
	v3 =	vand.u32 $0x10, v3  }
0x209: {  	v2 =	vadd.s32 v5, v2;
	v5 =	vadd.s32 v6, v3;
	v6 =	vshrl.u32 v11, $0x1B  }
0x20a: {  	v12 =	vshrl.u32 v8, $0x1B;
	v6 =	vand.u32 $0x10, v6  }
0x20b: {  	v12 =	vand.u32 $0x10, v12;
	v6 =	vadd.s32 v11, v6;
	v11 =	vld [tilespmem:s2+$0x0]  }
0x20c: {  	v3 =	vadd.s32 v8, v12;
	v8 =	vld [tilespmem:s2+$0x10];
	v14 =	vperm.xlane v9, v0;
	v12 =	vperm.xlane v9, v4  }
0x20d: {  	s29 =	simm.s32 $0x2600;
	s0 =	simm.s32 $0x100;
	v13 =	vperm.xlane v9, v7;
	s2 =	simm.s32 $0x2600;
	v15 =	vperm.xlane v10, v0  }
.LBB2_15:
0x20e: {  	p1 =	sne.s32 s0, $0xF00  }
0x20f: {  	v16 =	vperm.xlane v10, v4;
	v17 =	vperm.xlane v9, v5;
	[tilespmem:s29+$0x80] =	vst v14;
	s2 =	sadd.s32 $0x200, s2;
	s15 =	smov.u32 s0;
	s0 =	sadd.s32 $0x100, s0  }
0x210: {  	v18 =	vperm.xlane v9, v3;
	v14 =	vperm.xlane v11, v7;
	[tilespmem:s29+$0x0] =	vst v15  }
0x211: {  	v19 =	vperm.xlane v8, v0;
	v15 =	vperm.xlane v11, v4;
	[tilespmem:s29+$0x90] =	vst v13  }
0x212: {  	v20 =	vperm.xlane v9, v2;
	v13 =	vperm.xlane v8, v4;
	[tilespmem:s29+$0xD0] =	vst v17  }
0x213: {  	v21 =	vperm.xlane v10, v5;
	v17 =	vperm.xlane v11, v5;
	[tilespmem:s29+$0xA0] =	vst v12  }
0x214: {  	v22 =	vperm.xlane v10, v7;
	v12 =	vperm.xlane v11, v0;
	[tilespmem:s29+$0xC0] =	vst v20  }
0x215: {  	v23 =	vperm.xlane v8, v2;
	v20 =	vperm.xlane v11, v3;
	[tilespmem:s29+$0xE0] =	vst v18  }
0x216: {  	v24 =	vperm.xlane v8, v7;
	v18 =	vperm.xlane v11, v1;
	[tilespmem:s29+$0x20] =	vst v16  }
0x217: {  	v16 =	vperm.xlane v11, v2;
	v11 =	vperm.xlane v11, v6;
	[tilespmem:s29+$0x50] =	vst v21  }
0x218: {  	v25 =	vperm.xlane v10, v2;
	v21 =	vperm.xlane v8, v5;
	[tilespmem:s29+$0xFFFFFF10] =	vst v14  }
0x219: {  	v26 =	vperm.xlane v10, v6;
	v14 =	vperm.xlane v10, v1;
	[tilespmem:s29+$0x10] =	vst v22  }
0x21a: {  	v27 =	vperm.xlane v8, v6;
	v22 =	vperm.xlane v8, v1;
	[tilespmem:s29+$0xFFFFFFC0] =	vst v23  }
0x21b: {  	v23 =	vperm.xlane v9, v1;
	v9 =	vperm.xlane v9, v6;
	[tilespmem:s29+$0xFFFFFF20] =	vst v15  }
0x21c: {  	v10 =	vperm.xlane v10, v3;
	[tilespmem:s29+$0xFFFFFF80] =	vst v19  }
0x21d: {  	v8 =	vperm.xlane v8, v3;
	[tilespmem:s29+$0xFFFFFF90] =	vst v24  }
0x21e: {  	[tilespmem:s29+$0x40] =	vst v25  }
0x21f: {  	[tilespmem:s29+$0x30] =	vst v14  }
0x220: {  	[tilespmem:s29+$0xB0] =	vst v23  }
0x221: {  	[tilespmem:s29+$0xFFFFFF50] =	vst v17  }
0x222: {  	[tilespmem:s29+$0xFFFFFFA0] =	vst v13  }
0x223: {  	[tilespmem:s29+$0x60] =	vst v10  }
0x224: {  	[tilespmem:s29+$0xF0] =	vst v9  }
0x225: {  	[tilespmem:s29+$0x70] =	vst v26  }
0x226: {  	[tilespmem:s29+$0xFFFFFFD0] =	vst v21  }
0x227: {  	[tilespmem:s29+$0xFFFFFFF0] =	vst v27  }
0x228: {  	[tilespmem:s29+$0xFFFFFFE0] =	vst v8  }
0x229: {  	[tilespmem:s29+$0xFFFFFF70] =	vst v11  }
0x22a: {  	[tilespmem:s29+$0xFFFFFF00] =	vst v12  }
0x22b: {  	[tilespmem:s29+$0xFFFFFFB0] =	vst v22  }
0x22c: {  	[tilespmem:s29+$0xFFFFFF60] =	vst v20  }
0x22d: {  	[tilespmem:s29+$0xFFFFFF40] =	vst v16  }
0x22e: {  	s15 =	sshra.s32 s15, $0x2;
	[tilespmem:s29+$0xFFFFFF30] =	vst v18;
	s29 =	smov.u32 s2  }
0x22f: {  	v9 =	vld [tilespmem:s15+$0x30]  }
0x230: {  	v10 =	vld [tilespmem:s15+$0x20]  }
.Ltmp9:
0x231: {  	v8 =	vld [tilespmem:s15+$0x10];
	(pc) =	sbr.rel @p1 .LBB2_15-.Ltmp9, $3  }
0x232: {  	v11 =	vld [tilespmem:s15+$0x0];
	_ =	sdelay $0x1  }
0x233: {  	v14 =	vperm.xlane v9, v0;
	v12 =	vperm.xlane v9, v4  }
0x234: {  	v13 =	vperm.xlane v9, v7;
	v15 =	vperm.xlane v10, v0  }
0x235: {  	[tilespmem:s29+$0x80] =	vst v14  }
0x236: {  	[tilespmem:s29+$0xA0] =	vst v12  }
0x237: {  	v36 =	vperm.xlane v9, v5;
	[tilespmem:s29+$0x0] =	vst v15  }
0x238: {  	v37 =	vperm.xlane v9, v2;
	[tilespmem:s29+$0x90] =	vst v13  }
0x239: {  	v38 =	vperm.xlane v9, v3;
	[tilespmem:s29+$0xD0] =	vst v36  }
0x23a: {  	v39 =	vperm.xlane v10, v4;
	[tilespmem:s29+$0xC0] =	vst v37  }
0x23b: {  	v40 =	vperm.xlane v10, v5;
	[tilespmem:s29+$0xE0] =	vst v38  }
0x23c: {  	v42 =	vperm.xlane v10, v7;
	[tilespmem:s29+$0x20] =	vst v39  }
0x23d: {  	v43 =	vperm.xlane v8, v2;
	[tilespmem:s29+$0x50] =	vst v40  }
0x23e: {  	v45 =	vperm.xlane v8, v0;
	[tilespmem:s29+$0x10] =	vst v42  }
0x23f: {  	v46 =	vperm.xlane v8, v7;
	[tilespmem:s29+$0xFFFFFFC0] =	vst v43  }
0x240: {  	v47 =	vperm.xlane v10, v2;
	[tilespmem:s29+$0xFFFFFF80] =	vst v45  }
0x241: {  	v48 =	vperm.xlane v10, v1;
	[tilespmem:s29+$0xFFFFFF90] =	vst v46  }
0x242: {  	v49 =	vperm.xlane v9, v1;
	[tilespmem:s29+$0x40] =	vst v47  }
0x243: {  	v51 =	vperm.xlane v8, v4;
	[tilespmem:s29+$0x30] =	vst v48  }
0x244: {  	v52 =	vperm.xlane v10, v3;
	[tilespmem:s29+$0xB0] =	vst v49  }
0x245: {  	v53 =	vperm.xlane v9, v6;
	[tilespmem:s29+$0xFFFFFFA0] =	vst v51  }
0x246: {  	v54 =	vperm.xlane v10, v6;
	[tilespmem:s29+$0x60] =	vst v52  }
0x247: {  	v55 =	vperm.xlane v8, v5;
	[tilespmem:s29+$0xF0] =	vst v53  }
0x248: {  	v56 =	vperm.xlane v8, v6;
	[tilespmem:s29+$0x70] =	vst v54  }
0x249: {  	v57 =	vperm.xlane v8, v3;
	[tilespmem:s29+$0xFFFFFFD0] =	vst v55  }
0x24a: {  	v60 =	vperm.xlane v8, v1;
	[tilespmem:s29+$0xFFFFFFF0] =	vst v56  }
0x24b: {  	v41 =	vperm.xlane v11, v7;
	[tilespmem:s29+$0xFFFFFFE0] =	vst v57  }
0x24c: {  	v44 =	vperm.xlane v11, v4;
	[tilespmem:s29+$0xFFFFFFB0] =	vst v60  }
0x24d: {  	v50 =	vperm.xlane v11, v5;
	[tilespmem:s29+$0xFFFFFF10] =	vst v41  }
0x24e: {  	v58 =	vperm.xlane v11, v6;
	[tilespmem:s29+$0xFFFFFF20] =	vst v44  }
0x24f: {  	v59 =	vperm.xlane v11, v0;
	[tilespmem:s29+$0xFFFFFF50] =	vst v50  }
0x250: {  	v61 =	vperm.xlane v11, v3;
	[tilespmem:s29+$0xFFFFFF70] =	vst v58  }
0x251: {  	v62 =	vperm.xlane v11, v2;
	[tilespmem:s29+$0xFFFFFF00] =	vst v59  }
0x252: {  	v63 =	vperm.xlane v11, v1;
	[tilespmem:s29+$0xFFFFFF60] =	vst v61  }
0x253: {  	[tilespmem:s29+$0xFFFFFF40] =	vst v62  }
.Ltmp10:
0x254: {  	s0 =	rddreg [dreg:$0x4];
	[tilespmem:s29+$0xFFFFFF30] =	vst v63;
	(pc) =	sbr.rel .LBB2_17-.Ltmp10, $4  }
0x255: {  	[hbm4b:s0+s18] =	stream.strided.scatter [tilespmem:s24], [sflag:$0x2], $0x2000, s21, s18, $0x38;
	[tilespmem:$0x4500] =	vst v63  }
0x256: {  	_ =	swait.ge [sflag:s26], $0x2000  }
0x257: {  	[sflag:s26] =	ssyncset.done $0x0  }
0x258: {  	[sflag:s26] =	ssyncadd.s32 $0xFFFFE000  }
.LBB2_18:
0x259: {  	_ =	sfence.sel $0x180000  }
0x25a: {  	[bflag:$0x0] =	sbarrier.arrive $0xFFFF  }
0x25b: {  	_ =	strace $0x90000047  }
0x25c: {  	s0 =	stileid.u32;
	[bflag:$0x2] =	sbarrier.arrive $0xFFFF  }
0x25d: {  	p0 =	sne.s32 s0, $0x0;
	s0 =	rddreg [dreg:$0x3]  }
0x25e: {  	s0 =	sadd.s32 @!p0 $0x100000, s0  }
0x25f: {  	[sflag:s0] =	ssyncadd.tile.s32 @!p0 $0x1;
	_ =	shalt  }
.Lfunc_end2:
_tile_overlayer_lowered:
.L_overlay_start_2:
0x260: {  	(tag) =	ssettag $0x2  }
0x261: {  	s0 =	rddreg [dreg:$0x0];
	s2 =	stileid.u32  }
0x262: {  	s1 =	rddreg [dreg:$0x1];
	p0 =	sne.s32 s2, $0x0  }
0x263: {  	s3 =	rddreg [dreg:$0x2];
	[bflag:$0x3] =	sbarrier.arrive $0xFFFF;
	s2 =	simm.s32 @!p0 $0x1C05  }
0x264: {  	[timem:s3], [sflag:s2] =	dma.local @!p0 [hbm:s0], s1  }
0x265: {  	s0 =	simm.s32 @!p0 $0x5  }
0x266: {  	_ =	swait.ge @!p0 [sflag:s0], s1  }
0x267: {  	s1 =	ssub.s32 @!p0 $0x0, s1;
	[sflag:s0] =	ssyncset.done @!p0 $0x0  }
0x268: {  	[sflag:s0] =	ssyncadd.s32 @!p0 s1  }
0x269: {  	[bflag:$0x3] =	sbarrier.arrive $0xFFFF  }
0x26a: {  	_ =	shalt  }

</sc_bundles>
